<compile_context>
chip_gen: v7x
topology: tpu7x:2x2x1
jax: 0.10.2.dev20260603
libtpu: 0.0.44.dev20260713+nightly
codegen_flags: <defaults>
</compile_context>

<pallas_src>
import functools

import jax
import jax.numpy as jnp
from jax import lax
from jax.experimental import pallas as pl
from jax.experimental.pallas import tpu as pltpu
from jax.experimental.pallas import tpu_sc as plsc

N = 10000
NP = 10240
E = 160000
D_IN = 256
INNER = 1024
D_H = 512
FC = 4
CW = D_H // FC
NC, NS = 2, 16
NW = NC * NS
EPW = E // NW
B = 125
NB = EPW // B
ROWS_PER_TILE = NP // NS
ZB = 128
NZ = ROWS_PER_TILE // ZB

NBK = 1024
GRID = NP // NBK

_SC_MESH = plsc.VectorSubcoreMesh(core_axis_name="c", subcore_axis_name="s")



@functools.partial(
    pl.kernel,
    out_type=jax.ShapeDtypeStruct((NC, NP, CW), jnp.float32),
    mesh=_SC_MESH,
    scratch_types=[
        pltpu.VMEM((NB, B), jnp.int32),
        pltpu.VMEM((B, CW), jnp.float32),
        pltpu.VMEM_SHARED((NP, CW), jnp.float32),
    ],
)
def _sc_deg(dst_hbm, ones_hbm, zeros_hbm, out_hbm, dstv, onesv, shared):
    c = lax.axis_index("c")
    s = lax.axis_index("s")
    w = c * NS + s
    pltpu.sync_copy(dst_hbm.at[w], dstv)
    pltpu.sync_copy(ones_hbm, onesv)
    base = s * ROWS_PER_TILE
    sl = pl.ds(base, ROWS_PER_TILE)
    pltpu.sync_copy(zeros_hbm, shared.at[sl])
    plsc.subcore_barrier()

    def body(b, carry):
        pltpu.sync_copy(onesv, shared.at[dstv.at[b]], add=True)
        return carry

    lax.fori_loop(0, NB, body, 0)
    plsc.subcore_barrier()
    pltpu.sync_copy(shared.at[sl], out_hbm.at[c].at[sl])


@functools.partial(
    pl.kernel,
    out_type=jax.ShapeDtypeStruct((NC, FC, NP, CW), jnp.float32),
    mesh=_SC_MESH,
    scratch_types=[
        pltpu.VMEM((NB, B), jnp.int32),
        pltpu.VMEM((NB, B), jnp.int32),
        pltpu.VMEM((B, CW), jnp.float32),
        pltpu.VMEM((B, CW), jnp.float32),
        pltpu.VMEM_SHARED((NP, CW), jnp.float32),
        pltpu.SemaphoreType.DMA,
        pltpu.SemaphoreType.DMA,
    ],
)
def _sc_scatter(src_hbm, dst_hbm, f_hbm, zeros_hbm, out_hbm,
                srcv, dstv, rows0, rows1, shared, sem0, sem1):
    c = lax.axis_index("c")
    s = lax.axis_index("s")
    w = c * NS + s
    pltpu.sync_copy(src_hbm.at[w], srcv)
    pltpu.sync_copy(dst_hbm.at[w], dstv)
    base = s * ROWS_PER_TILE
    stripe = pl.ds(base, ROWS_PER_TILE)
    rows = (rows0, rows1)
    sems = (sem0, sem1)
    for fc in range(FC):
        pltpu.sync_copy(zeros_hbm, shared.at[stripe])
        plsc.subcore_barrier()
        pltpu.async_copy(f_hbm.at[fc].at[srcv.at[0]], rows0, sem0)

        def body(i, carry):
            for j in range(2):
                b = 2 * i + j
                pltpu.make_async_copy(
                    f_hbm.at[fc].at[srcv.at[b]], rows[j], sems[j]).wait()

                @pl.when(b + 1 < NB)
                def _():
                    pltpu.async_copy(
                        f_hbm.at[fc].at[srcv.at[b + 1]], rows[j ^ 1],
                        sems[j ^ 1])

                pltpu.sync_copy(rows[j], shared.at[dstv.at[b]], add=True)
            return carry

        lax.fori_loop(0, NB // 2, body, 0)
        plsc.subcore_barrier()
        pltpu.sync_copy(shared.at[stripe], out_hbm.at[c].at[fc].at[stripe])



def _ln(v, g, b):
    m = jnp.mean(v, axis=-1, keepdims=True)
    var = jnp.mean((v - m) ** 2, axis=-1, keepdims=True)
    return (v - m) * lax.rsqrt(var + 1e-5) * g + b


def _ff_body(x_ref, w1_ref, b1_ref, g1_ref, be1_ref, w2_ref, b2_ref,
             g2_ref, be2_ref, o_ref):
    h = jnp.dot(x_ref[...], w1_ref[...], preferred_element_type=jnp.float32)
    h = h + b1_ref[...]
    h = h * jax.nn.sigmoid(h)
    h = _ln(h, g1_ref[...], be1_ref[...])
    h = jnp.dot(h, w2_ref[...], preferred_element_type=jnp.float32)
    h = h + b2_ref[...]
    o_ref[...] = _ln(h, g2_ref[...], be2_ref[...])


def _tc_ff(x, p):
    full = lambda shape: pl.BlockSpec(shape, lambda i: (0,) * len(shape))
    return pl.pallas_call(
        _ff_body,
        grid=(GRID,),
        in_specs=[
            pl.BlockSpec((NBK, D_IN), lambda i: (i, 0)),
            full((D_IN, INNER)),
            full((1, INNER)), full((1, INNER)), full((1, INNER)),
            full((INNER, D_H)),
            full((1, D_H)), full((1, D_H)), full((1, D_H)),
        ],
        out_specs=pl.BlockSpec((NBK, D_H), lambda i: (i, 0)),
        out_shape=jax.ShapeDtypeStruct((NP, D_H), jnp.float32),
    )(x, p['W1'], p['b1'].reshape(1, -1), p['ln1_g'].reshape(1, -1),
      p['ln1_b'].reshape(1, -1), p['W2'], p['b2'].reshape(1, -1),
      p['ln2_g'].reshape(1, -1), p['ln2_b'].reshape(1, -1))


def _prep_body(deg_ref, h_ref, norm_ref, f_ref):
    deg = deg_ref[0, :, 0:1] + deg_ref[1, :, 0:1]
    norm = lax.rsqrt(jnp.maximum(deg, 1.0))
    norm_ref[...] = jnp.broadcast_to(norm, (NBK, CW))
    for fc in range(FC):
        f_ref[fc] = h_ref[:, fc * CW:(fc + 1) * CW] * norm


def _tc_prep(deg_parts, h):
    return pl.pallas_call(
        _prep_body,
        grid=(GRID,),
        in_specs=[
            pl.BlockSpec((NC, NBK, CW), lambda i: (0, i, 0)),
            pl.BlockSpec((NBK, D_H), lambda i: (i, 0)),
        ],
        out_specs=[
            pl.BlockSpec((NBK, CW), lambda i: (i, 0)),
            pl.BlockSpec((FC, NBK, CW), lambda i: (0, i, 0)),
        ],
        out_shape=[
            jax.ShapeDtypeStruct((NP, CW), jnp.float32),
            jax.ShapeDtypeStruct((FC, NP, CW), jnp.float32),
        ],
    )(deg_parts, h)


def _gcn_hnew(part_ref, h_ref, norm_ref, wg_ref, bg_ref, wr_ref, br_ref):
    norm = norm_ref[:, 0:1]
    agg = jnp.concatenate(
        [part_ref[0, fc] + part_ref[1, fc] for fc in range(FC)], axis=-1)
    f = agg * norm
    hn = (jnp.dot(f, wg_ref[...], preferred_element_type=jnp.float32)
          + jnp.dot(h_ref[...], wr_ref[...],
                    preferred_element_type=jnp.float32)
          + bg_ref[...] + br_ref[...])
    return hn, norm


def _gcn_body(part_ref, h_ref, norm_ref, wg_ref, bg_ref, wr_ref, br_ref,
              h_out, f_out):
    hn, norm = _gcn_hnew(part_ref, h_ref, norm_ref, wg_ref, bg_ref,
                         wr_ref, br_ref)
    h_out[...] = hn
    for fc in range(FC):
        f_out[fc] = hn[:, fc * CW:(fc + 1) * CW] * norm


def _tc_gcn(part, h, norm128, wg, bg, wr, br):
    return pl.pallas_call(
        _gcn_body,
        grid=(GRID,),
        in_specs=[
            pl.BlockSpec((NC, FC, NBK, CW), lambda i: (0, 0, i, 0)),
            pl.BlockSpec((NBK, D_H), lambda i: (i, 0)),
            pl.BlockSpec((NBK, CW), lambda i: (i, 0)),
            pl.BlockSpec((D_H, D_H), lambda i: (0, 0)),
            pl.BlockSpec((1, D_H), lambda i: (0, 0)),
            pl.BlockSpec((D_H, D_H), lambda i: (0, 0)),
            pl.BlockSpec((1, D_H), lambda i: (0, 0)),
        ],
        out_specs=[
            pl.BlockSpec((NBK, D_H), lambda i: (i, 0)),
            pl.BlockSpec((FC, NBK, CW), lambda i: (0, i, 0)),
        ],
        out_shape=[
            jax.ShapeDtypeStruct((NP, D_H), jnp.float32),
            jax.ShapeDtypeStruct((FC, NP, CW), jnp.float32),
        ],
    )(part, h, norm128, wg, bg.reshape(1, -1), wr, br.reshape(1, -1))


def _gcn_final_body(part_ref, h_ref, norm_ref, wg_ref, bg_ref, wr_ref,
                    br_ref, o_ref):
    hn, _ = _gcn_hnew(part_ref, h_ref, norm_ref, wg_ref, bg_ref,
                      wr_ref, br_ref)
    rid = (pl.program_id(0) * NBK
           + lax.broadcasted_iota(jnp.int32, (NBK, 1), 0))
    hn = jnp.where(rid < N, hn, -jnp.inf)

    @pl.when(pl.program_id(0) == 0)
    def _():
        o_ref[...] = jnp.full((1, D_H), -jnp.inf, dtype=jnp.float32)

    o_ref[...] = jnp.maximum(o_ref[...], jnp.max(hn, axis=0, keepdims=True))


def _tc_gcn_final(part, h, norm128, wg, bg, wr, br):
    return pl.pallas_call(
        _gcn_final_body,
        grid=(GRID,),
        in_specs=[
            pl.BlockSpec((NC, FC, NBK, CW), lambda i: (0, 0, i, 0)),
            pl.BlockSpec((NBK, D_H), lambda i: (i, 0)),
            pl.BlockSpec((NBK, CW), lambda i: (i, 0)),
            pl.BlockSpec((D_H, D_H), lambda i: (0, 0)),
            pl.BlockSpec((1, D_H), lambda i: (0, 0)),
            pl.BlockSpec((D_H, D_H), lambda i: (0, 0)),
            pl.BlockSpec((1, D_H), lambda i: (0, 0)),
        ],
        out_specs=pl.BlockSpec((1, D_H), lambda i: (0, 0)),
        out_shape=jax.ShapeDtypeStruct((1, D_H), jnp.float32),
    )(part, h, norm128, wg, bg.reshape(1, -1), wr, br.reshape(1, -1))



def kernel(x, edge_index, params):
    ei = edge_index.astype(jnp.int32)
    src3 = ei[0].reshape(NW, NB, B)
    dst3 = ei[1].reshape(NW, NB, B)
    x = jnp.pad(x, ((0, NP - N), (0, 0)))
    ones128 = jnp.ones((B, CW), jnp.float32)
    zeros128 = jnp.zeros((ROWS_PER_TILE, CW), jnp.float32)

    deg_parts = _sc_deg(dst3, ones128, zeros128)
    h = _tc_ff(x, params)
    norm128, f = _tc_prep(deg_parts, h)
    out = None
    for i in range(4):
        part = _sc_scatter(src3, dst3, f, zeros128)
        args = (part, h, norm128,
                params['gcn%d_W' % i], params['gcn%d_b' % i],
                params['res%d_W' % i], params['res%d_b' % i])
        if i < 3:
            h, f = _tc_gcn(*args)
        else:
            out = _tc_gcn_final(*args)
    return out

# --- scband reference (transcript-rebuilt; emitter-appended) ---
"""Pipeline reference for scband-metapath-encoder-22402549415973 (READ-ONLY COPY).

The authoritative reference and input builder live on the scoring server;
editing this copy changes nothing except your own understanding.
"""

import jax, jax.numpy as jnp
import numpy as np

INPUT_DIM = 256
HIDDEN_DIM = 512
N_NODES = 10000
N_EDGES = 160000
MULT = 4


def setup_inputs(seed: int = 0) -> dict:
    key = jax.random.key(seed)
    ks = jax.random.split(key, 32)
    x = jax.random.normal(ks[0], (N_NODES, INPUT_DIM), dtype=jnp.float32)
    edge_index = jax.random.randint(ks[1], (2, N_EDGES), 0, N_NODES, dtype=jnp.int64)
    inner = INPUT_DIM * MULT
    params = {}
    params['W1'] = jax.random.normal(ks[2], (INPUT_DIM, inner), dtype=jnp.float32) * 0.02
    params['b1'] = jnp.zeros((inner,), dtype=jnp.float32)
    params['ln1_g'] = jnp.ones((inner,), dtype=jnp.float32)
    params['ln1_b'] = jnp.zeros((inner,), dtype=jnp.float32)
    params['W2'] = jax.random.normal(ks[3], (inner, HIDDEN_DIM), dtype=jnp.float32) * 0.02
    params['b2'] = jnp.zeros((HIDDEN_DIM,), dtype=jnp.float32)
    params['ln2_g'] = jnp.ones((HIDDEN_DIM,), dtype=jnp.float32)
    params['ln2_b'] = jnp.zeros((HIDDEN_DIM,), dtype=jnp.float32)
    for i in range(4):
        params['gcn%d_W' % i] = jax.random.normal(ks[4 + 2 * i], (HIDDEN_DIM, HIDDEN_DIM), dtype=jnp.float32) * 0.02
        params['gcn%d_b' % i] = jnp.zeros((HIDDEN_DIM,), dtype=jnp.float32)
        params['res%d_W' % i] = jax.random.normal(ks[5 + 2 * i], (HIDDEN_DIM, HIDDEN_DIM), dtype=jnp.float32) * 0.02
        params['res%d_b' % i] = jnp.zeros((HIDDEN_DIM,), dtype=jnp.float32)
    return {'x': x, 'edge_index': edge_index, 'params': params}


def _layer_norm(v, g, b):
    m = jnp.mean(v, axis=-1, keepdims=True)
    var = jnp.var(v, axis=-1, keepdims=True)
    return (v - m) / jnp.sqrt(var + 1e-5) * g + b


def _swish(v):
    return v * jax.nn.sigmoid(v)


def reference(x, edge_index, params):
    src = edge_index[0]
    dst = edge_index[1]
    n = x.shape[0]
    e = edge_index.shape[1]
    # FeedForward: Linear -> Swish -> LayerNorm -> Linear -> LayerNorm
    h = _swish(x @ params['W1'] + params['b1'])
    h = _layer_norm(h, params['ln1_g'], params['ln1_b'])
    h = h @ params['W2'] + params['b2']
    h = _layer_norm(h, params['ln2_g'], params['ln2_b'])
    # symmetric normalization based on in-degrees (DGL SGConv, k=1)
    deg = jax.ops.segment_sum(jnp.ones((e,), dtype=jnp.float32), dst, num_segments=n)
    norm = jnp.power(jnp.clip(deg, 1.0, None), -0.5)
    for i in range(4):
        f = h * norm[:, None]
        agg = jax.ops.segment_sum(jnp.take(f, src, axis=0), dst, num_segments=n)
        f = agg * norm[:, None]
        h = (f @ params['gcn%d_W' % i] + params['gcn%d_b' % i]) + (h @ params['res%d_W' % i] + params['res%d_b' % i])
    # MaxPooling readout over all nodes (single graph)
    return jnp.max(h, axis=0, keepdims=True)

if __name__ == "__main__":
    import jax
    _d = setup_inputs()
    print(jax.jit(kernel)(*tuple(_d.values())))

</pallas_src>

<mosaic_0001>
#map = affine_map<(d0, d1) -> (0, 0, 0)>
#map1 = affine_map<(d0, d1) -> (0, 0)>
#map2 = affine_map<(d0, d1) -> (0, 0, 0, 0)>
module attributes {stable_mosaic.version = 14 : i64} {
  func.func @_sc_scatter(%arg0: i32, %arg1: i32, %arg2: memref<32x40x125xi32, #tpu.memory_space<hbm>>, %arg3: memref<32x40x125xi32, #tpu.memory_space<hbm>>, %arg4: memref<4x10240x128xf32, #tpu.memory_space<hbm>>, %arg5: memref<640x128xf32, #tpu.memory_space<hbm>>, %arg6: memref<2x4x10240x128xf32, #tpu.memory_space<hbm>>, %arg7: memref<40x125xi32, #tpu.memory_space<vmem>>, %arg8: memref<40x125xi32, #tpu.memory_space<vmem>>, %arg9: memref<125x128xf32, #tpu.memory_space<vmem>>, %arg10: memref<125x128xf32, #tpu.memory_space<vmem>>, %arg11: memref<10240x128xf32, #tpu.memory_space<vmem_shared>>, %arg12: memref<!tpu.dma_semaphore, #tpu.memory_space<semaphore_mem>>, %arg13: memref<!tpu.dma_semaphore, #tpu.memory_space<semaphore_mem>>) attributes {dimension_semantics = [#tpu.dimension_semantics<core_parallel>, #tpu.dimension_semantics<subcore_parallel>], iteration_bounds = array<i64: 2, 16>, scalar_prefetch = 0 : i64, scratch_operands = 7 : i64, tpu.core_type = #tpu.core_type<sc_vector_subcore>, window_params = [{transform_indices = #map}, {transform_indices = #map}, {transform_indices = #map}, {transform_indices = #map1}, {transform_indices = #map2}]} {
    %mul3A = arith.constant 16 : i32
    %mul3A_0 = arith.muli %arg0, %mul3A : i32
    %add3A = arith.addi %mul3A_0, %arg1 : i32
    "tpu.region"() ({
      %run_scoped3A_83 = tpu.sem_alloc : memref<!tpu.dma_semaphore, #tpu.memory_space<semaphore_mem>>
      %dma_start3A_84 = arith.constant 0 : i32
      %dma_start3A_85 = arith.constant 0 : i32
      %dma_start3A_86 = tpu.memref_slice %arg2[%add3A, %dma_start3A_84, %dma_start3A_85] : memref<32x40x125xi32, #tpu.memory_space<hbm>> -> memref<1x40x125xi32, #tpu.memory_space<hbm>>
      %dma_start3A_87 = tpu.memref_squeeze %dma_start3A_86 : memref<1x40x125xi32, #tpu.memory_space<hbm>> -> memref<40x125xi32, #tpu.memory_space<hbm>>
      %dma_start3A_88 = arith.constant 0 : i32
      %dma_start3A_89 = arith.constant 0 : i32
      %dma_start3A_90 = tpu.memref_slice %arg2[%add3A, %dma_start3A_88, %dma_start3A_89] : memref<32x40x125xi32, #tpu.memory_space<hbm>> -> memref<1x40x125xi32, #tpu.memory_space<hbm>>
      %dma_start3A_91 = tpu.memref_squeeze %dma_start3A_90 : memref<1x40x125xi32, #tpu.memory_space<hbm>> -> memref<40x125xi32, #tpu.memory_space<hbm>>
      tpu.enqueue_dma source(%dma_start3A_91 : memref<40x125xi32, #tpu.memory_space<hbm>>) target(%arg7 : memref<40x125xi32, #tpu.memory_space<vmem>>) target_semaphore(%run_scoped3A_83 : memref<!tpu.dma_semaphore, #tpu.memory_space<semaphore_mem>>)
      %dma_wait3A = arith.constant 0 : i32
      %dma_wait3A_92 = arith.constant 0 : i32
      %dma_wait3A_93 = tpu.memref_slice %arg2[%add3A, %dma_wait3A, %dma_wait3A_92] : memref<32x40x125xi32, #tpu.memory_space<hbm>> -> memref<1x40x125xi32, #tpu.memory_space<hbm>>
      %dma_wait3A_94 = tpu.memref_squeeze %dma_wait3A_93 : memref<1x40x125xi32, #tpu.memory_space<hbm>> -> memref<40x125xi32, #tpu.memory_space<hbm>>
      %dma_wait3A_95 = arith.constant 0 : i32
      %dma_wait3A_96 = arith.constant 0 : i32
      %dma_wait3A_97 = tpu.memref_slice %arg2[%add3A, %dma_wait3A_95, %dma_wait3A_96] : memref<32x40x125xi32, #tpu.memory_space<hbm>> -> memref<1x40x125xi32, #tpu.memory_space<hbm>>
      %dma_wait3A_98 = tpu.memref_squeeze %dma_wait3A_97 : memref<1x40x125xi32, #tpu.memory_space<hbm>> -> memref<40x125xi32, #tpu.memory_space<hbm>>
      tpu.wait_dma2 semaphore(%run_scoped3A_83 : memref<!tpu.dma_semaphore, #tpu.memory_space<semaphore_mem>>) src(%dma_wait3A_98 : memref<40x125xi32, #tpu.memory_space<hbm>>) dst(%arg7 : memref<40x125xi32, #tpu.memory_space<vmem>>)
      tpu.yield
    }) : () -> ()
    "tpu.region"() ({
      %run_scoped3A_83 = tpu.sem_alloc : memref<!tpu.dma_semaphore, #tpu.memory_space<semaphore_mem>>
      %dma_start3A_84 = arith.constant 0 : i32
      %dma_start3A_85 = arith.constant 0 : i32
      %dma_start3A_86 = tpu.memref_slice %arg3[%add3A, %dma_start3A_84, %dma_start3A_85] : memref<32x40x125xi32, #tpu.memory_space<hbm>> -> memref<1x40x125xi32, #tpu.memory_space<hbm>>
      %dma_start3A_87 = tpu.memref_squeeze %dma_start3A_86 : memref<1x40x125xi32, #tpu.memory_space<hbm>> -> memref<40x125xi32, #tpu.memory_space<hbm>>
      %dma_start3A_88 = arith.constant 0 : i32
      %dma_start3A_89 = arith.constant 0 : i32
      %dma_start3A_90 = tpu.memref_slice %arg3[%add3A, %dma_start3A_88, %dma_start3A_89] : memref<32x40x125xi32, #tpu.memory_space<hbm>> -> memref<1x40x125xi32, #tpu.memory_space<hbm>>
      %dma_start3A_91 = tpu.memref_squeeze %dma_start3A_90 : memref<1x40x125xi32, #tpu.memory_space<hbm>> -> memref<40x125xi32, #tpu.memory_space<hbm>>
      tpu.enqueue_dma source(%dma_start3A_91 : memref<40x125xi32, #tpu.memory_space<hbm>>) target(%arg8 : memref<40x125xi32, #tpu.memory_space<vmem>>) target_semaphore(%run_scoped3A_83 : memref<!tpu.dma_semaphore, #tpu.memory_space<semaphore_mem>>)
      %dma_wait3A = arith.constant 0 : i32
      %dma_wait3A_92 = arith.constant 0 : i32
      %dma_wait3A_93 = tpu.memref_slice %arg3[%add3A, %dma_wait3A, %dma_wait3A_92] : memref<32x40x125xi32, #tpu.memory_space<hbm>> -> memref<1x40x125xi32, #tpu.memory_space<hbm>>
      %dma_wait3A_94 = tpu.memref_squeeze %dma_wait3A_93 : memref<1x40x125xi32, #tpu.memory_space<hbm>> -> memref<40x125xi32, #tpu.memory_space<hbm>>
      %dma_wait3A_95 = arith.constant 0 : i32
      %dma_wait3A_96 = arith.constant 0 : i32
      %dma_wait3A_97 = tpu.memref_slice %arg3[%add3A, %dma_wait3A_95, %dma_wait3A_96] : memref<32x40x125xi32, #tpu.memory_space<hbm>> -> memref<1x40x125xi32, #tpu.memory_space<hbm>>
      %dma_wait3A_98 = tpu.memref_squeeze %dma_wait3A_97 : memref<1x40x125xi32, #tpu.memory_space<hbm>> -> memref<40x125xi32, #tpu.memory_space<hbm>>
      tpu.wait_dma2 semaphore(%run_scoped3A_83 : memref<!tpu.dma_semaphore, #tpu.memory_space<semaphore_mem>>) src(%dma_wait3A_98 : memref<40x125xi32, #tpu.memory_space<hbm>>) dst(%arg8 : memref<40x125xi32, #tpu.memory_space<vmem>>)
      tpu.yield
    }) : () -> ()
    %mul3A_1 = arith.constant 640 : i32
    %mul3A_2 = arith.muli %arg1, %mul3A_1 : i32
    "tpu.region"() ({
      %run_scoped3A_83 = tpu.sem_alloc : memref<!tpu.dma_semaphore, #tpu.memory_space<semaphore_mem>>
      %dma_start3A_84 = arith.constant 0 : i32
      %dma_start3A_85 = tpu.memref_slice %arg11[%mul3A_2, %dma_start3A_84] : memref<10240x128xf32, #tpu.memory_space<vmem_shared>> -> memref<640x128xf32, #tpu.memory_space<vmem_shared>>
      tpu.enqueue_dma source(%arg5 : memref<640x128xf32, #tpu.memory_space<hbm>>) target(%dma_start3A_85 : memref<640x128xf32, #tpu.memory_space<vmem_shared>>) target_semaphore(%run_scoped3A_83 : memref<!tpu.dma_semaphore, #tpu.memory_space<semaphore_mem>>)
      %dma_wait3A = arith.constant 0 : i32
      %dma_wait3A_86 = tpu.memref_slice %arg11[%mul3A_2, %dma_wait3A] : memref<10240x128xf32, #tpu.memory_space<vmem_shared>> -> memref<640x128xf32, #tpu.memory_space<vmem_shared>>
      tpu.wait_dma2 semaphore(%run_scoped3A_83 : memref<!tpu.dma_semaphore, #tpu.memory_space<semaphore_mem>>) src(%arg5 : memref<640x128xf32, #tpu.memory_space<hbm>>) dst(%dma_wait3A_86 : memref<640x128xf32, #tpu.memory_space<vmem_shared>>)
      tpu.yield
    }) : () -> ()
    %barrier3A = arith.constant 0 : index
    tpu.barrier barrier_id(%barrier3A)
    %dma_start3A = arith.constant 0 : i32
    %dma_start3A_3 = arith.constant 0 : i32
    %dma_start3A_4 = arith.constant 0 : i32
    %dma_start3A_5 = tpu.memref_slice %arg7[%dma_start3A_3, %dma_start3A_4] : memref<40x125xi32, #tpu.memory_space<vmem>> -> memref<1x125xi32, #tpu.memory_space<vmem>>
    %dma_start3A_6 = tpu.memref_squeeze %dma_start3A_5 : memref<1x125xi32, #tpu.memory_space<vmem>> -> memref<125xi32, #tpu.memory_space<vmem>>
    %dma_start3A_7 = arith.constant 0 : i32
    %dma_start3A_8 = arith.constant 0 : i32
    %dma_start3A_9 = tpu.memref_slice %arg4[%dma_start3A, %dma_start3A_7, %dma_start3A_8] : memref<4x10240x128xf32, #tpu.memory_space<hbm>> -> memref<1x10240x128xf32, #tpu.memory_space<hbm>>
    %dma_start3A_10 = tpu.memref_squeeze %dma_start3A_9 : memref<1x10240x128xf32, #tpu.memory_space<hbm>> -> memref<10240x128xf32, #tpu.memory_space<hbm>>
    %dma_start3A_11 = arith.constant 0 : i32
    %dma_start3A_12 = arith.constant 0 : i32
    %dma_start3A_13 = tpu.memref_slice %dma_start3A_10[%dma_start3A_11, %dma_start3A_12] : memref<10240x128xf32, #tpu.memory_space<hbm>> -> memref<10240x128xf32, #tpu.memory_space<hbm>>
    tpu.enqueue_indirect_dma source(%dma_start3A_13 : memref<10240x128xf32, #tpu.memory_space<hbm>>) target(%arg9 : memref<125x128xf32, #tpu.memory_space<vmem>>) offsets(%dma_start3A_6 : memref<125xi32, #tpu.memory_space<vmem>>) semaphore(%arg12 : memref<!tpu.dma_semaphore, #tpu.memory_space<semaphore_mem>>)
    %scan3A = arith.constant 0 : i32
    %scan3A_14 = arith.constant 0 : i32
    %scan3A_15 = arith.constant 20 : i32
    %scan3A_16 = arith.addi %scan3A_14, %scan3A_15 : i32
    %scan3A_17 = arith.constant 1 : i32
    scf.for %scan3A_83 = %scan3A_14 to %scan3A_16 step %scan3A_17  : i32 {
      %mul3A_84 = arith.constant 2 : i32
      %mul3A_85 = arith.muli %mul3A_84, %scan3A_83 : i32
      %add3A_86 = arith.constant 0 : i32
      %add3A_87 = arith.addi %mul3A_85, %add3A_86 : i32
      %dma_wait3A = arith.constant 0 : i32
      %dma_wait3A_88 = arith.constant 0 : i32
      %dma_wait3A_89 = tpu.memref_slice %arg7[%add3A_87, %dma_wait3A_88] : memref<40x125xi32, #tpu.memory_space<vmem>> -> memref<1x125xi32, #tpu.memory_space<vmem>>
      %dma_wait3A_90 = tpu.memref_squeeze %dma_wait3A_89 : memref<1x125xi32, #tpu.memory_space<vmem>> -> memref<125xi32, #tpu.memory_space<vmem>>
      %dma_wait3A_91 = arith.constant 0 : i32
      %dma_wait3A_92 = arith.constant 0 : i32
      %dma_wait3A_93 = tpu.memref_slice %arg4[%dma_wait3A, %dma_wait3A_91, %dma_wait3A_92] : memref<4x10240x128xf32, #tpu.memory_space<hbm>> -> memref<1x10240x128xf32, #tpu.memory_space<hbm>>
      %dma_wait3A_94 = tpu.memref_squeeze %dma_wait3A_93 : memref<1x10240x128xf32, #tpu.memory_space<hbm>> -> memref<10240x128xf32, #tpu.memory_space<hbm>>
      %dma_wait3A_95 = arith.constant 0 : i32
      %dma_wait3A_96 = arith.constant 0 : i32
      %dma_wait3A_97 = tpu.memref_slice %dma_wait3A_94[%dma_wait3A_95, %dma_wait3A_96] : memref<10240x128xf32, #tpu.memory_space<hbm>> -> memref<10240x128xf32, #tpu.memory_space<hbm>>
      tpu.wait_indirect_dma semaphore(%arg12 : memref<!tpu.dma_semaphore, #tpu.memory_space<semaphore_mem>>) src(%dma_wait3A_97 : memref<10240x128xf32, #tpu.memory_space<hbm>>) dst(%arg9 : memref<125x128xf32, #tpu.memory_space<vmem>>)
      %add3A_98 = arith.constant 1 : i32
      %add3A_99 = arith.addi %add3A_87, %add3A_98 : i32
      %lt3A = arith.constant 40 : i32
      %lt3A_100 = arith.cmpi slt, %add3A_99, %lt3A : i32
      %convert_element_type3A = arith.extui %lt3A_100 : i1 to i32
      %cond3A = arith.constant 0 : i32
      %cond3A_101 = arith.cmpi ne, %convert_element_type3A, %cond3A : i32
      scf.if %cond3A_101 {
        %add3A_124 = arith.constant 1 : i32
        %add3A_125 = arith.addi %add3A_87, %add3A_124 : i32
        %dma_start3A_126 = arith.constant 0 : i32
        %dma_start3A_127 = arith.constant 0 : i32
        %dma_start3A_128 = tpu.memref_slice %arg7[%add3A_125, %dma_start3A_127] : memref<40x125xi32, #tpu.memory_space<vmem>> -> memref<1x125xi32, #tpu.memory_space<vmem>>
        %dma_start3A_129 = tpu.memref_squeeze %dma_start3A_128 : memref<1x125xi32, #tpu.memory_space<vmem>> -> memref<125xi32, #tpu.memory_space<vmem>>
        %dma_start3A_130 = arith.constant 0 : i32
        %dma_start3A_131 = arith.constant 0 : i32
        %dma_start3A_132 = tpu.memref_slice %arg4[%dma_start3A_126, %dma_start3A_130, %dma_start3A_131] : memref<4x10240x128xf32, #tpu.memory_space<hbm>> -> memref<1x10240x128xf32, #tpu.memory_space<hbm>>
        %dma_start3A_133 = tpu.memref_squeeze %dma_start3A_132 : memref<1x10240x128xf32, #tpu.memory_space<hbm>> -> memref<10240x128xf32, #tpu.memory_space<hbm>>
        %dma_start3A_134 = arith.constant 0 : i32
        %dma_start3A_135 = arith.constant 0 : i32
        %dma_start3A_136 = tpu.memref_slice %dma_start3A_133[%dma_start3A_134, %dma_start3A_135] : memref<10240x128xf32, #tpu.memory_space<hbm>> -> memref<10240x128xf32, #tpu.memory_space<hbm>>
        tpu.enqueue_indirect_dma source(%dma_start3A_136 : memref<10240x128xf32, #tpu.memory_space<hbm>>) target(%arg10 : memref<125x128xf32, #tpu.memory_space<vmem>>) offsets(%dma_start3A_129 : memref<125xi32, #tpu.memory_space<vmem>>) semaphore(%arg13 : memref<!tpu.dma_semaphore, #tpu.memory_space<semaphore_mem>>)
      } else {
      }
      "tpu.region"() ({
        %run_scoped3A_124 = tpu.sem_alloc : memref<!tpu.dma_semaphore, #tpu.memory_space<semaphore_mem>>
        %dma_start3A_125 = arith.constant 0 : i32
        %dma_start3A_126 = tpu.memref_slice %arg8[%add3A_87, %dma_start3A_125] : memref<40x125xi32, #tpu.memory_space<vmem>> -> memref<1x125xi32, #tpu.memory_space<vmem>>
        %dma_start3A_127 = tpu.memref_squeeze %dma_start3A_126 : memref<1x125xi32, #tpu.memory_space<vmem>> -> memref<125xi32, #tpu.memory_space<vmem>>
        %dma_start3A_128 = arith.constant 0 : i32
        %dma_start3A_129 = arith.constant 0 : i32
        %dma_start3A_130 = tpu.memref_slice %arg11[%dma_start3A_128, %dma_start3A_129] : memref<10240x128xf32, #tpu.memory_space<vmem_shared>> -> memref<10240x128xf32, #tpu.memory_space<vmem_shared>>
        tpu.enqueue_indirect_dma source(%arg9 : memref<125x128xf32, #tpu.memory_space<vmem>>) target(%dma_start3A_130 : memref<10240x128xf32, #tpu.memory_space<vmem_shared>>) offsets(%dma_start3A_127 : memref<125xi32, #tpu.memory_space<vmem>>) semaphore(%run_scoped3A_124 : memref<!tpu.dma_semaphore, #tpu.memory_space<semaphore_mem>>) {add = true}
        %dma_wait3A_131 = arith.constant 0 : i32
        %dma_wait3A_132 = tpu.memref_slice %arg8[%add3A_87, %dma_wait3A_131] : memref<40x125xi32, #tpu.memory_space<vmem>> -> memref<1x125xi32, #tpu.memory_space<vmem>>
        %dma_wait3A_133 = tpu.memref_squeeze %dma_wait3A_132 : memref<1x125xi32, #tpu.memory_space<vmem>> -> memref<125xi32, #tpu.memory_space<vmem>>
        %dma_wait3A_134 = arith.constant 0 : i32
        %dma_wait3A_135 = arith.constant 0 : i32
        %dma_wait3A_136 = tpu.memref_slice %arg11[%dma_wait3A_134, %dma_wait3A_135] : memref<10240x128xf32, #tpu.memory_space<vmem_shared>> -> memref<10240x128xf32, #tpu.memory_space<vmem_shared>>
        tpu.wait_indirect_dma semaphore(%run_scoped3A_124 : memref<!tpu.dma_semaphore, #tpu.memory_space<semaphore_mem>>) src(%arg9 : memref<125x128xf32, #tpu.memory_space<vmem>>) dst(%dma_wait3A_136 : memref<10240x128xf32, #tpu.memory_space<vmem_shared>>)
        tpu.yield
      }) : () -> ()
      %mul3A_102 = arith.constant 2 : i32
      %mul3A_103 = arith.muli %mul3A_102, %scan3A_83 : i32
      %add3A_104 = arith.constant 1 : i32
      %add3A_105 = arith.addi %mul3A_103, %add3A_104 : i32
      %dma_wait3A_106 = arith.constant 0 : i32
      %dma_wait3A_107 = arith.constant 0 : i32
      %dma_wait3A_108 = tpu.memref_slice %arg7[%add3A_105, %dma_wait3A_107] : memref<40x125xi32, #tpu.memory_space<vmem>> -> memref<1x125xi32, #tpu.memory_space<vmem>>
      %dma_wait3A_109 = tpu.memref_squeeze %dma_wait3A_108 : memref<1x125xi32, #tpu.memory_space<vmem>> -> memref<125xi32, #tpu.memory_space<vmem>>
      %dma_wait3A_110 = arith.constant 0 : i32
      %dma_wait3A_111 = arith.constant 0 : i32
      %dma_wait3A_112 = tpu.memref_slice %arg4[%dma_wait3A_106, %dma_wait3A_110, %dma_wait3A_111] : memref<4x10240x128xf32, #tpu.memory_space<hbm>> -> memref<1x10240x128xf32, #tpu.memory_space<hbm>>
      %dma_wait3A_113 = tpu.memref_squeeze %dma_wait3A_112 : memref<1x10240x128xf32, #tpu.memory_space<hbm>> -> memref<10240x128xf32, #tpu.memory_space<hbm>>
      %dma_wait3A_114 = arith.constant 0 : i32
      %dma_wait3A_115 = arith.constant 0 : i32
      %dma_wait3A_116 = tpu.memref_slice %dma_wait3A_113[%dma_wait3A_114, %dma_wait3A_115] : memref<10240x128xf32, #tpu.memory_space<hbm>> -> memref<10240x128xf32, #tpu.memory_space<hbm>>
      tpu.wait_indirect_dma semaphore(%arg13 : memref<!tpu.dma_semaphore, #tpu.memory_space<semaphore_mem>>) src(%dma_wait3A_116 : memref<10240x128xf32, #tpu.memory_space<hbm>>) dst(%arg10 : memref<125x128xf32, #tpu.memory_space<vmem>>)
      %add3A_117 = arith.constant 1 : i32
      %add3A_118 = arith.addi %add3A_105, %add3A_117 : i32
      %lt3A_119 = arith.constant 40 : i32
      %lt3A_120 = arith.cmpi slt, %add3A_118, %lt3A_119 : i32
      %convert_element_type3A_121 = arith.extui %lt3A_120 : i1 to i32
      %cond3A_122 = arith.constant 0 : i32
      %cond3A_123 = arith.cmpi ne, %convert_element_type3A_121, %cond3A_122 : i32
      scf.if %cond3A_123 {
        %add3A_124 = arith.constant 1 : i32
        %add3A_125 = arith.addi %add3A_105, %add3A_124 : i32
        %dma_start3A_126 = arith.constant 0 : i32
        %dma_start3A_127 = arith.constant 0 : i32
        %dma_start3A_128 = tpu.memref_slice %arg7[%add3A_125, %dma_start3A_127] : memref<40x125xi32, #tpu.memory_space<vmem>> -> memref<1x125xi32, #tpu.memory_space<vmem>>
        %dma_start3A_129 = tpu.memref_squeeze %dma_start3A_128 : memref<1x125xi32, #tpu.memory_space<vmem>> -> memref<125xi32, #tpu.memory_space<vmem>>
        %dma_start3A_130 = arith.constant 0 : i32
        %dma_start3A_131 = arith.constant 0 : i32
        %dma_start3A_132 = tpu.memref_slice %arg4[%dma_start3A_126, %dma_start3A_130, %dma_start3A_131] : memref<4x10240x128xf32, #tpu.memory_space<hbm>> -> memref<1x10240x128xf32, #tpu.memory_space<hbm>>
        %dma_start3A_133 = tpu.memref_squeeze %dma_start3A_132 : memref<1x10240x128xf32, #tpu.memory_space<hbm>> -> memref<10240x128xf32, #tpu.memory_space<hbm>>
        %dma_start3A_134 = arith.constant 0 : i32
        %dma_start3A_135 = arith.constant 0 : i32
        %dma_start3A_136 = tpu.memref_slice %dma_start3A_133[%dma_start3A_134, %dma_start3A_135] : memref<10240x128xf32, #tpu.memory_space<hbm>> -> memref<10240x128xf32, #tpu.memory_space<hbm>>
        tpu.enqueue_indirect_dma source(%dma_start3A_136 : memref<10240x128xf32, #tpu.memory_space<hbm>>) target(%arg9 : memref<125x128xf32, #tpu.memory_space<vmem>>) offsets(%dma_start3A_129 : memref<125xi32, #tpu.memory_space<vmem>>) semaphore(%arg12 : memref<!tpu.dma_semaphore, #tpu.memory_space<semaphore_mem>>)
      } else {
      }
      "tpu.region"() ({
        %run_scoped3A_124 = tpu.sem_alloc : memref<!tpu.dma_semaphore, #tpu.memory_space<semaphore_mem>>
        %dma_start3A_125 = arith.constant 0 : i32
        %dma_start3A_126 = tpu.memref_slice %arg8[%add3A_105, %dma_start3A_125] : memref<40x125xi32, #tpu.memory_space<vmem>> -> memref<1x125xi32, #tpu.memory_space<vmem>>
        %dma_start3A_127 = tpu.memref_squeeze %dma_start3A_126 : memref<1x125xi32, #tpu.memory_space<vmem>> -> memref<125xi32, #tpu.memory_space<vmem>>
        %dma_start3A_128 = arith.constant 0 : i32
        %dma_start3A_129 = arith.constant 0 : i32
        %dma_start3A_130 = tpu.memref_slice %arg11[%dma_start3A_128, %dma_start3A_129] : memref<10240x128xf32, #tpu.memory_space<vmem_shared>> -> memref<10240x128xf32, #tpu.memory_space<vmem_shared>>
        tpu.enqueue_indirect_dma source(%arg10 : memref<125x128xf32, #tpu.memory_space<vmem>>) target(%dma_start3A_130 : memref<10240x128xf32, #tpu.memory_space<vmem_shared>>) offsets(%dma_start3A_127 : memref<125xi32, #tpu.memory_space<vmem>>) semaphore(%run_scoped3A_124 : memref<!tpu.dma_semaphore, #tpu.memory_space<semaphore_mem>>) {add = true}
        %dma_wait3A_131 = arith.constant 0 : i32
        %dma_wait3A_132 = tpu.memref_slice %arg8[%add3A_105, %dma_wait3A_131] : memref<40x125xi32, #tpu.memory_space<vmem>> -> memref<1x125xi32, #tpu.memory_space<vmem>>
        %dma_wait3A_133 = tpu.memref_squeeze %dma_wait3A_132 : memref<1x125xi32, #tpu.memory_space<vmem>> -> memref<125xi32, #tpu.memory_space<vmem>>
        %dma_wait3A_134 = arith.constant 0 : i32
        %dma_wait3A_135 = arith.constant 0 : i32
        %dma_wait3A_136 = tpu.memref_slice %arg11[%dma_wait3A_134, %dma_wait3A_135] : memref<10240x128xf32, #tpu.memory_space<vmem_shared>> -> memref<10240x128xf32, #tpu.memory_space<vmem_shared>>
        tpu.wait_indirect_dma semaphore(%run_scoped3A_124 : memref<!tpu.dma_semaphore, #tpu.memory_space<semaphore_mem>>) src(%arg10 : memref<125x128xf32, #tpu.memory_space<vmem>>) dst(%dma_wait3A_136 : memref<10240x128xf32, #tpu.memory_space<vmem_shared>>)
        tpu.yield
      }) : () -> ()
    }
    %scan3A_18 = arith.constant 20 : i32
    %barrier3A_19 = arith.constant 0 : index
    tpu.barrier barrier_id(%barrier3A_19)
    %run_scoped3A = arith.constant 0 : i32
    "tpu.region"() ({
      %run_scoped3A_83 = tpu.sem_alloc : memref<!tpu.dma_semaphore, #tpu.memory_space<semaphore_mem>>
      %dma_start3A_84 = arith.constant 0 : i32
      %dma_start3A_85 = arith.constant 0 : i32
      %dma_start3A_86 = arith.constant 0 : i32
      %dma_start3A_87 = tpu.memref_slice %arg6[%arg0, %dma_start3A_84, %dma_start3A_85, %dma_start3A_86] : memref<2x4x10240x128xf32, #tpu.memory_space<hbm>> -> memref<1x4x10240x128xf32, #tpu.memory_space<hbm>>
      %dma_start3A_88 = tpu.memref_squeeze %dma_start3A_87 : memref<1x4x10240x128xf32, #tpu.memory_space<hbm>> -> memref<4x10240x128xf32, #tpu.memory_space<hbm>>
      %dma_start3A_89 = arith.constant 0 : i32
      %dma_start3A_90 = arith.constant 0 : i32
      %dma_start3A_91 = tpu.memref_slice %dma_start3A_88[%run_scoped3A, %dma_start3A_89, %dma_start3A_90] : memref<4x10240x128xf32, #tpu.memory_space<hbm>> -> memref<1x10240x128xf32, #tpu.memory_space<hbm>>
      %dma_start3A_92 = tpu.memref_squeeze %dma_start3A_91 : memref<1x10240x128xf32, #tpu.memory_space<hbm>> -> memref<10240x128xf32, #tpu.memory_space<hbm>>
      %dma_start3A_93 = arith.constant 0 : i32
      %dma_start3A_94 = tpu.memref_slice %dma_start3A_92[%mul3A_2, %dma_start3A_93] : memref<10240x128xf32, #tpu.memory_space<hbm>> -> memref<640x128xf32, #tpu.memory_space<hbm>>
      %dma_start3A_95 = arith.constant 0 : i32
      %dma_start3A_96 = tpu.memref_slice %arg11[%mul3A_2, %dma_start3A_95] : memref<10240x128xf32, #tpu.memory_space<vmem_shared>> -> memref<640x128xf32, #tpu.memory_space<vmem_shared>>
      tpu.enqueue_dma source(%dma_start3A_96 : memref<640x128xf32, #tpu.memory_space<vmem_shared>>) target(%dma_start3A_94 : memref<640x128xf32, #tpu.memory_space<hbm>>) target_semaphore(%run_scoped3A_83 : memref<!tpu.dma_semaphore, #tpu.memory_space<semaphore_mem>>)
      %dma_wait3A = arith.constant 0 : i32
      %dma_wait3A_97 = arith.constant 0 : i32
      %dma_wait3A_98 = arith.constant 0 : i32
      %dma_wait3A_99 = tpu.memref_slice %arg6[%arg0, %dma_wait3A, %dma_wait3A_97, %dma_wait3A_98] : memref<2x4x10240x128xf32, #tpu.memory_space<hbm>> -> memref<1x4x10240x128xf32, #tpu.memory_space<hbm>>
      %dma_wait3A_100 = tpu.memref_squeeze %dma_wait3A_99 : memref<1x4x10240x128xf32, #tpu.memory_space<hbm>> -> memref<4x10240x128xf32, #tpu.memory_space<hbm>>
      %dma_wait3A_101 = arith.constant 0 : i32
      %dma_wait3A_102 = arith.constant 0 : i32
      %dma_wait3A_103 = tpu.memref_slice %dma_wait3A_100[%run_scoped3A, %dma_wait3A_101, %dma_wait3A_102] : memref<4x10240x128xf32, #tpu.memory_space<hbm>> -> memref<1x10240x128xf32, #tpu.memory_space<hbm>>
      %dma_wait3A_104 = tpu.memref_squeeze %dma_wait3A_103 : memref<1x10240x128xf32, #tpu.memory_space<hbm>> -> memref<10240x128xf32, #tpu.memory_space<hbm>>
      %dma_wait3A_105 = arith.constant 0 : i32
      %dma_wait3A_106 = tpu.memref_slice %dma_wait3A_104[%mul3A_2, %dma_wait3A_105] : memref<10240x128xf32, #tpu.memory_space<hbm>> -> memref<640x128xf32, #tpu.memory_space<hbm>>
      %dma_wait3A_107 = arith.constant 0 : i32
      %dma_wait3A_108 = tpu.memref_slice %arg11[%mul3A_2, %dma_wait3A_107] : memref<10240x128xf32, #tpu.memory_space<vmem_shared>> -> memref<640x128xf32, #tpu.memory_space<vmem_shared>>
      tpu.wait_dma2 semaphore(%run_scoped3A_83 : memref<!tpu.dma_semaphore, #tpu.memory_space<semaphore_mem>>) src(%dma_wait3A_108 : memref<640x128xf32, #tpu.memory_space<vmem_shared>>) dst(%dma_wait3A_106 : memref<640x128xf32, #tpu.memory_space<hbm>>)
      tpu.yield
    }) : () -> ()
    "tpu.region"() ({
      %run_scoped3A_83 = tpu.sem_alloc : memref<!tpu.dma_semaphore, #tpu.memory_space<semaphore_mem>>
      %dma_start3A_84 = arith.constant 0 : i32
      %dma_start3A_85 = tpu.memref_slice %arg11[%mul3A_2, %dma_start3A_84] : memref<10240x128xf32, #tpu.memory_space<vmem_shared>> -> memref<640x128xf32, #tpu.memory_space<vmem_shared>>
      tpu.enqueue_dma source(%arg5 : memref<640x128xf32, #tpu.memory_space<hbm>>) target(%dma_start3A_85 : memref<640x128xf32, #tpu.memory_space<vmem_shared>>) target_semaphore(%run_scoped3A_83 : memref<!tpu.dma_semaphore, #tpu.memory_space<semaphore_mem>>)
      %dma_wait3A = arith.constant 0 : i32
      %dma_wait3A_86 = tpu.memref_slice %arg11[%mul3A_2, %dma_wait3A] : memref<10240x128xf32, #tpu.memory_space<vmem_shared>> -> memref<640x128xf32, #tpu.memory_space<vmem_shared>>
      tpu.wait_dma2 semaphore(%run_scoped3A_83 : memref<!tpu.dma_semaphore, #tpu.memory_space<semaphore_mem>>) src(%arg5 : memref<640x128xf32, #tpu.memory_space<hbm>>) dst(%dma_wait3A_86 : memref<640x128xf32, #tpu.memory_space<vmem_shared>>)
      tpu.yield
    }) : () -> ()
    %barrier3A_20 = arith.constant 0 : index
    tpu.barrier barrier_id(%barrier3A_20)
    %dma_start3A_21 = arith.constant 1 : i32
    %dma_start3A_22 = arith.constant 0 : i32
    %dma_start3A_23 = arith.constant 0 : i32
    %dma_start3A_24 = tpu.memref_slice %arg7[%dma_start3A_22, %dma_start3A_23] : memref<40x125xi32, #tpu.memory_space<vmem>> -> memref<1x125xi32, #tpu.memory_space<vmem>>
    %dma_start3A_25 = tpu.memref_squeeze %dma_start3A_24 : memref<1x125xi32, #tpu.memory_space<vmem>> -> memref<125xi32, #tpu.memory_space<vmem>>
    %dma_start3A_26 = arith.constant 0 : i32
    %dma_start3A_27 = arith.constant 0 : i32
    %dma_start3A_28 = tpu.memref_slice %arg4[%dma_start3A_21, %dma_start3A_26, %dma_start3A_27] : memref<4x10240x128xf32, #tpu.memory_space<hbm>> -> memref<1x10240x128xf32, #tpu.memory_space<hbm>>
    %dma_start3A_29 = tpu.memref_squeeze %dma_start3A_28 : memref<1x10240x128xf32, #tpu.memory_space<hbm>> -> memref<10240x128xf32, #tpu.memory_space<hbm>>
    %dma_start3A_30 = arith.constant 0 : i32
    %dma_start3A_31 = arith.constant 0 : i32
    %dma_start3A_32 = tpu.memref_slice %dma_start3A_29[%dma_start3A_30, %dma_start3A_31] : memref<10240x128xf32, #tpu.memory_space<hbm>> -> memref<10240x128xf32, #tpu.memory_space<hbm>>
    tpu.enqueue_indirect_dma source(%dma_start3A_32 : memref<10240x128xf32, #tpu.memory_space<hbm>>) target(%arg9 : memref<125x128xf32, #tpu.memory_space<vmem>>) offsets(%dma_start3A_25 : memref<125xi32, #tpu.memory_space<vmem>>) semaphore(%arg12 : memref<!tpu.dma_semaphore, #tpu.memory_space<semaphore_mem>>)
    %scan3A_33 = arith.constant 0 : i32
    %scan3A_34 = arith.constant 0 : i32
    %scan3A_35 = arith.constant 20 : i32
    %scan3A_36 = arith.addi %scan3A_34, %scan3A_35 : i32
    %scan3A_37 = arith.constant 1 : i32
    scf.for %scan3A_83 = %scan3A_34 to %scan3A_36 step %scan3A_37  : i32 {
      %mul3A_84 = arith.constant 2 : i32
      %mul3A_85 = arith.muli %mul3A_84, %scan3A_83 : i32
      %add3A_86 = arith.constant 0 : i32
      %add3A_87 = arith.addi %mul3A_85, %add3A_86 : i32
      %dma_wait3A = arith.constant 1 : i32
      %dma_wait3A_88 = arith.constant 0 : i32
      %dma_wait3A_89 = tpu.memref_slice %arg7[%add3A_87, %dma_wait3A_88] : memref<40x125xi32, #tpu.memory_space<vmem>> -> memref<1x125xi32, #tpu.memory_space<vmem>>
      %dma_wait3A_90 = tpu.memref_squeeze %dma_wait3A_89 : memref<1x125xi32, #tpu.memory_space<vmem>> -> memref<125xi32, #tpu.memory_space<vmem>>
      %dma_wait3A_91 = arith.constant 0 : i32
      %dma_wait3A_92 = arith.constant 0 : i32
      %dma_wait3A_93 = tpu.memref_slice %arg4[%dma_wait3A, %dma_wait3A_91, %dma_wait3A_92] : memref<4x10240x128xf32, #tpu.memory_space<hbm>> -> memref<1x10240x128xf32, #tpu.memory_space<hbm>>
      %dma_wait3A_94 = tpu.memref_squeeze %dma_wait3A_93 : memref<1x10240x128xf32, #tpu.memory_space<hbm>> -> memref<10240x128xf32, #tpu.memory_space<hbm>>
      %dma_wait3A_95 = arith.constant 0 : i32
      %dma_wait3A_96 = arith.constant 0 : i32
      %dma_wait3A_97 = tpu.memref_slice %dma_wait3A_94[%dma_wait3A_95, %dma_wait3A_96] : memref<10240x128xf32, #tpu.memory_space<hbm>> -> memref<10240x128xf32, #tpu.memory_space<hbm>>
      tpu.wait_indirect_dma semaphore(%arg12 : memref<!tpu.dma_semaphore, #tpu.memory_space<semaphore_mem>>) src(%dma_wait3A_97 : memref<10240x128xf32, #tpu.memory_space<hbm>>) dst(%arg9 : memref<125x128xf32, #tpu.memory_space<vmem>>)
      %add3A_98 = arith.constant 1 : i32
      %add3A_99 = arith.addi %add3A_87, %add3A_98 : i32
      %lt3A = arith.constant 40 : i32
      %lt3A_100 = arith.cmpi slt, %add3A_99, %lt3A : i32
      %convert_element_type3A = arith.extui %lt3A_100 : i1 to i32
      %cond3A = arith.constant 0 : i32
      %cond3A_101 = arith.cmpi ne, %convert_element_type3A, %cond3A : i32
      scf.if %cond3A_101 {
        %add3A_124 = arith.constant 1 : i32
        %add3A_125 = arith.addi %add3A_87, %add3A_124 : i32
        %dma_start3A_126 = arith.constant 1 : i32
        %dma_start3A_127 = arith.constant 0 : i32
        %dma_start3A_128 = tpu.memref_slice %arg7[%add3A_125, %dma_start3A_127] : memref<40x125xi32, #tpu.memory_space<vmem>> -> memref<1x125xi32, #tpu.memory_space<vmem>>
        %dma_start3A_129 = tpu.memref_squeeze %dma_start3A_128 : memref<1x125xi32, #tpu.memory_space<vmem>> -> memref<125xi32, #tpu.memory_space<vmem>>
        %dma_start3A_130 = arith.constant 0 : i32
        %dma_start3A_131 = arith.constant 0 : i32
        %dma_start3A_132 = tpu.memref_slice %arg4[%dma_start3A_126, %dma_start3A_130, %dma_start3A_131] : memref<4x10240x128xf32, #tpu.memory_space<hbm>> -> memref<1x10240x128xf32, #tpu.memory_space<hbm>>
        %dma_start3A_133 = tpu.memref_squeeze %dma_start3A_132 : memref<1x10240x128xf32, #tpu.memory_space<hbm>> -> memref<10240x128xf32, #tpu.memory_space<hbm>>
        %dma_start3A_134 = arith.constant 0 : i32
        %dma_start3A_135 = arith.constant 0 : i32
        %dma_start3A_136 = tpu.memref_slice %dma_start3A_133[%dma_start3A_134, %dma_start3A_135] : memref<10240x128xf32, #tpu.memory_space<hbm>> -> memref<10240x128xf32, #tpu.memory_space<hbm>>
        tpu.enqueue_indirect_dma source(%dma_start3A_136 : memref<10240x128xf32, #tpu.memory_space<hbm>>) target(%arg10 : memref<125x128xf32, #tpu.memory_space<vmem>>) offsets(%dma_start3A_129 : memref<125xi32, #tpu.memory_space<vmem>>) semaphore(%arg13 : memref<!tpu.dma_semaphore, #tpu.memory_space<semaphore_mem>>)
      } else {
      }
      "tpu.region"() ({
        %run_scoped3A_124 = tpu.sem_alloc : memref<!tpu.dma_semaphore, #tpu.memory_space<semaphore_mem>>
        %dma_start3A_125 = arith.constant 0 : i32
        %dma_start3A_126 = tpu.memref_slice %arg8[%add3A_87, %dma_start3A_125] : memref<40x125xi32, #tpu.memory_space<vmem>> -> memref<1x125xi32, #tpu.memory_space<vmem>>
        %dma_start3A_127 = tpu.memref_squeeze %dma_start3A_126 : memref<1x125xi32, #tpu.memory_space<vmem>> -> memref<125xi32, #tpu.memory_space<vmem>>
        %dma_start3A_128 = arith.constant 0 : i32
        %dma_start3A_129 = arith.constant 0 : i32
        %dma_start3A_130 = tpu.memref_slice %arg11[%dma_start3A_128, %dma_start3A_129] : memref<10240x128xf32, #tpu.memory_space<vmem_shared>> -> memref<10240x128xf32, #tpu.memory_space<vmem_shared>>
        tpu.enqueue_indirect_dma source(%arg9 : memref<125x128xf32, #tpu.memory_space<vmem>>) target(%dma_start3A_130 : memref<10240x128xf32, #tpu.memory_space<vmem_shared>>) offsets(%dma_start3A_127 : memref<125xi32, #tpu.memory_space<vmem>>) semaphore(%run_scoped3A_124 : memref<!tpu.dma_semaphore, #tpu.memory_space<semaphore_mem>>) {add = true}
        %dma_wait3A_131 = arith.constant 0 : i32
        %dma_wait3A_132 = tpu.memref_slice %arg8[%add3A_87, %dma_wait3A_131] : memref<40x125xi32, #tpu.memory_space<vmem>> -> memref<1x125xi32, #tpu.memory_space<vmem>>
        %dma_wait3A_133 = tpu.memref_squeeze %dma_wait3A_132 : memref<1x125xi32, #tpu.memory_space<vmem>> -> memref<125xi32, #tpu.memory_space<vmem>>
        %dma_wait3A_134 = arith.constant 0 : i32
        %dma_wait3A_135 = arith.constant 0 : i32
        %dma_wait3A_136 = tpu.memref_slice %arg11[%dma_wait3A_134, %dma_wait3A_135] : memref<10240x128xf32, #tpu.memory_space<vmem_shared>> -> memref<10240x128xf32, #tpu.memory_space<vmem_shared>>
        tpu.wait_indirect_dma semaphore(%run_scoped3A_124 : memref<!tpu.dma_semaphore, #tpu.memory_space<semaphore_mem>>) src(%arg9 : memref<125x128xf32, #tpu.memory_space<vmem>>) dst(%dma_wait3A_136 : memref<10240x128xf32, #tpu.memory_space<vmem_shared>>)
        tpu.yield
      }) : () -> ()
      %mul3A_102 = arith.constant 2 : i32
      %mul3A_103 = arith.muli %mul3A_102, %scan3A_83 : i32
      %add3A_104 = arith.constant 1 : i32
      %add3A_105 = arith.addi %mul3A_103, %add3A_104 : i32
      %dma_wait3A_106 = arith.constant 1 : i32
      %dma_wait3A_107 = arith.constant 0 : i32
      %dma_wait3A_108 = tpu.memref_slice %arg7[%add3A_105, %dma_wait3A_107] : memref<40x125xi32, #tpu.memory_space<vmem>> -> memref<1x125xi32, #tpu.memory_space<vmem>>
      %dma_wait3A_109 = tpu.memref_squeeze %dma_wait3A_108 : memref<1x125xi32, #tpu.memory_space<vmem>> -> memref<125xi32, #tpu.memory_space<vmem>>
      %dma_wait3A_110 = arith.constant 0 : i32
      %dma_wait3A_111 = arith.constant 0 : i32
      %dma_wait3A_112 = tpu.memref_slice %arg4[%dma_wait3A_106, %dma_wait3A_110, %dma_wait3A_111] : memref<4x10240x128xf32, #tpu.memory_space<hbm>> -> memref<1x10240x128xf32, #tpu.memory_space<hbm>>
      %dma_wait3A_113 = tpu.memref_squeeze %dma_wait3A_112 : memref<1x10240x128xf32, #tpu.memory_space<hbm>> -> memref<10240x128xf32, #tpu.memory_space<hbm>>
      %dma_wait3A_114 = arith.constant 0 : i32
      %dma_wait3A_115 = arith.constant 0 : i32
      %dma_wait3A_116 = tpu.memref_slice %dma_wait3A_113[%dma_wait3A_114, %dma_wait3A_115] : memref<10240x128xf32, #tpu.memory_space<hbm>> -> memref<10240x128xf32, #tpu.memory_space<hbm>>
      tpu.wait_indirect_dma semaphore(%arg13 : memref<!tpu.dma_semaphore, #tpu.memory_space<semaphore_mem>>) src(%dma_wait3A_116 : memref<10240x128xf32, #tpu.memory_space<hbm>>) dst(%arg10 : memref<125x128xf32, #tpu.memory_space<vmem>>)
      %add3A_117 = arith.constant 1 : i32
      %add3A_118 = arith.addi %add3A_105, %add3A_117 : i32
      %lt3A_119 = arith.constant 40 : i32
      %lt3A_120 = arith.cmpi slt, %add3A_118, %lt3A_119 : i32
      %convert_element_type3A_121 = arith.extui %lt3A_120 : i1 to i32
      %cond3A_122 = arith.constant 0 : i32
      %cond3A_123 = arith.cmpi ne, %convert_element_type3A_121, %cond3A_122 : i32
      scf.if %cond3A_123 {
        %add3A_124 = arith.constant 1 : i32
        %add3A_125 = arith.addi %add3A_105, %add3A_124 : i32
        %dma_start3A_126 = arith.constant 1 : i32
        %dma_start3A_127 = arith.constant 0 : i32
        %dma_start3A_128 = tpu.memref_slice %arg7[%add3A_125, %dma_start3A_127] : memref<40x125xi32, #tpu.memory_space<vmem>> -> memref<1x125xi32, #tpu.memory_space<vmem>>
        %dma_start3A_129 = tpu.memref_squeeze %dma_start3A_128 : memref<1x125xi32, #tpu.memory_space<vmem>> -> memref<125xi32, #tpu.memory_space<vmem>>
        %dma_start3A_130 = arith.constant 0 : i32
        %dma_start3A_131 = arith.constant 0 : i32
        %dma_start3A_132 = tpu.memref_slice %arg4[%dma_start3A_126, %dma_start3A_130, %dma_start3A_131] : memref<4x10240x128xf32, #tpu.memory_space<hbm>> -> memref<1x10240x128xf32, #tpu.memory_space<hbm>>
        %dma_start3A_133 = tpu.memref_squeeze %dma_start3A_132 : memref<1x10240x128xf32, #tpu.memory_space<hbm>> -> memref<10240x128xf32, #tpu.memory_space<hbm>>
        %dma_start3A_134 = arith.constant 0 : i32
        %dma_start3A_135 = arith.constant 0 : i32
        %dma_start3A_136 = tpu.memref_slice %dma_start3A_133[%dma_start3A_134, %dma_start3A_135] : memref<10240x128xf32, #tpu.memory_space<hbm>> -> memref<10240x128xf32, #tpu.memory_space<hbm>>
        tpu.enqueue_indirect_dma source(%dma_start3A_136 : memref<10240x128xf32, #tpu.memory_space<hbm>>) target(%arg9 : memref<125x128xf32, #tpu.memory_space<vmem>>) offsets(%dma_start3A_129 : memref<125xi32, #tpu.memory_space<vmem>>) semaphore(%arg12 : memref<!tpu.dma_semaphore, #tpu.memory_space<semaphore_mem>>)
      } else {
      }
      "tpu.region"() ({
        %run_scoped3A_124 = tpu.sem_alloc : memref<!tpu.dma_semaphore, #tpu.memory_space<semaphore_mem>>
        %dma_start3A_125 = arith.constant 0 : i32
        %dma_start3A_126 = tpu.memref_slice %arg8[%add3A_105, %dma_start3A_125] : memref<40x125xi32, #tpu.memory_space<vmem>> -> memref<1x125xi32, #tpu.memory_space<vmem>>
        %dma_start3A_127 = tpu.memref_squeeze %dma_start3A_126 : memref<1x125xi32, #tpu.memory_space<vmem>> -> memref<125xi32, #tpu.memory_space<vmem>>
        %dma_start3A_128 = arith.constant 0 : i32
        %dma_start3A_129 = arith.constant 0 : i32
        %dma_start3A_130 = tpu.memref_slice %arg11[%dma_start3A_128, %dma_start3A_129] : memref<10240x128xf32, #tpu.memory_space<vmem_shared>> -> memref<10240x128xf32, #tpu.memory_space<vmem_shared>>
        tpu.enqueue_indirect_dma source(%arg10 : memref<125x128xf32, #tpu.memory_space<vmem>>) target(%dma_start3A_130 : memref<10240x128xf32, #tpu.memory_space<vmem_shared>>) offsets(%dma_start3A_127 : memref<125xi32, #tpu.memory_space<vmem>>) semaphore(%run_scoped3A_124 : memref<!tpu.dma_semaphore, #tpu.memory_space<semaphore_mem>>) {add = true}
        %dma_wait3A_131 = arith.constant 0 : i32
        %dma_wait3A_132 = tpu.memref_slice %arg8[%add3A_105, %dma_wait3A_131] : memref<40x125xi32, #tpu.memory_space<vmem>> -> memref<1x125xi32, #tpu.memory_space<vmem>>
        %dma_wait3A_133 = tpu.memref_squeeze %dma_wait3A_132 : memref<1x125xi32, #tpu.memory_space<vmem>> -> memref<125xi32, #tpu.memory_space<vmem>>
        %dma_wait3A_134 = arith.constant 0 : i32
        %dma_wait3A_135 = arith.constant 0 : i32
        %dma_wait3A_136 = tpu.memref_slice %arg11[%dma_wait3A_134, %dma_wait3A_135] : memref<10240x128xf32, #tpu.memory_space<vmem_shared>> -> memref<10240x128xf32, #tpu.memory_space<vmem_shared>>
        tpu.wait_indirect_dma semaphore(%run_scoped3A_124 : memref<!tpu.dma_semaphore, #tpu.memory_space<semaphore_mem>>) src(%arg10 : memref<125x128xf32, #tpu.memory_space<vmem>>) dst(%dma_wait3A_136 : memref<10240x128xf32, #tpu.memory_space<vmem_shared>>)
        tpu.yield
      }) : () -> ()
    }
    %scan3A_38 = arith.constant 20 : i32
    %barrier3A_39 = arith.constant 0 : index
    tpu.barrier barrier_id(%barrier3A_39)
    %run_scoped3A_40 = arith.constant 1 : i32
    "tpu.region"() ({
      %run_scoped3A_83 = tpu.sem_alloc : memref<!tpu.dma_semaphore, #tpu.memory_space<semaphore_mem>>
      %dma_start3A_84 = arith.constant 0 : i32
      %dma_start3A_85 = arith.constant 0 : i32
      %dma_start3A_86 = arith.constant 0 : i32
      %dma_start3A_87 = tpu.memref_slice %arg6[%arg0, %dma_start3A_84, %dma_start3A_85, %dma_start3A_86] : memref<2x4x10240x128xf32, #tpu.memory_space<hbm>> -> memref<1x4x10240x128xf32, #tpu.memory_space<hbm>>
      %dma_start3A_88 = tpu.memref_squeeze %dma_start3A_87 : memref<1x4x10240x128xf32, #tpu.memory_space<hbm>> -> memref<4x10240x128xf32, #tpu.memory_space<hbm>>
      %dma_start3A_89 = arith.constant 0 : i32
      %dma_start3A_90 = arith.constant 0 : i32
      %dma_start3A_91 = tpu.memref_slice %dma_start3A_88[%run_scoped3A_40, %dma_start3A_89, %dma_start3A_90] : memref<4x10240x128xf32, #tpu.memory_space<hbm>> -> memref<1x10240x128xf32, #tpu.memory_space<hbm>>
      %dma_start3A_92 = tpu.memref_squeeze %dma_start3A_91 : memref<1x10240x128xf32, #tpu.memory_space<hbm>> -> memref<10240x128xf32, #tpu.memory_space<hbm>>
      %dma_start3A_93 = arith.constant 0 : i32
      %dma_start3A_94 = tpu.memref_slice %dma_start3A_92[%mul3A_2, %dma_start3A_93] : memref<10240x128xf32, #tpu.memory_space<hbm>> -> memref<640x128xf32, #tpu.memory_space<hbm>>
      %dma_start3A_95 = arith.constant 0 : i32
      %dma_start3A_96 = tpu.memref_slice %arg11[%mul3A_2, %dma_start3A_95] : memref<10240x128xf32, #tpu.memory_space<vmem_shared>> -> memref<640x128xf32, #tpu.memory_space<vmem_shared>>
      tpu.enqueue_dma source(%dma_start3A_96 : memref<640x128xf32, #tpu.memory_space<vmem_shared>>) target(%dma_start3A_94 : memref<640x128xf32, #tpu.memory_space<hbm>>) target_semaphore(%run_scoped3A_83 : memref<!tpu.dma_semaphore, #tpu.memory_space<semaphore_mem>>)
      %dma_wait3A = arith.constant 0 : i32
      %dma_wait3A_97 = arith.constant 0 : i32
      %dma_wait3A_98 = arith.constant 0 : i32
      %dma_wait3A_99 = tpu.memref_slice %arg6[%arg0, %dma_wait3A, %dma_wait3A_97, %dma_wait3A_98] : memref<2x4x10240x128xf32, #tpu.memory_space<hbm>> -> memref<1x4x10240x128xf32, #tpu.memory_space<hbm>>
      %dma_wait3A_100 = tpu.memref_squeeze %dma_wait3A_99 : memref<1x4x10240x128xf32, #tpu.memory_space<hbm>> -> memref<4x10240x128xf32, #tpu.memory_space<hbm>>
      %dma_wait3A_101 = arith.constant 0 : i32
      %dma_wait3A_102 = arith.constant 0 : i32
      %dma_wait3A_103 = tpu.memref_slice %dma_wait3A_100[%run_scoped3A_40, %dma_wait3A_101, %dma_wait3A_102] : memref<4x10240x128xf32, #tpu.memory_space<hbm>> -> memref<1x10240x128xf32, #tpu.memory_space<hbm>>
      %dma_wait3A_104 = tpu.memref_squeeze %dma_wait3A_103 : memref<1x10240x128xf32, #tpu.memory_space<hbm>> -> memref<10240x128xf32, #tpu.memory_space<hbm>>
      %dma_wait3A_105 = arith.constant 0 : i32
      %dma_wait3A_106 = tpu.memref_slice %dma_wait3A_104[%mul3A_2, %dma_wait3A_105] : memref<10240x128xf32, #tpu.memory_space<hbm>> -> memref<640x128xf32, #tpu.memory_space<hbm>>
      %dma_wait3A_107 = arith.constant 0 : i32
      %dma_wait3A_108 = tpu.memref_slice %arg11[%mul3A_2, %dma_wait3A_107] : memref<10240x128xf32, #tpu.memory_space<vmem_shared>> -> memref<640x128xf32, #tpu.memory_space<vmem_shared>>
      tpu.wait_dma2 semaphore(%run_scoped3A_83 : memref<!tpu.dma_semaphore, #tpu.memory_space<semaphore_mem>>) src(%dma_wait3A_108 : memref<640x128xf32, #tpu.memory_space<vmem_shared>>) dst(%dma_wait3A_106 : memref<640x128xf32, #tpu.memory_space<hbm>>)
      tpu.yield
    }) : () -> ()
    "tpu.region"() ({
      %run_scoped3A_83 = tpu.sem_alloc : memref<!tpu.dma_semaphore, #tpu.memory_space<semaphore_mem>>
      %dma_start3A_84 = arith.constant 0 : i32
      %dma_start3A_85 = tpu.memref_slice %arg11[%mul3A_2, %dma_start3A_84] : memref<10240x128xf32, #tpu.memory_space<vmem_shared>> -> memref<640x128xf32, #tpu.memory_space<vmem_shared>>
      tpu.enqueue_dma source(%arg5 : memref<640x128xf32, #tpu.memory_space<hbm>>) target(%dma_start3A_85 : memref<640x128xf32, #tpu.memory_space<vmem_shared>>) target_semaphore(%run_scoped3A_83 : memref<!tpu.dma_semaphore, #tpu.memory_space<semaphore_mem>>)
      %dma_wait3A = arith.constant 0 : i32
      %dma_wait3A_86 = tpu.memref_slice %arg11[%mul3A_2, %dma_wait3A] : memref<10240x128xf32, #tpu.memory_space<vmem_shared>> -> memref<640x128xf32, #tpu.memory_space<vmem_shared>>
      tpu.wait_dma2 semaphore(%run_scoped3A_83 : memref<!tpu.dma_semaphore, #tpu.memory_space<semaphore_mem>>) src(%arg5 : memref<640x128xf32, #tpu.memory_space<hbm>>) dst(%dma_wait3A_86 : memref<640x128xf32, #tpu.memory_space<vmem_shared>>)
      tpu.yield
    }) : () -> ()
    %barrier3A_41 = arith.constant 0 : index
    tpu.barrier barrier_id(%barrier3A_41)
    %dma_start3A_42 = arith.constant 2 : i32
    %dma_start3A_43 = arith.constant 0 : i32
    %dma_start3A_44 = arith.constant 0 : i32
    %dma_start3A_45 = tpu.memref_slice %arg7[%dma_start3A_43, %dma_start3A_44] : memref<40x125xi32, #tpu.memory_space<vmem>> -> memref<1x125xi32, #tpu.memory_space<vmem>>
    %dma_start3A_46 = tpu.memref_squeeze %dma_start3A_45 : memref<1x125xi32, #tpu.memory_space<vmem>> -> memref<125xi32, #tpu.memory_space<vmem>>
    %dma_start3A_47 = arith.constant 0 : i32
    %dma_start3A_48 = arith.constant 0 : i32
    %dma_start3A_49 = tpu.memref_slice %arg4[%dma_start3A_42, %dma_start3A_47, %dma_start3A_48] : memref<4x10240x128xf32, #tpu.memory_space<hbm>> -> memref<1x10240x128xf32, #tpu.memory_space<hbm>>
    %dma_start3A_50 = tpu.memref_squeeze %dma_start3A_49 : memref<1x10240x128xf32, #tpu.memory_space<hbm>> -> memref<10240x128xf32, #tpu.memory_space<hbm>>
    %dma_start3A_51 = arith.constant 0 : i32
    %dma_start3A_52 = arith.constant 0 : i32
    %dma_start3A_53 = tpu.memref_slice %dma_start3A_50[%dma_start3A_51, %dma_start3A_52] : memref<10240x128xf32, #tpu.memory_space<hbm>> -> memref<10240x128xf32, #tpu.memory_space<hbm>>
    tpu.enqueue_indirect_dma source(%dma_start3A_53 : memref<10240x128xf32, #tpu.memory_space<hbm>>) target(%arg9 : memref<125x128xf32, #tpu.memory_space<vmem>>) offsets(%dma_start3A_46 : memref<125xi32, #tpu.memory_space<vmem>>) semaphore(%arg12 : memref<!tpu.dma_semaphore, #tpu.memory_space<semaphore_mem>>)
    %scan3A_54 = arith.constant 0 : i32
    %scan3A_55 = arith.constant 0 : i32
    %scan3A_56 = arith.constant 20 : i32
    %scan3A_57 = arith.addi %scan3A_55, %scan3A_56 : i32
    %scan3A_58 = arith.constant 1 : i32
    scf.for %scan3A_83 = %scan3A_55 to %scan3A_57 step %scan3A_58  : i32 {
      %mul3A_84 = arith.constant 2 : i32
      %mul3A_85 = arith.muli %mul3A_84, %scan3A_83 : i32
      %add3A_86 = arith.constant 0 : i32
      %add3A_87 = arith.addi %mul3A_85, %add3A_86 : i32
      %dma_wait3A = arith.constant 2 : i32
      %dma_wait3A_88 = arith.constant 0 : i32
      %dma_wait3A_89 = tpu.memref_slice %arg7[%add3A_87, %dma_wait3A_88] : memref<40x125xi32, #tpu.memory_space<vmem>> -> memref<1x125xi32, #tpu.memory_space<vmem>>
      %dma_wait3A_90 = tpu.memref_squeeze %dma_wait3A_89 : memref<1x125xi32, #tpu.memory_space<vmem>> -> memref<125xi32, #tpu.memory_space<vmem>>
      %dma_wait3A_91 = arith.constant 0 : i32
      %dma_wait3A_92 = arith.constant 0 : i32
      %dma_wait3A_93 = tpu.memref_slice %arg4[%dma_wait3A, %dma_wait3A_91, %dma_wait3A_92] : memref<4x10240x128xf32, #tpu.memory_space<hbm>> -> memref<1x10240x128xf32, #tpu.memory_space<hbm>>
      %dma_wait3A_94 = tpu.memref_squeeze %dma_wait3A_93 : memref<1x10240x128xf32, #tpu.memory_space<hbm>> -> memref<10240x128xf32, #tpu.memory_space<hbm>>
      %dma_wait3A_95 = arith.constant 0 : i32
      %dma_wait3A_96 = arith.constant 0 : i32
      %dma_wait3A_97 = tpu.memref_slice %dma_wait3A_94[%dma_wait3A_95, %dma_wait3A_96] : memref<10240x128xf32, #tpu.memory_space<hbm>> -> memref<10240x128xf32, #tpu.memory_space<hbm>>
      tpu.wait_indirect_dma semaphore(%arg12 : memref<!tpu.dma_semaphore, #tpu.memory_space<semaphore_mem>>) src(%dma_wait3A_97 : memref<10240x128xf32, #tpu.memory_space<hbm>>) dst(%arg9 : memref<125x128xf32, #tpu.memory_space<vmem>>)
      %add3A_98 = arith.constant 1 : i32
      %add3A_99 = arith.addi %add3A_87, %add3A_98 : i32
      %lt3A = arith.constant 40 : i32
      %lt3A_100 = arith.cmpi slt, %add3A_99, %lt3A : i32
      %convert_element_type3A = arith.extui %lt3A_100 : i1 to i32
      %cond3A = arith.constant 0 : i32
      %cond3A_101 = arith.cmpi ne, %convert_element_type3A, %cond3A : i32
      scf.if %cond3A_101 {
        %add3A_124 = arith.constant 1 : i32
        %add3A_125 = arith.addi %add3A_87, %add3A_124 : i32
        %dma_start3A_126 = arith.constant 2 : i32
        %dma_start3A_127 = arith.constant 0 : i32
        %dma_start3A_128 = tpu.memref_slice %arg7[%add3A_125, %dma_start3A_127] : memref<40x125xi32, #tpu.memory_space<vmem>> -> memref<1x125xi32, #tpu.memory_space<vmem>>
        %dma_start3A_129 = tpu.memref_squeeze %dma_start3A_128 : memref<1x125xi32, #tpu.memory_space<vmem>> -> memref<125xi32, #tpu.memory_space<vmem>>
        %dma_start3A_130 = arith.constant 0 : i32
        %dma_start3A_131 = arith.constant 0 : i32
        %dma_start3A_132 = tpu.memref_slice %arg4[%dma_start3A_126, %dma_start3A_130, %dma_start3A_131] : memref<4x10240x128xf32, #tpu.memory_space<hbm>> -> memref<1x10240x128xf32, #tpu.memory_space<hbm>>
        %dma_start3A_133 = tpu.memref_squeeze %dma_start3A_132 : memref<1x10240x128xf32, #tpu.memory_space<hbm>> -> memref<10240x128xf32, #tpu.memory_space<hbm>>
        %dma_start3A_134 = arith.constant 0 : i32
        %dma_start3A_135 = arith.constant 0 : i32
        %dma_start3A_136 = tpu.memref_slice %dma_start3A_133[%dma_start3A_134, %dma_start3A_135] : memref<10240x128xf32, #tpu.memory_space<hbm>> -> memref<10240x128xf32, #tpu.memory_space<hbm>>
        tpu.enqueue_indirect_dma source(%dma_start3A_136 : memref<10240x128xf32, #tpu.memory_space<hbm>>) target(%arg10 : memref<125x128xf32, #tpu.memory_space<vmem>>) offsets(%dma_start3A_129 : memref<125xi32, #tpu.memory_space<vmem>>) semaphore(%arg13 : memref<!tpu.dma_semaphore, #tpu.memory_space<semaphore_mem>>)
      } else {
      }
      "tpu.region"() ({
        %run_scoped3A_124 = tpu.sem_alloc : memref<!tpu.dma_semaphore, #tpu.memory_space<semaphore_mem>>
        %dma_start3A_125 = arith.constant 0 : i32
        %dma_start3A_126 = tpu.memref_slice %arg8[%add3A_87, %dma_start3A_125] : memref<40x125xi32, #tpu.memory_space<vmem>> -> memref<1x125xi32, #tpu.memory_space<vmem>>
        %dma_start3A_127 = tpu.memref_squeeze %dma_start3A_126 : memref<1x125xi32, #tpu.memory_space<vmem>> -> memref<125xi32, #tpu.memory_space<vmem>>
        %dma_start3A_128 = arith.constant 0 : i32
        %dma_start3A_129 = arith.constant 0 : i32
        %dma_start3A_130 = tpu.memref_slice %arg11[%dma_start3A_128, %dma_start3A_129] : memref<10240x128xf32, #tpu.memory_space<vmem_shared>> -> memref<10240x128xf32, #tpu.memory_space<vmem_shared>>
        tpu.enqueue_indirect_dma source(%arg9 : memref<125x128xf32, #tpu.memory_space<vmem>>) target(%dma_start3A_130 : memref<10240x128xf32, #tpu.memory_space<vmem_shared>>) offsets(%dma_start3A_127 : memref<125xi32, #tpu.memory_space<vmem>>) semaphore(%run_scoped3A_124 : memref<!tpu.dma_semaphore, #tpu.memory_space<semaphore_mem>>) {add = true}
        %dma_wait3A_131 = arith.constant 0 : i32
        %dma_wait3A_132 = tpu.memref_slice %arg8[%add3A_87, %dma_wait3A_131] : memref<40x125xi32, #tpu.memory_space<vmem>> -> memref<1x125xi32, #tpu.memory_space<vmem>>
        %dma_wait3A_133 = tpu.memref_squeeze %dma_wait3A_132 : memref<1x125xi32, #tpu.memory_space<vmem>> -> memref<125xi32, #tpu.memory_space<vmem>>
        %dma_wait3A_134 = arith.constant 0 : i32
        %dma_wait3A_135 = arith.constant 0 : i32
        %dma_wait3A_136 = tpu.memref_slice %arg11[%dma_wait3A_134, %dma_wait3A_135] : memref<10240x128xf32, #tpu.memory_space<vmem_shared>> -> memref<10240x128xf32, #tpu.memory_space<vmem_shared>>
        tpu.wait_indirect_dma semaphore(%run_scoped3A_124 : memref<!tpu.dma_semaphore, #tpu.memory_space<semaphore_mem>>) src(%arg9 : memref<125x128xf32, #tpu.memory_space<vmem>>) dst(%dma_wait3A_136 : memref<10240x128xf32, #tpu.memory_space<vmem_shared>>)
        tpu.yield
      }) : () -> ()
      %mul3A_102 = arith.constant 2 : i32
      %mul3A_103 = arith.muli %mul3A_102, %scan3A_83 : i32
      %add3A_104 = arith.constant 1 : i32
      %add3A_105 = arith.addi %mul3A_103, %add3A_104 : i32
      %dma_wait3A_106 = arith.constant 2 : i32
      %dma_wait3A_107 = arith.constant 0 : i32
      %dma_wait3A_108 = tpu.memref_slice %arg7[%add3A_105, %dma_wait3A_107] : memref<40x125xi32, #tpu.memory_space<vmem>> -> memref<1x125xi32, #tpu.memory_space<vmem>>
      %dma_wait3A_109 = tpu.memref_squeeze %dma_wait3A_108 : memref<1x125xi32, #tpu.memory_space<vmem>> -> memref<125xi32, #tpu.memory_space<vmem>>
      %dma_wait3A_110 = arith.constant 0 : i32
      %dma_wait3A_111 = arith.constant 0 : i32
      %dma_wait3A_112 = tpu.memref_slice %arg4[%dma_wait3A_106, %dma_wait3A_110, %dma_wait3A_111] : memref<4x10240x128xf32, #tpu.memory_space<hbm>> -> memref<1x10240x128xf32, #tpu.memory_space<hbm>>
      %dma_wait3A_113 = tpu.memref_squeeze %dma_wait3A_112 : memref<1x10240x128xf32, #tpu.memory_space<hbm>> -> memref<10240x128xf32, #tpu.memory_space<hbm>>
      %dma_wait3A_114 = arith.constant 0 : i32
      %dma_wait3A_115 = arith.constant 0 : i32
      %dma_wait3A_116 = tpu.memref_slice %dma_wait3A_113[%dma_wait3A_114, %dma_wait3A_115] : memref<10240x128xf32, #tpu.memory_space<hbm>> -> memref<10240x128xf32, #tpu.memory_space<hbm>>
      tpu.wait_indirect_dma semaphore(%arg13 : memref<!tpu.dma_semaphore, #tpu.memory_space<semaphore_mem>>) src(%dma_wait3A_116 : memref<10240x128xf32, #tpu.memory_space<hbm>>) dst(%arg10 : memref<125x128xf32, #tpu.memory_space<vmem>>)
      %add3A_117 = arith.constant 1 : i32
      %add3A_118 = arith.addi %add3A_105, %add3A_117 : i32
      %lt3A_119 = arith.constant 40 : i32
      %lt3A_120 = arith.cmpi slt, %add3A_118, %lt3A_119 : i32
      %convert_element_type3A_121 = arith.extui %lt3A_120 : i1 to i32
      %cond3A_122 = arith.constant 0 : i32
      %cond3A_123 = arith.cmpi ne, %convert_element_type3A_121, %cond3A_122 : i32
      scf.if %cond3A_123 {
        %add3A_124 = arith.constant 1 : i32
        %add3A_125 = arith.addi %add3A_105, %add3A_124 : i32
        %dma_start3A_126 = arith.constant 2 : i32
        %dma_start3A_127 = arith.constant 0 : i32
        %dma_start3A_128 = tpu.memref_slice %arg7[%add3A_125, %dma_start3A_127] : memref<40x125xi32, #tpu.memory_space<vmem>> -> memref<1x125xi32, #tpu.memory_space<vmem>>
        %dma_start3A_129 = tpu.memref_squeeze %dma_start3A_128 : memref<1x125xi32, #tpu.memory_space<vmem>> -> memref<125xi32, #tpu.memory_space<vmem>>
        %dma_start3A_130 = arith.constant 0 : i32
        %dma_start3A_131 = arith.constant 0 : i32
        %dma_start3A_132 = tpu.memref_slice %arg4[%dma_start3A_126, %dma_start3A_130, %dma_start3A_131] : memref<4x10240x128xf32, #tpu.memory_space<hbm>> -> memref<1x10240x128xf32, #tpu.memory_space<hbm>>
        %dma_start3A_133 = tpu.memref_squeeze %dma_start3A_132 : memref<1x10240x128xf32, #tpu.memory_space<hbm>> -> memref<10240x128xf32, #tpu.memory_space<hbm>>
        %dma_start3A_134 = arith.constant 0 : i32
        %dma_start3A_135 = arith.constant 0 : i32
        %dma_start3A_136 = tpu.memref_slice %dma_start3A_133[%dma_start3A_134, %dma_start3A_135] : memref<10240x128xf32, #tpu.memory_space<hbm>> -> memref<10240x128xf32, #tpu.memory_space<hbm>>
        tpu.enqueue_indirect_dma source(%dma_start3A_136 : memref<10240x128xf32, #tpu.memory_space<hbm>>) target(%arg9 : memref<125x128xf32, #tpu.memory_space<vmem>>) offsets(%dma_start3A_129 : memref<125xi32, #tpu.memory_space<vmem>>) semaphore(%arg12 : memref<!tpu.dma_semaphore, #tpu.memory_space<semaphore_mem>>)
      } else {
      }
      "tpu.region"() ({
        %run_scoped3A_124 = tpu.sem_alloc : memref<!tpu.dma_semaphore, #tpu.memory_space<semaphore_mem>>
        %dma_start3A_125 = arith.constant 0 : i32
        %dma_start3A_126 = tpu.memref_slice %arg8[%add3A_105, %dma_start3A_125] : memref<40x125xi32, #tpu.memory_space<vmem>> -> memref<1x125xi32, #tpu.memory_space<vmem>>
        %dma_start3A_127 = tpu.memref_squeeze %dma_start3A_126 : memref<1x125xi32, #tpu.memory_space<vmem>> -> memref<125xi32, #tpu.memory_space<vmem>>
        %dma_start3A_128 = arith.constant 0 : i32
        %dma_start3A_129 = arith.constant 0 : i32
        %dma_start3A_130 = tpu.memref_slice %arg11[%dma_start3A_128, %dma_start3A_129] : memref<10240x128xf32, #tpu.memory_space<vmem_shared>> -> memref<10240x128xf32, #tpu.memory_space<vmem_shared>>
        tpu.enqueue_indirect_dma source(%arg10 : memref<125x128xf32, #tpu.memory_space<vmem>>) target(%dma_start3A_130 : memref<10240x128xf32, #tpu.memory_space<vmem_shared>>) offsets(%dma_start3A_127 : memref<125xi32, #tpu.memory_space<vmem>>) semaphore(%run_scoped3A_124 : memref<!tpu.dma_semaphore, #tpu.memory_space<semaphore_mem>>) {add = true}
        %dma_wait3A_131 = arith.constant 0 : i32
        %dma_wait3A_132 = tpu.memref_slice %arg8[%add3A_105, %dma_wait3A_131] : memref<40x125xi32, #tpu.memory_space<vmem>> -> memref<1x125xi32, #tpu.memory_space<vmem>>
        %dma_wait3A_133 = tpu.memref_squeeze %dma_wait3A_132 : memref<1x125xi32, #tpu.memory_space<vmem>> -> memref<125xi32, #tpu.memory_space<vmem>>
        %dma_wait3A_134 = arith.constant 0 : i32
        %dma_wait3A_135 = arith.constant 0 : i32
        %dma_wait3A_136 = tpu.memref_slice %arg11[%dma_wait3A_134, %dma_wait3A_135] : memref<10240x128xf32, #tpu.memory_space<vmem_shared>> -> memref<10240x128xf32, #tpu.memory_space<vmem_shared>>
        tpu.wait_indirect_dma semaphore(%run_scoped3A_124 : memref<!tpu.dma_semaphore, #tpu.memory_space<semaphore_mem>>) src(%arg10 : memref<125x128xf32, #tpu.memory_space<vmem>>) dst(%dma_wait3A_136 : memref<10240x128xf32, #tpu.memory_space<vmem_shared>>)
        tpu.yield
      }) : () -> ()
    }
    %scan3A_59 = arith.constant 20 : i32
    %barrier3A_60 = arith.constant 0 : index
    tpu.barrier barrier_id(%barrier3A_60)
    %run_scoped3A_61 = arith.constant 2 : i32
    "tpu.region"() ({
      %run_scoped3A_83 = tpu.sem_alloc : memref<!tpu.dma_semaphore, #tpu.memory_space<semaphore_mem>>
      %dma_start3A_84 = arith.constant 0 : i32
      %dma_start3A_85 = arith.constant 0 : i32
      %dma_start3A_86 = arith.constant 0 : i32
      %dma_start3A_87 = tpu.memref_slice %arg6[%arg0, %dma_start3A_84, %dma_start3A_85, %dma_start3A_86] : memref<2x4x10240x128xf32, #tpu.memory_space<hbm>> -> memref<1x4x10240x128xf32, #tpu.memory_space<hbm>>
      %dma_start3A_88 = tpu.memref_squeeze %dma_start3A_87 : memref<1x4x10240x128xf32, #tpu.memory_space<hbm>> -> memref<4x10240x128xf32, #tpu.memory_space<hbm>>
      %dma_start3A_89 = arith.constant 0 : i32
      %dma_start3A_90 = arith.constant 0 : i32
      %dma_start3A_91 = tpu.memref_slice %dma_start3A_88[%run_scoped3A_61, %dma_start3A_89, %dma_start3A_90] : memref<4x10240x128xf32, #tpu.memory_space<hbm>> -> memref<1x10240x128xf32, #tpu.memory_space<hbm>>
      %dma_start3A_92 = tpu.memref_squeeze %dma_start3A_91 : memref<1x10240x128xf32, #tpu.memory_space<hbm>> -> memref<10240x128xf32, #tpu.memory_space<hbm>>
      %dma_start3A_93 = arith.constant 0 : i32
      %dma_start3A_94 = tpu.memref_slice %dma_start3A_92[%mul3A_2, %dma_start3A_93] : memref<10240x128xf32, #tpu.memory_space<hbm>> -> memref<640x128xf32, #tpu.memory_space<hbm>>
      %dma_start3A_95 = arith.constant 0 : i32
      %dma_start3A_96 = tpu.memref_slice %arg11[%mul3A_2, %dma_start3A_95] : memref<10240x128xf32, #tpu.memory_space<vmem_shared>> -> memref<640x128xf32, #tpu.memory_space<vmem_shared>>
      tpu.enqueue_dma source(%dma_start3A_96 : memref<640x128xf32, #tpu.memory_space<vmem_shared>>) target(%dma_start3A_94 : memref<640x128xf32, #tpu.memory_space<hbm>>) target_semaphore(%run_scoped3A_83 : memref<!tpu.dma_semaphore, #tpu.memory_space<semaphore_mem>>)
      %dma_wait3A = arith.constant 0 : i32
      %dma_wait3A_97 = arith.constant 0 : i32
      %dma_wait3A_98 = arith.constant 0 : i32
      %dma_wait3A_99 = tpu.memref_slice %arg6[%arg0, %dma_wait3A, %dma_wait3A_97, %dma_wait3A_98] : memref<2x4x10240x128xf32, #tpu.memory_space<hbm>> -> memref<1x4x10240x128xf32, #tpu.memory_space<hbm>>
      %dma_wait3A_100 = tpu.memref_squeeze %dma_wait3A_99 : memref<1x4x10240x128xf32, #tpu.memory_space<hbm>> -> memref<4x10240x128xf32, #tpu.memory_space<hbm>>
      %dma_wait3A_101 = arith.constant 0 : i32
      %dma_wait3A_102 = arith.constant 0 : i32
      %dma_wait3A_103 = tpu.memref_slice %dma_wait3A_100[%run_scoped3A_61, %dma_wait3A_101, %dma_wait3A_102] : memref<4x10240x128xf32, #tpu.memory_space<hbm>> -> memref<1x10240x128xf32, #tpu.memory_space<hbm>>
      %dma_wait3A_104 = tpu.memref_squeeze %dma_wait3A_103 : memref<1x10240x128xf32, #tpu.memory_space<hbm>> -> memref<10240x128xf32, #tpu.memory_space<hbm>>
      %dma_wait3A_105 = arith.constant 0 : i32
      %dma_wait3A_106 = tpu.memref_slice %dma_wait3A_104[%mul3A_2, %dma_wait3A_105] : memref<10240x128xf32, #tpu.memory_space<hbm>> -> memref<640x128xf32, #tpu.memory_space<hbm>>
      %dma_wait3A_107 = arith.constant 0 : i32
      %dma_wait3A_108 = tpu.memref_slice %arg11[%mul3A_2, %dma_wait3A_107] : memref<10240x128xf32, #tpu.memory_space<vmem_shared>> -> memref<640x128xf32, #tpu.memory_space<vmem_shared>>
      tpu.wait_dma2 semaphore(%run_scoped3A_83 : memref<!tpu.dma_semaphore, #tpu.memory_space<semaphore_mem>>) src(%dma_wait3A_108 : memref<640x128xf32, #tpu.memory_space<vmem_shared>>) dst(%dma_wait3A_106 : memref<640x128xf32, #tpu.memory_space<hbm>>)
      tpu.yield
    }) : () -> ()
    "tpu.region"() ({
      %run_scoped3A_83 = tpu.sem_alloc : memref<!tpu.dma_semaphore, #tpu.memory_space<semaphore_mem>>
      %dma_start3A_84 = arith.constant 0 : i32
      %dma_start3A_85 = tpu.memref_slice %arg11[%mul3A_2, %dma_start3A_84] : memref<10240x128xf32, #tpu.memory_space<vmem_shared>> -> memref<640x128xf32, #tpu.memory_space<vmem_shared>>
      tpu.enqueue_dma source(%arg5 : memref<640x128xf32, #tpu.memory_space<hbm>>) target(%dma_start3A_85 : memref<640x128xf32, #tpu.memory_space<vmem_shared>>) target_semaphore(%run_scoped3A_83 : memref<!tpu.dma_semaphore, #tpu.memory_space<semaphore_mem>>)
      %dma_wait3A = arith.constant 0 : i32
      %dma_wait3A_86 = tpu.memref_slice %arg11[%mul3A_2, %dma_wait3A] : memref<10240x128xf32, #tpu.memory_space<vmem_shared>> -> memref<640x128xf32, #tpu.memory_space<vmem_shared>>
      tpu.wait_dma2 semaphore(%run_scoped3A_83 : memref<!tpu.dma_semaphore, #tpu.memory_space<semaphore_mem>>) src(%arg5 : memref<640x128xf32, #tpu.memory_space<hbm>>) dst(%dma_wait3A_86 : memref<640x128xf32, #tpu.memory_space<vmem_shared>>)
      tpu.yield
    }) : () -> ()
    %barrier3A_62 = arith.constant 0 : index
    tpu.barrier barrier_id(%barrier3A_62)
    %dma_start3A_63 = arith.constant 3 : i32
    %dma_start3A_64 = arith.constant 0 : i32
    %dma_start3A_65 = arith.constant 0 : i32
    %dma_start3A_66 = tpu.memref_slice %arg7[%dma_start3A_64, %dma_start3A_65] : memref<40x125xi32, #tpu.memory_space<vmem>> -> memref<1x125xi32, #tpu.memory_space<vmem>>
    %dma_start3A_67 = tpu.memref_squeeze %dma_start3A_66 : memref<1x125xi32, #tpu.memory_space<vmem>> -> memref<125xi32, #tpu.memory_space<vmem>>
    %dma_start3A_68 = arith.constant 0 : i32
    %dma_start3A_69 = arith.constant 0 : i32
    %dma_start3A_70 = tpu.memref_slice %arg4[%dma_start3A_63, %dma_start3A_68, %dma_start3A_69] : memref<4x10240x128xf32, #tpu.memory_space<hbm>> -> memref<1x10240x128xf32, #tpu.memory_space<hbm>>
    %dma_start3A_71 = tpu.memref_squeeze %dma_start3A_70 : memref<1x10240x128xf32, #tpu.memory_space<hbm>> -> memref<10240x128xf32, #tpu.memory_space<hbm>>
    %dma_start3A_72 = arith.constant 0 : i32
    %dma_start3A_73 = arith.constant 0 : i32
    %dma_start3A_74 = tpu.memref_slice %dma_start3A_71[%dma_start3A_72, %dma_start3A_73] : memref<10240x128xf32, #tpu.memory_space<hbm>> -> memref<10240x128xf32, #tpu.memory_space<hbm>>
    tpu.enqueue_indirect_dma source(%dma_start3A_74 : memref<10240x128xf32, #tpu.memory_space<hbm>>) target(%arg9 : memref<125x128xf32, #tpu.memory_space<vmem>>) offsets(%dma_start3A_67 : memref<125xi32, #tpu.memory_space<vmem>>) semaphore(%arg12 : memref<!tpu.dma_semaphore, #tpu.memory_space<semaphore_mem>>)
    %scan3A_75 = arith.constant 0 : i32
    %scan3A_76 = arith.constant 0 : i32
    %scan3A_77 = arith.constant 20 : i32
    %scan3A_78 = arith.addi %scan3A_76, %scan3A_77 : i32
    %scan3A_79 = arith.constant 1 : i32
    scf.for %scan3A_83 = %scan3A_76 to %scan3A_78 step %scan3A_79  : i32 {
      %mul3A_84 = arith.constant 2 : i32
      %mul3A_85 = arith.muli %mul3A_84, %scan3A_83 : i32
      %add3A_86 = arith.constant 0 : i32
      %add3A_87 = arith.addi %mul3A_85, %add3A_86 : i32
      %dma_wait3A = arith.constant 3 : i32
      %dma_wait3A_88 = arith.constant 0 : i32
      %dma_wait3A_89 = tpu.memref_slice %arg7[%add3A_87, %dma_wait3A_88] : memref<40x125xi32, #tpu.memory_space<vmem>> -> memref<1x125xi32, #tpu.memory_space<vmem>>
      %dma_wait3A_90 = tpu.memref_squeeze %dma_wait3A_89 : memref<1x125xi32, #tpu.memory_space<vmem>> -> memref<125xi32, #tpu.memory_space<vmem>>
      %dma_wait3A_91 = arith.constant 0 : i32
      %dma_wait3A_92 = arith.constant 0 : i32
      %dma_wait3A_93 = tpu.memref_slice %arg4[%dma_wait3A, %dma_wait3A_91, %dma_wait3A_92] : memref<4x10240x128xf32, #tpu.memory_space<hbm>> -> memref<1x10240x128xf32, #tpu.memory_space<hbm>>
      %dma_wait3A_94 = tpu.memref_squeeze %dma_wait3A_93 : memref<1x10240x128xf32, #tpu.memory_space<hbm>> -> memref<10240x128xf32, #tpu.memory_space<hbm>>
      %dma_wait3A_95 = arith.constant 0 : i32
      %dma_wait3A_96 = arith.constant 0 : i32
      %dma_wait3A_97 = tpu.memref_slice %dma_wait3A_94[%dma_wait3A_95, %dma_wait3A_96] : memref<10240x128xf32, #tpu.memory_space<hbm>> -> memref<10240x128xf32, #tpu.memory_space<hbm>>
      tpu.wait_indirect_dma semaphore(%arg12 : memref<!tpu.dma_semaphore, #tpu.memory_space<semaphore_mem>>) src(%dma_wait3A_97 : memref<10240x128xf32, #tpu.memory_space<hbm>>) dst(%arg9 : memref<125x128xf32, #tpu.memory_space<vmem>>)
      %add3A_98 = arith.constant 1 : i32
      %add3A_99 = arith.addi %add3A_87, %add3A_98 : i32
      %lt3A = arith.constant 40 : i32
      %lt3A_100 = arith.cmpi slt, %add3A_99, %lt3A : i32
      %convert_element_type3A = arith.extui %lt3A_100 : i1 to i32
      %cond3A = arith.constant 0 : i32
      %cond3A_101 = arith.cmpi ne, %convert_element_type3A, %cond3A : i32
      scf.if %cond3A_101 {
        %add3A_124 = arith.constant 1 : i32
        %add3A_125 = arith.addi %add3A_87, %add3A_124 : i32
        %dma_start3A_126 = arith.constant 3 : i32
        %dma_start3A_127 = arith.constant 0 : i32
        %dma_start3A_128 = tpu.memref_slice %arg7[%add3A_125, %dma_start3A_127] : memref<40x125xi32, #tpu.memory_space<vmem>> -> memref<1x125xi32, #tpu.memory_space<vmem>>
        %dma_start3A_129 = tpu.memref_squeeze %dma_start3A_128 : memref<1x125xi32, #tpu.memory_space<vmem>> -> memref<125xi32, #tpu.memory_space<vmem>>
        %dma_start3A_130 = arith.constant 0 : i32
        %dma_start3A_131 = arith.constant 0 : i32
        %dma_start3A_132 = tpu.memref_slice %arg4[%dma_start3A_126, %dma_start3A_130, %dma_start3A_131] : memref<4x10240x128xf32, #tpu.memory_space<hbm>> -> memref<1x10240x128xf32, #tpu.memory_space<hbm>>
        %dma_start3A_133 = tpu.memref_squeeze %dma_start3A_132 : memref<1x10240x128xf32, #tpu.memory_space<hbm>> -> memref<10240x128xf32, #tpu.memory_space<hbm>>
        %dma_start3A_134 = arith.constant 0 : i32
        %dma_start3A_135 = arith.constant 0 : i32
        %dma_start3A_136 = tpu.memref_slice %dma_start3A_133[%dma_start3A_134, %dma_start3A_135] : memref<10240x128xf32, #tpu.memory_space<hbm>> -> memref<10240x128xf32, #tpu.memory_space<hbm>>
        tpu.enqueue_indirect_dma source(%dma_start3A_136 : memref<10240x128xf32, #tpu.memory_space<hbm>>) target(%arg10 : memref<125x128xf32, #tpu.memory_space<vmem>>) offsets(%dma_start3A_129 : memref<125xi32, #tpu.memory_space<vmem>>) semaphore(%arg13 : memref<!tpu.dma_semaphore, #tpu.memory_space<semaphore_mem>>)
      } else {
      }
      "tpu.region"() ({
        %run_scoped3A_124 = tpu.sem_alloc : memref<!tpu.dma_semaphore, #tpu.memory_space<semaphore_mem>>
        %dma_start3A_125 = arith.constant 0 : i32
        %dma_start3A_126 = tpu.memref_slice %arg8[%add3A_87, %dma_start3A_125] : memref<40x125xi32, #tpu.memory_space<vmem>> -> memref<1x125xi32, #tpu.memory_space<vmem>>
        %dma_start3A_127 = tpu.memref_squeeze %dma_start3A_126 : memref<1x125xi32, #tpu.memory_space<vmem>> -> memref<125xi32, #tpu.memory_space<vmem>>
        %dma_start3A_128 = arith.constant 0 : i32
        %dma_start3A_129 = arith.constant 0 : i32
        %dma_start3A_130 = tpu.memref_slice %arg11[%dma_start3A_128, %dma_start3A_129] : memref<10240x128xf32, #tpu.memory_space<vmem_shared>> -> memref<10240x128xf32, #tpu.memory_space<vmem_shared>>
        tpu.enqueue_indirect_dma source(%arg9 : memref<125x128xf32, #tpu.memory_space<vmem>>) target(%dma_start3A_130 : memref<10240x128xf32, #tpu.memory_space<vmem_shared>>) offsets(%dma_start3A_127 : memref<125xi32, #tpu.memory_space<vmem>>) semaphore(%run_scoped3A_124 : memref<!tpu.dma_semaphore, #tpu.memory_space<semaphore_mem>>) {add = true}
        %dma_wait3A_131 = arith.constant 0 : i32
        %dma_wait3A_132 = tpu.memref_slice %arg8[%add3A_87, %dma_wait3A_131] : memref<40x125xi32, #tpu.memory_space<vmem>> -> memref<1x125xi32, #tpu.memory_space<vmem>>
        %dma_wait3A_133 = tpu.memref_squeeze %dma_wait3A_132 : memref<1x125xi32, #tpu.memory_space<vmem>> -> memref<125xi32, #tpu.memory_space<vmem>>
        %dma_wait3A_134 = arith.constant 0 : i32
        %dma_wait3A_135 = arith.constant 0 : i32
        %dma_wait3A_136 = tpu.memref_slice %arg11[%dma_wait3A_134, %dma_wait3A_135] : memref<10240x128xf32, #tpu.memory_space<vmem_shared>> -> memref<10240x128xf32, #tpu.memory_space<vmem_shared>>
        tpu.wait_indirect_dma semaphore(%run_scoped3A_124 : memref<!tpu.dma_semaphore, #tpu.memory_space<semaphore_mem>>) src(%arg9 : memref<125x128xf32, #tpu.memory_space<vmem>>) dst(%dma_wait3A_136 : memref<10240x128xf32, #tpu.memory_space<vmem_shared>>)
        tpu.yield
      }) : () -> ()
      %mul3A_102 = arith.constant 2 : i32
      %mul3A_103 = arith.muli %mul3A_102, %scan3A_83 : i32
      %add3A_104 = arith.constant 1 : i32
      %add3A_105 = arith.addi %mul3A_103, %add3A_104 : i32
      %dma_wait3A_106 = arith.constant 3 : i32
      %dma_wait3A_107 = arith.constant 0 : i32
      %dma_wait3A_108 = tpu.memref_slice %arg7[%add3A_105, %dma_wait3A_107] : memref<40x125xi32, #tpu.memory_space<vmem>> -> memref<1x125xi32, #tpu.memory_space<vmem>>
      %dma_wait3A_109 = tpu.memref_squeeze %dma_wait3A_108 : memref<1x125xi32, #tpu.memory_space<vmem>> -> memref<125xi32, #tpu.memory_space<vmem>>
      %dma_wait3A_110 = arith.constant 0 : i32
      %dma_wait3A_111 = arith.constant 0 : i32
      %dma_wait3A_112 = tpu.memref_slice %arg4[%dma_wait3A_106, %dma_wait3A_110, %dma_wait3A_111] : memref<4x10240x128xf32, #tpu.memory_space<hbm>> -> memref<1x10240x128xf32, #tpu.memory_space<hbm>>
      %dma_wait3A_113 = tpu.memref_squeeze %dma_wait3A_112 : memref<1x10240x128xf32, #tpu.memory_space<hbm>> -> memref<10240x128xf32, #tpu.memory_space<hbm>>
      %dma_wait3A_114 = arith.constant 0 : i32
      %dma_wait3A_115 = arith.constant 0 : i32
      %dma_wait3A_116 = tpu.memref_slice %dma_wait3A_113[%dma_wait3A_114, %dma_wait3A_115] : memref<10240x128xf32, #tpu.memory_space<hbm>> -> memref<10240x128xf32, #tpu.memory_space<hbm>>
      tpu.wait_indirect_dma semaphore(%arg13 : memref<!tpu.dma_semaphore, #tpu.memory_space<semaphore_mem>>) src(%dma_wait3A_116 : memref<10240x128xf32, #tpu.memory_space<hbm>>) dst(%arg10 : memref<125x128xf32, #tpu.memory_space<vmem>>)
      %add3A_117 = arith.constant 1 : i32
      %add3A_118 = arith.addi %add3A_105, %add3A_117 : i32
      %lt3A_119 = arith.constant 40 : i32
      %lt3A_120 = arith.cmpi slt, %add3A_118, %lt3A_119 : i32
      %convert_element_type3A_121 = arith.extui %lt3A_120 : i1 to i32
      %cond3A_122 = arith.constant 0 : i32
      %cond3A_123 = arith.cmpi ne, %convert_element_type3A_121, %cond3A_122 : i32
      scf.if %cond3A_123 {
        %add3A_124 = arith.constant 1 : i32
        %add3A_125 = arith.addi %add3A_105, %add3A_124 : i32
        %dma_start3A_126 = arith.constant 3 : i32
        %dma_start3A_127 = arith.constant 0 : i32
        %dma_start3A_128 = tpu.memref_slice %arg7[%add3A_125, %dma_start3A_127] : memref<40x125xi32, #tpu.memory_space<vmem>> -> memref<1x125xi32, #tpu.memory_space<vmem>>
        %dma_start3A_129 = tpu.memref_squeeze %dma_start3A_128 : memref<1x125xi32, #tpu.memory_space<vmem>> -> memref<125xi32, #tpu.memory_space<vmem>>
        %dma_start3A_130 = arith.constant 0 : i32
        %dma_start3A_131 = arith.constant 0 : i32
        %dma_start3A_132 = tpu.memref_slice %arg4[%dma_start3A_126, %dma_start3A_130, %dma_start3A_131] : memref<4x10240x128xf32, #tpu.memory_space<hbm>> -> memref<1x10240x128xf32, #tpu.memory_space<hbm>>
        %dma_start3A_133 = tpu.memref_squeeze %dma_start3A_132 : memref<1x10240x128xf32, #tpu.memory_space<hbm>> -> memref<10240x128xf32, #tpu.memory_space<hbm>>
        %dma_start3A_134 = arith.constant 0 : i32
        %dma_start3A_135 = arith.constant 0 : i32
        %dma_start3A_136 = tpu.memref_slice %dma_start3A_133[%dma_start3A_134, %dma_start3A_135] : memref<10240x128xf32, #tpu.memory_space<hbm>> -> memref<10240x128xf32, #tpu.memory_space<hbm>>
        tpu.enqueue_indirect_dma source(%dma_start3A_136 : memref<10240x128xf32, #tpu.memory_space<hbm>>) target(%arg9 : memref<125x128xf32, #tpu.memory_space<vmem>>) offsets(%dma_start3A_129 : memref<125xi32, #tpu.memory_space<vmem>>) semaphore(%arg12 : memref<!tpu.dma_semaphore, #tpu.memory_space<semaphore_mem>>)
      } else {
      }
      "tpu.region"() ({
        %run_scoped3A_124 = tpu.sem_alloc : memref<!tpu.dma_semaphore, #tpu.memory_space<semaphore_mem>>
        %dma_start3A_125 = arith.constant 0 : i32
        %dma_start3A_126 = tpu.memref_slice %arg8[%add3A_105, %dma_start3A_125] : memref<40x125xi32, #tpu.memory_space<vmem>> -> memref<1x125xi32, #tpu.memory_space<vmem>>
        %dma_start3A_127 = tpu.memref_squeeze %dma_start3A_126 : memref<1x125xi32, #tpu.memory_space<vmem>> -> memref<125xi32, #tpu.memory_space<vmem>>
        %dma_start3A_128 = arith.constant 0 : i32
        %dma_start3A_129 = arith.constant 0 : i32
        %dma_start3A_130 = tpu.memref_slice %arg11[%dma_start3A_128, %dma_start3A_129] : memref<10240x128xf32, #tpu.memory_space<vmem_shared>> -> memref<10240x128xf32, #tpu.memory_space<vmem_shared>>
        tpu.enqueue_indirect_dma source(%arg10 : memref<125x128xf32, #tpu.memory_space<vmem>>) target(%dma_start3A_130 : memref<10240x128xf32, #tpu.memory_space<vmem_shared>>) offsets(%dma_start3A_127 : memref<125xi32, #tpu.memory_space<vmem>>) semaphore(%run_scoped3A_124 : memref<!tpu.dma_semaphore, #tpu.memory_space<semaphore_mem>>) {add = true}
        %dma_wait3A_131 = arith.constant 0 : i32
        %dma_wait3A_132 = tpu.memref_slice %arg8[%add3A_105, %dma_wait3A_131] : memref<40x125xi32, #tpu.memory_space<vmem>> -> memref<1x125xi32, #tpu.memory_space<vmem>>
        %dma_wait3A_133 = tpu.memref_squeeze %dma_wait3A_132 : memref<1x125xi32, #tpu.memory_space<vmem>> -> memref<125xi32, #tpu.memory_space<vmem>>
        %dma_wait3A_134 = arith.constant 0 : i32
        %dma_wait3A_135 = arith.constant 0 : i32
        %dma_wait3A_136 = tpu.memref_slice %arg11[%dma_wait3A_134, %dma_wait3A_135] : memref<10240x128xf32, #tpu.memory_space<vmem_shared>> -> memref<10240x128xf32, #tpu.memory_space<vmem_shared>>
        tpu.wait_indirect_dma semaphore(%run_scoped3A_124 : memref<!tpu.dma_semaphore, #tpu.memory_space<semaphore_mem>>) src(%arg10 : memref<125x128xf32, #tpu.memory_space<vmem>>) dst(%dma_wait3A_136 : memref<10240x128xf32, #tpu.memory_space<vmem_shared>>)
        tpu.yield
      }) : () -> ()
    }
    %scan3A_80 = arith.constant 20 : i32
    %barrier3A_81 = arith.constant 0 : index
    tpu.barrier barrier_id(%barrier3A_81)
    %run_scoped3A_82 = arith.constant 3 : i32
    "tpu.region"() ({
      %run_scoped3A_83 = tpu.sem_alloc : memref<!tpu.dma_semaphore, #tpu.memory_space<semaphore_mem>>
      %dma_start3A_84 = arith.constant 0 : i32
      %dma_start3A_85 = arith.constant 0 : i32
      %dma_start3A_86 = arith.constant 0 : i32
      %dma_start3A_87 = tpu.memref_slice %arg6[%arg0, %dma_start3A_84, %dma_start3A_85, %dma_start3A_86] : memref<2x4x10240x128xf32, #tpu.memory_space<hbm>> -> memref<1x4x10240x128xf32, #tpu.memory_space<hbm>>
      %dma_start3A_88 = tpu.memref_squeeze %dma_start3A_87 : memref<1x4x10240x128xf32, #tpu.memory_space<hbm>> -> memref<4x10240x128xf32, #tpu.memory_space<hbm>>
      %dma_start3A_89 = arith.constant 0 : i32
      %dma_start3A_90 = arith.constant 0 : i32
      %dma_start3A_91 = tpu.memref_slice %dma_start3A_88[%run_scoped3A_82, %dma_start3A_89, %dma_start3A_90] : memref<4x10240x128xf32, #tpu.memory_space<hbm>> -> memref<1x10240x128xf32, #tpu.memory_space<hbm>>
      %dma_start3A_92 = tpu.memref_squeeze %dma_start3A_91 : memref<1x10240x128xf32, #tpu.memory_space<hbm>> -> memref<10240x128xf32, #tpu.memory_space<hbm>>
      %dma_start3A_93 = arith.constant 0 : i32
      %dma_start3A_94 = tpu.memref_slice %dma_start3A_92[%mul3A_2, %dma_start3A_93] : memref<10240x128xf32, #tpu.memory_space<hbm>> -> memref<640x128xf32, #tpu.memory_space<hbm>>
      %dma_start3A_95 = arith.constant 0 : i32
      %dma_start3A_96 = tpu.memref_slice %arg11[%mul3A_2, %dma_start3A_95] : memref<10240x128xf32, #tpu.memory_space<vmem_shared>> -> memref<640x128xf32, #tpu.memory_space<vmem_shared>>
      tpu.enqueue_dma source(%dma_start3A_96 : memref<640x128xf32, #tpu.memory_space<vmem_shared>>) target(%dma_start3A_94 : memref<640x128xf32, #tpu.memory_space<hbm>>) target_semaphore(%run_scoped3A_83 : memref<!tpu.dma_semaphore, #tpu.memory_space<semaphore_mem>>)
      %dma_wait3A = arith.constant 0 : i32
      %dma_wait3A_97 = arith.constant 0 : i32
      %dma_wait3A_98 = arith.constant 0 : i32
      %dma_wait3A_99 = tpu.memref_slice %arg6[%arg0, %dma_wait3A, %dma_wait3A_97, %dma_wait3A_98] : memref<2x4x10240x128xf32, #tpu.memory_space<hbm>> -> memref<1x4x10240x128xf32, #tpu.memory_space<hbm>>
      %dma_wait3A_100 = tpu.memref_squeeze %dma_wait3A_99 : memref<1x4x10240x128xf32, #tpu.memory_space<hbm>> -> memref<4x10240x128xf32, #tpu.memory_space<hbm>>
      %dma_wait3A_101 = arith.constant 0 : i32
      %dma_wait3A_102 = arith.constant 0 : i32
      %dma_wait3A_103 = tpu.memref_slice %dma_wait3A_100[%run_scoped3A_82, %dma_wait3A_101, %dma_wait3A_102] : memref<4x10240x128xf32, #tpu.memory_space<hbm>> -> memref<1x10240x128xf32, #tpu.memory_space<hbm>>
      %dma_wait3A_104 = tpu.memref_squeeze %dma_wait3A_103 : memref<1x10240x128xf32, #tpu.memory_space<hbm>> -> memref<10240x128xf32, #tpu.memory_space<hbm>>
      %dma_wait3A_105 = arith.constant 0 : i32
      %dma_wait3A_106 = tpu.memref_slice %dma_wait3A_104[%mul3A_2, %dma_wait3A_105] : memref<10240x128xf32, #tpu.memory_space<hbm>> -> memref<640x128xf32, #tpu.memory_space<hbm>>
      %dma_wait3A_107 = arith.constant 0 : i32
      %dma_wait3A_108 = tpu.memref_slice %arg11[%mul3A_2, %dma_wait3A_107] : memref<10240x128xf32, #tpu.memory_space<vmem_shared>> -> memref<640x128xf32, #tpu.memory_space<vmem_shared>>
      tpu.wait_dma2 semaphore(%run_scoped3A_83 : memref<!tpu.dma_semaphore, #tpu.memory_space<semaphore_mem>>) src(%dma_wait3A_108 : memref<640x128xf32, #tpu.memory_space<vmem_shared>>) dst(%dma_wait3A_106 : memref<640x128xf32, #tpu.memory_space<hbm>>)
      tpu.yield
    }) : () -> ()
    return
  }
}

#map = affine_map<(d0, d1) -> (0, 0, 0)>
#map1 = affine_map<(d0, d1) -> (0, 0)>
module attributes {stable_mosaic.version = 14 : i64} {
  func.func @_sc_deg(%arg0: i32, %arg1: i32, %arg2: memref<32x40x125xi32, #tpu.memory_space<hbm>>, %arg3: memref<125x128xf32, #tpu.memory_space<hbm>>, %arg4: memref<640x128xf32, #tpu.memory_space<hbm>>, %arg5: memref<2x10240x128xf32, #tpu.memory_space<hbm>>, %arg6: memref<40x125xi32, #tpu.memory_space<vmem>>, %arg7: memref<125x128xf32, #tpu.memory_space<vmem>>, %arg8: memref<10240x128xf32, #tpu.memory_space<vmem_shared>>) attributes {dimension_semantics = [#tpu.dimension_semantics<core_parallel>, #tpu.dimension_semantics<subcore_parallel>], iteration_bounds = array<i64: 2, 16>, scalar_prefetch = 0 : i64, scratch_operands = 3 : i64, tpu.core_type = #tpu.core_type<sc_vector_subcore>, window_params = [{transform_indices = #map}, {transform_indices = #map1}, {transform_indices = #map1}, {transform_indices = #map}]} {
    %mul3A = arith.constant 16 : i32
    %mul3A_0 = arith.muli %arg0, %mul3A : i32
    %add3A = arith.addi %mul3A_0, %arg1 : i32
    "tpu.region"() ({
      %run_scoped3A = tpu.sem_alloc : memref<!tpu.dma_semaphore, #tpu.memory_space<semaphore_mem>>
      %dma_start3A = arith.constant 0 : i32
      %dma_start3A_9 = arith.constant 0 : i32
      %dma_start3A_10 = tpu.memref_slice %arg2[%add3A, %dma_start3A, %dma_start3A_9] : memref<32x40x125xi32, #tpu.memory_space<hbm>> -> memref<1x40x125xi32, #tpu.memory_space<hbm>>
      %dma_start3A_11 = tpu.memref_squeeze %dma_start3A_10 : memref<1x40x125xi32, #tpu.memory_space<hbm>> -> memref<40x125xi32, #tpu.memory_space<hbm>>
      %dma_start3A_12 = arith.constant 0 : i32
      %dma_start3A_13 = arith.constant 0 : i32
      %dma_start3A_14 = tpu.memref_slice %arg2[%add3A, %dma_start3A_12, %dma_start3A_13] : memref<32x40x125xi32, #tpu.memory_space<hbm>> -> memref<1x40x125xi32, #tpu.memory_space<hbm>>
      %dma_start3A_15 = tpu.memref_squeeze %dma_start3A_14 : memref<1x40x125xi32, #tpu.memory_space<hbm>> -> memref<40x125xi32, #tpu.memory_space<hbm>>
      tpu.enqueue_dma source(%dma_start3A_15 : memref<40x125xi32, #tpu.memory_space<hbm>>) target(%arg6 : memref<40x125xi32, #tpu.memory_space<vmem>>) target_semaphore(%run_scoped3A : memref<!tpu.dma_semaphore, #tpu.memory_space<semaphore_mem>>)
      %dma_wait3A = arith.constant 0 : i32
      %dma_wait3A_16 = arith.constant 0 : i32
      %dma_wait3A_17 = tpu.memref_slice %arg2[%add3A, %dma_wait3A, %dma_wait3A_16] : memref<32x40x125xi32, #tpu.memory_space<hbm>> -> memref<1x40x125xi32, #tpu.memory_space<hbm>>
      %dma_wait3A_18 = tpu.memref_squeeze %dma_wait3A_17 : memref<1x40x125xi32, #tpu.memory_space<hbm>> -> memref<40x125xi32, #tpu.memory_space<hbm>>
      %dma_wait3A_19 = arith.constant 0 : i32
      %dma_wait3A_20 = arith.constant 0 : i32
      %dma_wait3A_21 = tpu.memref_slice %arg2[%add3A, %dma_wait3A_19, %dma_wait3A_20] : memref<32x40x125xi32, #tpu.memory_space<hbm>> -> memref<1x40x125xi32, #tpu.memory_space<hbm>>
      %dma_wait3A_22 = tpu.memref_squeeze %dma_wait3A_21 : memref<1x40x125xi32, #tpu.memory_space<hbm>> -> memref<40x125xi32, #tpu.memory_space<hbm>>
      tpu.wait_dma2 semaphore(%run_scoped3A : memref<!tpu.dma_semaphore, #tpu.memory_space<semaphore_mem>>) src(%dma_wait3A_22 : memref<40x125xi32, #tpu.memory_space<hbm>>) dst(%arg6 : memref<40x125xi32, #tpu.memory_space<vmem>>)
      tpu.yield
    }) : () -> ()
    "tpu.region"() ({
      %run_scoped3A = tpu.sem_alloc : memref<!tpu.dma_semaphore, #tpu.memory_space<semaphore_mem>>
      tpu.enqueue_dma source(%arg3 : memref<125x128xf32, #tpu.memory_space<hbm>>) target(%arg7 : memref<125x128xf32, #tpu.memory_space<vmem>>) target_semaphore(%run_scoped3A : memref<!tpu.dma_semaphore, #tpu.memory_space<semaphore_mem>>)
      tpu.wait_dma2 semaphore(%run_scoped3A : memref<!tpu.dma_semaphore, #tpu.memory_space<semaphore_mem>>) src(%arg3 : memref<125x128xf32, #tpu.memory_space<hbm>>) dst(%arg7 : memref<125x128xf32, #tpu.memory_space<vmem>>)
      tpu.yield
    }) : () -> ()
    %mul3A_1 = arith.constant 640 : i32
    %mul3A_2 = arith.muli %arg1, %mul3A_1 : i32
    "tpu.region"() ({
      %run_scoped3A = tpu.sem_alloc : memref<!tpu.dma_semaphore, #tpu.memory_space<semaphore_mem>>
      %dma_start3A = arith.constant 0 : i32
      %dma_start3A_9 = tpu.memref_slice %arg8[%mul3A_2, %dma_start3A] : memref<10240x128xf32, #tpu.memory_space<vmem_shared>> -> memref<640x128xf32, #tpu.memory_space<vmem_shared>>
      tpu.enqueue_dma source(%arg4 : memref<640x128xf32, #tpu.memory_space<hbm>>) target(%dma_start3A_9 : memref<640x128xf32, #tpu.memory_space<vmem_shared>>) target_semaphore(%run_scoped3A : memref<!tpu.dma_semaphore, #tpu.memory_space<semaphore_mem>>)
      %dma_wait3A = arith.constant 0 : i32
      %dma_wait3A_10 = tpu.memref_slice %arg8[%mul3A_2, %dma_wait3A] : memref<10240x128xf32, #tpu.memory_space<vmem_shared>> -> memref<640x128xf32, #tpu.memory_space<vmem_shared>>
      tpu.wait_dma2 semaphore(%run_scoped3A : memref<!tpu.dma_semaphore, #tpu.memory_space<semaphore_mem>>) src(%arg4 : memref<640x128xf32, #tpu.memory_space<hbm>>) dst(%dma_wait3A_10 : memref<640x128xf32, #tpu.memory_space<vmem_shared>>)
      tpu.yield
    }) : () -> ()
    %barrier3A = arith.constant 0 : index
    tpu.barrier barrier_id(%barrier3A)
    %scan3A = arith.constant 0 : i32
    %scan3A_3 = arith.constant 0 : i32
    %scan3A_4 = arith.constant 40 : i32
    %scan3A_5 = arith.addi %scan3A_3, %scan3A_4 : i32
    %scan3A_6 = arith.constant 1 : i32
    scf.for %scan3A_9 = %scan3A_3 to %scan3A_5 step %scan3A_6  : i32 {
      "tpu.region"() ({
        %run_scoped3A = tpu.sem_alloc : memref<!tpu.dma_semaphore, #tpu.memory_space<semaphore_mem>>
        %dma_start3A = arith.constant 0 : i32
        %dma_start3A_10 = tpu.memref_slice %arg6[%scan3A_9, %dma_start3A] : memref<40x125xi32, #tpu.memory_space<vmem>> -> memref<1x125xi32, #tpu.memory_space<vmem>>
        %dma_start3A_11 = tpu.memref_squeeze %dma_start3A_10 : memref<1x125xi32, #tpu.memory_space<vmem>> -> memref<125xi32, #tpu.memory_space<vmem>>
        %dma_start3A_12 = arith.constant 0 : i32
        %dma_start3A_13 = arith.constant 0 : i32
        %dma_start3A_14 = tpu.memref_slice %arg8[%dma_start3A_12, %dma_start3A_13] : memref<10240x128xf32, #tpu.memory_space<vmem_shared>> -> memref<10240x128xf32, #tpu.memory_space<vmem_shared>>
        tpu.enqueue_indirect_dma source(%arg7 : memref<125x128xf32, #tpu.memory_space<vmem>>) target(%dma_start3A_14 : memref<10240x128xf32, #tpu.memory_space<vmem_shared>>) offsets(%dma_start3A_11 : memref<125xi32, #tpu.memory_space<vmem>>) semaphore(%run_scoped3A : memref<!tpu.dma_semaphore, #tpu.memory_space<semaphore_mem>>) {add = true}
        %dma_wait3A = arith.constant 0 : i32
        %dma_wait3A_15 = tpu.memref_slice %arg6[%scan3A_9, %dma_wait3A] : memref<40x125xi32, #tpu.memory_space<vmem>> -> memref<1x125xi32, #tpu.memory_space<vmem>>
        %dma_wait3A_16 = tpu.memref_squeeze %dma_wait3A_15 : memref<1x125xi32, #tpu.memory_space<vmem>> -> memref<125xi32, #tpu.memory_space<vmem>>
        %dma_wait3A_17 = arith.constant 0 : i32
        %dma_wait3A_18 = arith.constant 0 : i32
        %dma_wait3A_19 = tpu.memref_slice %arg8[%dma_wait3A_17, %dma_wait3A_18] : memref<10240x128xf32, #tpu.memory_space<vmem_shared>> -> memref<10240x128xf32, #tpu.memory_space<vmem_shared>>
        tpu.wait_indirect_dma semaphore(%run_scoped3A : memref<!tpu.dma_semaphore, #tpu.memory_space<semaphore_mem>>) src(%arg7 : memref<125x128xf32, #tpu.memory_space<vmem>>) dst(%dma_wait3A_19 : memref<10240x128xf32, #tpu.memory_space<vmem_shared>>)
        tpu.yield
      }) : () -> ()
    }
    %scan3A_7 = arith.constant 40 : i32
    %barrier3A_8 = arith.constant 0 : index
    tpu.barrier barrier_id(%barrier3A_8)
    "tpu.region"() ({
      %run_scoped3A = tpu.sem_alloc : memref<!tpu.dma_semaphore, #tpu.memory_space<semaphore_mem>>
      %dma_start3A = arith.constant 0 : i32
      %dma_start3A_9 = arith.constant 0 : i32
      %dma_start3A_10 = tpu.memref_slice %arg5[%arg0, %dma_start3A, %dma_start3A_9] : memref<2x10240x128xf32, #tpu.memory_space<hbm>> -> memref<1x10240x128xf32, #tpu.memory_space<hbm>>
      %dma_start3A_11 = tpu.memref_squeeze %dma_start3A_10 : memref<1x10240x128xf32, #tpu.memory_space<hbm>> -> memref<10240x128xf32, #tpu.memory_space<hbm>>
      %dma_start3A_12 = arith.constant 0 : i32
      %dma_start3A_13 = tpu.memref_slice %dma_start3A_11[%mul3A_2, %dma_start3A_12] : memref<10240x128xf32, #tpu.memory_space<hbm>> -> memref<640x128xf32, #tpu.memory_space<hbm>>
      %dma_start3A_14 = arith.constant 0 : i32
      %dma_start3A_15 = tpu.memref_slice %arg8[%mul3A_2, %dma_start3A_14] : memref<10240x128xf32, #tpu.memory_space<vmem_shared>> -> memref<640x128xf32, #tpu.memory_space<vmem_shared>>
      tpu.enqueue_dma source(%dma_start3A_15 : memref<640x128xf32, #tpu.memory_space<vmem_shared>>) target(%dma_start3A_13 : memref<640x128xf32, #tpu.memory_space<hbm>>) target_semaphore(%run_scoped3A : memref<!tpu.dma_semaphore, #tpu.memory_space<semaphore_mem>>)
      %dma_wait3A = arith.constant 0 : i32
      %dma_wait3A_16 = arith.constant 0 : i32
      %dma_wait3A_17 = tpu.memref_slice %arg5[%arg0, %dma_wait3A, %dma_wait3A_16] : memref<2x10240x128xf32, #tpu.memory_space<hbm>> -> memref<1x10240x128xf32, #tpu.memory_space<hbm>>
      %dma_wait3A_18 = tpu.memref_squeeze %dma_wait3A_17 : memref<1x10240x128xf32, #tpu.memory_space<hbm>> -> memref<10240x128xf32, #tpu.memory_space<hbm>>
      %dma_wait3A_19 = arith.constant 0 : i32
      %dma_wait3A_20 = tpu.memref_slice %dma_wait3A_18[%mul3A_2, %dma_wait3A_19] : memref<10240x128xf32, #tpu.memory_space<hbm>> -> memref<640x128xf32, #tpu.memory_space<hbm>>
      %dma_wait3A_21 = arith.constant 0 : i32
      %dma_wait3A_22 = tpu.memref_slice %arg8[%mul3A_2, %dma_wait3A_21] : memref<10240x128xf32, #tpu.memory_space<vmem_shared>> -> memref<640x128xf32, #tpu.memory_space<vmem_shared>>
      tpu.wait_dma2 semaphore(%run_scoped3A : memref<!tpu.dma_semaphore, #tpu.memory_space<semaphore_mem>>) src(%dma_wait3A_22 : memref<640x128xf32, #tpu.memory_space<vmem_shared>>) dst(%dma_wait3A_20 : memref<640x128xf32, #tpu.memory_space<hbm>>)
      tpu.yield
    }) : () -> ()
    return
  }
}

#map = affine_map<(d0, d1) -> (0, 0, 0)>
#map1 = affine_map<(d0, d1) -> (0, 0)>
#map2 = affine_map<(d0, d1) -> (0, 0, 0, 0)>
module attributes {stable_mosaic.version = 14 : i64} {
  func.func @_sc_scatter(%arg0: i32, %arg1: i32, %arg2: memref<32x40x125xi32, #tpu.memory_space<hbm>>, %arg3: memref<32x40x125xi32, #tpu.memory_space<hbm>>, %arg4: memref<4x10240x128xf32, #tpu.memory_space<hbm>>, %arg5: memref<640x128xf32, #tpu.memory_space<hbm>>, %arg6: memref<2x4x10240x128xf32, #tpu.memory_space<hbm>>, %arg7: memref<40x125xi32, #tpu.memory_space<vmem>>, %arg8: memref<40x125xi32, #tpu.memory_space<vmem>>, %arg9: memref<125x128xf32, #tpu.memory_space<vmem>>, %arg10: memref<125x128xf32, #tpu.memory_space<vmem>>, %arg11: memref<10240x128xf32, #tpu.memory_space<vmem_shared>>, %arg12: memref<!tpu.dma_semaphore, #tpu.memory_space<semaphore_mem>>, %arg13: memref<!tpu.dma_semaphore, #tpu.memory_space<semaphore_mem>>) attributes {dimension_semantics = [#tpu.dimension_semantics<core_parallel>, #tpu.dimension_semantics<subcore_parallel>], iteration_bounds = array<i64: 2, 16>, scalar_prefetch = 0 : i64, scratch_operands = 7 : i64, tpu.core_type = #tpu.core_type<sc_vector_subcore>, window_params = [{transform_indices = #map}, {transform_indices = #map}, {transform_indices = #map}, {transform_indices = #map1}, {transform_indices = #map2}]} {
    %mul3A = arith.constant 16 : i32
    %mul3A_0 = arith.muli %arg0, %mul3A : i32
    %add3A = arith.addi %mul3A_0, %arg1 : i32
    "tpu.region"() ({
      %run_scoped3A_83 = tpu.sem_alloc : memref<!tpu.dma_semaphore, #tpu.memory_space<semaphore_mem>>
      %dma_start3A_84 = arith.constant 0 : i32
      %dma_start3A_85 = arith.constant 0 : i32
      %dma_start3A_86 = tpu.memref_slice %arg2[%add3A, %dma_start3A_84, %dma_start3A_85] : memref<32x40x125xi32, #tpu.memory_space<hbm>> -> memref<1x40x125xi32, #tpu.memory_space<hbm>>
      %dma_start3A_87 = tpu.memref_squeeze %dma_start3A_86 : memref<1x40x125xi32, #tpu.memory_space<hbm>> -> memref<40x125xi32, #tpu.memory_space<hbm>>
      %dma_start3A_88 = arith.constant 0 : i32
      %dma_start3A_89 = arith.constant 0 : i32
      %dma_start3A_90 = tpu.memref_slice %arg2[%add3A, %dma_start3A_88, %dma_start3A_89] : memref<32x40x125xi32, #tpu.memory_space<hbm>> -> memref<1x40x125xi32, #tpu.memory_space<hbm>>
      %dma_start3A_91 = tpu.memref_squeeze %dma_start3A_90 : memref<1x40x125xi32, #tpu.memory_space<hbm>> -> memref<40x125xi32, #tpu.memory_space<hbm>>
      tpu.enqueue_dma source(%dma_start3A_91 : memref<40x125xi32, #tpu.memory_space<hbm>>) target(%arg7 : memref<40x125xi32, #tpu.memory_space<vmem>>) target_semaphore(%run_scoped3A_83 : memref<!tpu.dma_semaphore, #tpu.memory_space<semaphore_mem>>)
      %dma_wait3A = arith.constant 0 : i32
      %dma_wait3A_92 = arith.constant 0 : i32
      %dma_wait3A_93 = tpu.memref_slice %arg2[%add3A, %dma_wait3A, %dma_wait3A_92] : memref<32x40x125xi32, #tpu.memory_space<hbm>> -> memref<1x40x125xi32, #tpu.memory_space<hbm>>
      %dma_wait3A_94 = tpu.memref_squeeze %dma_wait3A_93 : memref<1x40x125xi32, #tpu.memory_space<hbm>> -> memref<40x125xi32, #tpu.memory_space<hbm>>
      %dma_wait3A_95 = arith.constant 0 : i32
      %dma_wait3A_96 = arith.constant 0 : i32
      %dma_wait3A_97 = tpu.memref_slice %arg2[%add3A, %dma_wait3A_95, %dma_wait3A_96] : memref<32x40x125xi32, #tpu.memory_space<hbm>> -> memref<1x40x125xi32, #tpu.memory_space<hbm>>
      %dma_wait3A_98 = tpu.memref_squeeze %dma_wait3A_97 : memref<1x40x125xi32, #tpu.memory_space<hbm>> -> memref<40x125xi32, #tpu.memory_space<hbm>>
      tpu.wait_dma2 semaphore(%run_scoped3A_83 : memref<!tpu.dma_semaphore, #tpu.memory_space<semaphore_mem>>) src(%dma_wait3A_98 : memref<40x125xi32, #tpu.memory_space<hbm>>) dst(%arg7 : memref<40x125xi32, #tpu.memory_space<vmem>>)
      tpu.yield
    }) : () -> ()
    "tpu.region"() ({
      %run_scoped3A_83 = tpu.sem_alloc : memref<!tpu.dma_semaphore, #tpu.memory_space<semaphore_mem>>
      %dma_start3A_84 = arith.constant 0 : i32
      %dma_start3A_85 = arith.constant 0 : i32
      %dma_start3A_86 = tpu.memref_slice %arg3[%add3A, %dma_start3A_84, %dma_start3A_85] : memref<32x40x125xi32, #tpu.memory_space<hbm>> -> memref<1x40x125xi32, #tpu.memory_space<hbm>>
      %dma_start3A_87 = tpu.memref_squeeze %dma_start3A_86 : memref<1x40x125xi32, #tpu.memory_space<hbm>> -> memref<40x125xi32, #tpu.memory_space<hbm>>
      %dma_start3A_88 = arith.constant 0 : i32
      %dma_start3A_89 = arith.constant 0 : i32
      %dma_start3A_90 = tpu.memref_slice %arg3[%add3A, %dma_start3A_88, %dma_start3A_89] : memref<32x40x125xi32, #tpu.memory_space<hbm>> -> memref<1x40x125xi32, #tpu.memory_space<hbm>>
      %dma_start3A_91 = tpu.memref_squeeze %dma_start3A_90 : memref<1x40x125xi32, #tpu.memory_space<hbm>> -> memref<40x125xi32, #tpu.memory_space<hbm>>
      tpu.enqueue_dma source(%dma_start3A_91 : memref<40x125xi32, #tpu.memory_space<hbm>>) target(%arg8 : memref<40x125xi32, #tpu.memory_space<vmem>>) target_semaphore(%run_scoped3A_83 : memref<!tpu.dma_semaphore, #tpu.memory_space<semaphore_mem>>)
      %dma_wait3A = arith.constant 0 : i32
      %dma_wait3A_92 = arith.constant 0 : i32
      %dma_wait3A_93 = tpu.memref_slice %arg3[%add3A, %dma_wait3A, %dma_wait3A_92] : memref<32x40x125xi32, #tpu.memory_space<hbm>> -> memref<1x40x125xi32, #tpu.memory_space<hbm>>
      %dma_wait3A_94 = tpu.memref_squeeze %dma_wait3A_93 : memref<1x40x125xi32, #tpu.memory_space<hbm>> -> memref<40x125xi32, #tpu.memory_space<hbm>>
      %dma_wait3A_95 = arith.constant 0 : i32
      %dma_wait3A_96 = arith.constant 0 : i32
      %dma_wait3A_97 = tpu.memref_slice %arg3[%add3A, %dma_wait3A_95, %dma_wait3A_96] : memref<32x40x125xi32, #tpu.memory_space<hbm>> -> memref<1x40x125xi32, #tpu.memory_space<hbm>>
      %dma_wait3A_98 = tpu.memref_squeeze %dma_wait3A_97 : memref<1x40x125xi32, #tpu.memory_space<hbm>> -> memref<40x125xi32, #tpu.memory_space<hbm>>
      tpu.wait_dma2 semaphore(%run_scoped3A_83 : memref<!tpu.dma_semaphore, #tpu.memory_space<semaphore_mem>>) src(%dma_wait3A_98 : memref<40x125xi32, #tpu.memory_space<hbm>>) dst(%arg8 : memref<40x125xi32, #tpu.memory_space<vmem>>)
      tpu.yield
    }) : () -> ()
    %mul3A_1 = arith.constant 640 : i32
    %mul3A_2 = arith.muli %arg1, %mul3A_1 : i32
    "tpu.region"() ({
      %run_scoped3A_83 = tpu.sem_alloc : memref<!tpu.dma_semaphore, #tpu.memory_space<semaphore_mem>>
      %dma_start3A_84 = arith.constant 0 : i32
      %dma_start3A_85 = tpu.memref_slice %arg11[%mul3A_2, %dma_start3A_84] : memref<10240x128xf32, #tpu.memory_space<vmem_shared>> -> memref<640x128xf32, #tpu.memory_space<vmem_shared>>
      tpu.enqueue_dma source(%arg5 : memref<640x128xf32, #tpu.memory_space<hbm>>) target(%dma_start3A_85 : memref<640x128xf32, #tpu.memory_space<vmem_shared>>) target_semaphore(%run_scoped3A_83 : memref<!tpu.dma_semaphore, #tpu.memory_space<semaphore_mem>>)
      %dma_wait3A = arith.constant 0 : i32
      %dma_wait3A_86 = tpu.memref_slice %arg11[%mul3A_2, %dma_wait3A] : memref<10240x128xf32, #tpu.memory_space<vmem_shared>> -> memref<640x128xf32, #tpu.memory_space<vmem_shared>>
      tpu.wait_dma2 semaphore(%run_scoped3A_83 : memref<!tpu.dma_semaphore, #tpu.memory_space<semaphore_mem>>) src(%arg5 : memref<640x128xf32, #tpu.memory_space<hbm>>) dst(%dma_wait3A_86 : memref<640x128xf32, #tpu.memory_space<vmem_shared>>)
      tpu.yield
    }) : () -> ()
    %barrier3A = arith.constant 0 : index
    tpu.barrier barrier_id(%barrier3A)
    %dma_start3A = arith.constant 0 : i32
    %dma_start3A_3 = arith.constant 0 : i32
    %dma_start3A_4 = arith.constant 0 : i32
    %dma_start3A_5 = tpu.memref_slice %arg7[%dma_start3A_3, %dma_start3A_4] : memref<40x125xi32, #tpu.memory_space<vmem>> -> memref<1x125xi32, #tpu.memory_space<vmem>>
    %dma_start3A_6 = tpu.memref_squeeze %dma_start3A_5 : memref<1x125xi32, #tpu.memory_space<vmem>> -> memref<125xi32, #tpu.memory_space<vmem>>
    %dma_start3A_7 = arith.constant 0 : i32
    %dma_start3A_8 = arith.constant 0 : i32
    %dma_start3A_9 = tpu.memref_slice %arg4[%dma_start3A, %dma_start3A_7, %dma_start3A_8] : memref<4x10240x128xf32, #tpu.memory_space<hbm>> -> memref<1x10240x128xf32, #tpu.memory_space<hbm>>
    %dma_start3A_10 = tpu.memref_squeeze %dma_start3A_9 : memref<1x10240x128xf32, #tpu.memory_space<hbm>> -> memref<10240x128xf32, #tpu.memory_space<hbm>>
    %dma_start3A_11 = arith.constant 0 : i32
    %dma_start3A_12 = arith.constant 0 : i32
    %dma_start3A_13 = tpu.memref_slice %dma_start3A_10[%dma_start3A_11, %dma_start3A_12] : memref<10240x128xf32, #tpu.memory_space<hbm>> -> memref<10240x128xf32, #tpu.memory_space<hbm>>
    tpu.enqueue_indirect_dma source(%dma_start3A_13 : memref<10240x128xf32, #tpu.memory_space<hbm>>) target(%arg9 : memref<125x128xf32, #tpu.memory_space<vmem>>) offsets(%dma_start3A_6 : memref<125xi32, #tpu.memory_space<vmem>>) semaphore(%arg12 : memref<!tpu.dma_semaphore, #tpu.memory_space<semaphore_mem>>)
    %scan3A = arith.constant 0 : i32
    %scan3A_14 = arith.constant 0 : i32
    %scan3A_15 = arith.constant 20 : i32
    %scan3A_16 = arith.addi %scan3A_14, %scan3A_15 : i32
    %scan3A_17 = arith.constant 1 : i32
    scf.for %scan3A_83 = %scan3A_14 to %scan3A_16 step %scan3A_17  : i32 {
      %mul3A_84 = arith.constant 2 : i32
      %mul3A_85 = arith.muli %mul3A_84, %scan3A_83 : i32
      %add3A_86 = arith.constant 0 : i32
      %add3A_87 = arith.addi %mul3A_85, %add3A_86 : i32
      %dma_wait3A = arith.constant 0 : i32
      %dma_wait3A_88 = arith.constant 0 : i32
      %dma_wait3A_89 = tpu.memref_slice %arg7[%add3A_87, %dma_wait3A_88] : memref<40x125xi32, #tpu.memory_space<vmem>> -> memref<1x125xi32, #tpu.memory_space<vmem>>
      %dma_wait3A_90 = tpu.memref_squeeze %dma_wait3A_89 : memref<1x125xi32, #tpu.memory_space<vmem>> -> memref<125xi32, #tpu.memory_space<vmem>>
      %dma_wait3A_91 = arith.constant 0 : i32
      %dma_wait3A_92 = arith.constant 0 : i32
      %dma_wait3A_93 = tpu.memref_slice %arg4[%dma_wait3A, %dma_wait3A_91, %dma_wait3A_92] : memref<4x10240x128xf32, #tpu.memory_space<hbm>> -> memref<1x10240x128xf32, #tpu.memory_space<hbm>>
      %dma_wait3A_94 = tpu.memref_squeeze %dma_wait3A_93 : memref<1x10240x128xf32, #tpu.memory_space<hbm>> -> memref<10240x128xf32, #tpu.memory_space<hbm>>
      %dma_wait3A_95 = arith.constant 0 : i32
      %dma_wait3A_96 = arith.constant 0 : i32
      %dma_wait3A_97 = tpu.memref_slice %dma_wait3A_94[%dma_wait3A_95, %dma_wait3A_96] : memref<10240x128xf32, #tpu.memory_space<hbm>> -> memref<10240x128xf32, #tpu.memory_space<hbm>>
      tpu.wait_indirect_dma semaphore(%arg12 : memref<!tpu.dma_semaphore, #tpu.memory_space<semaphore_mem>>) src(%dma_wait3A_97 : memref<10240x128xf32, #tpu.memory_space<hbm>>) dst(%arg9 : memref<125x128xf32, #tpu.memory_space<vmem>>)
      %add3A_98 = arith.constant 1 : i32
      %add3A_99 = arith.addi %add3A_87, %add3A_98 : i32
      %lt3A = arith.constant 40 : i32
      %lt3A_100 = arith.cmpi slt, %add3A_99, %lt3A : i32
      %convert_element_type3A = arith.extui %lt3A_100 : i1 to i32
      %cond3A = arith.constant 0 : i32
      %cond3A_101 = arith.cmpi ne, %convert_element_type3A, %cond3A : i32
      scf.if %cond3A_101 {
        %add3A_124 = arith.constant 1 : i32
        %add3A_125 = arith.addi %add3A_87, %add3A_124 : i32
        %dma_start3A_126 = arith.constant 0 : i32
        %dma_start3A_127 = arith.constant 0 : i32
        %dma_start3A_128 = tpu.memref_slice %arg7[%add3A_125, %dma_start3A_127] : memref<40x125xi32, #tpu.memory_space<vmem>> -> memref<1x125xi32, #tpu.memory_space<vmem>>
        %dma_start3A_129 = tpu.memref_squeeze %dma_start3A_128 : memref<1x125xi32, #tpu.memory_space<vmem>> -> memref<125xi32, #tpu.memory_space<vmem>>
        %dma_start3A_130 = arith.constant 0 : i32
        %dma_start3A_131 = arith.constant 0 : i32
        %dma_start3A_132 = tpu.memref_slice %arg4[%dma_start3A_126, %dma_start3A_130, %dma_start3A_131] : memref<4x10240x128xf32, #tpu.memory_space<hbm>> -> memref<1x10240x128xf32, #tpu.memory_space<hbm>>
        %dma_start3A_133 = tpu.memref_squeeze %dma_start3A_132 : memref<1x10240x128xf32, #tpu.memory_space<hbm>> -> memref<10240x128xf32, #tpu.memory_space<hbm>>
        %dma_start3A_134 = arith.constant 0 : i32
        %dma_start3A_135 = arith.constant 0 : i32
        %dma_start3A_136 = tpu.memref_slice %dma_start3A_133[%dma_start3A_134, %dma_start3A_135] : memref<10240x128xf32, #tpu.memory_space<hbm>> -> memref<10240x128xf32, #tpu.memory_space<hbm>>
        tpu.enqueue_indirect_dma source(%dma_start3A_136 : memref<10240x128xf32, #tpu.memory_space<hbm>>) target(%arg10 : memref<125x128xf32, #tpu.memory_space<vmem>>) offsets(%dma_start3A_129 : memref<125xi32, #tpu.memory_space<vmem>>) semaphore(%arg13 : memref<!tpu.dma_semaphore, #tpu.memory_space<semaphore_mem>>)
      } else {
      }
      "tpu.region"() ({
        %run_scoped3A_124 = tpu.sem_alloc : memref<!tpu.dma_semaphore, #tpu.memory_space<semaphore_mem>>
        %dma_start3A_125 = arith.constant 0 : i32
        %dma_start3A_126 = tpu.memref_slice %arg8[%add3A_87, %dma_start3A_125] : memref<40x125xi32, #tpu.memory_space<vmem>> -> memref<1x125xi32, #tpu.memory_space<vmem>>
        %dma_start3A_127 = tpu.memref_squeeze %dma_start3A_126 : memref<1x125xi32, #tpu.memory_space<vmem>> -> memref<125xi32, #tpu.memory_space<vmem>>
        %dma_start3A_128 = arith.constant 0 : i32
        %dma_start3A_129 = arith.constant 0 : i32
        %dma_start3A_130 = tpu.memref_slice %arg11[%dma_start3A_128, %dma_start3A_129] : memref<10240x128xf32, #tpu.memory_space<vmem_shared>> -> memref<10240x128xf32, #tpu.memory_space<vmem_shared>>
        tpu.enqueue_indirect_dma source(%arg9 : memref<125x128xf32, #tpu.memory_space<vmem>>) target(%dma_start3A_130 : memref<10240x128xf32, #tpu.memory_space<vmem_shared>>) offsets(%dma_start3A_127 : memref<125xi32, #tpu.memory_space<vmem>>) semaphore(%run_scoped3A_124 : memref<!tpu.dma_semaphore, #tpu.memory_space<semaphore_mem>>) {add = true}
        %dma_wait3A_131 = arith.constant 0 : i32
        %dma_wait3A_132 = tpu.memref_slice %arg8[%add3A_87, %dma_wait3A_131] : memref<40x125xi32, #tpu.memory_space<vmem>> -> memref<1x125xi32, #tpu.memory_space<vmem>>
        %dma_wait3A_133 = tpu.memref_squeeze %dma_wait3A_132 : memref<1x125xi32, #tpu.memory_space<vmem>> -> memref<125xi32, #tpu.memory_space<vmem>>
        %dma_wait3A_134 = arith.constant 0 : i32
        %dma_wait3A_135 = arith.constant 0 : i32
        %dma_wait3A_136 = tpu.memref_slice %arg11[%dma_wait3A_134, %dma_wait3A_135] : memref<10240x128xf32, #tpu.memory_space<vmem_shared>> -> memref<10240x128xf32, #tpu.memory_space<vmem_shared>>
        tpu.wait_indirect_dma semaphore(%run_scoped3A_124 : memref<!tpu.dma_semaphore, #tpu.memory_space<semaphore_mem>>) src(%arg9 : memref<125x128xf32, #tpu.memory_space<vmem>>) dst(%dma_wait3A_136 : memref<10240x128xf32, #tpu.memory_space<vmem_shared>>)
        tpu.yield
      }) : () -> ()
      %mul3A_102 = arith.constant 2 : i32
      %mul3A_103 = arith.muli %mul3A_102, %scan3A_83 : i32
      %add3A_104 = arith.constant 1 : i32
      %add3A_105 = arith.addi %mul3A_103, %add3A_104 : i32
      %dma_wait3A_106 = arith.constant 0 : i32
      %dma_wait3A_107 = arith.constant 0 : i32
      %dma_wait3A_108 = tpu.memref_slice %arg7[%add3A_105, %dma_wait3A_107] : memref<40x125xi32, #tpu.memory_space<vmem>> -> memref<1x125xi32, #tpu.memory_space<vmem>>
      %dma_wait3A_109 = tpu.memref_squeeze %dma_wait3A_108 : memref<1x125xi32, #tpu.memory_space<vmem>> -> memref<125xi32, #tpu.memory_space<vmem>>
      %dma_wait3A_110 = arith.constant 0 : i32
      %dma_wait3A_111 = arith.constant 0 : i32
      %dma_wait3A_112 = tpu.memref_slice %arg4[%dma_wait3A_106, %dma_wait3A_110, %dma_wait3A_111] : memref<4x10240x128xf32, #tpu.memory_space<hbm>> -> memref<1x10240x128xf32, #tpu.memory_space<hbm>>
      %dma_wait3A_113 = tpu.memref_squeeze %dma_wait3A_112 : memref<1x10240x128xf32, #tpu.memory_space<hbm>> -> memref<10240x128xf32, #tpu.memory_space<hbm>>
      %dma_wait3A_114 = arith.constant 0 : i32
      %dma_wait3A_115 = arith.constant 0 : i32
      %dma_wait3A_116 = tpu.memref_slice %dma_wait3A_113[%dma_wait3A_114, %dma_wait3A_115] : memref<10240x128xf32, #tpu.memory_space<hbm>> -> memref<10240x128xf32, #tpu.memory_space<hbm>>
      tpu.wait_indirect_dma semaphore(%arg13 : memref<!tpu.dma_semaphore, #tpu.memory_space<semaphore_mem>>) src(%dma_wait3A_116 : memref<10240x128xf32, #tpu.memory_space<hbm>>) dst(%arg10 : memref<125x128xf32, #tpu.memory_space<vmem>>)
      %add3A_117 = arith.constant 1 : i32
      %add3A_118 = arith.addi %add3A_105, %add3A_117 : i32
      %lt3A_119 = arith.constant 40 : i32
      %lt3A_120 = arith.cmpi slt, %add3A_118, %lt3A_119 : i32
      %convert_element_type3A_121 = arith.extui %lt3A_120 : i1 to i32
      %cond3A_122 = arith.constant 0 : i32
      %cond3A_123 = arith.cmpi ne, %convert_element_type3A_121, %cond3A_122 : i32
      scf.if %cond3A_123 {
        %add3A_124 = arith.constant 1 : i32
        %add3A_125 = arith.addi %add3A_105, %add3A_124 : i32
        %dma_start3A_126 = arith.constant 0 : i32
        %dma_start3A_127 = arith.constant 0 : i32
        %dma_start3A_128 = tpu.memref_slice %arg7[%add3A_125, %dma_start3A_127] : memref<40x125xi32, #tpu.memory_space<vmem>> -> memref<1x125xi32, #tpu.memory_space<vmem>>
        %dma_start3A_129 = tpu.memref_squeeze %dma_start3A_128 : memref<1x125xi32, #tpu.memory_space<vmem>> -> memref<125xi32, #tpu.memory_space<vmem>>
        %dma_start3A_130 = arith.constant 0 : i32
        %dma_start3A_131 = arith.constant 0 : i32
        %dma_start3A_132 = tpu.memref_slice %arg4[%dma_start3A_126, %dma_start3A_130, %dma_start3A_131] : memref<4x10240x128xf32, #tpu.memory_space<hbm>> -> memref<1x10240x128xf32, #tpu.memory_space<hbm>>
        %dma_start3A_133 = tpu.memref_squeeze %dma_start3A_132 : memref<1x10240x128xf32, #tpu.memory_space<hbm>> -> memref<10240x128xf32, #tpu.memory_space<hbm>>
        %dma_start3A_134 = arith.constant 0 : i32
        %dma_start3A_135 = arith.constant 0 : i32
        %dma_start3A_136 = tpu.memref_slice %dma_start3A_133[%dma_start3A_134, %dma_start3A_135] : memref<10240x128xf32, #tpu.memory_space<hbm>> -> memref<10240x128xf32, #tpu.memory_space<hbm>>
        tpu.enqueue_indirect_dma source(%dma_start3A_136 : memref<10240x128xf32, #tpu.memory_space<hbm>>) target(%arg9 : memref<125x128xf32, #tpu.memory_space<vmem>>) offsets(%dma_start3A_129 : memref<125xi32, #tpu.memory_space<vmem>>) semaphore(%arg12 : memref<!tpu.dma_semaphore, #tpu.memory_space<semaphore_mem>>)
      } else {
      }
      "tpu.region"() ({
        %run_scoped3A_124 = tpu.sem_alloc : memref<!tpu.dma_semaphore, #tpu.memory_space<semaphore_mem>>
        %dma_start3A_125 = arith.constant 0 : i32
        %dma_start3A_126 = tpu.memref_slice %arg8[%add3A_105, %dma_start3A_125] : memref<40x125xi32, #tpu.memory_space<vmem>> -> memref<1x125xi32, #tpu.memory_space<vmem>>
        %dma_start3A_127 = tpu.memref_squeeze %dma_start3A_126 : memref<1x125xi32, #tpu.memory_space<vmem>> -> memref<125xi32, #tpu.memory_space<vmem>>
        %dma_start3A_128 = arith.constant 0 : i32
        %dma_start3A_129 = arith.constant 0 : i32
        %dma_start3A_130 = tpu.memref_slice %arg11[%dma_start3A_128, %dma_start3A_129] : memref<10240x128xf32, #tpu.memory_space<vmem_shared>> -> memref<10240x128xf32, #tpu.memory_space<vmem_shared>>
        tpu.enqueue_indirect_dma source(%arg10 : memref<125x128xf32, #tpu.memory_space<vmem>>) target(%dma_start3A_130 : memref<10240x128xf32, #tpu.memory_space<vmem_shared>>) offsets(%dma_start3A_127 : memref<125xi32, #tpu.memory_space<vmem>>) semaphore(%run_scoped3A_124 : memref<!tpu.dma_semaphore, #tpu.memory_space<semaphore_mem>>) {add = true}
        %dma_wait3A_131 = arith.constant 0 : i32
        %dma_wait3A_132 = tpu.memref_slice %arg8[%add3A_105, %dma_wait3A_131] : memref<40x125xi32, #tpu.memory_space<vmem>> -> memref<1x125xi32, #tpu.memory_space<vmem>>
        %dma_wait3A_133 = tpu.memref_squeeze %dma_wait3A_132 : memref<1x125xi32, #tpu.memory_space<vmem>> -> memref<125xi32, #tpu.memory_space<vmem>>
        %dma_wait3A_134 = arith.constant 0 : i32
        %dma_wait3A_135 = arith.constant 0 : i32
        %dma_wait3A_136 = tpu.memref_slice %arg11[%dma_wait3A_134, %dma_wait3A_135] : memref<10240x128xf32, #tpu.memory_space<vmem_shared>> -> memref<10240x128xf32, #tpu.memory_space<vmem_shared>>
        tpu.wait_indirect_dma semaphore(%run_scoped3A_124 : memref<!tpu.dma_semaphore, #tpu.memory_space<semaphore_mem>>) src(%arg10 : memref<125x128xf32, #tpu.memory_space<vmem>>) dst(%dma_wait3A_136 : memref<10240x128xf32, #tpu.memory_space<vmem_shared>>)
        tpu.yield
      }) : () -> ()
    }
    %scan3A_18 = arith.constant 20 : i32
    %barrier3A_19 = arith.constant 0 : index
    tpu.barrier barrier_id(%barrier3A_19)
    %run_scoped3A = arith.constant 0 : i32
    "tpu.region"() ({
      %run_scoped3A_83 = tpu.sem_alloc : memref<!tpu.dma_semaphore, #tpu.memory_space<semaphore_mem>>
      %dma_start3A_84 = arith.constant 0 : i32
      %dma_start3A_85 = arith.constant 0 : i32
      %dma_start3A_86 = arith.constant 0 : i32
      %dma_start3A_87 = tpu.memref_slice %arg6[%arg0, %dma_start3A_84, %dma_start3A_85, %dma_start3A_86] : memref<2x4x10240x128xf32, #tpu.memory_space<hbm>> -> memref<1x4x10240x128xf32, #tpu.memory_space<hbm>>
      %dma_start3A_88 = tpu.memref_squeeze %dma_start3A_87 : memref<1x4x10240x128xf32, #tpu.memory_space<hbm>> -> memref<4x10240x128xf32, #tpu.memory_space<hbm>>
      %dma_start3A_89 = arith.constant 0 : i32
      %dma_start3A_90 = arith.constant 0 : i32
      %dma_start3A_91 = tpu.memref_slice %dma_start3A_88[%run_scoped3A, %dma_start3A_89, %dma_start3A_90] : memref<4x10240x128xf32, #tpu.memory_space<hbm>> -> memref<1x10240x128xf32, #tpu.memory_space<hbm>>
      %dma_start3A_92 = tpu.memref_squeeze %dma_start3A_91 : memref<1x10240x128xf32, #tpu.memory_space<hbm>> -> memref<10240x128xf32, #tpu.memory_space<hbm>>
      %dma_start3A_93 = arith.constant 0 : i32
      %dma_start3A_94 = tpu.memref_slice %dma_start3A_92[%mul3A_2, %dma_start3A_93] : memref<10240x128xf32, #tpu.memory_space<hbm>> -> memref<640x128xf32, #tpu.memory_space<hbm>>
      %dma_start3A_95 = arith.constant 0 : i32
      %dma_start3A_96 = tpu.memref_slice %arg11[%mul3A_2, %dma_start3A_95] : memref<10240x128xf32, #tpu.memory_space<vmem_shared>> -> memref<640x128xf32, #tpu.memory_space<vmem_shared>>
      tpu.enqueue_dma source(%dma_start3A_96 : memref<640x128xf32, #tpu.memory_space<vmem_shared>>) target(%dma_start3A_94 : memref<640x128xf32, #tpu.memory_space<hbm>>) target_semaphore(%run_scoped3A_83 : memref<!tpu.dma_semaphore, #tpu.memory_space<semaphore_mem>>)
      %dma_wait3A = arith.constant 0 : i32
      %dma_wait3A_97 = arith.constant 0 : i32
      %dma_wait3A_98 = arith.constant 0 : i32
      %dma_wait3A_99 = tpu.memref_slice %arg6[%arg0, %dma_wait3A, %dma_wait3A_97, %dma_wait3A_98] : memref<2x4x10240x128xf32, #tpu.memory_space<hbm>> -> memref<1x4x10240x128xf32, #tpu.memory_space<hbm>>
      %dma_wait3A_100 = tpu.memref_squeeze %dma_wait3A_99 : memref<1x4x10240x128xf32, #tpu.memory_space<hbm>> -> memref<4x10240x128xf32, #tpu.memory_space<hbm>>
      %dma_wait3A_101 = arith.constant 0 : i32
      %dma_wait3A_102 = arith.constant 0 : i32
      %dma_wait3A_103 = tpu.memref_slice %dma_wait3A_100[%run_scoped3A, %dma_wait3A_101, %dma_wait3A_102] : memref<4x10240x128xf32, #tpu.memory_space<hbm>> -> memref<1x10240x128xf32, #tpu.memory_space<hbm>>
      %dma_wait3A_104 = tpu.memref_squeeze %dma_wait3A_103 : memref<1x10240x128xf32, #tpu.memory_space<hbm>> -> memref<10240x128xf32, #tpu.memory_space<hbm>>
      %dma_wait3A_105 = arith.constant 0 : i32
      %dma_wait3A_106 = tpu.memref_slice %dma_wait3A_104[%mul3A_2, %dma_wait3A_105] : memref<10240x128xf32, #tpu.memory_space<hbm>> -> memref<640x128xf32, #tpu.memory_space<hbm>>
      %dma_wait3A_107 = arith.constant 0 : i32
      %dma_wait3A_108 = tpu.memref_slice %arg11[%mul3A_2, %dma_wait3A_107] : memref<10240x128xf32, #tpu.memory_space<vmem_shared>> -> memref<640x128xf32, #tpu.memory_space<vmem_shared>>
      tpu.wait_dma2 semaphore(%run_scoped3A_83 : memref<!tpu.dma_semaphore, #tpu.memory_space<semaphore_mem>>) src(%dma_wait3A_108 : memref<640x128xf32, #tpu.memory_space<vmem_shared>>) dst(%dma_wait3A_106 : memref<640x128xf32, #tpu.memory_space<hbm>>)
      tpu.yield
    }) : () -> ()
    "tpu.region"() ({
      %run_scoped3A_83 = tpu.sem_alloc : memref<!tpu.dma_semaphore, #tpu.memory_space<semaphore_mem>>
      %dma_start3A_84 = arith.constant 0 : i32
      %dma_start3A_85 = tpu.memref_slice %arg11[%mul3A_2, %dma_start3A_84] : memref<10240x128xf32, #tpu.memory_space<vmem_shared>> -> memref<640x128xf32, #tpu.memory_space<vmem_shared>>
      tpu.enqueue_dma source(%arg5 : memref<640x128xf32, #tpu.memory_space<hbm>>) target(%dma_start3A_85 : memref<640x128xf32, #tpu.memory_space<vmem_shared>>) target_semaphore(%run_scoped3A_83 : memref<!tpu.dma_semaphore, #tpu.memory_space<semaphore_mem>>)
      %dma_wait3A = arith.constant 0 : i32
      %dma_wait3A_86 = tpu.memref_slice %arg11[%mul3A_2, %dma_wait3A] : memref<10240x128xf32, #tpu.memory_space<vmem_shared>> -> memref<640x128xf32, #tpu.memory_space<vmem_shared>>
      tpu.wait_dma2 semaphore(%run_scoped3A_83 : memref<!tpu.dma_semaphore, #tpu.memory_space<semaphore_mem>>) src(%arg5 : memref<640x128xf32, #tpu.memory_space<hbm>>) dst(%dma_wait3A_86 : memref<640x128xf32, #tpu.memory_space<vmem_shared>>)
      tpu.yield
    }) : () -> ()
    %barrier3A_20 = arith.constant 0 : index
    tpu.barrier barrier_id(%barrier3A_20)
    %dma_start3A_21 = arith.constant 1 : i32
    %dma_start3A_22 = arith.constant 0 : i32
    %dma_start3A_23 = arith.constant 0 : i32
    %dma_start3A_24 = tpu.memref_slice %arg7[%dma_start3A_22, %dma_start3A_23] : memref<40x125xi32, #tpu.memory_space<vmem>> -> memref<1x125xi32, #tpu.memory_space<vmem>>
    %dma_start3A_25 = tpu.memref_squeeze %dma_start3A_24 : memref<1x125xi32, #tpu.memory_space<vmem>> -> memref<125xi32, #tpu.memory_space<vmem>>
    %dma_start3A_26 = arith.constant 0 : i32
    %dma_start3A_27 = arith.constant 0 : i32
    %dma_start3A_28 = tpu.memref_slice %arg4[%dma_start3A_21, %dma_start3A_26, %dma_start3A_27] : memref<4x10240x128xf32, #tpu.memory_space<hbm>> -> memref<1x10240x128xf32, #tpu.memory_space<hbm>>
    %dma_start3A_29 = tpu.memref_squeeze %dma_start3A_28 : memref<1x10240x128xf32, #tpu.memory_space<hbm>> -> memref<10240x128xf32, #tpu.memory_space<hbm>>
    %dma_start3A_30 = arith.constant 0 : i32
    %dma_start3A_31 = arith.constant 0 : i32
    %dma_start3A_32 = tpu.memref_slice %dma_start3A_29[%dma_start3A_30, %dma_start3A_31] : memref<10240x128xf32, #tpu.memory_space<hbm>> -> memref<10240x128xf32, #tpu.memory_space<hbm>>
    tpu.enqueue_indirect_dma source(%dma_start3A_32 : memref<10240x128xf32, #tpu.memory_space<hbm>>) target(%arg9 : memref<125x128xf32, #tpu.memory_space<vmem>>) offsets(%dma_start3A_25 : memref<125xi32, #tpu.memory_space<vmem>>) semaphore(%arg12 : memref<!tpu.dma_semaphore, #tpu.memory_space<semaphore_mem>>)
    %scan3A_33 = arith.constant 0 : i32
    %scan3A_34 = arith.constant 0 : i32
    %scan3A_35 = arith.constant 20 : i32
    %scan3A_36 = arith.addi %scan3A_34, %scan3A_35 : i32
    %scan3A_37 = arith.constant 1 : i32
    scf.for %scan3A_83 = %scan3A_34 to %scan3A_36 step %scan3A_37  : i32 {
      %mul3A_84 = arith.constant 2 : i32
      %mul3A_85 = arith.muli %mul3A_84, %scan3A_83 : i32
      %add3A_86 = arith.constant 0 : i32
      %add3A_87 = arith.addi %mul3A_85, %add3A_86 : i32
      %dma_wait3A = arith.constant 1 : i32
      %dma_wait3A_88 = arith.constant 0 : i32
      %dma_wait3A_89 = tpu.memref_slice %arg7[%add3A_87, %dma_wait3A_88] : memref<40x125xi32, #tpu.memory_space<vmem>> -> memref<1x125xi32, #tpu.memory_space<vmem>>
      %dma_wait3A_90 = tpu.memref_squeeze %dma_wait3A_89 : memref<1x125xi32, #tpu.memory_space<vmem>> -> memref<125xi32, #tpu.memory_space<vmem>>
      %dma_wait3A_91 = arith.constant 0 : i32
      %dma_wait3A_92 = arith.constant 0 : i32
      %dma_wait3A_93 = tpu.memref_slice %arg4[%dma_wait3A, %dma_wait3A_91, %dma_wait3A_92] : memref<4x10240x128xf32, #tpu.memory_space<hbm>> -> memref<1x10240x128xf32, #tpu.memory_space<hbm>>
      %dma_wait3A_94 = tpu.memref_squeeze %dma_wait3A_93 : memref<1x10240x128xf32, #tpu.memory_space<hbm>> -> memref<10240x128xf32, #tpu.memory_space<hbm>>
      %dma_wait3A_95 = arith.constant 0 : i32
      %dma_wait3A_96 = arith.constant 0 : i32
      %dma_wait3A_97 = tpu.memref_slice %dma_wait3A_94[%dma_wait3A_95, %dma_wait3A_96] : memref<10240x128xf32, #tpu.memory_space<hbm>> -> memref<10240x128xf32, #tpu.memory_space<hbm>>
      tpu.wait_indirect_dma semaphore(%arg12 : memref<!tpu.dma_semaphore, #tpu.memory_space<semaphore_mem>>) src(%dma_wait3A_97 : memref<10240x128xf32, #tpu.memory_space<hbm>>) dst(%arg9 : memref<125x128xf32, #tpu.memory_space<vmem>>)
      %add3A_98 = arith.constant 1 : i32
      %add3A_99 = arith.addi %add3A_87, %add3A_98 : i32
      %lt3A = arith.constant 40 : i32
      %lt3A_100 = arith.cmpi slt, %add3A_99, %lt3A : i32
      %convert_element_type3A = arith.extui %lt3A_100 : i1 to i32
      %cond3A = arith.constant 0 : i32
      %cond3A_101 = arith.cmpi ne, %convert_element_type3A, %cond3A : i32
      scf.if %cond3A_101 {
        %add3A_124 = arith.constant 1 : i32
        %add3A_125 = arith.addi %add3A_87, %add3A_124 : i32
        %dma_start3A_126 = arith.constant 1 : i32
        %dma_start3A_127 = arith.constant 0 : i32
        %dma_start3A_128 = tpu.memref_slice %arg7[%add3A_125, %dma_start3A_127] : memref<40x125xi32, #tpu.memory_space<vmem>> -> memref<1x125xi32, #tpu.memory_space<vmem>>
        %dma_start3A_129 = tpu.memref_squeeze %dma_start3A_128 : memref<1x125xi32, #tpu.memory_space<vmem>> -> memref<125xi32, #tpu.memory_space<vmem>>
        %dma_start3A_130 = arith.constant 0 : i32
        %dma_start3A_131 = arith.constant 0 : i32
        %dma_start3A_132 = tpu.memref_slice %arg4[%dma_start3A_126, %dma_start3A_130, %dma_start3A_131] : memref<4x10240x128xf32, #tpu.memory_space<hbm>> -> memref<1x10240x128xf32, #tpu.memory_space<hbm>>
        %dma_start3A_133 = tpu.memref_squeeze %dma_start3A_132 : memref<1x10240x128xf32, #tpu.memory_space<hbm>> -> memref<10240x128xf32, #tpu.memory_space<hbm>>
        %dma_start3A_134 = arith.constant 0 : i32
        %dma_start3A_135 = arith.constant 0 : i32
        %dma_start3A_136 = tpu.memref_slice %dma_start3A_133[%dma_start3A_134, %dma_start3A_135] : memref<10240x128xf32, #tpu.memory_space<hbm>> -> memref<10240x128xf32, #tpu.memory_space<hbm>>
        tpu.enqueue_indirect_dma source(%dma_start3A_136 : memref<10240x128xf32, #tpu.memory_space<hbm>>) target(%arg10 : memref<125x128xf32, #tpu.memory_space<vmem>>) offsets(%dma_start3A_129 : memref<125xi32, #tpu.memory_space<vmem>>) semaphore(%arg13 : memref<!tpu.dma_semaphore, #tpu.memory_space<semaphore_mem>>)
      } else {
      }
      "tpu.region"() ({
        %run_scoped3A_124 = tpu.sem_alloc : memref<!tpu.dma_semaphore, #tpu.memory_space<semaphore_mem>>
        %dma_start3A_125 = arith.constant 0 : i32
        %dma_start3A_126 = tpu.memref_slice %arg8[%add3A_87, %dma_start3A_125] : memref<40x125xi32, #tpu.memory_space<vmem>> -> memref<1x125xi32, #tpu.memory_space<vmem>>
        %dma_start3A_127 = tpu.memref_squeeze %dma_start3A_126 : memref<1x125xi32, #tpu.memory_space<vmem>> -> memref<125xi32, #tpu.memory_space<vmem>>
        %dma_start3A_128 = arith.constant 0 : i32
        %dma_start3A_129 = arith.constant 0 : i32
        %dma_start3A_130 = tpu.memref_slice %arg11[%dma_start3A_128, %dma_start3A_129] : memref<10240x128xf32, #tpu.memory_space<vmem_shared>> -> memref<10240x128xf32, #tpu.memory_space<vmem_shared>>
        tpu.enqueue_indirect_dma source(%arg9 : memref<125x128xf32, #tpu.memory_space<vmem>>) target(%dma_start3A_130 : memref<10240x128xf32, #tpu.memory_space<vmem_shared>>) offsets(%dma_start3A_127 : memref<125xi32, #tpu.memory_space<vmem>>) semaphore(%run_scoped3A_124 : memref<!tpu.dma_semaphore, #tpu.memory_space<semaphore_mem>>) {add = true}
        %dma_wait3A_131 = arith.constant 0 : i32
        %dma_wait3A_132 = tpu.memref_slice %arg8[%add3A_87, %dma_wait3A_131] : memref<40x125xi32, #tpu.memory_space<vmem>> -> memref<1x125xi32, #tpu.memory_space<vmem>>
        %dma_wait3A_133 = tpu.memref_squeeze %dma_wait3A_132 : memref<1x125xi32, #tpu.memory_space<vmem>> -> memref<125xi32, #tpu.memory_space<vmem>>
        %dma_wait3A_134 = arith.constant 0 : i32
        %dma_wait3A_135 = arith.constant 0 : i32
        %dma_wait3A_136 = tpu.memref_slice %arg11[%dma_wait3A_134, %dma_wait3A_135] : memref<10240x128xf32, #tpu.memory_space<vmem_shared>> -> memref<10240x128xf32, #tpu.memory_space<vmem_shared>>
        tpu.wait_indirect_dma semaphore(%run_scoped3A_124 : memref<!tpu.dma_semaphore, #tpu.memory_space<semaphore_mem>>) src(%arg9 : memref<125x128xf32, #tpu.memory_space<vmem>>) dst(%dma_wait3A_136 : memref<10240x128xf32, #tpu.memory_space<vmem_shared>>)
        tpu.yield
      }) : () -> ()
      %mul3A_102 = arith.constant 2 : i32
      %mul3A_103 = arith.muli %mul3A_102, %scan3A_83 : i32
      %add3A_104 = arith.constant 1 : i32
      %add3A_105 = arith.addi %mul3A_103, %add3A_104 : i32
      %dma_wait3A_106 = arith.constant 1 : i32
      %dma_wait3A_107 = arith.constant 0 : i32
      %dma_wait3A_108 = tpu.memref_slice %arg7[%add3A_105, %dma_wait3A_107] : memref<40x125xi32, #tpu.memory_space<vmem>> -> memref<1x125xi32, #tpu.memory_space<vmem>>
      %dma_wait3A_109 = tpu.memref_squeeze %dma_wait3A_108 : memref<1x125xi32, #tpu.memory_space<vmem>> -> memref<125xi32, #tpu.memory_space<vmem>>
      %dma_wait3A_110 = arith.constant 0 : i32
      %dma_wait3A_111 = arith.constant 0 : i32
      %dma_wait3A_112 = tpu.memref_slice %arg4[%dma_wait3A_106, %dma_wait3A_110, %dma_wait3A_111] : memref<4x10240x128xf32, #tpu.memory_space<hbm>> -> memref<1x10240x128xf32, #tpu.memory_space<hbm>>
      %dma_wait3A_113 = tpu.memref_squeeze %dma_wait3A_112 : memref<1x10240x128xf32, #tpu.memory_space<hbm>> -> memref<10240x128xf32, #tpu.memory_space<hbm>>
      %dma_wait3A_114 = arith.constant 0 : i32
      %dma_wait3A_115 = arith.constant 0 : i32
      %dma_wait3A_116 = tpu.memref_slice %dma_wait3A_113[%dma_wait3A_114, %dma_wait3A_115] : memref<10240x128xf32, #tpu.memory_space<hbm>> -> memref<10240x128xf32, #tpu.memory_space<hbm>>
      tpu.wait_indirect_dma semaphore(%arg13 : memref<!tpu.dma_semaphore, #tpu.memory_space<semaphore_mem>>) src(%dma_wait3A_116 : memref<10240x128xf32, #tpu.memory_space<hbm>>) dst(%arg10 : memref<125x128xf32, #tpu.memory_space<vmem>>)
      %add3A_117 = arith.constant 1 : i32
      %add3A_118 = arith.addi %add3A_105, %add3A_117 : i32
      %lt3A_119 = arith.constant 40 : i32
      %lt3A_120 = arith.cmpi slt, %add3A_118, %lt3A_119 : i32
      %convert_element_type3A_121 = arith.extui %lt3A_120 : i1 to i32
      %cond3A_122 = arith.constant 0 : i32
      %cond3A_123 = arith.cmpi ne, %convert_element_type3A_121, %cond3A_122 : i32
      scf.if %cond3A_123 {
        %add3A_124 = arith.constant 1 : i32
        %add3A_125 = arith.addi %add3A_105, %add3A_124 : i32
        %dma_start3A_126 = arith.constant 1 : i32
        %dma_start3A_127 = arith.constant 0 : i32
        %dma_start3A_128 = tpu.memref_slice %arg7[%add3A_125, %dma_start3A_127] : memref<40x125xi32, #tpu.memory_space<vmem>> -> memref<1x125xi32, #tpu.memory_space<vmem>>
        %dma_start3A_129 = tpu.memref_squeeze %dma_start3A_128 : memref<1x125xi32, #tpu.memory_space<vmem>> -> memref<125xi32, #tpu.memory_space<vmem>>
        %dma_start3A_130 = arith.constant 0 : i32
        %dma_start3A_131 = arith.constant 0 : i32
        %dma_start3A_132 = tpu.memref_slice %arg4[%dma_start3A_126, %dma_start3A_130, %dma_start3A_131] : memref<4x10240x128xf32, #tpu.memory_space<hbm>> -> memref<1x10240x128xf32, #tpu.memory_space<hbm>>
        %dma_start3A_133 = tpu.memref_squeeze %dma_start3A_132 : memref<1x10240x128xf32, #tpu.memory_space<hbm>> -> memref<10240x128xf32, #tpu.memory_space<hbm>>
        %dma_start3A_134 = arith.constant 0 : i32
        %dma_start3A_135 = arith.constant 0 : i32
        %dma_start3A_136 = tpu.memref_slice %dma_start3A_133[%dma_start3A_134, %dma_start3A_135] : memref<10240x128xf32, #tpu.memory_space<hbm>> -> memref<10240x128xf32, #tpu.memory_space<hbm>>
        tpu.enqueue_indirect_dma source(%dma_start3A_136 : memref<10240x128xf32, #tpu.memory_space<hbm>>) target(%arg9 : memref<125x128xf32, #tpu.memory_space<vmem>>) offsets(%dma_start3A_129 : memref<125xi32, #tpu.memory_space<vmem>>) semaphore(%arg12 : memref<!tpu.dma_semaphore, #tpu.memory_space<semaphore_mem>>)
      } else {
      }
      "tpu.region"() ({
        %run_scoped3A_124 = tpu.sem_alloc : memref<!tpu.dma_semaphore, #tpu.memory_space<semaphore_mem>>
        %dma_start3A_125 = arith.constant 0 : i32
        %dma_start3A_126 = tpu.memref_slice %arg8[%add3A_105, %dma_start3A_125] : memref<40x125xi32, #tpu.memory_space<vmem>> -> memref<1x125xi32, #tpu.memory_space<vmem>>
        %dma_start3A_127 = tpu.memref_squeeze %dma_start3A_126 : memref<1x125xi32, #tpu.memory_space<vmem>> -> memref<125xi32, #tpu.memory_space<vmem>>
        %dma_start3A_128 = arith.constant 0 : i32
        %dma_start3A_129 = arith.constant 0 : i32
        %dma_start3A_130 = tpu.memref_slice %arg11[%dma_start3A_128, %dma_start3A_129] : memref<10240x128xf32, #tpu.memory_space<vmem_shared>> -> memref<10240x128xf32, #tpu.memory_space<vmem_shared>>
        tpu.enqueue_indirect_dma source(%arg10 : memref<125x128xf32, #tpu.memory_space<vmem>>) target(%dma_start3A_130 : memref<10240x128xf32, #tpu.memory_space<vmem_shared>>) offsets(%dma_start3A_127 : memref<125xi32, #tpu.memory_space<vmem>>) semaphore(%run_scoped3A_124 : memref<!tpu.dma_semaphore, #tpu.memory_space<semaphore_mem>>) {add = true}
        %dma_wait3A_131 = arith.constant 0 : i32
        %dma_wait3A_132 = tpu.memref_slice %arg8[%add3A_105, %dma_wait3A_131] : memref<40x125xi32, #tpu.memory_space<vmem>> -> memref<1x125xi32, #tpu.memory_space<vmem>>
        %dma_wait3A_133 = tpu.memref_squeeze %dma_wait3A_132 : memref<1x125xi32, #tpu.memory_space<vmem>> -> memref<125xi32, #tpu.memory_space<vmem>>
        %dma_wait3A_134 = arith.constant 0 : i32
        %dma_wait3A_135 = arith.constant 0 : i32
        %dma_wait3A_136 = tpu.memref_slice %arg11[%dma_wait3A_134, %dma_wait3A_135] : memref<10240x128xf32, #tpu.memory_space<vmem_shared>> -> memref<10240x128xf32, #tpu.memory_space<vmem_shared>>
        tpu.wait_indirect_dma semaphore(%run_scoped3A_124 : memref<!tpu.dma_semaphore, #tpu.memory_space<semaphore_mem>>) src(%arg10 : memref<125x128xf32, #tpu.memory_space<vmem>>) dst(%dma_wait3A_136 : memref<10240x128xf32, #tpu.memory_space<vmem_shared>>)
        tpu.yield
      }) : () -> ()
    }
    %scan3A_38 = arith.constant 20 : i32
    %barrier3A_39 = arith.constant 0 : index
    tpu.barrier barrier_id(%barrier3A_39)
    %run_scoped3A_40 = arith.constant 1 : i32
    "tpu.region"() ({
      %run_scoped3A_83 = tpu.sem_alloc : memref<!tpu.dma_semaphore, #tpu.memory_space<semaphore_mem>>
      %dma_start3A_84 = arith.constant 0 : i32
      %dma_start3A_85 = arith.constant 0 : i32
      %dma_start3A_86 = arith.constant 0 : i32
      %dma_start3A_87 = tpu.memref_slice %arg6[%arg0, %dma_start3A_84, %dma_start3A_85, %dma_start3A_86] : memref<2x4x10240x128xf32, #tpu.memory_space<hbm>> -> memref<1x4x10240x128xf32, #tpu.memory_space<hbm>>
      %dma_start3A_88 = tpu.memref_squeeze %dma_start3A_87 : memref<1x4x10240x128xf32, #tpu.memory_space<hbm>> -> memref<4x10240x128xf32, #tpu.memory_space<hbm>>
      %dma_start3A_89 = arith.constant 0 : i32
      %dma_start3A_90 = arith.constant 0 : i32
      %dma_start3A_91 = tpu.memref_slice %dma_start3A_88[%run_scoped3A_40, %dma_start3A_89, %dma_start3A_90] : memref<4x10240x128xf32, #tpu.memory_space<hbm>> -> memref<1x10240x128xf32, #tpu.memory_space<hbm>>
      %dma_start3A_92 = tpu.memref_squeeze %dma_start3A_91 : memref<1x10240x128xf32, #tpu.memory_space<hbm>> -> memref<10240x128xf32, #tpu.memory_space<hbm>>
      %dma_start3A_93 = arith.constant 0 : i32
      %dma_start3A_94 = tpu.memref_slice %dma_start3A_92[%mul3A_2, %dma_start3A_93] : memref<10240x128xf32, #tpu.memory_space<hbm>> -> memref<640x128xf32, #tpu.memory_space<hbm>>
      %dma_start3A_95 = arith.constant 0 : i32
      %dma_start3A_96 = tpu.memref_slice %arg11[%mul3A_2, %dma_start3A_95] : memref<10240x128xf32, #tpu.memory_space<vmem_shared>> -> memref<640x128xf32, #tpu.memory_space<vmem_shared>>
      tpu.enqueue_dma source(%dma_start3A_96 : memref<640x128xf32, #tpu.memory_space<vmem_shared>>) target(%dma_start3A_94 : memref<640x128xf32, #tpu.memory_space<hbm>>) target_semaphore(%run_scoped3A_83 : memref<!tpu.dma_semaphore, #tpu.memory_space<semaphore_mem>>)
      %dma_wait3A = arith.constant 0 : i32
      %dma_wait3A_97 = arith.constant 0 : i32
      %dma_wait3A_98 = arith.constant 0 : i32
      %dma_wait3A_99 = tpu.memref_slice %arg6[%arg0, %dma_wait3A, %dma_wait3A_97, %dma_wait3A_98] : memref<2x4x10240x128xf32, #tpu.memory_space<hbm>> -> memref<1x4x10240x128xf32, #tpu.memory_space<hbm>>
      %dma_wait3A_100 = tpu.memref_squeeze %dma_wait3A_99 : memref<1x4x10240x128xf32, #tpu.memory_space<hbm>> -> memref<4x10240x128xf32, #tpu.memory_space<hbm>>
      %dma_wait3A_101 = arith.constant 0 : i32
      %dma_wait3A_102 = arith.constant 0 : i32
      %dma_wait3A_103 = tpu.memref_slice %dma_wait3A_100[%run_scoped3A_40, %dma_wait3A_101, %dma_wait3A_102] : memref<4x10240x128xf32, #tpu.memory_space<hbm>> -> memref<1x10240x128xf32, #tpu.memory_space<hbm>>
      %dma_wait3A_104 = tpu.memref_squeeze %dma_wait3A_103 : memref<1x10240x128xf32, #tpu.memory_space<hbm>> -> memref<10240x128xf32, #tpu.memory_space<hbm>>
      %dma_wait3A_105 = arith.constant 0 : i32
      %dma_wait3A_106 = tpu.memref_slice %dma_wait3A_104[%mul3A_2, %dma_wait3A_105] : memref<10240x128xf32, #tpu.memory_space<hbm>> -> memref<640x128xf32, #tpu.memory_space<hbm>>
      %dma_wait3A_107 = arith.constant 0 : i32
      %dma_wait3A_108 = tpu.memref_slice %arg11[%mul3A_2, %dma_wait3A_107] : memref<10240x128xf32, #tpu.memory_space<vmem_shared>> -> memref<640x128xf32, #tpu.memory_space<vmem_shared>>
      tpu.wait_dma2 semaphore(%run_scoped3A_83 : memref<!tpu.dma_semaphore, #tpu.memory_space<semaphore_mem>>) src(%dma_wait3A_108 : memref<640x128xf32, #tpu.memory_space<vmem_shared>>) dst(%dma_wait3A_106 : memref<640x128xf32, #tpu.memory_space<hbm>>)
      tpu.yield
    }) : () -> ()
    "tpu.region"() ({
      %run_scoped3A_83 = tpu.sem_alloc : memref<!tpu.dma_semaphore, #tpu.memory_space<semaphore_mem>>
      %dma_start3A_84 = arith.constant 0 : i32
      %dma_start3A_85 = tpu.memref_slice %arg11[%mul3A_2, %dma_start3A_84] : memref<10240x128xf32, #tpu.memory_space<vmem_shared>> -> memref<640x128xf32, #tpu.memory_space<vmem_shared>>
      tpu.enqueue_dma source(%arg5 : memref<640x128xf32, #tpu.memory_space<hbm>>) target(%dma_start3A_85 : memref<640x128xf32, #tpu.memory_space<vmem_shared>>) target_semaphore(%run_scoped3A_83 : memref<!tpu.dma_semaphore, #tpu.memory_space<semaphore_mem>>)
      %dma_wait3A = arith.constant 0 : i32
      %dma_wait3A_86 = tpu.memref_slice %arg11[%mul3A_2, %dma_wait3A] : memref<10240x128xf32, #tpu.memory_space<vmem_shared>> -> memref<640x128xf32, #tpu.memory_space<vmem_shared>>
      tpu.wait_dma2 semaphore(%run_scoped3A_83 : memref<!tpu.dma_semaphore, #tpu.memory_space<semaphore_mem>>) src(%arg5 : memref<640x128xf32, #tpu.memory_space<hbm>>) dst(%dma_wait3A_86 : memref<640x128xf32, #tpu.memory_space<vmem_shared>>)
      tpu.yield
    }) : () -> ()
    %barrier3A_41 = arith.constant 0 : index
    tpu.barrier barrier_id(%barrier3A_41)
    %dma_start3A_42 = arith.constant 2 : i32
    %dma_start3A_43 = arith.constant 0 : i32
    %dma_start3A_44 = arith.constant 0 : i32
    %dma_start3A_45 = tpu.memref_slice %arg7[%dma_start3A_43, %dma_start3A_44] : memref<40x125xi32, #tpu.memory_space<vmem>> -> memref<1x125xi32, #tpu.memory_space<vmem>>
    %dma_start3A_46 = tpu.memref_squeeze %dma_start3A_45 : memref<1x125xi32, #tpu.memory_space<vmem>> -> memref<125xi32, #tpu.memory_space<vmem>>
    %dma_start3A_47 = arith.constant 0 : i32
    %dma_start3A_48 = arith.constant 0 : i32
    %dma_start3A_49 = tpu.memref_slice %arg4[%dma_start3A_42, %dma_start3A_47, %dma_start3A_48] : memref<4x10240x128xf32, #tpu.memory_space<hbm>> -> memref<1x10240x128xf32, #tpu.memory_space<hbm>>
    %dma_start3A_50 = tpu.memref_squeeze %dma_start3A_49 : memref<1x10240x128xf32, #tpu.memory_space<hbm>> -> memref<10240x128xf32, #tpu.memory_space<hbm>>
    %dma_start3A_51 = arith.constant 0 : i32
    %dma_start3A_52 = arith.constant 0 : i32
    %dma_start3A_53 = tpu.memref_slice %dma_start3A_50[%dma_start3A_51, %dma_start3A_52] : memref<10240x128xf32, #tpu.memory_space<hbm>> -> memref<10240x128xf32, #tpu.memory_space<hbm>>
    tpu.enqueue_indirect_dma source(%dma_start3A_53 : memref<10240x128xf32, #tpu.memory_space<hbm>>) target(%arg9 : memref<125x128xf32, #tpu.memory_space<vmem>>) offsets(%dma_start3A_46 : memref<125xi32, #tpu.memory_space<vmem>>) semaphore(%arg12 : memref<!tpu.dma_semaphore, #tpu.memory_space<semaphore_mem>>)
    %scan3A_54 = arith.constant 0 : i32
    %scan3A_55 = arith.constant 0 : i32
    %scan3A_56 = arith.constant 20 : i32
    %scan3A_57 = arith.addi %scan3A_55, %scan3A_56 : i32
    %scan3A_58 = arith.constant 1 : i32
    scf.for %scan3A_83 = %scan3A_55 to %scan3A_57 step %scan3A_58  : i32 {
      %mul3A_84 = arith.constant 2 : i32
      %mul3A_85 = arith.muli %mul3A_84, %scan3A_83 : i32
      %add3A_86 = arith.constant 0 : i32
      %add3A_87 = arith.addi %mul3A_85, %add3A_86 : i32
      %dma_wait3A = arith.constant 2 : i32
      %dma_wait3A_88 = arith.constant 0 : i32
      %dma_wait3A_89 = tpu.memref_slice %arg7[%add3A_87, %dma_wait3A_88] : memref<40x125xi32, #tpu.memory_space<vmem>> -> memref<1x125xi32, #tpu.memory_space<vmem>>
      %dma_wait3A_90 = tpu.memref_squeeze %dma_wait3A_89 : memref<1x125xi32, #tpu.memory_space<vmem>> -> memref<125xi32, #tpu.memory_space<vmem>>
      %dma_wait3A_91 = arith.constant 0 : i32
      %dma_wait3A_92 = arith.constant 0 : i32
      %dma_wait3A_93 = tpu.memref_slice %arg4[%dma_wait3A, %dma_wait3A_91, %dma_wait3A_92] : memref<4x10240x128xf32, #tpu.memory_space<hbm>> -> memref<1x10240x128xf32, #tpu.memory_space<hbm>>
      %dma_wait3A_94 = tpu.memref_squeeze %dma_wait3A_93 : memref<1x10240x128xf32, #tpu.memory_space<hbm>> -> memref<10240x128xf32, #tpu.memory_space<hbm>>
      %dma_wait3A_95 = arith.constant 0 : i32
      %dma_wait3A_96 = arith.constant 0 : i32
      %dma_wait3A_97 = tpu.memref_slice %dma_wait3A_94[%dma_wait3A_95, %dma_wait3A_96] : memref<10240x128xf32, #tpu.memory_space<hbm>> -> memref<10240x128xf32, #tpu.memory_space<hbm>>
      tpu.wait_indirect_dma semaphore(%arg12 : memref<!tpu.dma_semaphore, #tpu.memory_space<semaphore_mem>>) src(%dma_wait3A_97 : memref<10240x128xf32, #tpu.memory_space<hbm>>) dst(%arg9 : memref<125x128xf32, #tpu.memory_space<vmem>>)
      %add3A_98 = arith.constant 1 : i32
      %add3A_99 = arith.addi %add3A_87, %add3A_98 : i32
      %lt3A = arith.constant 40 : i32
      %lt3A_100 = arith.cmpi slt, %add3A_99, %lt3A : i32
      %convert_element_type3A = arith.extui %lt3A_100 : i1 to i32
      %cond3A = arith.constant 0 : i32
      %cond3A_101 = arith.cmpi ne, %convert_element_type3A, %cond3A : i32
      scf.if %cond3A_101 {
        %add3A_124 = arith.constant 1 : i32
        %add3A_125 = arith.addi %add3A_87, %add3A_124 : i32
        %dma_start3A_126 = arith.constant 2 : i32
        %dma_start3A_127 = arith.constant 0 : i32
        %dma_start3A_128 = tpu.memref_slice %arg7[%add3A_125, %dma_start3A_127] : memref<40x125xi32, #tpu.memory_space<vmem>> -> memref<1x125xi32, #tpu.memory_space<vmem>>
        %dma_start3A_129 = tpu.memref_squeeze %dma_start3A_128 : memref<1x125xi32, #tpu.memory_space<vmem>> -> memref<125xi32, #tpu.memory_space<vmem>>
        %dma_start3A_130 = arith.constant 0 : i32
        %dma_start3A_131 = arith.constant 0 : i32
        %dma_start3A_132 = tpu.memref_slice %arg4[%dma_start3A_126, %dma_start3A_130, %dma_start3A_131] : memref<4x10240x128xf32, #tpu.memory_space<hbm>> -> memref<1x10240x128xf32, #tpu.memory_space<hbm>>
        %dma_start3A_133 = tpu.memref_squeeze %dma_start3A_132 : memref<1x10240x128xf32, #tpu.memory_space<hbm>> -> memref<10240x128xf32, #tpu.memory_space<hbm>>
        %dma_start3A_134 = arith.constant 0 : i32
        %dma_start3A_135 = arith.constant 0 : i32
        %dma_start3A_136 = tpu.memref_slice %dma_start3A_133[%dma_start3A_134, %dma_start3A_135] : memref<10240x128xf32, #tpu.memory_space<hbm>> -> memref<10240x128xf32, #tpu.memory_space<hbm>>
        tpu.enqueue_indirect_dma source(%dma_start3A_136 : memref<10240x128xf32, #tpu.memory_space<hbm>>) target(%arg10 : memref<125x128xf32, #tpu.memory_space<vmem>>) offsets(%dma_start3A_129 : memref<125xi32, #tpu.memory_space<vmem>>) semaphore(%arg13 : memref<!tpu.dma_semaphore, #tpu.memory_space<semaphore_mem>>)
      } else {
      }
      "tpu.region"() ({
        %run_scoped3A_124 = tpu.sem_alloc : memref<!tpu.dma_semaphore, #tpu.memory_space<semaphore_mem>>
        %dma_start3A_125 = arith.constant 0 : i32
        %dma_start3A_126 = tpu.memref_slice %arg8[%add3A_87, %dma_start3A_125] : memref<40x125xi32, #tpu.memory_space<vmem>> -> memref<1x125xi32, #tpu.memory_space<vmem>>
        %dma_start3A_127 = tpu.memref_squeeze %dma_start3A_126 : memref<1x125xi32, #tpu.memory_space<vmem>> -> memref<125xi32, #tpu.memory_space<vmem>>
        %dma_start3A_128 = arith.constant 0 : i32
        %dma_start3A_129 = arith.constant 0 : i32
        %dma_start3A_130 = tpu.memref_slice %arg11[%dma_start3A_128, %dma_start3A_129] : memref<10240x128xf32, #tpu.memory_space<vmem_shared>> -> memref<10240x128xf32, #tpu.memory_space<vmem_shared>>
        tpu.enqueue_indirect_dma source(%arg9 : memref<125x128xf32, #tpu.memory_space<vmem>>) target(%dma_start3A_130 : memref<10240x128xf32, #tpu.memory_space<vmem_shared>>) offsets(%dma_start3A_127 : memref<125xi32, #tpu.memory_space<vmem>>) semaphore(%run_scoped3A_124 : memref<!tpu.dma_semaphore, #tpu.memory_space<semaphore_mem>>) {add = true}
        %dma_wait3A_131 = arith.constant 0 : i32
        %dma_wait3A_132 = tpu.memref_slice %arg8[%add3A_87, %dma_wait3A_131] : memref<40x125xi32, #tpu.memory_space<vmem>> -> memref<1x125xi32, #tpu.memory_space<vmem>>
        %dma_wait3A_133 = tpu.memref_squeeze %dma_wait3A_132 : memref<1x125xi32, #tpu.memory_space<vmem>> -> memref<125xi32, #tpu.memory_space<vmem>>
        %dma_wait3A_134 = arith.constant 0 : i32
        %dma_wait3A_135 = arith.constant 0 : i32
        %dma_wait3A_136 = tpu.memref_slice %arg11[%dma_wait3A_134, %dma_wait3A_135] : memref<10240x128xf32, #tpu.memory_space<vmem_shared>> -> memref<10240x128xf32, #tpu.memory_space<vmem_shared>>
        tpu.wait_indirect_dma semaphore(%run_scoped3A_124 : memref<!tpu.dma_semaphore, #tpu.memory_space<semaphore_mem>>) src(%arg9 : memref<125x128xf32, #tpu.memory_space<vmem>>) dst(%dma_wait3A_136 : memref<10240x128xf32, #tpu.memory_space<vmem_shared>>)
        tpu.yield
      }) : () -> ()
      %mul3A_102 = arith.constant 2 : i32
      %mul3A_103 = arith.muli %mul3A_102, %scan3A_83 : i32
      %add3A_104 = arith.constant 1 : i32
      %add3A_105 = arith.addi %mul3A_103, %add3A_104 : i32
      %dma_wait3A_106 = arith.constant 2 : i32
      %dma_wait3A_107 = arith.constant 0 : i32
      %dma_wait3A_108 = tpu.memref_slice %arg7[%add3A_105, %dma_wait3A_107] : memref<40x125xi32, #tpu.memory_space<vmem>> -> memref<1x125xi32, #tpu.memory_space<vmem>>
      %dma_wait3A_109 = tpu.memref_squeeze %dma_wait3A_108 : memref<1x125xi32, #tpu.memory_space<vmem>> -> memref<125xi32, #tpu.memory_space<vmem>>
      %dma_wait3A_110 = arith.constant 0 : i32
      %dma_wait3A_111 = arith.constant 0 : i32
      %dma_wait3A_112 = tpu.memref_slice %arg4[%dma_wait3A_106, %dma_wait3A_110, %dma_wait3A_111] : memref<4x10240x128xf32, #tpu.memory_space<hbm>> -> memref<1x10240x128xf32, #tpu.memory_space<hbm>>
      %dma_wait3A_113 = tpu.memref_squeeze %dma_wait3A_112 : memref<1x10240x128xf32, #tpu.memory_space<hbm>> -> memref<10240x128xf32, #tpu.memory_space<hbm>>
      %dma_wait3A_114 = arith.constant 0 : i32
      %dma_wait3A_115 = arith.constant 0 : i32
      %dma_wait3A_116 = tpu.memref_slice %dma_wait3A_113[%dma_wait3A_114, %dma_wait3A_115] : memref<10240x128xf32, #tpu.memory_space<hbm>> -> memref<10240x128xf32, #tpu.memory_space<hbm>>
      tpu.wait_indirect_dma semaphore(%arg13 : memref<!tpu.dma_semaphore, #tpu.memory_space<semaphore_mem>>) src(%dma_wait3A_116 : memref<10240x128xf32, #tpu.memory_space<hbm>>) dst(%arg10 : memref<125x128xf32, #tpu.memory_space<vmem>>)
      %add3A_117 = arith.constant 1 : i32
      %add3A_118 = arith.addi %add3A_105, %add3A_117 : i32
      %lt3A_119 = arith.constant 40 : i32
      %lt3A_120 = arith.cmpi slt, %add3A_118, %lt3A_119 : i32
      %convert_element_type3A_121 = arith.extui %lt3A_120 : i1 to i32
      %cond3A_122 = arith.constant 0 : i32
      %cond3A_123 = arith.cmpi ne, %convert_element_type3A_121, %cond3A_122 : i32
      scf.if %cond3A_123 {
        %add3A_124 = arith.constant 1 : i32
        %add3A_125 = arith.addi %add3A_105, %add3A_124 : i32
        %dma_start3A_126 = arith.constant 2 : i32
        %dma_start3A_127 = arith.constant 0 : i32
        %dma_start3A_128 = tpu.memref_slice %arg7[%add3A_125, %dma_start3A_127] : memref<40x125xi32, #tpu.memory_space<vmem>> -> memref<1x125xi32, #tpu.memory_space<vmem>>
        %dma_start3A_129 = tpu.memref_squeeze %dma_start3A_128 : memref<1x125xi32, #tpu.memory_space<vmem>> -> memref<125xi32, #tpu.memory_space<vmem>>
        %dma_start3A_130 = arith.constant 0 : i32
        %dma_start3A_131 = arith.constant 0 : i32
        %dma_start3A_132 = tpu.memref_slice %arg4[%dma_start3A_126, %dma_start3A_130, %dma_start3A_131] : memref<4x10240x128xf32, #tpu.memory_space<hbm>> -> memref<1x10240x128xf32, #tpu.memory_space<hbm>>
        %dma_start3A_133 = tpu.memref_squeeze %dma_start3A_132 : memref<1x10240x128xf32, #tpu.memory_space<hbm>> -> memref<10240x128xf32, #tpu.memory_space<hbm>>
        %dma_start3A_134 = arith.constant 0 : i32
        %dma_start3A_135 = arith.constant 0 : i32
        %dma_start3A_136 = tpu.memref_slice %dma_start3A_133[%dma_start3A_134, %dma_start3A_135] : memref<10240x128xf32, #tpu.memory_space<hbm>> -> memref<10240x128xf32, #tpu.memory_space<hbm>>
        tpu.enqueue_indirect_dma source(%dma_start3A_136 : memref<10240x128xf32, #tpu.memory_space<hbm>>) target(%arg9 : memref<125x128xf32, #tpu.memory_space<vmem>>) offsets(%dma_start3A_129 : memref<125xi32, #tpu.memory_space<vmem>>) semaphore(%arg12 : memref<!tpu.dma_semaphore, #tpu.memory_space<semaphore_mem>>)
      } else {
      }
      "tpu.region"() ({
        %run_scoped3A_124 = tpu.sem_alloc : memref<!tpu.dma_semaphore, #tpu.memory_space<semaphore_mem>>
        %dma_start3A_125 = arith.constant 0 : i32
        %dma_start3A_126 = tpu.memref_slice %arg8[%add3A_105, %dma_start3A_125] : memref<40x125xi32, #tpu.memory_space<vmem>> -> memref<1x125xi32, #tpu.memory_space<vmem>>
        %dma_start3A_127 = tpu.memref_squeeze %dma_start3A_126 : memref<1x125xi32, #tpu.memory_space<vmem>> -> memref<125xi32, #tpu.memory_space<vmem>>
        %dma_start3A_128 = arith.constant 0 : i32
        %dma_start3A_129 = arith.constant 0 : i32
        %dma_start3A_130 = tpu.memref_slice %arg11[%dma_start3A_128, %dma_start3A_129] : memref<10240x128xf32, #tpu.memory_space<vmem_shared>> -> memref<10240x128xf32, #tpu.memory_space<vmem_shared>>
        tpu.enqueue_indirect_dma source(%arg10 : memref<125x128xf32, #tpu.memory_space<vmem>>) target(%dma_start3A_130 : memref<10240x128xf32, #tpu.memory_space<vmem_shared>>) offsets(%dma_start3A_127 : memref<125xi32, #tpu.memory_space<vmem>>) semaphore(%run_scoped3A_124 : memref<!tpu.dma_semaphore, #tpu.memory_space<semaphore_mem>>) {add = true}
        %dma_wait3A_131 = arith.constant 0 : i32
        %dma_wait3A_132 = tpu.memref_slice %arg8[%add3A_105, %dma_wait3A_131] : memref<40x125xi32, #tpu.memory_space<vmem>> -> memref<1x125xi32, #tpu.memory_space<vmem>>
        %dma_wait3A_133 = tpu.memref_squeeze %dma_wait3A_132 : memref<1x125xi32, #tpu.memory_space<vmem>> -> memref<125xi32, #tpu.memory_space<vmem>>
        %dma_wait3A_134 = arith.constant 0 : i32
        %dma_wait3A_135 = arith.constant 0 : i32
        %dma_wait3A_136 = tpu.memref_slice %arg11[%dma_wait3A_134, %dma_wait3A_135] : memref<10240x128xf32, #tpu.memory_space<vmem_shared>> -> memref<10240x128xf32, #tpu.memory_space<vmem_shared>>
        tpu.wait_indirect_dma semaphore(%run_scoped3A_124 : memref<!tpu.dma_semaphore, #tpu.memory_space<semaphore_mem>>) src(%arg10 : memref<125x128xf32, #tpu.memory_space<vmem>>) dst(%dma_wait3A_136 : memref<10240x128xf32, #tpu.memory_space<vmem_shared>>)
        tpu.yield
      }) : () -> ()
    }
    %scan3A_59 = arith.constant 20 : i32
    %barrier3A_60 = arith.constant 0 : index
    tpu.barrier barrier_id(%barrier3A_60)
    %run_scoped3A_61 = arith.constant 2 : i32
    "tpu.region"() ({
      %run_scoped3A_83 = tpu.sem_alloc : memref<!tpu.dma_semaphore, #tpu.memory_space<semaphore_mem>>
      %dma_start3A_84 = arith.constant 0 : i32
      %dma_start3A_85 = arith.constant 0 : i32
      %dma_start3A_86 = arith.constant 0 : i32
      %dma_start3A_87 = tpu.memref_slice %arg6[%arg0, %dma_start3A_84, %dma_start3A_85, %dma_start3A_86] : memref<2x4x10240x128xf32, #tpu.memory_space<hbm>> -> memref<1x4x10240x128xf32, #tpu.memory_space<hbm>>
      %dma_start3A_88 = tpu.memref_squeeze %dma_start3A_87 : memref<1x4x10240x128xf32, #tpu.memory_space<hbm>> -> memref<4x10240x128xf32, #tpu.memory_space<hbm>>
      %dma_start3A_89 = arith.constant 0 : i32
      %dma_start3A_90 = arith.constant 0 : i32
      %dma_start3A_91 = tpu.memref_slice %dma_start3A_88[%run_scoped3A_61, %dma_start3A_89, %dma_start3A_90] : memref<4x10240x128xf32, #tpu.memory_space<hbm>> -> memref<1x10240x128xf32, #tpu.memory_space<hbm>>
      %dma_start3A_92 = tpu.memref_squeeze %dma_start3A_91 : memref<1x10240x128xf32, #tpu.memory_space<hbm>> -> memref<10240x128xf32, #tpu.memory_space<hbm>>
      %dma_start3A_93 = arith.constant 0 : i32
      %dma_start3A_94 = tpu.memref_slice %dma_start3A_92[%mul3A_2, %dma_start3A_93] : memref<10240x128xf32, #tpu.memory_space<hbm>> -> memref<640x128xf32, #tpu.memory_space<hbm>>
      %dma_start3A_95 = arith.constant 0 : i32
      %dma_start3A_96 = tpu.memref_slice %arg11[%mul3A_2, %dma_start3A_95] : memref<10240x128xf32, #tpu.memory_space<vmem_shared>> -> memref<640x128xf32, #tpu.memory_space<vmem_shared>>
      tpu.enqueue_dma source(%dma_start3A_96 : memref<640x128xf32, #tpu.memory_space<vmem_shared>>) target(%dma_start3A_94 : memref<640x128xf32, #tpu.memory_space<hbm>>) target_semaphore(%run_scoped3A_83 : memref<!tpu.dma_semaphore, #tpu.memory_space<semaphore_mem>>)
      %dma_wait3A = arith.constant 0 : i32
      %dma_wait3A_97 = arith.constant 0 : i32
      %dma_wait3A_98 = arith.constant 0 : i32
      %dma_wait3A_99 = tpu.memref_slice %arg6[%arg0, %dma_wait3A, %dma_wait3A_97, %dma_wait3A_98] : memref<2x4x10240x128xf32, #tpu.memory_space<hbm>> -> memref<1x4x10240x128xf32, #tpu.memory_space<hbm>>
      %dma_wait3A_100 = tpu.memref_squeeze %dma_wait3A_99 : memref<1x4x10240x128xf32, #tpu.memory_space<hbm>> -> memref<4x10240x128xf32, #tpu.memory_space<hbm>>
      %dma_wait3A_101 = arith.constant 0 : i32
      %dma_wait3A_102 = arith.constant 0 : i32
      %dma_wait3A_103 = tpu.memref_slice %dma_wait3A_100[%run_scoped3A_61, %dma_wait3A_101, %dma_wait3A_102] : memref<4x10240x128xf32, #tpu.memory_space<hbm>> -> memref<1x10240x128xf32, #tpu.memory_space<hbm>>
      %dma_wait3A_104 = tpu.memref_squeeze %dma_wait3A_103 : memref<1x10240x128xf32, #tpu.memory_space<hbm>> -> memref<10240x128xf32, #tpu.memory_space<hbm>>
      %dma_wait3A_105 = arith.constant 0 : i32
      %dma_wait3A_106 = tpu.memref_slice %dma_wait3A_104[%mul3A_2, %dma_wait3A_105] : memref<10240x128xf32, #tpu.memory_space<hbm>> -> memref<640x128xf32, #tpu.memory_space<hbm>>
      %dma_wait3A_107 = arith.constant 0 : i32
      %dma_wait3A_108 = tpu.memref_slice %arg11[%mul3A_2, %dma_wait3A_107] : memref<10240x128xf32, #tpu.memory_space<vmem_shared>> -> memref<640x128xf32, #tpu.memory_space<vmem_shared>>
      tpu.wait_dma2 semaphore(%run_scoped3A_83 : memref<!tpu.dma_semaphore, #tpu.memory_space<semaphore_mem>>) src(%dma_wait3A_108 : memref<640x128xf32, #tpu.memory_space<vmem_shared>>) dst(%dma_wait3A_106 : memref<640x128xf32, #tpu.memory_space<hbm>>)
      tpu.yield
    }) : () -> ()
    "tpu.region"() ({
      %run_scoped3A_83 = tpu.sem_alloc : memref<!tpu.dma_semaphore, #tpu.memory_space<semaphore_mem>>
      %dma_start3A_84 = arith.constant 0 : i32
      %dma_start3A_85 = tpu.memref_slice %arg11[%mul3A_2, %dma_start3A_84] : memref<10240x128xf32, #tpu.memory_space<vmem_shared>> -> memref<640x128xf32, #tpu.memory_space<vmem_shared>>
      tpu.enqueue_dma source(%arg5 : memref<640x128xf32, #tpu.memory_space<hbm>>) target(%dma_start3A_85 : memref<640x128xf32, #tpu.memory_space<vmem_shared>>) target_semaphore(%run_scoped3A_83 : memref<!tpu.dma_semaphore, #tpu.memory_space<semaphore_mem>>)
      %dma_wait3A = arith.constant 0 : i32
      %dma_wait3A_86 = tpu.memref_slice %arg11[%mul3A_2, %dma_wait3A] : memref<10240x128xf32, #tpu.memory_space<vmem_shared>> -> memref<640x128xf32, #tpu.memory_space<vmem_shared>>
      tpu.wait_dma2 semaphore(%run_scoped3A_83 : memref<!tpu.dma_semaphore, #tpu.memory_space<semaphore_mem>>) src(%arg5 : memref<640x128xf32, #tpu.memory_space<hbm>>) dst(%dma_wait3A_86 : memref<640x128xf32, #tpu.memory_space<vmem_shared>>)
      tpu.yield
    }) : () -> ()
    %barrier3A_62 = arith.constant 0 : index
    tpu.barrier barrier_id(%barrier3A_62)
    %dma_start3A_63 = arith.constant 3 : i32
    %dma_start3A_64 = arith.constant 0 : i32
    %dma_start3A_65 = arith.constant 0 : i32
    %dma_start3A_66 = tpu.memref_slice %arg7[%dma_start3A_64, %dma_start3A_65] : memref<40x125xi32, #tpu.memory_space<vmem>> -> memref<1x125xi32, #tpu.memory_space<vmem>>
    %dma_start3A_67 = tpu.memref_squeeze %dma_start3A_66 : memref<1x125xi32, #tpu.memory_space<vmem>> -> memref<125xi32, #tpu.memory_space<vmem>>
    %dma_start3A_68 = arith.constant 0 : i32
    %dma_start3A_69 = arith.constant 0 : i32
    %dma_start3A_70 = tpu.memref_slice %arg4[%dma_start3A_63, %dma_start3A_68, %dma_start3A_69] : memref<4x10240x128xf32, #tpu.memory_space<hbm>> -> memref<1x10240x128xf32, #tpu.memory_space<hbm>>
    %dma_start3A_71 = tpu.memref_squeeze %dma_start3A_70 : memref<1x10240x128xf32, #tpu.memory_space<hbm>> -> memref<10240x128xf32, #tpu.memory_space<hbm>>
    %dma_start3A_72 = arith.constant 0 : i32
    %dma_start3A_73 = arith.constant 0 : i32
    %dma_start3A_74 = tpu.memref_slice %dma_start3A_71[%dma_start3A_72, %dma_start3A_73] : memref<10240x128xf32, #tpu.memory_space<hbm>> -> memref<10240x128xf32, #tpu.memory_space<hbm>>
    tpu.enqueue_indirect_dma source(%dma_start3A_74 : memref<10240x128xf32, #tpu.memory_space<hbm>>) target(%arg9 : memref<125x128xf32, #tpu.memory_space<vmem>>) offsets(%dma_start3A_67 : memref<125xi32, #tpu.memory_space<vmem>>) semaphore(%arg12 : memref<!tpu.dma_semaphore, #tpu.memory_space<semaphore_mem>>)
    %scan3A_75 = arith.constant 0 : i32
    %scan3A_76 = arith.constant 0 : i32
    %scan3A_77 = arith.constant 20 : i32
    %scan3A_78 = arith.addi %scan3A_76, %scan3A_77 : i32
    %scan3A_79 = arith.constant 1 : i32
    scf.for %scan3A_83 = %scan3A_76 to %scan3A_78 step %scan3A_79  : i32 {
      %mul3A_84 = arith.constant 2 : i32
      %mul3A_85 = arith.muli %mul3A_84, %scan3A_83 : i32
      %add3A_86 = arith.constant 0 : i32
      %add3A_87 = arith.addi %mul3A_85, %add3A_86 : i32
      %dma_wait3A = arith.constant 3 : i32
      %dma_wait3A_88 = arith.constant 0 : i32
      %dma_wait3A_89 = tpu.memref_slice %arg7[%add3A_87, %dma_wait3A_88] : memref<40x125xi32, #tpu.memory_space<vmem>> -> memref<1x125xi32, #tpu.memory_space<vmem>>
      %dma_wait3A_90 = tpu.memref_squeeze %dma_wait3A_89 : memref<1x125xi32, #tpu.memory_space<vmem>> -> memref<125xi32, #tpu.memory_space<vmem>>
      %dma_wait3A_91 = arith.constant 0 : i32
      %dma_wait3A_92 = arith.constant 0 : i32
      %dma_wait3A_93 = tpu.memref_slice %arg4[%dma_wait3A, %dma_wait3A_91, %dma_wait3A_92] : memref<4x10240x128xf32, #tpu.memory_space<hbm>> -> memref<1x10240x128xf32, #tpu.memory_space<hbm>>
      %dma_wait3A_94 = tpu.memref_squeeze %dma_wait3A_93 : memref<1x10240x128xf32, #tpu.memory_space<hbm>> -> memref<10240x128xf32, #tpu.memory_space<hbm>>
      %dma_wait3A_95 = arith.constant 0 : i32
      %dma_wait3A_96 = arith.constant 0 : i32
      %dma_wait3A_97 = tpu.memref_slice %dma_wait3A_94[%dma_wait3A_95, %dma_wait3A_96] : memref<10240x128xf32, #tpu.memory_space<hbm>> -> memref<10240x128xf32, #tpu.memory_space<hbm>>
      tpu.wait_indirect_dma semaphore(%arg12 : memref<!tpu.dma_semaphore, #tpu.memory_space<semaphore_mem>>) src(%dma_wait3A_97 : memref<10240x128xf32, #tpu.memory_space<hbm>>) dst(%arg9 : memref<125x128xf32, #tpu.memory_space<vmem>>)
      %add3A_98 = arith.constant 1 : i32
      %add3A_99 = arith.addi %add3A_87, %add3A_98 : i32
      %lt3A = arith.constant 40 : i32
      %lt3A_100 = arith.cmpi slt, %add3A_99, %lt3A : i32
      %convert_element_type3A = arith.extui %lt3A_100 : i1 to i32
      %cond3A = arith.constant 0 : i32
      %cond3A_101 = arith.cmpi ne, %convert_element_type3A, %cond3A : i32
      scf.if %cond3A_101 {
        %add3A_124 = arith.constant 1 : i32
        %add3A_125 = arith.addi %add3A_87, %add3A_124 : i32
        %dma_start3A_126 = arith.constant 3 : i32
        %dma_start3A_127 = arith.constant 0 : i32
        %dma_start3A_128 = tpu.memref_slice %arg7[%add3A_125, %dma_start3A_127] : memref<40x125xi32, #tpu.memory_space<vmem>> -> memref<1x125xi32, #tpu.memory_space<vmem>>
        %dma_start3A_129 = tpu.memref_squeeze %dma_start3A_128 : memref<1x125xi32, #tpu.memory_space<vmem>> -> memref<125xi32, #tpu.memory_space<vmem>>
        %dma_start3A_130 = arith.constant 0 : i32
        %dma_start3A_131 = arith.constant 0 : i32
        %dma_start3A_132 = tpu.memref_slice %arg4[%dma_start3A_126, %dma_start3A_130, %dma_start3A_131] : memref<4x10240x128xf32, #tpu.memory_space<hbm>> -> memref<1x10240x128xf32, #tpu.memory_space<hbm>>
        %dma_start3A_133 = tpu.memref_squeeze %dma_start3A_132 : memref<1x10240x128xf32, #tpu.memory_space<hbm>> -> memref<10240x128xf32, #tpu.memory_space<hbm>>
        %dma_start3A_134 = arith.constant 0 : i32
        %dma_start3A_135 = arith.constant 0 : i32
        %dma_start3A_136 = tpu.memref_slice %dma_start3A_133[%dma_start3A_134, %dma_start3A_135] : memref<10240x128xf32, #tpu.memory_space<hbm>> -> memref<10240x128xf32, #tpu.memory_space<hbm>>
        tpu.enqueue_indirect_dma source(%dma_start3A_136 : memref<10240x128xf32, #tpu.memory_space<hbm>>) target(%arg10 : memref<125x128xf32, #tpu.memory_space<vmem>>) offsets(%dma_start3A_129 : memref<125xi32, #tpu.memory_space<vmem>>) semaphore(%arg13 : memref<!tpu.dma_semaphore, #tpu.memory_space<semaphore_mem>>)
      } else {
      }
      "tpu.region"() ({
        %run_scoped3A_124 = tpu.sem_alloc : memref<!tpu.dma_semaphore, #tpu.memory_space<semaphore_mem>>
        %dma_start3A_125 = arith.constant 0 : i32
        %dma_start3A_126 = tpu.memref_slice %arg8[%add3A_87, %dma_start3A_125] : memref<40x125xi32, #tpu.memory_space<vmem>> -> memref<1x125xi32, #tpu.memory_space<vmem>>
        %dma_start3A_127 = tpu.memref_squeeze %dma_start3A_126 : memref<1x125xi32, #tpu.memory_space<vmem>> -> memref<125xi32, #tpu.memory_space<vmem>>
        %dma_start3A_128 = arith.constant 0 : i32
        %dma_start3A_129 = arith.constant 0 : i32
        %dma_start3A_130 = tpu.memref_slice %arg11[%dma_start3A_128, %dma_start3A_129] : memref<10240x128xf32, #tpu.memory_space<vmem_shared>> -> memref<10240x128xf32, #tpu.memory_space<vmem_shared>>
        tpu.enqueue_indirect_dma source(%arg9 : memref<125x128xf32, #tpu.memory_space<vmem>>) target(%dma_start3A_130 : memref<10240x128xf32, #tpu.memory_space<vmem_shared>>) offsets(%dma_start3A_127 : memref<125xi32, #tpu.memory_space<vmem>>) semaphore(%run_scoped3A_124 : memref<!tpu.dma_semaphore, #tpu.memory_space<semaphore_mem>>) {add = true}
        %dma_wait3A_131 = arith.constant 0 : i32
        %dma_wait3A_132 = tpu.memref_slice %arg8[%add3A_87, %dma_wait3A_131] : memref<40x125xi32, #tpu.memory_space<vmem>> -> memref<1x125xi32, #tpu.memory_space<vmem>>
        %dma_wait3A_133 = tpu.memref_squeeze %dma_wait3A_132 : memref<1x125xi32, #tpu.memory_space<vmem>> -> memref<125xi32, #tpu.memory_space<vmem>>
        %dma_wait3A_134 = arith.constant 0 : i32
        %dma_wait3A_135 = arith.constant 0 : i32
        %dma_wait3A_136 = tpu.memref_slice %arg11[%dma_wait3A_134, %dma_wait3A_135] : memref<10240x128xf32, #tpu.memory_space<vmem_shared>> -> memref<10240x128xf32, #tpu.memory_space<vmem_shared>>
        tpu.wait_indirect_dma semaphore(%run_scoped3A_124 : memref<!tpu.dma_semaphore, #tpu.memory_space<semaphore_mem>>) src(%arg9 : memref<125x128xf32, #tpu.memory_space<vmem>>) dst(%dma_wait3A_136 : memref<10240x128xf32, #tpu.memory_space<vmem_shared>>)
        tpu.yield
      }) : () -> ()
      %mul3A_102 = arith.constant 2 : i32
      %mul3A_103 = arith.muli %mul3A_102, %scan3A_83 : i32
      %add3A_104 = arith.constant 1 : i32
      %add3A_105 = arith.addi %mul3A_103, %add3A_104 : i32
      %dma_wait3A_106 = arith.constant 3 : i32
      %dma_wait3A_107 = arith.constant 0 : i32
      %dma_wait3A_108 = tpu.memref_slice %arg7[%add3A_105, %dma_wait3A_107] : memref<40x125xi32, #tpu.memory_space<vmem>> -> memref<1x125xi32, #tpu.memory_space<vmem>>
      %dma_wait3A_109 = tpu.memref_squeeze %dma_wait3A_108 : memref<1x125xi32, #tpu.memory_space<vmem>> -> memref<125xi32, #tpu.memory_space<vmem>>
      %dma_wait3A_110 = arith.constant 0 : i32
      %dma_wait3A_111 = arith.constant 0 : i32
      %dma_wait3A_112 = tpu.memref_slice %arg4[%dma_wait3A_106, %dma_wait3A_110, %dma_wait3A_111] : memref<4x10240x128xf32, #tpu.memory_space<hbm>> -> memref<1x10240x128xf32, #tpu.memory_space<hbm>>
      %dma_wait3A_113 = tpu.memref_squeeze %dma_wait3A_112 : memref<1x10240x128xf32, #tpu.memory_space<hbm>> -> memref<10240x128xf32, #tpu.memory_space<hbm>>
      %dma_wait3A_114 = arith.constant 0 : i32
      %dma_wait3A_115 = arith.constant 0 : i32
      %dma_wait3A_116 = tpu.memref_slice %dma_wait3A_113[%dma_wait3A_114, %dma_wait3A_115] : memref<10240x128xf32, #tpu.memory_space<hbm>> -> memref<10240x128xf32, #tpu.memory_space<hbm>>
      tpu.wait_indirect_dma semaphore(%arg13 : memref<!tpu.dma_semaphore, #tpu.memory_space<semaphore_mem>>) src(%dma_wait3A_116 : memref<10240x128xf32, #tpu.memory_space<hbm>>) dst(%arg10 : memref<125x128xf32, #tpu.memory_space<vmem>>)
      %add3A_117 = arith.constant 1 : i32
      %add3A_118 = arith.addi %add3A_105, %add3A_117 : i32
      %lt3A_119 = arith.constant 40 : i32
      %lt3A_120 = arith.cmpi slt, %add3A_118, %lt3A_119 : i32
      %convert_element_type3A_121 = arith.extui %lt3A_120 : i1 to i32
      %cond3A_122 = arith.constant 0 : i32
      %cond3A_123 = arith.cmpi ne, %convert_element_type3A_121, %cond3A_122 : i32
      scf.if %cond3A_123 {
        %add3A_124 = arith.constant 1 : i32
        %add3A_125 = arith.addi %add3A_105, %add3A_124 : i32
        %dma_start3A_126 = arith.constant 3 : i32
        %dma_start3A_127 = arith.constant 0 : i32
        %dma_start3A_128 = tpu.memref_slice %arg7[%add3A_125, %dma_start3A_127] : memref<40x125xi32, #tpu.memory_space<vmem>> -> memref<1x125xi32, #tpu.memory_space<vmem>>
        %dma_start3A_129 = tpu.memref_squeeze %dma_start3A_128 : memref<1x125xi32, #tpu.memory_space<vmem>> -> memref<125xi32, #tpu.memory_space<vmem>>
        %dma_start3A_130 = arith.constant 0 : i32
        %dma_start3A_131 = arith.constant 0 : i32
        %dma_start3A_132 = tpu.memref_slice %arg4[%dma_start3A_126, %dma_start3A_130, %dma_start3A_131] : memref<4x10240x128xf32, #tpu.memory_space<hbm>> -> memref<1x10240x128xf32, #tpu.memory_space<hbm>>
        %dma_start3A_133 = tpu.memref_squeeze %dma_start3A_132 : memref<1x10240x128xf32, #tpu.memory_space<hbm>> -> memref<10240x128xf32, #tpu.memory_space<hbm>>
        %dma_start3A_134 = arith.constant 0 : i32
        %dma_start3A_135 = arith.constant 0 : i32
        %dma_start3A_136 = tpu.memref_slice %dma_start3A_133[%dma_start3A_134, %dma_start3A_135] : memref<10240x128xf32, #tpu.memory_space<hbm>> -> memref<10240x128xf32, #tpu.memory_space<hbm>>
        tpu.enqueue_indirect_dma source(%dma_start3A_136 : memref<10240x128xf32, #tpu.memory_space<hbm>>) target(%arg9 : memref<125x128xf32, #tpu.memory_space<vmem>>) offsets(%dma_start3A_129 : memref<125xi32, #tpu.memory_space<vmem>>) semaphore(%arg12 : memref<!tpu.dma_semaphore, #tpu.memory_space<semaphore_mem>>)
      } else {
      }
      "tpu.region"() ({
        %run_scoped3A_124 = tpu.sem_alloc : memref<!tpu.dma_semaphore, #tpu.memory_space<semaphore_mem>>
        %dma_start3A_125 = arith.constant 0 : i32
        %dma_start3A_126 = tpu.memref_slice %arg8[%add3A_105, %dma_start3A_125] : memref<40x125xi32, #tpu.memory_space<vmem>> -> memref<1x125xi32, #tpu.memory_space<vmem>>
        %dma_start3A_127 = tpu.memref_squeeze %dma_start3A_126 : memref<1x125xi32, #tpu.memory_space<vmem>> -> memref<125xi32, #tpu.memory_space<vmem>>
        %dma_start3A_128 = arith.constant 0 : i32
        %dma_start3A_129 = arith.constant 0 : i32
        %dma_start3A_130 = tpu.memref_slice %arg11[%dma_start3A_128, %dma_start3A_129] : memref<10240x128xf32, #tpu.memory_space<vmem_shared>> -> memref<10240x128xf32, #tpu.memory_space<vmem_shared>>
        tpu.enqueue_indirect_dma source(%arg10 : memref<125x128xf32, #tpu.memory_space<vmem>>) target(%dma_start3A_130 : memref<10240x128xf32, #tpu.memory_space<vmem_shared>>) offsets(%dma_start3A_127 : memref<125xi32, #tpu.memory_space<vmem>>) semaphore(%run_scoped3A_124 : memref<!tpu.dma_semaphore, #tpu.memory_space<semaphore_mem>>) {add = true}
        %dma_wait3A_131 = arith.constant 0 : i32
        %dma_wait3A_132 = tpu.memref_slice %arg8[%add3A_105, %dma_wait3A_131] : memref<40x125xi32, #tpu.memory_space<vmem>> -> memref<1x125xi32, #tpu.memory_space<vmem>>
        %dma_wait3A_133 = tpu.memref_squeeze %dma_wait3A_132 : memref<1x125xi32, #tpu.memory_space<vmem>> -> memref<125xi32, #tpu.memory_space<vmem>>
        %dma_wait3A_134 = arith.constant 0 : i32
        %dma_wait3A_135 = arith.constant 0 : i32
        %dma_wait3A_136 = tpu.memref_slice %arg11[%dma_wait3A_134, %dma_wait3A_135] : memref<10240x128xf32, #tpu.memory_space<vmem_shared>> -> memref<10240x128xf32, #tpu.memory_space<vmem_shared>>
        tpu.wait_indirect_dma semaphore(%run_scoped3A_124 : memref<!tpu.dma_semaphore, #tpu.memory_space<semaphore_mem>>) src(%arg10 : memref<125x128xf32, #tpu.memory_space<vmem>>) dst(%dma_wait3A_136 : memref<10240x128xf32, #tpu.memory_space<vmem_shared>>)
        tpu.yield
      }) : () -> ()
    }
    %scan3A_80 = arith.constant 20 : i32
    %barrier3A_81 = arith.constant 0 : index
    tpu.barrier barrier_id(%barrier3A_81)
    %run_scoped3A_82 = arith.constant 3 : i32
    "tpu.region"() ({
      %run_scoped3A_83 = tpu.sem_alloc : memref<!tpu.dma_semaphore, #tpu.memory_space<semaphore_mem>>
      %dma_start3A_84 = arith.constant 0 : i32
      %dma_start3A_85 = arith.constant 0 : i32
      %dma_start3A_86 = arith.constant 0 : i32
      %dma_start3A_87 = tpu.memref_slice %arg6[%arg0, %dma_start3A_84, %dma_start3A_85, %dma_start3A_86] : memref<2x4x10240x128xf32, #tpu.memory_space<hbm>> -> memref<1x4x10240x128xf32, #tpu.memory_space<hbm>>
      %dma_start3A_88 = tpu.memref_squeeze %dma_start3A_87 : memref<1x4x10240x128xf32, #tpu.memory_space<hbm>> -> memref<4x10240x128xf32, #tpu.memory_space<hbm>>
      %dma_start3A_89 = arith.constant 0 : i32
      %dma_start3A_90 = arith.constant 0 : i32
      %dma_start3A_91 = tpu.memref_slice %dma_start3A_88[%run_scoped3A_82, %dma_start3A_89, %dma_start3A_90] : memref<4x10240x128xf32, #tpu.memory_space<hbm>> -> memref<1x10240x128xf32, #tpu.memory_space<hbm>>
      %dma_start3A_92 = tpu.memref_squeeze %dma_start3A_91 : memref<1x10240x128xf32, #tpu.memory_space<hbm>> -> memref<10240x128xf32, #tpu.memory_space<hbm>>
      %dma_start3A_93 = arith.constant 0 : i32
      %dma_start3A_94 = tpu.memref_slice %dma_start3A_92[%mul3A_2, %dma_start3A_93] : memref<10240x128xf32, #tpu.memory_space<hbm>> -> memref<640x128xf32, #tpu.memory_space<hbm>>
      %dma_start3A_95 = arith.constant 0 : i32
      %dma_start3A_96 = tpu.memref_slice %arg11[%mul3A_2, %dma_start3A_95] : memref<10240x128xf32, #tpu.memory_space<vmem_shared>> -> memref<640x128xf32, #tpu.memory_space<vmem_shared>>
      tpu.enqueue_dma source(%dma_start3A_96 : memref<640x128xf32, #tpu.memory_space<vmem_shared>>) target(%dma_start3A_94 : memref<640x128xf32, #tpu.memory_space<hbm>>) target_semaphore(%run_scoped3A_83 : memref<!tpu.dma_semaphore, #tpu.memory_space<semaphore_mem>>)
      %dma_wait3A = arith.constant 0 : i32
      %dma_wait3A_97 = arith.constant 0 : i32
      %dma_wait3A_98 = arith.constant 0 : i32
      %dma_wait3A_99 = tpu.memref_slice %arg6[%arg0, %dma_wait3A, %dma_wait3A_97, %dma_wait3A_98] : memref<2x4x10240x128xf32, #tpu.memory_space<hbm>> -> memref<1x4x10240x128xf32, #tpu.memory_space<hbm>>
      %dma_wait3A_100 = tpu.memref_squeeze %dma_wait3A_99 : memref<1x4x10240x128xf32, #tpu.memory_space<hbm>> -> memref<4x10240x128xf32, #tpu.memory_space<hbm>>
      %dma_wait3A_101 = arith.constant 0 : i32
      %dma_wait3A_102 = arith.constant 0 : i32
      %dma_wait3A_103 = tpu.memref_slice %dma_wait3A_100[%run_scoped3A_82, %dma_wait3A_101, %dma_wait3A_102] : memref<4x10240x128xf32, #tpu.memory_space<hbm>> -> memref<1x10240x128xf32, #tpu.memory_space<hbm>>
      %dma_wait3A_104 = tpu.memref_squeeze %dma_wait3A_103 : memref<1x10240x128xf32, #tpu.memory_space<hbm>> -> memref<10240x128xf32, #tpu.memory_space<hbm>>
      %dma_wait3A_105 = arith.constant 0 : i32
      %dma_wait3A_106 = tpu.memref_slice %dma_wait3A_104[%mul3A_2, %dma_wait3A_105] : memref<10240x128xf32, #tpu.memory_space<hbm>> -> memref<640x128xf32, #tpu.memory_space<hbm>>
      %dma_wait3A_107 = arith.constant 0 : i32
      %dma_wait3A_108 = tpu.memref_slice %arg11[%mul3A_2, %dma_wait3A_107] : memref<10240x128xf32, #tpu.memory_space<vmem_shared>> -> memref<640x128xf32, #tpu.memory_space<vmem_shared>>
      tpu.wait_dma2 semaphore(%run_scoped3A_83 : memref<!tpu.dma_semaphore, #tpu.memory_space<semaphore_mem>>) src(%dma_wait3A_108 : memref<640x128xf32, #tpu.memory_space<vmem_shared>>) dst(%dma_wait3A_106 : memref<640x128xf32, #tpu.memory_space<hbm>>)
      tpu.yield
    }) : () -> ()
    return
  }
}

#map = affine_map<(d0, d1) -> (0, 0, 0)>
#map1 = affine_map<(d0, d1) -> (0, 0)>
#map2 = affine_map<(d0, d1) -> (0, 0, 0, 0)>
module attributes {stable_mosaic.version = 14 : i64} {
  func.func @_sc_scatter(%arg0: i32, %arg1: i32, %arg2: memref<32x40x125xi32, #tpu.memory_space<hbm>>, %arg3: memref<32x40x125xi32, #tpu.memory_space<hbm>>, %arg4: memref<4x10240x128xf32, #tpu.memory_space<hbm>>, %arg5: memref<640x128xf32, #tpu.memory_space<hbm>>, %arg6: memref<2x4x10240x128xf32, #tpu.memory_space<hbm>>, %arg7: memref<40x125xi32, #tpu.memory_space<vmem>>, %arg8: memref<40x125xi32, #tpu.memory_space<vmem>>, %arg9: memref<125x128xf32, #tpu.memory_space<vmem>>, %arg10: memref<125x128xf32, #tpu.memory_space<vmem>>, %arg11: memref<10240x128xf32, #tpu.memory_space<vmem_shared>>, %arg12: memref<!tpu.dma_semaphore, #tpu.memory_space<semaphore_mem>>, %arg13: memref<!tpu.dma_semaphore, #tpu.memory_space<semaphore_mem>>) attributes {dimension_semantics = [#tpu.dimension_semantics<core_parallel>, #tpu.dimension_semantics<subcore_parallel>], iteration_bounds = array<i64: 2, 16>, scalar_prefetch = 0 : i64, scratch_operands = 7 : i64, tpu.core_type = #tpu.core_type<sc_vector_subcore>, window_params = [{transform_indices = #map}, {transform_indices = #map}, {transform_indices = #map}, {transform_indices = #map1}, {transform_indices = #map2}]} {
    %mul3A = arith.constant 16 : i32
    %mul3A_0 = arith.muli %arg0, %mul3A : i32
    %add3A = arith.addi %mul3A_0, %arg1 : i32
    "tpu.region"() ({
      %run_scoped3A_83 = tpu.sem_alloc : memref<!tpu.dma_semaphore, #tpu.memory_space<semaphore_mem>>
      %dma_start3A_84 = arith.constant 0 : i32
      %dma_start3A_85 = arith.constant 0 : i32
      %dma_start3A_86 = tpu.memref_slice %arg2[%add3A, %dma_start3A_84, %dma_start3A_85] : memref<32x40x125xi32, #tpu.memory_space<hbm>> -> memref<1x40x125xi32, #tpu.memory_space<hbm>>
      %dma_start3A_87 = tpu.memref_squeeze %dma_start3A_86 : memref<1x40x125xi32, #tpu.memory_space<hbm>> -> memref<40x125xi32, #tpu.memory_space<hbm>>
      %dma_start3A_88 = arith.constant 0 : i32
      %dma_start3A_89 = arith.constant 0 : i32
      %dma_start3A_90 = tpu.memref_slice %arg2[%add3A, %dma_start3A_88, %dma_start3A_89] : memref<32x40x125xi32, #tpu.memory_space<hbm>> -> memref<1x40x125xi32, #tpu.memory_space<hbm>>
      %dma_start3A_91 = tpu.memref_squeeze %dma_start3A_90 : memref<1x40x125xi32, #tpu.memory_space<hbm>> -> memref<40x125xi32, #tpu.memory_space<hbm>>
      tpu.enqueue_dma source(%dma_start3A_91 : memref<40x125xi32, #tpu.memory_space<hbm>>) target(%arg7 : memref<40x125xi32, #tpu.memory_space<vmem>>) target_semaphore(%run_scoped3A_83 : memref<!tpu.dma_semaphore, #tpu.memory_space<semaphore_mem>>)
      %dma_wait3A = arith.constant 0 : i32
      %dma_wait3A_92 = arith.constant 0 : i32
      %dma_wait3A_93 = tpu.memref_slice %arg2[%add3A, %dma_wait3A, %dma_wait3A_92] : memref<32x40x125xi32, #tpu.memory_space<hbm>> -> memref<1x40x125xi32, #tpu.memory_space<hbm>>
      %dma_wait3A_94 = tpu.memref_squeeze %dma_wait3A_93 : memref<1x40x125xi32, #tpu.memory_space<hbm>> -> memref<40x125xi32, #tpu.memory_space<hbm>>
      %dma_wait3A_95 = arith.constant 0 : i32
      %dma_wait3A_96 = arith.constant 0 : i32
      %dma_wait3A_97 = tpu.memref_slice %arg2[%add3A, %dma_wait3A_95, %dma_wait3A_96] : memref<32x40x125xi32, #tpu.memory_space<hbm>> -> memref<1x40x125xi32, #tpu.memory_space<hbm>>
      %dma_wait3A_98 = tpu.memref_squeeze %dma_wait3A_97 : memref<1x40x125xi32, #tpu.memory_space<hbm>> -> memref<40x125xi32, #tpu.memory_space<hbm>>
      tpu.wait_dma2 semaphore(%run_scoped3A_83 : memref<!tpu.dma_semaphore, #tpu.memory_space<semaphore_mem>>) src(%dma_wait3A_98 : memref<40x125xi32, #tpu.memory_space<hbm>>) dst(%arg7 : memref<40x125xi32, #tpu.memory_space<vmem>>)
      tpu.yield
    }) : () -> ()
    "tpu.region"() ({
      %run_scoped3A_83 = tpu.sem_alloc : memref<!tpu.dma_semaphore, #tpu.memory_space<semaphore_mem>>
      %dma_start3A_84 = arith.constant 0 : i32
      %dma_start3A_85 = arith.constant 0 : i32
      %dma_start3A_86 = tpu.memref_slice %arg3[%add3A, %dma_start3A_84, %dma_start3A_85] : memref<32x40x125xi32, #tpu.memory_space<hbm>> -> memref<1x40x125xi32, #tpu.memory_space<hbm>>
      %dma_start3A_87 = tpu.memref_squeeze %dma_start3A_86 : memref<1x40x125xi32, #tpu.memory_space<hbm>> -> memref<40x125xi32, #tpu.memory_space<hbm>>
      %dma_start3A_88 = arith.constant 0 : i32
      %dma_start3A_89 = arith.constant 0 : i32
      %dma_start3A_90 = tpu.memref_slice %arg3[%add3A, %dma_start3A_88, %dma_start3A_89] : memref<32x40x125xi32, #tpu.memory_space<hbm>> -> memref<1x40x125xi32, #tpu.memory_space<hbm>>
      %dma_start3A_91 = tpu.memref_squeeze %dma_start3A_90 : memref<1x40x125xi32, #tpu.memory_space<hbm>> -> memref<40x125xi32, #tpu.memory_space<hbm>>
      tpu.enqueue_dma source(%dma_start3A_91 : memref<40x125xi32, #tpu.memory_space<hbm>>) target(%arg8 : memref<40x125xi32, #tpu.memory_space<vmem>>) target_semaphore(%run_scoped3A_83 : memref<!tpu.dma_semaphore, #tpu.memory_space<semaphore_mem>>)
      %dma_wait3A = arith.constant 0 : i32
      %dma_wait3A_92 = arith.constant 0 : i32
      %dma_wait3A_93 = tpu.memref_slice %arg3[%add3A, %dma_wait3A, %dma_wait3A_92] : memref<32x40x125xi32, #tpu.memory_space<hbm>> -> memref<1x40x125xi32, #tpu.memory_space<hbm>>
      %dma_wait3A_94 = tpu.memref_squeeze %dma_wait3A_93 : memref<1x40x125xi32, #tpu.memory_space<hbm>> -> memref<40x125xi32, #tpu.memory_space<hbm>>
      %dma_wait3A_95 = arith.constant 0 : i32
      %dma_wait3A_96 = arith.constant 0 : i32
      %dma_wait3A_97 = tpu.memref_slice %arg3[%add3A, %dma_wait3A_95, %dma_wait3A_96] : memref<32x40x125xi32, #tpu.memory_space<hbm>> -> memref<1x40x125xi32, #tpu.memory_space<hbm>>
      %dma_wait3A_98 = tpu.memref_squeeze %dma_wait3A_97 : memref<1x40x125xi32, #tpu.memory_space<hbm>> -> memref<40x125xi32, #tpu.memory_space<hbm>>
      tpu.wait_dma2 semaphore(%run_scoped3A_83 : memref<!tpu.dma_semaphore, #tpu.memory_space<semaphore_mem>>) src(%dma_wait3A_98 : memref<40x125xi32, #tpu.memory_space<hbm>>) dst(%arg8 : memref<40x125xi32, #tpu.memory_space<vmem>>)
      tpu.yield
    }) : () -> ()
    %mul3A_1 = arith.constant 640 : i32
    %mul3A_2 = arith.muli %arg1, %mul3A_1 : i32
    "tpu.region"() ({
      %run_scoped3A_83 = tpu.sem_alloc : memref<!tpu.dma_semaphore, #tpu.memory_space<semaphore_mem>>
      %dma_start3A_84 = arith.constant 0 : i32
      %dma_start3A_85 = tpu.memref_slice %arg11[%mul3A_2, %dma_start3A_84] : memref<10240x128xf32, #tpu.memory_space<vmem_shared>> -> memref<640x128xf32, #tpu.memory_space<vmem_shared>>
      tpu.enqueue_dma source(%arg5 : memref<640x128xf32, #tpu.memory_space<hbm>>) target(%dma_start3A_85 : memref<640x128xf32, #tpu.memory_space<vmem_shared>>) target_semaphore(%run_scoped3A_83 : memref<!tpu.dma_semaphore, #tpu.memory_space<semaphore_mem>>)
      %dma_wait3A = arith.constant 0 : i32
      %dma_wait3A_86 = tpu.memref_slice %arg11[%mul3A_2, %dma_wait3A] : memref<10240x128xf32, #tpu.memory_space<vmem_shared>> -> memref<640x128xf32, #tpu.memory_space<vmem_shared>>
      tpu.wait_dma2 semaphore(%run_scoped3A_83 : memref<!tpu.dma_semaphore, #tpu.memory_space<semaphore_mem>>) src(%arg5 : memref<640x128xf32, #tpu.memory_space<hbm>>) dst(%dma_wait3A_86 : memref<640x128xf32, #tpu.memory_space<vmem_shared>>)
      tpu.yield
    }) : () -> ()
    %barrier3A = arith.constant 0 : index
    tpu.barrier barrier_id(%barrier3A)
    %dma_start3A = arith.constant 0 : i32
    %dma_start3A_3 = arith.constant 0 : i32
    %dma_start3A_4 = arith.constant 0 : i32
    %dma_start3A_5 = tpu.memref_slice %arg7[%dma_start3A_3, %dma_start3A_4] : memref<40x125xi32, #tpu.memory_space<vmem>> -> memref<1x125xi32, #tpu.memory_space<vmem>>
    %dma_start3A_6 = tpu.memref_squeeze %dma_start3A_5 : memref<1x125xi32, #tpu.memory_space<vmem>> -> memref<125xi32, #tpu.memory_space<vmem>>
    %dma_start3A_7 = arith.constant 0 : i32
    %dma_start3A_8 = arith.constant 0 : i32
    %dma_start3A_9 = tpu.memref_slice %arg4[%dma_start3A, %dma_start3A_7, %dma_start3A_8] : memref<4x10240x128xf32, #tpu.memory_space<hbm>> -> memref<1x10240x128xf32, #tpu.memory_space<hbm>>
    %dma_start3A_10 = tpu.memref_squeeze %dma_start3A_9 : memref<1x10240x128xf32, #tpu.memory_space<hbm>> -> memref<10240x128xf32, #tpu.memory_space<hbm>>
    %dma_start3A_11 = arith.constant 0 : i32
    %dma_start3A_12 = arith.constant 0 : i32
    %dma_start3A_13 = tpu.memref_slice %dma_start3A_10[%dma_start3A_11, %dma_start3A_12] : memref<10240x128xf32, #tpu.memory_space<hbm>> -> memref<10240x128xf32, #tpu.memory_space<hbm>>
    tpu.enqueue_indirect_dma source(%dma_start3A_13 : memref<10240x128xf32, #tpu.memory_space<hbm>>) target(%arg9 : memref<125x128xf32, #tpu.memory_space<vmem>>) offsets(%dma_start3A_6 : memref<125xi32, #tpu.memory_space<vmem>>) semaphore(%arg12 : memref<!tpu.dma_semaphore, #tpu.memory_space<semaphore_mem>>)
    %scan3A = arith.constant 0 : i32
    %scan3A_14 = arith.constant 0 : i32
    %scan3A_15 = arith.constant 20 : i32
    %scan3A_16 = arith.addi %scan3A_14, %scan3A_15 : i32
    %scan3A_17 = arith.constant 1 : i32
    scf.for %scan3A_83 = %scan3A_14 to %scan3A_16 step %scan3A_17  : i32 {
      %mul3A_84 = arith.constant 2 : i32
      %mul3A_85 = arith.muli %mul3A_84, %scan3A_83 : i32
      %add3A_86 = arith.constant 0 : i32
      %add3A_87 = arith.addi %mul3A_85, %add3A_86 : i32
      %dma_wait3A = arith.constant 0 : i32
      %dma_wait3A_88 = arith.constant 0 : i32
      %dma_wait3A_89 = tpu.memref_slice %arg7[%add3A_87, %dma_wait3A_88] : memref<40x125xi32, #tpu.memory_space<vmem>> -> memref<1x125xi32, #tpu.memory_space<vmem>>
      %dma_wait3A_90 = tpu.memref_squeeze %dma_wait3A_89 : memref<1x125xi32, #tpu.memory_space<vmem>> -> memref<125xi32, #tpu.memory_space<vmem>>
      %dma_wait3A_91 = arith.constant 0 : i32
      %dma_wait3A_92 = arith.constant 0 : i32
      %dma_wait3A_93 = tpu.memref_slice %arg4[%dma_wait3A, %dma_wait3A_91, %dma_wait3A_92] : memref<4x10240x128xf32, #tpu.memory_space<hbm>> -> memref<1x10240x128xf32, #tpu.memory_space<hbm>>
      %dma_wait3A_94 = tpu.memref_squeeze %dma_wait3A_93 : memref<1x10240x128xf32, #tpu.memory_space<hbm>> -> memref<10240x128xf32, #tpu.memory_space<hbm>>
      %dma_wait3A_95 = arith.constant 0 : i32
      %dma_wait3A_96 = arith.constant 0 : i32
      %dma_wait3A_97 = tpu.memref_slice %dma_wait3A_94[%dma_wait3A_95, %dma_wait3A_96] : memref<10240x128xf32, #tpu.memory_space<hbm>> -> memref<10240x128xf32, #tpu.memory_space<hbm>>
      tpu.wait_indirect_dma semaphore(%arg12 : memref<!tpu.dma_semaphore, #tpu.memory_space<semaphore_mem>>) src(%dma_wait3A_97 : memref<10240x128xf32, #tpu.memory_space<hbm>>) dst(%arg9 : memref<125x128xf32, #tpu.memory_space<vmem>>)
      %add3A_98 = arith.constant 1 : i32
      %add3A_99 = arith.addi %add3A_87, %add3A_98 : i32
      %lt3A = arith.constant 40 : i32
      %lt3A_100 = arith.cmpi slt, %add3A_99, %lt3A : i32
      %convert_element_type3A = arith.extui %lt3A_100 : i1 to i32
      %cond3A = arith.constant 0 : i32
      %cond3A_101 = arith.cmpi ne, %convert_element_type3A, %cond3A : i32
      scf.if %cond3A_101 {
        %add3A_124 = arith.constant 1 : i32
        %add3A_125 = arith.addi %add3A_87, %add3A_124 : i32
        %dma_start3A_126 = arith.constant 0 : i32
        %dma_start3A_127 = arith.constant 0 : i32
        %dma_start3A_128 = tpu.memref_slice %arg7[%add3A_125, %dma_start3A_127] : memref<40x125xi32, #tpu.memory_space<vmem>> -> memref<1x125xi32, #tpu.memory_space<vmem>>
        %dma_start3A_129 = tpu.memref_squeeze %dma_start3A_128 : memref<1x125xi32, #tpu.memory_space<vmem>> -> memref<125xi32, #tpu.memory_space<vmem>>
        %dma_start3A_130 = arith.constant 0 : i32
        %dma_start3A_131 = arith.constant 0 : i32
        %dma_start3A_132 = tpu.memref_slice %arg4[%dma_start3A_126, %dma_start3A_130, %dma_start3A_131] : memref<4x10240x128xf32, #tpu.memory_space<hbm>> -> memref<1x10240x128xf32, #tpu.memory_space<hbm>>
        %dma_start3A_133 = tpu.memref_squeeze %dma_start3A_132 : memref<1x10240x128xf32, #tpu.memory_space<hbm>> -> memref<10240x128xf32, #tpu.memory_space<hbm>>
        %dma_start3A_134 = arith.constant 0 : i32
        %dma_start3A_135 = arith.constant 0 : i32
        %dma_start3A_136 = tpu.memref_slice %dma_start3A_133[%dma_start3A_134, %dma_start3A_135] : memref<10240x128xf32, #tpu.memory_space<hbm>> -> memref<10240x128xf32, #tpu.memory_space<hbm>>
        tpu.enqueue_indirect_dma source(%dma_start3A_136 : memref<10240x128xf32, #tpu.memory_space<hbm>>) target(%arg10 : memref<125x128xf32, #tpu.memory_space<vmem>>) offsets(%dma_start3A_129 : memref<125xi32, #tpu.memory_space<vmem>>) semaphore(%arg13 : memref<!tpu.dma_semaphore, #tpu.memory_space<semaphore_mem>>)
      } else {
      }
      "tpu.region"() ({
        %run_scoped3A_124 = tpu.sem_alloc : memref<!tpu.dma_semaphore, #tpu.memory_space<semaphore_mem>>
        %dma_start3A_125 = arith.constant 0 : i32
        %dma_start3A_126 = tpu.memref_slice %arg8[%add3A_87, %dma_start3A_125] : memref<40x125xi32, #tpu.memory_space<vmem>> -> memref<1x125xi32, #tpu.memory_space<vmem>>
        %dma_start3A_127 = tpu.memref_squeeze %dma_start3A_126 : memref<1x125xi32, #tpu.memory_space<vmem>> -> memref<125xi32, #tpu.memory_space<vmem>>
        %dma_start3A_128 = arith.constant 0 : i32
        %dma_start3A_129 = arith.constant 0 : i32
        %dma_start3A_130 = tpu.memref_slice %arg11[%dma_start3A_128, %dma_start3A_129] : memref<10240x128xf32, #tpu.memory_space<vmem_shared>> -> memref<10240x128xf32, #tpu.memory_space<vmem_shared>>
        tpu.enqueue_indirect_dma source(%arg9 : memref<125x128xf32, #tpu.memory_space<vmem>>) target(%dma_start3A_130 : memref<10240x128xf32, #tpu.memory_space<vmem_shared>>) offsets(%dma_start3A_127 : memref<125xi32, #tpu.memory_space<vmem>>) semaphore(%run_scoped3A_124 : memref<!tpu.dma_semaphore, #tpu.memory_space<semaphore_mem>>) {add = true}
        %dma_wait3A_131 = arith.constant 0 : i32
        %dma_wait3A_132 = tpu.memref_slice %arg8[%add3A_87, %dma_wait3A_131] : memref<40x125xi32, #tpu.memory_space<vmem>> -> memref<1x125xi32, #tpu.memory_space<vmem>>
        %dma_wait3A_133 = tpu.memref_squeeze %dma_wait3A_132 : memref<1x125xi32, #tpu.memory_space<vmem>> -> memref<125xi32, #tpu.memory_space<vmem>>
        %dma_wait3A_134 = arith.constant 0 : i32
        %dma_wait3A_135 = arith.constant 0 : i32
        %dma_wait3A_136 = tpu.memref_slice %arg11[%dma_wait3A_134, %dma_wait3A_135] : memref<10240x128xf32, #tpu.memory_space<vmem_shared>> -> memref<10240x128xf32, #tpu.memory_space<vmem_shared>>
        tpu.wait_indirect_dma semaphore(%run_scoped3A_124 : memref<!tpu.dma_semaphore, #tpu.memory_space<semaphore_mem>>) src(%arg9 : memref<125x128xf32, #tpu.memory_space<vmem>>) dst(%dma_wait3A_136 : memref<10240x128xf32, #tpu.memory_space<vmem_shared>>)
        tpu.yield
      }) : () -> ()
      %mul3A_102 = arith.constant 2 : i32
      %mul3A_103 = arith.muli %mul3A_102, %scan3A_83 : i32
      %add3A_104 = arith.constant 1 : i32
      %add3A_105 = arith.addi %mul3A_103, %add3A_104 : i32
      %dma_wait3A_106 = arith.constant 0 : i32
      %dma_wait3A_107 = arith.constant 0 : i32
      %dma_wait3A_108 = tpu.memref_slice %arg7[%add3A_105, %dma_wait3A_107] : memref<40x125xi32, #tpu.memory_space<vmem>> -> memref<1x125xi32, #tpu.memory_space<vmem>>
      %dma_wait3A_109 = tpu.memref_squeeze %dma_wait3A_108 : memref<1x125xi32, #tpu.memory_space<vmem>> -> memref<125xi32, #tpu.memory_space<vmem>>
      %dma_wait3A_110 = arith.constant 0 : i32
      %dma_wait3A_111 = arith.constant 0 : i32
      %dma_wait3A_112 = tpu.memref_slice %arg4[%dma_wait3A_106, %dma_wait3A_110, %dma_wait3A_111] : memref<4x10240x128xf32, #tpu.memory_space<hbm>> -> memref<1x10240x128xf32, #tpu.memory_space<hbm>>
      %dma_wait3A_113 = tpu.memref_squeeze %dma_wait3A_112 : memref<1x10240x128xf32, #tpu.memory_space<hbm>> -> memref<10240x128xf32, #tpu.memory_space<hbm>>
      %dma_wait3A_114 = arith.constant 0 : i32
      %dma_wait3A_115 = arith.constant 0 : i32
      %dma_wait3A_116 = tpu.memref_slice %dma_wait3A_113[%dma_wait3A_114, %dma_wait3A_115] : memref<10240x128xf32, #tpu.memory_space<hbm>> -> memref<10240x128xf32, #tpu.memory_space<hbm>>
      tpu.wait_indirect_dma semaphore(%arg13 : memref<!tpu.dma_semaphore, #tpu.memory_space<semaphore_mem>>) src(%dma_wait3A_116 : memref<10240x128xf32, #tpu.memory_space<hbm>>) dst(%arg10 : memref<125x128xf32, #tpu.memory_space<vmem>>)
      %add3A_117 = arith.constant 1 : i32
      %add3A_118 = arith.addi %add3A_105, %add3A_117 : i32
      %lt3A_119 = arith.constant 40 : i32
      %lt3A_120 = arith.cmpi slt, %add3A_118, %lt3A_119 : i32
      %convert_element_type3A_121 = arith.extui %lt3A_120 : i1 to i32
      %cond3A_122 = arith.constant 0 : i32
      %cond3A_123 = arith.cmpi ne, %convert_element_type3A_121, %cond3A_122 : i32
      scf.if %cond3A_123 {
        %add3A_124 = arith.constant 1 : i32
        %add3A_125 = arith.addi %add3A_105, %add3A_124 : i32
        %dma_start3A_126 = arith.constant 0 : i32
        %dma_start3A_127 = arith.constant 0 : i32
        %dma_start3A_128 = tpu.memref_slice %arg7[%add3A_125, %dma_start3A_127] : memref<40x125xi32, #tpu.memory_space<vmem>> -> memref<1x125xi32, #tpu.memory_space<vmem>>
        %dma_start3A_129 = tpu.memref_squeeze %dma_start3A_128 : memref<1x125xi32, #tpu.memory_space<vmem>> -> memref<125xi32, #tpu.memory_space<vmem>>
        %dma_start3A_130 = arith.constant 0 : i32
        %dma_start3A_131 = arith.constant 0 : i32
        %dma_start3A_132 = tpu.memref_slice %arg4[%dma_start3A_126, %dma_start3A_130, %dma_start3A_131] : memref<4x10240x128xf32, #tpu.memory_space<hbm>> -> memref<1x10240x128xf32, #tpu.memory_space<hbm>>
        %dma_start3A_133 = tpu.memref_squeeze %dma_start3A_132 : memref<1x10240x128xf32, #tpu.memory_space<hbm>> -> memref<10240x128xf32, #tpu.memory_space<hbm>>
        %dma_start3A_134 = arith.constant 0 : i32
        %dma_start3A_135 = arith.constant 0 : i32
        %dma_start3A_136 = tpu.memref_slice %dma_start3A_133[%dma_start3A_134, %dma_start3A_135] : memref<10240x128xf32, #tpu.memory_space<hbm>> -> memref<10240x128xf32, #tpu.memory_space<hbm>>
        tpu.enqueue_indirect_dma source(%dma_start3A_136 : memref<10240x128xf32, #tpu.memory_space<hbm>>) target(%arg9 : memref<125x128xf32, #tpu.memory_space<vmem>>) offsets(%dma_start3A_129 : memref<125xi32, #tpu.memory_space<vmem>>) semaphore(%arg12 : memref<!tpu.dma_semaphore, #tpu.memory_space<semaphore_mem>>)
      } else {
      }
      "tpu.region"() ({
        %run_scoped3A_124 = tpu.sem_alloc : memref<!tpu.dma_semaphore, #tpu.memory_space<semaphore_mem>>
        %dma_start3A_125 = arith.constant 0 : i32
        %dma_start3A_126 = tpu.memref_slice %arg8[%add3A_105, %dma_start3A_125] : memref<40x125xi32, #tpu.memory_space<vmem>> -> memref<1x125xi32, #tpu.memory_space<vmem>>
        %dma_start3A_127 = tpu.memref_squeeze %dma_start3A_126 : memref<1x125xi32, #tpu.memory_space<vmem>> -> memref<125xi32, #tpu.memory_space<vmem>>
        %dma_start3A_128 = arith.constant 0 : i32
        %dma_start3A_129 = arith.constant 0 : i32
        %dma_start3A_130 = tpu.memref_slice %arg11[%dma_start3A_128, %dma_start3A_129] : memref<10240x128xf32, #tpu.memory_space<vmem_shared>> -> memref<10240x128xf32, #tpu.memory_space<vmem_shared>>
        tpu.enqueue_indirect_dma source(%arg10 : memref<125x128xf32, #tpu.memory_space<vmem>>) target(%dma_start3A_130 : memref<10240x128xf32, #tpu.memory_space<vmem_shared>>) offsets(%dma_start3A_127 : memref<125xi32, #tpu.memory_space<vmem>>) semaphore(%run_scoped3A_124 : memref<!tpu.dma_semaphore, #tpu.memory_space<semaphore_mem>>) {add = true}
        %dma_wait3A_131 = arith.constant 0 : i32
        %dma_wait3A_132 = tpu.memref_slice %arg8[%add3A_105, %dma_wait3A_131] : memref<40x125xi32, #tpu.memory_space<vmem>> -> memref<1x125xi32, #tpu.memory_space<vmem>>
        %dma_wait3A_133 = tpu.memref_squeeze %dma_wait3A_132 : memref<1x125xi32, #tpu.memory_space<vmem>> -> memref<125xi32, #tpu.memory_space<vmem>>
        %dma_wait3A_134 = arith.constant 0 : i32
        %dma_wait3A_135 = arith.constant 0 : i32
        %dma_wait3A_136 = tpu.memref_slice %arg11[%dma_wait3A_134, %dma_wait3A_135] : memref<10240x128xf32, #tpu.memory_space<vmem_shared>> -> memref<10240x128xf32, #tpu.memory_space<vmem_shared>>
        tpu.wait_indirect_dma semaphore(%run_scoped3A_124 : memref<!tpu.dma_semaphore, #tpu.memory_space<semaphore_mem>>) src(%arg10 : memref<125x128xf32, #tpu.memory_space<vmem>>) dst(%dma_wait3A_136 : memref<10240x128xf32, #tpu.memory_space<vmem_shared>>)
        tpu.yield
      }) : () -> ()
    }
    %scan3A_18 = arith.constant 20 : i32
    %barrier3A_19 = arith.constant 0 : index
    tpu.barrier barrier_id(%barrier3A_19)
    %run_scoped3A = arith.constant 0 : i32
    "tpu.region"() ({
      %run_scoped3A_83 = tpu.sem_alloc : memref<!tpu.dma_semaphore, #tpu.memory_space<semaphore_mem>>
      %dma_start3A_84 = arith.constant 0 : i32
      %dma_start3A_85 = arith.constant 0 : i32
      %dma_start3A_86 = arith.constant 0 : i32
      %dma_start3A_87 = tpu.memref_slice %arg6[%arg0, %dma_start3A_84, %dma_start3A_85, %dma_start3A_86] : memref<2x4x10240x128xf32, #tpu.memory_space<hbm>> -> memref<1x4x10240x128xf32, #tpu.memory_space<hbm>>
      %dma_start3A_88 = tpu.memref_squeeze %dma_start3A_87 : memref<1x4x10240x128xf32, #tpu.memory_space<hbm>> -> memref<4x10240x128xf32, #tpu.memory_space<hbm>>
      %dma_start3A_89 = arith.constant 0 : i32
      %dma_start3A_90 = arith.constant 0 : i32
      %dma_start3A_91 = tpu.memref_slice %dma_start3A_88[%run_scoped3A, %dma_start3A_89, %dma_start3A_90] : memref<4x10240x128xf32, #tpu.memory_space<hbm>> -> memref<1x10240x128xf32, #tpu.memory_space<hbm>>
      %dma_start3A_92 = tpu.memref_squeeze %dma_start3A_91 : memref<1x10240x128xf32, #tpu.memory_space<hbm>> -> memref<10240x128xf32, #tpu.memory_space<hbm>>
      %dma_start3A_93 = arith.constant 0 : i32
      %dma_start3A_94 = tpu.memref_slice %dma_start3A_92[%mul3A_2, %dma_start3A_93] : memref<10240x128xf32, #tpu.memory_space<hbm>> -> memref<640x128xf32, #tpu.memory_space<hbm>>
      %dma_start3A_95 = arith.constant 0 : i32
      %dma_start3A_96 = tpu.memref_slice %arg11[%mul3A_2, %dma_start3A_95] : memref<10240x128xf32, #tpu.memory_space<vmem_shared>> -> memref<640x128xf32, #tpu.memory_space<vmem_shared>>
      tpu.enqueue_dma source(%dma_start3A_96 : memref<640x128xf32, #tpu.memory_space<vmem_shared>>) target(%dma_start3A_94 : memref<640x128xf32, #tpu.memory_space<hbm>>) target_semaphore(%run_scoped3A_83 : memref<!tpu.dma_semaphore, #tpu.memory_space<semaphore_mem>>)
      %dma_wait3A = arith.constant 0 : i32
      %dma_wait3A_97 = arith.constant 0 : i32
      %dma_wait3A_98 = arith.constant 0 : i32
      %dma_wait3A_99 = tpu.memref_slice %arg6[%arg0, %dma_wait3A, %dma_wait3A_97, %dma_wait3A_98] : memref<2x4x10240x128xf32, #tpu.memory_space<hbm>> -> memref<1x4x10240x128xf32, #tpu.memory_space<hbm>>
      %dma_wait3A_100 = tpu.memref_squeeze %dma_wait3A_99 : memref<1x4x10240x128xf32, #tpu.memory_space<hbm>> -> memref<4x10240x128xf32, #tpu.memory_space<hbm>>
      %dma_wait3A_101 = arith.constant 0 : i32
      %dma_wait3A_102 = arith.constant 0 : i32
      %dma_wait3A_103 = tpu.memref_slice %dma_wait3A_100[%run_scoped3A, %dma_wait3A_101, %dma_wait3A_102] : memref<4x10240x128xf32, #tpu.memory_space<hbm>> -> memref<1x10240x128xf32, #tpu.memory_space<hbm>>
      %dma_wait3A_104 = tpu.memref_squeeze %dma_wait3A_103 : memref<1x10240x128xf32, #tpu.memory_space<hbm>> -> memref<10240x128xf32, #tpu.memory_space<hbm>>
      %dma_wait3A_105 = arith.constant 0 : i32
      %dma_wait3A_106 = tpu.memref_slice %dma_wait3A_104[%mul3A_2, %dma_wait3A_105] : memref<10240x128xf32, #tpu.memory_space<hbm>> -> memref<640x128xf32, #tpu.memory_space<hbm>>
      %dma_wait3A_107 = arith.constant 0 : i32
      %dma_wait3A_108 = tpu.memref_slice %arg11[%mul3A_2, %dma_wait3A_107] : memref<10240x128xf32, #tpu.memory_space<vmem_shared>> -> memref<640x128xf32, #tpu.memory_space<vmem_shared>>
      tpu.wait_dma2 semaphore(%run_scoped3A_83 : memref<!tpu.dma_semaphore, #tpu.memory_space<semaphore_mem>>) src(%dma_wait3A_108 : memref<640x128xf32, #tpu.memory_space<vmem_shared>>) dst(%dma_wait3A_106 : memref<640x128xf32, #tpu.memory_space<hbm>>)
      tpu.yield
    }) : () -> ()
    "tpu.region"() ({
      %run_scoped3A_83 = tpu.sem_alloc : memref<!tpu.dma_semaphore, #tpu.memory_space<semaphore_mem>>
      %dma_start3A_84 = arith.constant 0 : i32
      %dma_start3A_85 = tpu.memref_slice %arg11[%mul3A_2, %dma_start3A_84] : memref<10240x128xf32, #tpu.memory_space<vmem_shared>> -> memref<640x128xf32, #tpu.memory_space<vmem_shared>>
      tpu.enqueue_dma source(%arg5 : memref<640x128xf32, #tpu.memory_space<hbm>>) target(%dma_start3A_85 : memref<640x128xf32, #tpu.memory_space<vmem_shared>>) target_semaphore(%run_scoped3A_83 : memref<!tpu.dma_semaphore, #tpu.memory_space<semaphore_mem>>)
      %dma_wait3A = arith.constant 0 : i32
      %dma_wait3A_86 = tpu.memref_slice %arg11[%mul3A_2, %dma_wait3A] : memref<10240x128xf32, #tpu.memory_space<vmem_shared>> -> memref<640x128xf32, #tpu.memory_space<vmem_shared>>
      tpu.wait_dma2 semaphore(%run_scoped3A_83 : memref<!tpu.dma_semaphore, #tpu.memory_space<semaphore_mem>>) src(%arg5 : memref<640x128xf32, #tpu.memory_space<hbm>>) dst(%dma_wait3A_86 : memref<640x128xf32, #tpu.memory_space<vmem_shared>>)
      tpu.yield
    }) : () -> ()
    %barrier3A_20 = arith.constant 0 : index
    tpu.barrier barrier_id(%barrier3A_20)
    %dma_start3A_21 = arith.constant 1 : i32
    %dma_start3A_22 = arith.constant 0 : i32
    %dma_start3A_23 = arith.constant 0 : i32
    %dma_start3A_24 = tpu.memref_slice %arg7[%dma_start3A_22, %dma_start3A_23] : memref<40x125xi32, #tpu.memory_space<vmem>> -> memref<1x125xi32, #tpu.memory_space<vmem>>
    %dma_start3A_25 = tpu.memref_squeeze %dma_start3A_24 : memref<1x125xi32, #tpu.memory_space<vmem>> -> memref<125xi32, #tpu.memory_space<vmem>>
    %dma_start3A_26 = arith.constant 0 : i32
    %dma_start3A_27 = arith.constant 0 : i32
    %dma_start3A_28 = tpu.memref_slice %arg4[%dma_start3A_21, %dma_start3A_26, %dma_start3A_27] : memref<4x10240x128xf32, #tpu.memory_space<hbm>> -> memref<1x10240x128xf32, #tpu.memory_space<hbm>>
    %dma_start3A_29 = tpu.memref_squeeze %dma_start3A_28 : memref<1x10240x128xf32, #tpu.memory_space<hbm>> -> memref<10240x128xf32, #tpu.memory_space<hbm>>
    %dma_start3A_30 = arith.constant 0 : i32
    %dma_start3A_31 = arith.constant 0 : i32
    %dma_start3A_32 = tpu.memref_slice %dma_start3A_29[%dma_start3A_30, %dma_start3A_31] : memref<10240x128xf32, #tpu.memory_space<hbm>> -> memref<10240x128xf32, #tpu.memory_space<hbm>>
    tpu.enqueue_indirect_dma source(%dma_start3A_32 : memref<10240x128xf32, #tpu.memory_space<hbm>>) target(%arg9 : memref<125x128xf32, #tpu.memory_space<vmem>>) offsets(%dma_start3A_25 : memref<125xi32, #tpu.memory_space<vmem>>) semaphore(%arg12 : memref<!tpu.dma_semaphore, #tpu.memory_space<semaphore_mem>>)
    %scan3A_33 = arith.constant 0 : i32
    %scan3A_34 = arith.constant 0 : i32
    %scan3A_35 = arith.constant 20 : i32
    %scan3A_36 = arith.addi %scan3A_34, %scan3A_35 : i32
    %scan3A_37 = arith.constant 1 : i32
    scf.for %scan3A_83 = %scan3A_34 to %scan3A_36 step %scan3A_37  : i32 {
      %mul3A_84 = arith.constant 2 : i32
      %mul3A_85 = arith.muli %mul3A_84, %scan3A_83 : i32
      %add3A_86 = arith.constant 0 : i32
      %add3A_87 = arith.addi %mul3A_85, %add3A_86 : i32
      %dma_wait3A = arith.constant 1 : i32
      %dma_wait3A_88 = arith.constant 0 : i32
      %dma_wait3A_89 = tpu.memref_slice %arg7[%add3A_87, %dma_wait3A_88] : memref<40x125xi32, #tpu.memory_space<vmem>> -> memref<1x125xi32, #tpu.memory_space<vmem>>
      %dma_wait3A_90 = tpu.memref_squeeze %dma_wait3A_89 : memref<1x125xi32, #tpu.memory_space<vmem>> -> memref<125xi32, #tpu.memory_space<vmem>>
      %dma_wait3A_91 = arith.constant 0 : i32
      %dma_wait3A_92 = arith.constant 0 : i32
      %dma_wait3A_93 = tpu.memref_slice %arg4[%dma_wait3A, %dma_wait3A_91, %dma_wait3A_92] : memref<4x10240x128xf32, #tpu.memory_space<hbm>> -> memref<1x10240x128xf32, #tpu.memory_space<hbm>>
      %dma_wait3A_94 = tpu.memref_squeeze %dma_wait3A_93 : memref<1x10240x128xf32, #tpu.memory_space<hbm>> -> memref<10240x128xf32, #tpu.memory_space<hbm>>
      %dma_wait3A_95 = arith.constant 0 : i32
      %dma_wait3A_96 = arith.constant 0 : i32
      %dma_wait3A_97 = tpu.memref_slice %dma_wait3A_94[%dma_wait3A_95, %dma_wait3A_96] : memref<10240x128xf32, #tpu.memory_space<hbm>> -> memref<10240x128xf32, #tpu.memory_space<hbm>>
      tpu.wait_indirect_dma semaphore(%arg12 : memref<!tpu.dma_semaphore, #tpu.memory_space<semaphore_mem>>) src(%dma_wait3A_97 : memref<10240x128xf32, #tpu.memory_space<hbm>>) dst(%arg9 : memref<125x128xf32, #tpu.memory_space<vmem>>)
      %add3A_98 = arith.constant 1 : i32
      %add3A_99 = arith.addi %add3A_87, %add3A_98 : i32
      %lt3A = arith.constant 40 : i32
      %lt3A_100 = arith.cmpi slt, %add3A_99, %lt3A : i32
      %convert_element_type3A = arith.extui %lt3A_100 : i1 to i32
      %cond3A = arith.constant 0 : i32
      %cond3A_101 = arith.cmpi ne, %convert_element_type3A, %cond3A : i32
      scf.if %cond3A_101 {
        %add3A_124 = arith.constant 1 : i32
        %add3A_125 = arith.addi %add3A_87, %add3A_124 : i32
        %dma_start3A_126 = arith.constant 1 : i32
        %dma_start3A_127 = arith.constant 0 : i32
        %dma_start3A_128 = tpu.memref_slice %arg7[%add3A_125, %dma_start3A_127] : memref<40x125xi32, #tpu.memory_space<vmem>> -> memref<1x125xi32, #tpu.memory_space<vmem>>
        %dma_start3A_129 = tpu.memref_squeeze %dma_start3A_128 : memref<1x125xi32, #tpu.memory_space<vmem>> -> memref<125xi32, #tpu.memory_space<vmem>>
        %dma_start3A_130 = arith.constant 0 : i32
        %dma_start3A_131 = arith.constant 0 : i32
        %dma_start3A_132 = tpu.memref_slice %arg4[%dma_start3A_126, %dma_start3A_130, %dma_start3A_131] : memref<4x10240x128xf32, #tpu.memory_space<hbm>> -> memref<1x10240x128xf32, #tpu.memory_space<hbm>>
        %dma_start3A_133 = tpu.memref_squeeze %dma_start3A_132 : memref<1x10240x128xf32, #tpu.memory_space<hbm>> -> memref<10240x128xf32, #tpu.memory_space<hbm>>
        %dma_start3A_134 = arith.constant 0 : i32
        %dma_start3A_135 = arith.constant 0 : i32
        %dma_start3A_136 = tpu.memref_slice %dma_start3A_133[%dma_start3A_134, %dma_start3A_135] : memref<10240x128xf32, #tpu.memory_space<hbm>> -> memref<10240x128xf32, #tpu.memory_space<hbm>>
        tpu.enqueue_indirect_dma source(%dma_start3A_136 : memref<10240x128xf32, #tpu.memory_space<hbm>>) target(%arg10 : memref<125x128xf32, #tpu.memory_space<vmem>>) offsets(%dma_start3A_129 : memref<125xi32, #tpu.memory_space<vmem>>) semaphore(%arg13 : memref<!tpu.dma_semaphore, #tpu.memory_space<semaphore_mem>>)
      } else {
      }
      "tpu.region"() ({
        %run_scoped3A_124 = tpu.sem_alloc : memref<!tpu.dma_semaphore, #tpu.memory_space<semaphore_mem>>
        %dma_start3A_125 = arith.constant 0 : i32
        %dma_start3A_126 = tpu.memref_slice %arg8[%add3A_87, %dma_start3A_125] : memref<40x125xi32, #tpu.memory_space<vmem>> -> memref<1x125xi32, #tpu.memory_space<vmem>>
        %dma_start3A_127 = tpu.memref_squeeze %dma_start3A_126 : memref<1x125xi32, #tpu.memory_space<vmem>> -> memref<125xi32, #tpu.memory_space<vmem>>
        %dma_start3A_128 = arith.constant 0 : i32
        %dma_start3A_129 = arith.constant 0 : i32
        %dma_start3A_130 = tpu.memref_slice %arg11[%dma_start3A_128, %dma_start3A_129] : memref<10240x128xf32, #tpu.memory_space<vmem_shared>> -> memref<10240x128xf32, #tpu.memory_space<vmem_shared>>
        tpu.enqueue_indirect_dma source(%arg9 : memref<125x128xf32, #tpu.memory_space<vmem>>) target(%dma_start3A_130 : memref<10240x128xf32, #tpu.memory_space<vmem_shared>>) offsets(%dma_start3A_127 : memref<125xi32, #tpu.memory_space<vmem>>) semaphore(%run_scoped3A_124 : memref<!tpu.dma_semaphore, #tpu.memory_space<semaphore_mem>>) {add = true}
        %dma_wait3A_131 = arith.constant 0 : i32
        %dma_wait3A_132 = tpu.memref_slice %arg8[%add3A_87, %dma_wait3A_131] : memref<40x125xi32, #tpu.memory_space<vmem>> -> memref<1x125xi32, #tpu.memory_space<vmem>>
        %dma_wait3A_133 = tpu.memref_squeeze %dma_wait3A_132 : memref<1x125xi32, #tpu.memory_space<vmem>> -> memref<125xi32, #tpu.memory_space<vmem>>
        %dma_wait3A_134 = arith.constant 0 : i32
        %dma_wait3A_135 = arith.constant 0 : i32
        %dma_wait3A_136 = tpu.memref_slice %arg11[%dma_wait3A_134, %dma_wait3A_135] : memref<10240x128xf32, #tpu.memory_space<vmem_shared>> -> memref<10240x128xf32, #tpu.memory_space<vmem_shared>>
        tpu.wait_indirect_dma semaphore(%run_scoped3A_124 : memref<!tpu.dma_semaphore, #tpu.memory_space<semaphore_mem>>) src(%arg9 : memref<125x128xf32, #tpu.memory_space<vmem>>) dst(%dma_wait3A_136 : memref<10240x128xf32, #tpu.memory_space<vmem_shared>>)
        tpu.yield
      }) : () -> ()
      %mul3A_102 = arith.constant 2 : i32
      %mul3A_103 = arith.muli %mul3A_102, %scan3A_83 : i32
      %add3A_104 = arith.constant 1 : i32
      %add3A_105 = arith.addi %mul3A_103, %add3A_104 : i32
      %dma_wait3A_106 = arith.constant 1 : i32
      %dma_wait3A_107 = arith.constant 0 : i32
      %dma_wait3A_108 = tpu.memref_slice %arg7[%add3A_105, %dma_wait3A_107] : memref<40x125xi32, #tpu.memory_space<vmem>> -> memref<1x125xi32, #tpu.memory_space<vmem>>
      %dma_wait3A_109 = tpu.memref_squeeze %dma_wait3A_108 : memref<1x125xi32, #tpu.memory_space<vmem>> -> memref<125xi32, #tpu.memory_space<vmem>>
      %dma_wait3A_110 = arith.constant 0 : i32
      %dma_wait3A_111 = arith.constant 0 : i32
      %dma_wait3A_112 = tpu.memref_slice %arg4[%dma_wait3A_106, %dma_wait3A_110, %dma_wait3A_111] : memref<4x10240x128xf32, #tpu.memory_space<hbm>> -> memref<1x10240x128xf32, #tpu.memory_space<hbm>>
      %dma_wait3A_113 = tpu.memref_squeeze %dma_wait3A_112 : memref<1x10240x128xf32, #tpu.memory_space<hbm>> -> memref<10240x128xf32, #tpu.memory_space<hbm>>
      %dma_wait3A_114 = arith.constant 0 : i32
      %dma_wait3A_115 = arith.constant 0 : i32
      %dma_wait3A_116 = tpu.memref_slice %dma_wait3A_113[%dma_wait3A_114, %dma_wait3A_115] : memref<10240x128xf32, #tpu.memory_space<hbm>> -> memref<10240x128xf32, #tpu.memory_space<hbm>>
      tpu.wait_indirect_dma semaphore(%arg13 : memref<!tpu.dma_semaphore, #tpu.memory_space<semaphore_mem>>) src(%dma_wait3A_116 : memref<10240x128xf32, #tpu.memory_space<hbm>>) dst(%arg10 : memref<125x128xf32, #tpu.memory_space<vmem>>)
      %add3A_117 = arith.constant 1 : i32
      %add3A_118 = arith.addi %add3A_105, %add3A_117 : i32
      %lt3A_119 = arith.constant 40 : i32
      %lt3A_120 = arith.cmpi slt, %add3A_118, %lt3A_119 : i32
      %convert_element_type3A_121 = arith.extui %lt3A_120 : i1 to i32
      %cond3A_122 = arith.constant 0 : i32
      %cond3A_123 = arith.cmpi ne, %convert_element_type3A_121, %cond3A_122 : i32
      scf.if %cond3A_123 {
        %add3A_124 = arith.constant 1 : i32
        %add3A_125 = arith.addi %add3A_105, %add3A_124 : i32
        %dma_start3A_126 = arith.constant 1 : i32
        %dma_start3A_127 = arith.constant 0 : i32
        %dma_start3A_128 = tpu.memref_slice %arg7[%add3A_125, %dma_start3A_127] : memref<40x125xi32, #tpu.memory_space<vmem>> -> memref<1x125xi32, #tpu.memory_space<vmem>>
        %dma_start3A_129 = tpu.memref_squeeze %dma_start3A_128 : memref<1x125xi32, #tpu.memory_space<vmem>> -> memref<125xi32, #tpu.memory_space<vmem>>
        %dma_start3A_130 = arith.constant 0 : i32
        %dma_start3A_131 = arith.constant 0 : i32
        %dma_start3A_132 = tpu.memref_slice %arg4[%dma_start3A_126, %dma_start3A_130, %dma_start3A_131] : memref<4x10240x128xf32, #tpu.memory_space<hbm>> -> memref<1x10240x128xf32, #tpu.memory_space<hbm>>
        %dma_start3A_133 = tpu.memref_squeeze %dma_start3A_132 : memref<1x10240x128xf32, #tpu.memory_space<hbm>> -> memref<10240x128xf32, #tpu.memory_space<hbm>>
        %dma_start3A_134 = arith.constant 0 : i32
        %dma_start3A_135 = arith.constant 0 : i32
        %dma_start3A_136 = tpu.memref_slice %dma_start3A_133[%dma_start3A_134, %dma_start3A_135] : memref<10240x128xf32, #tpu.memory_space<hbm>> -> memref<10240x128xf32, #tpu.memory_space<hbm>>
        tpu.enqueue_indirect_dma source(%dma_start3A_136 : memref<10240x128xf32, #tpu.memory_space<hbm>>) target(%arg9 : memref<125x128xf32, #tpu.memory_space<vmem>>) offsets(%dma_start3A_129 : memref<125xi32, #tpu.memory_space<vmem>>) semaphore(%arg12 : memref<!tpu.dma_semaphore, #tpu.memory_space<semaphore_mem>>)
      } else {
      }
      "tpu.region"() ({
        %run_scoped3A_124 = tpu.sem_alloc : memref<!tpu.dma_semaphore, #tpu.memory_space<semaphore_mem>>
        %dma_start3A_125 = arith.constant 0 : i32
        %dma_start3A_126 = tpu.memref_slice %arg8[%add3A_105, %dma_start3A_125] : memref<40x125xi32, #tpu.memory_space<vmem>> -> memref<1x125xi32, #tpu.memory_space<vmem>>
        %dma_start3A_127 = tpu.memref_squeeze %dma_start3A_126 : memref<1x125xi32, #tpu.memory_space<vmem>> -> memref<125xi32, #tpu.memory_space<vmem>>
        %dma_start3A_128 = arith.constant 0 : i32
        %dma_start3A_129 = arith.constant 0 : i32
        %dma_start3A_130 = tpu.memref_slice %arg11[%dma_start3A_128, %dma_start3A_129] : memref<10240x128xf32, #tpu.memory_space<vmem_shared>> -> memref<10240x128xf32, #tpu.memory_space<vmem_shared>>
        tpu.enqueue_indirect_dma source(%arg10 : memref<125x128xf32, #tpu.memory_space<vmem>>) target(%dma_start3A_130 : memref<10240x128xf32, #tpu.memory_space<vmem_shared>>) offsets(%dma_start3A_127 : memref<125xi32, #tpu.memory_space<vmem>>) semaphore(%run_scoped3A_124 : memref<!tpu.dma_semaphore, #tpu.memory_space<semaphore_mem>>) {add = true}
        %dma_wait3A_131 = arith.constant 0 : i32
        %dma_wait3A_132 = tpu.memref_slice %arg8[%add3A_105, %dma_wait3A_131] : memref<40x125xi32, #tpu.memory_space<vmem>> -> memref<1x125xi32, #tpu.memory_space<vmem>>
        %dma_wait3A_133 = tpu.memref_squeeze %dma_wait3A_132 : memref<1x125xi32, #tpu.memory_space<vmem>> -> memref<125xi32, #tpu.memory_space<vmem>>
        %dma_wait3A_134 = arith.constant 0 : i32
        %dma_wait3A_135 = arith.constant 0 : i32
        %dma_wait3A_136 = tpu.memref_slice %arg11[%dma_wait3A_134, %dma_wait3A_135] : memref<10240x128xf32, #tpu.memory_space<vmem_shared>> -> memref<10240x128xf32, #tpu.memory_space<vmem_shared>>
        tpu.wait_indirect_dma semaphore(%run_scoped3A_124 : memref<!tpu.dma_semaphore, #tpu.memory_space<semaphore_mem>>) src(%arg10 : memref<125x128xf32, #tpu.memory_space<vmem>>) dst(%dma_wait3A_136 : memref<10240x128xf32, #tpu.memory_space<vmem_shared>>)
        tpu.yield
      }) : () -> ()
    }
    %scan3A_38 = arith.constant 20 : i32
    %barrier3A_39 = arith.constant 0 : index
    tpu.barrier barrier_id(%barrier3A_39)
    %run_scoped3A_40 = arith.constant 1 : i32
    "tpu.region"() ({
      %run_scoped3A_83 = tpu.sem_alloc : memref<!tpu.dma_semaphore, #tpu.memory_space<semaphore_mem>>
      %dma_start3A_84 = arith.constant 0 : i32
      %dma_start3A_85 = arith.constant 0 : i32
      %dma_start3A_86 = arith.constant 0 : i32
      %dma_start3A_87 = tpu.memref_slice %arg6[%arg0, %dma_start3A_84, %dma_start3A_85, %dma_start3A_86] : memref<2x4x10240x128xf32, #tpu.memory_space<hbm>> -> memref<1x4x10240x128xf32, #tpu.memory_space<hbm>>
      %dma_start3A_88 = tpu.memref_squeeze %dma_start3A_87 : memref<1x4x10240x128xf32, #tpu.memory_space<hbm>> -> memref<4x10240x128xf32, #tpu.memory_space<hbm>>
      %dma_start3A_89 = arith.constant 0 : i32
      %dma_start3A_90 = arith.constant 0 : i32
      %dma_start3A_91 = tpu.memref_slice %dma_start3A_88[%run_scoped3A_40, %dma_start3A_89, %dma_start3A_90] : memref<4x10240x128xf32, #tpu.memory_space<hbm>> -> memref<1x10240x128xf32, #tpu.memory_space<hbm>>
      %dma_start3A_92 = tpu.memref_squeeze %dma_start3A_91 : memref<1x10240x128xf32, #tpu.memory_space<hbm>> -> memref<10240x128xf32, #tpu.memory_space<hbm>>
      %dma_start3A_93 = arith.constant 0 : i32
      %dma_start3A_94 = tpu.memref_slice %dma_start3A_92[%mul3A_2, %dma_start3A_93] : memref<10240x128xf32, #tpu.memory_space<hbm>> -> memref<640x128xf32, #tpu.memory_space<hbm>>
      %dma_start3A_95 = arith.constant 0 : i32
      %dma_start3A_96 = tpu.memref_slice %arg11[%mul3A_2, %dma_start3A_95] : memref<10240x128xf32, #tpu.memory_space<vmem_shared>> -> memref<640x128xf32, #tpu.memory_space<vmem_shared>>
      tpu.enqueue_dma source(%dma_start3A_96 : memref<640x128xf32, #tpu.memory_space<vmem_shared>>) target(%dma_start3A_94 : memref<640x128xf32, #tpu.memory_space<hbm>>) target_semaphore(%run_scoped3A_83 : memref<!tpu.dma_semaphore, #tpu.memory_space<semaphore_mem>>)
      %dma_wait3A = arith.constant 0 : i32
      %dma_wait3A_97 = arith.constant 0 : i32
      %dma_wait3A_98 = arith.constant 0 : i32
      %dma_wait3A_99 = tpu.memref_slice %arg6[%arg0, %dma_wait3A, %dma_wait3A_97, %dma_wait3A_98] : memref<2x4x10240x128xf32, #tpu.memory_space<hbm>> -> memref<1x4x10240x128xf32, #tpu.memory_space<hbm>>
      %dma_wait3A_100 = tpu.memref_squeeze %dma_wait3A_99 : memref<1x4x10240x128xf32, #tpu.memory_space<hbm>> -> memref<4x10240x128xf32, #tpu.memory_space<hbm>>
      %dma_wait3A_101 = arith.constant 0 : i32
      %dma_wait3A_102 = arith.constant 0 : i32
      %dma_wait3A_103 = tpu.memref_slice %dma_wait3A_100[%run_scoped3A_40, %dma_wait3A_101, %dma_wait3A_102] : memref<4x10240x128xf32, #tpu.memory_space<hbm>> -> memref<1x10240x128xf32, #tpu.memory_space<hbm>>
      %dma_wait3A_104 = tpu.memref_squeeze %dma_wait3A_103 : memref<1x10240x128xf32, #tpu.memory_space<hbm>> -> memref<10240x128xf32, #tpu.memory_space<hbm>>
      %dma_wait3A_105 = arith.constant 0 : i32
      %dma_wait3A_106 = tpu.memref_slice %dma_wait3A_104[%mul3A_2, %dma_wait3A_105] : memref<10240x128xf32, #tpu.memory_space<hbm>> -> memref<640x128xf32, #tpu.memory_space<hbm>>
      %dma_wait3A_107 = arith.constant 0 : i32
      %dma_wait3A_108 = tpu.memref_slice %arg11[%mul3A_2, %dma_wait3A_107] : memref<10240x128xf32, #tpu.memory_space<vmem_shared>> -> memref<640x128xf32, #tpu.memory_space<vmem_shared>>
      tpu.wait_dma2 semaphore(%run_scoped3A_83 : memref<!tpu.dma_semaphore, #tpu.memory_space<semaphore_mem>>) src(%dma_wait3A_108 : memref<640x128xf32, #tpu.memory_space<vmem_shared>>) dst(%dma_wait3A_106 : memref<640x128xf32, #tpu.memory_space<hbm>>)
      tpu.yield
    }) : () -> ()
    "tpu.region"() ({
      %run_scoped3A_83 = tpu.sem_alloc : memref<!tpu.dma_semaphore, #tpu.memory_space<semaphore_mem>>
      %dma_start3A_84 = arith.constant 0 : i32
      %dma_start3A_85 = tpu.memref_slice %arg11[%mul3A_2, %dma_start3A_84] : memref<10240x128xf32, #tpu.memory_space<vmem_shared>> -> memref<640x128xf32, #tpu.memory_space<vmem_shared>>
      tpu.enqueue_dma source(%arg5 : memref<640x128xf32, #tpu.memory_space<hbm>>) target(%dma_start3A_85 : memref<640x128xf32, #tpu.memory_space<vmem_shared>>) target_semaphore(%run_scoped3A_83 : memref<!tpu.dma_semaphore, #tpu.memory_space<semaphore_mem>>)
      %dma_wait3A = arith.constant 0 : i32
      %dma_wait3A_86 = tpu.memref_slice %arg11[%mul3A_2, %dma_wait3A] : memref<10240x128xf32, #tpu.memory_space<vmem_shared>> -> memref<640x128xf32, #tpu.memory_space<vmem_shared>>
      tpu.wait_dma2 semaphore(%run_scoped3A_83 : memref<!tpu.dma_semaphore, #tpu.memory_space<semaphore_mem>>) src(%arg5 : memref<640x128xf32, #tpu.memory_space<hbm>>) dst(%dma_wait3A_86 : memref<640x128xf32, #tpu.memory_space<vmem_shared>>)
      tpu.yield
    }) : () -> ()
    %barrier3A_41 = arith.constant 0 : index
    tpu.barrier barrier_id(%barrier3A_41)
    %dma_start3A_42 = arith.constant 2 : i32
    %dma_start3A_43 = arith.constant 0 : i32
    %dma_start3A_44 = arith.constant 0 : i32
    %dma_start3A_45 = tpu.memref_slice %arg7[%dma_start3A_43, %dma_start3A_44] : memref<40x125xi32, #tpu.memory_space<vmem>> -> memref<1x125xi32, #tpu.memory_space<vmem>>
    %dma_start3A_46 = tpu.memref_squeeze %dma_start3A_45 : memref<1x125xi32, #tpu.memory_space<vmem>> -> memref<125xi32, #tpu.memory_space<vmem>>
    %dma_start3A_47 = arith.constant 0 : i32
    %dma_start3A_48 = arith.constant 0 : i32
    %dma_start3A_49 = tpu.memref_slice %arg4[%dma_start3A_42, %dma_start3A_47, %dma_start3A_48] : memref<4x10240x128xf32, #tpu.memory_space<hbm>> -> memref<1x10240x128xf32, #tpu.memory_space<hbm>>
    %dma_start3A_50 = tpu.memref_squeeze %dma_start3A_49 : memref<1x10240x128xf32, #tpu.memory_space<hbm>> -> memref<10240x128xf32, #tpu.memory_space<hbm>>
    %dma_start3A_51 = arith.constant 0 : i32
    %dma_start3A_52 = arith.constant 0 : i32
    %dma_start3A_53 = tpu.memref_slice %dma_start3A_50[%dma_start3A_51, %dma_start3A_52] : memref<10240x128xf32, #tpu.memory_space<hbm>> -> memref<10240x128xf32, #tpu.memory_space<hbm>>
    tpu.enqueue_indirect_dma source(%dma_start3A_53 : memref<10240x128xf32, #tpu.memory_space<hbm>>) target(%arg9 : memref<125x128xf32, #tpu.memory_space<vmem>>) offsets(%dma_start3A_46 : memref<125xi32, #tpu.memory_space<vmem>>) semaphore(%arg12 : memref<!tpu.dma_semaphore, #tpu.memory_space<semaphore_mem>>)
    %scan3A_54 = arith.constant 0 : i32
    %scan3A_55 = arith.constant 0 : i32
    %scan3A_56 = arith.constant 20 : i32
    %scan3A_57 = arith.addi %scan3A_55, %scan3A_56 : i32
    %scan3A_58 = arith.constant 1 : i32
    scf.for %scan3A_83 = %scan3A_55 to %scan3A_57 step %scan3A_58  : i32 {
      %mul3A_84 = arith.constant 2 : i32
      %mul3A_85 = arith.muli %mul3A_84, %scan3A_83 : i32
      %add3A_86 = arith.constant 0 : i32
      %add3A_87 = arith.addi %mul3A_85, %add3A_86 : i32
      %dma_wait3A = arith.constant 2 : i32
      %dma_wait3A_88 = arith.constant 0 : i32
      %dma_wait3A_89 = tpu.memref_slice %arg7[%add3A_87, %dma_wait3A_88] : memref<40x125xi32, #tpu.memory_space<vmem>> -> memref<1x125xi32, #tpu.memory_space<vmem>>
      %dma_wait3A_90 = tpu.memref_squeeze %dma_wait3A_89 : memref<1x125xi32, #tpu.memory_space<vmem>> -> memref<125xi32, #tpu.memory_space<vmem>>
      %dma_wait3A_91 = arith.constant 0 : i32
      %dma_wait3A_92 = arith.constant 0 : i32
      %dma_wait3A_93 = tpu.memref_slice %arg4[%dma_wait3A, %dma_wait3A_91, %dma_wait3A_92] : memref<4x10240x128xf32, #tpu.memory_space<hbm>> -> memref<1x10240x128xf32, #tpu.memory_space<hbm>>
      %dma_wait3A_94 = tpu.memref_squeeze %dma_wait3A_93 : memref<1x10240x128xf32, #tpu.memory_space<hbm>> -> memref<10240x128xf32, #tpu.memory_space<hbm>>
      %dma_wait3A_95 = arith.constant 0 : i32
      %dma_wait3A_96 = arith.constant 0 : i32
      %dma_wait3A_97 = tpu.memref_slice %dma_wait3A_94[%dma_wait3A_95, %dma_wait3A_96] : memref<10240x128xf32, #tpu.memory_space<hbm>> -> memref<10240x128xf32, #tpu.memory_space<hbm>>
      tpu.wait_indirect_dma semaphore(%arg12 : memref<!tpu.dma_semaphore, #tpu.memory_space<semaphore_mem>>) src(%dma_wait3A_97 : memref<10240x128xf32, #tpu.memory_space<hbm>>) dst(%arg9 : memref<125x128xf32, #tpu.memory_space<vmem>>)
      %add3A_98 = arith.constant 1 : i32
      %add3A_99 = arith.addi %add3A_87, %add3A_98 : i32
      %lt3A = arith.constant 40 : i32
      %lt3A_100 = arith.cmpi slt, %add3A_99, %lt3A : i32
      %convert_element_type3A = arith.extui %lt3A_100 : i1 to i32
      %cond3A = arith.constant 0 : i32
      %cond3A_101 = arith.cmpi ne, %convert_element_type3A, %cond3A : i32
      scf.if %cond3A_101 {
        %add3A_124 = arith.constant 1 : i32
        %add3A_125 = arith.addi %add3A_87, %add3A_124 : i32
        %dma_start3A_126 = arith.constant 2 : i32
        %dma_start3A_127 = arith.constant 0 : i32
        %dma_start3A_128 = tpu.memref_slice %arg7[%add3A_125, %dma_start3A_127] : memref<40x125xi32, #tpu.memory_space<vmem>> -> memref<1x125xi32, #tpu.memory_space<vmem>>
        %dma_start3A_129 = tpu.memref_squeeze %dma_start3A_128 : memref<1x125xi32, #tpu.memory_space<vmem>> -> memref<125xi32, #tpu.memory_space<vmem>>
        %dma_start3A_130 = arith.constant 0 : i32
        %dma_start3A_131 = arith.constant 0 : i32
        %dma_start3A_132 = tpu.memref_slice %arg4[%dma_start3A_126, %dma_start3A_130, %dma_start3A_131] : memref<4x10240x128xf32, #tpu.memory_space<hbm>> -> memref<1x10240x128xf32, #tpu.memory_space<hbm>>
        %dma_start3A_133 = tpu.memref_squeeze %dma_start3A_132 : memref<1x10240x128xf32, #tpu.memory_space<hbm>> -> memref<10240x128xf32, #tpu.memory_space<hbm>>
        %dma_start3A_134 = arith.constant 0 : i32
        %dma_start3A_135 = arith.constant 0 : i32
        %dma_start3A_136 = tpu.memref_slice %dma_start3A_133[%dma_start3A_134, %dma_start3A_135] : memref<10240x128xf32, #tpu.memory_space<hbm>> -> memref<10240x128xf32, #tpu.memory_space<hbm>>
        tpu.enqueue_indirect_dma source(%dma_start3A_136 : memref<10240x128xf32, #tpu.memory_space<hbm>>) target(%arg10 : memref<125x128xf32, #tpu.memory_space<vmem>>) offsets(%dma_start3A_129 : memref<125xi32, #tpu.memory_space<vmem>>) semaphore(%arg13 : memref<!tpu.dma_semaphore, #tpu.memory_space<semaphore_mem>>)
      } else {
      }
      "tpu.region"() ({
        %run_scoped3A_124 = tpu.sem_alloc : memref<!tpu.dma_semaphore, #tpu.memory_space<semaphore_mem>>
        %dma_start3A_125 = arith.constant 0 : i32
        %dma_start3A_126 = tpu.memref_slice %arg8[%add3A_87, %dma_start3A_125] : memref<40x125xi32, #tpu.memory_space<vmem>> -> memref<1x125xi32, #tpu.memory_space<vmem>>
        %dma_start3A_127 = tpu.memref_squeeze %dma_start3A_126 : memref<1x125xi32, #tpu.memory_space<vmem>> -> memref<125xi32, #tpu.memory_space<vmem>>
        %dma_start3A_128 = arith.constant 0 : i32
        %dma_start3A_129 = arith.constant 0 : i32
        %dma_start3A_130 = tpu.memref_slice %arg11[%dma_start3A_128, %dma_start3A_129] : memref<10240x128xf32, #tpu.memory_space<vmem_shared>> -> memref<10240x128xf32, #tpu.memory_space<vmem_shared>>
        tpu.enqueue_indirect_dma source(%arg9 : memref<125x128xf32, #tpu.memory_space<vmem>>) target(%dma_start3A_130 : memref<10240x128xf32, #tpu.memory_space<vmem_shared>>) offsets(%dma_start3A_127 : memref<125xi32, #tpu.memory_space<vmem>>) semaphore(%run_scoped3A_124 : memref<!tpu.dma_semaphore, #tpu.memory_space<semaphore_mem>>) {add = true}
        %dma_wait3A_131 = arith.constant 0 : i32
        %dma_wait3A_132 = tpu.memref_slice %arg8[%add3A_87, %dma_wait3A_131] : memref<40x125xi32, #tpu.memory_space<vmem>> -> memref<1x125xi32, #tpu.memory_space<vmem>>
        %dma_wait3A_133 = tpu.memref_squeeze %dma_wait3A_132 : memref<1x125xi32, #tpu.memory_space<vmem>> -> memref<125xi32, #tpu.memory_space<vmem>>
        %dma_wait3A_134 = arith.constant 0 : i32
        %dma_wait3A_135 = arith.constant 0 : i32
        %dma_wait3A_136 = tpu.memref_slice %arg11[%dma_wait3A_134, %dma_wait3A_135] : memref<10240x128xf32, #tpu.memory_space<vmem_shared>> -> memref<10240x128xf32, #tpu.memory_space<vmem_shared>>
        tpu.wait_indirect_dma semaphore(%run_scoped3A_124 : memref<!tpu.dma_semaphore, #tpu.memory_space<semaphore_mem>>) src(%arg9 : memref<125x128xf32, #tpu.memory_space<vmem>>) dst(%dma_wait3A_136 : memref<10240x128xf32, #tpu.memory_space<vmem_shared>>)
        tpu.yield
      }) : () -> ()
      %mul3A_102 = arith.constant 2 : i32
      %mul3A_103 = arith.muli %mul3A_102, %scan3A_83 : i32
      %add3A_104 = arith.constant 1 : i32
      %add3A_105 = arith.addi %mul3A_103, %add3A_104 : i32
      %dma_wait3A_106 = arith.constant 2 : i32
      %dma_wait3A_107 = arith.constant 0 : i32
      %dma_wait3A_108 = tpu.memref_slice %arg7[%add3A_105, %dma_wait3A_107] : memref<40x125xi32, #tpu.memory_space<vmem>> -> memref<1x125xi32, #tpu.memory_space<vmem>>
      %dma_wait3A_109 = tpu.memref_squeeze %dma_wait3A_108 : memref<1x125xi32, #tpu.memory_space<vmem>> -> memref<125xi32, #tpu.memory_space<vmem>>
      %dma_wait3A_110 = arith.constant 0 : i32
      %dma_wait3A_111 = arith.constant 0 : i32
      %dma_wait3A_112 = tpu.memref_slice %arg4[%dma_wait3A_106, %dma_wait3A_110, %dma_wait3A_111] : memref<4x10240x128xf32, #tpu.memory_space<hbm>> -> memref<1x10240x128xf32, #tpu.memory_space<hbm>>
      %dma_wait3A_113 = tpu.memref_squeeze %dma_wait3A_112 : memref<1x10240x128xf32, #tpu.memory_space<hbm>> -> memref<10240x128xf32, #tpu.memory_space<hbm>>
      %dma_wait3A_114 = arith.constant 0 : i32
      %dma_wait3A_115 = arith.constant 0 : i32
      %dma_wait3A_116 = tpu.memref_slice %dma_wait3A_113[%dma_wait3A_114, %dma_wait3A_115] : memref<10240x128xf32, #tpu.memory_space<hbm>> -> memref<10240x128xf32, #tpu.memory_space<hbm>>
      tpu.wait_indirect_dma semaphore(%arg13 : memref<!tpu.dma_semaphore, #tpu.memory_space<semaphore_mem>>) src(%dma_wait3A_116 : memref<10240x128xf32, #tpu.memory_space<hbm>>) dst(%arg10 : memref<125x128xf32, #tpu.memory_space<vmem>>)
      %add3A_117 = arith.constant 1 : i32
      %add3A_118 = arith.addi %add3A_105, %add3A_117 : i32
      %lt3A_119 = arith.constant 40 : i32
      %lt3A_120 = arith.cmpi slt, %add3A_118, %lt3A_119 : i32
      %convert_element_type3A_121 = arith.extui %lt3A_120 : i1 to i32
      %cond3A_122 = arith.constant 0 : i32
      %cond3A_123 = arith.cmpi ne, %convert_element_type3A_121, %cond3A_122 : i32
      scf.if %cond3A_123 {
        %add3A_124 = arith.constant 1 : i32
        %add3A_125 = arith.addi %add3A_105, %add3A_124 : i32
        %dma_start3A_126 = arith.constant 2 : i32
        %dma_start3A_127 = arith.constant 0 : i32
        %dma_start3A_128 = tpu.memref_slice %arg7[%add3A_125, %dma_start3A_127] : memref<40x125xi32, #tpu.memory_space<vmem>> -> memref<1x125xi32, #tpu.memory_space<vmem>>
        %dma_start3A_129 = tpu.memref_squeeze %dma_start3A_128 : memref<1x125xi32, #tpu.memory_space<vmem>> -> memref<125xi32, #tpu.memory_space<vmem>>
        %dma_start3A_130 = arith.constant 0 : i32
        %dma_start3A_131 = arith.constant 0 : i32
        %dma_start3A_132 = tpu.memref_slice %arg4[%dma_start3A_126, %dma_start3A_130, %dma_start3A_131] : memref<4x10240x128xf32, #tpu.memory_space<hbm>> -> memref<1x10240x128xf32, #tpu.memory_space<hbm>>
        %dma_start3A_133 = tpu.memref_squeeze %dma_start3A_132 : memref<1x10240x128xf32, #tpu.memory_space<hbm>> -> memref<10240x128xf32, #tpu.memory_space<hbm>>
        %dma_start3A_134 = arith.constant 0 : i32
        %dma_start3A_135 = arith.constant 0 : i32
        %dma_start3A_136 = tpu.memref_slice %dma_start3A_133[%dma_start3A_134, %dma_start3A_135] : memref<10240x128xf32, #tpu.memory_space<hbm>> -> memref<10240x128xf32, #tpu.memory_space<hbm>>
        tpu.enqueue_indirect_dma source(%dma_start3A_136 : memref<10240x128xf32, #tpu.memory_space<hbm>>) target(%arg9 : memref<125x128xf32, #tpu.memory_space<vmem>>) offsets(%dma_start3A_129 : memref<125xi32, #tpu.memory_space<vmem>>) semaphore(%arg12 : memref<!tpu.dma_semaphore, #tpu.memory_space<semaphore_mem>>)
      } else {
      }
      "tpu.region"() ({
        %run_scoped3A_124 = tpu.sem_alloc : memref<!tpu.dma_semaphore, #tpu.memory_space<semaphore_mem>>
        %dma_start3A_125 = arith.constant 0 : i32
        %dma_start3A_126 = tpu.memref_slice %arg8[%add3A_105, %dma_start3A_125] : memref<40x125xi32, #tpu.memory_space<vmem>> -> memref<1x125xi32, #tpu.memory_space<vmem>>
        %dma_start3A_127 = tpu.memref_squeeze %dma_start3A_126 : memref<1x125xi32, #tpu.memory_space<vmem>> -> memref<125xi32, #tpu.memory_space<vmem>>
        %dma_start3A_128 = arith.constant 0 : i32
        %dma_start3A_129 = arith.constant 0 : i32
        %dma_start3A_130 = tpu.memref_slice %arg11[%dma_start3A_128, %dma_start3A_129] : memref<10240x128xf32, #tpu.memory_space<vmem_shared>> -> memref<10240x128xf32, #tpu.memory_space<vmem_shared>>
        tpu.enqueue_indirect_dma source(%arg10 : memref<125x128xf32, #tpu.memory_space<vmem>>) target(%dma_start3A_130 : memref<10240x128xf32, #tpu.memory_space<vmem_shared>>) offsets(%dma_start3A_127 : memref<125xi32, #tpu.memory_space<vmem>>) semaphore(%run_scoped3A_124 : memref<!tpu.dma_semaphore, #tpu.memory_space<semaphore_mem>>) {add = true}
        %dma_wait3A_131 = arith.constant 0 : i32
        %dma_wait3A_132 = tpu.memref_slice %arg8[%add3A_105, %dma_wait3A_131] : memref<40x125xi32, #tpu.memory_space<vmem>> -> memref<1x125xi32, #tpu.memory_space<vmem>>
        %dma_wait3A_133 = tpu.memref_squeeze %dma_wait3A_132 : memref<1x125xi32, #tpu.memory_space<vmem>> -> memref<125xi32, #tpu.memory_space<vmem>>
        %dma_wait3A_134 = arith.constant 0 : i32
        %dma_wait3A_135 = arith.constant 0 : i32
        %dma_wait3A_136 = tpu.memref_slice %arg11[%dma_wait3A_134, %dma_wait3A_135] : memref<10240x128xf32, #tpu.memory_space<vmem_shared>> -> memref<10240x128xf32, #tpu.memory_space<vmem_shared>>
        tpu.wait_indirect_dma semaphore(%run_scoped3A_124 : memref<!tpu.dma_semaphore, #tpu.memory_space<semaphore_mem>>) src(%arg10 : memref<125x128xf32, #tpu.memory_space<vmem>>) dst(%dma_wait3A_136 : memref<10240x128xf32, #tpu.memory_space<vmem_shared>>)
        tpu.yield
      }) : () -> ()
    }
    %scan3A_59 = arith.constant 20 : i32
    %barrier3A_60 = arith.constant 0 : index
    tpu.barrier barrier_id(%barrier3A_60)
    %run_scoped3A_61 = arith.constant 2 : i32
    "tpu.region"() ({
      %run_scoped3A_83 = tpu.sem_alloc : memref<!tpu.dma_semaphore, #tpu.memory_space<semaphore_mem>>
      %dma_start3A_84 = arith.constant 0 : i32
      %dma_start3A_85 = arith.constant 0 : i32
      %dma_start3A_86 = arith.constant 0 : i32
      %dma_start3A_87 = tpu.memref_slice %arg6[%arg0, %dma_start3A_84, %dma_start3A_85, %dma_start3A_86] : memref<2x4x10240x128xf32, #tpu.memory_space<hbm>> -> memref<1x4x10240x128xf32, #tpu.memory_space<hbm>>
      %dma_start3A_88 = tpu.memref_squeeze %dma_start3A_87 : memref<1x4x10240x128xf32, #tpu.memory_space<hbm>> -> memref<4x10240x128xf32, #tpu.memory_space<hbm>>
      %dma_start3A_89 = arith.constant 0 : i32
      %dma_start3A_90 = arith.constant 0 : i32
      %dma_start3A_91 = tpu.memref_slice %dma_start3A_88[%run_scoped3A_61, %dma_start3A_89, %dma_start3A_90] : memref<4x10240x128xf32, #tpu.memory_space<hbm>> -> memref<1x10240x128xf32, #tpu.memory_space<hbm>>
      %dma_start3A_92 = tpu.memref_squeeze %dma_start3A_91 : memref<1x10240x128xf32, #tpu.memory_space<hbm>> -> memref<10240x128xf32, #tpu.memory_space<hbm>>
      %dma_start3A_93 = arith.constant 0 : i32
      %dma_start3A_94 = tpu.memref_slice %dma_start3A_92[%mul3A_2, %dma_start3A_93] : memref<10240x128xf32, #tpu.memory_space<hbm>> -> memref<640x128xf32, #tpu.memory_space<hbm>>
      %dma_start3A_95 = arith.constant 0 : i32
      %dma_start3A_96 = tpu.memref_slice %arg11[%mul3A_2, %dma_start3A_95] : memref<10240x128xf32, #tpu.memory_space<vmem_shared>> -> memref<640x128xf32, #tpu.memory_space<vmem_shared>>
      tpu.enqueue_dma source(%dma_start3A_96 : memref<640x128xf32, #tpu.memory_space<vmem_shared>>) target(%dma_start3A_94 : memref<640x128xf32, #tpu.memory_space<hbm>>) target_semaphore(%run_scoped3A_83 : memref<!tpu.dma_semaphore, #tpu.memory_space<semaphore_mem>>)
      %dma_wait3A = arith.constant 0 : i32
      %dma_wait3A_97 = arith.constant 0 : i32
      %dma_wait3A_98 = arith.constant 0 : i32
      %dma_wait3A_99 = tpu.memref_slice %arg6[%arg0, %dma_wait3A, %dma_wait3A_97, %dma_wait3A_98] : memref<2x4x10240x128xf32, #tpu.memory_space<hbm>> -> memref<1x4x10240x128xf32, #tpu.memory_space<hbm>>
      %dma_wait3A_100 = tpu.memref_squeeze %dma_wait3A_99 : memref<1x4x10240x128xf32, #tpu.memory_space<hbm>> -> memref<4x10240x128xf32, #tpu.memory_space<hbm>>
      %dma_wait3A_101 = arith.constant 0 : i32
      %dma_wait3A_102 = arith.constant 0 : i32
      %dma_wait3A_103 = tpu.memref_slice %dma_wait3A_100[%run_scoped3A_61, %dma_wait3A_101, %dma_wait3A_102] : memref<4x10240x128xf32, #tpu.memory_space<hbm>> -> memref<1x10240x128xf32, #tpu.memory_space<hbm>>
      %dma_wait3A_104 = tpu.memref_squeeze %dma_wait3A_103 : memref<1x10240x128xf32, #tpu.memory_space<hbm>> -> memref<10240x128xf32, #tpu.memory_space<hbm>>
      %dma_wait3A_105 = arith.constant 0 : i32
      %dma_wait3A_106 = tpu.memref_slice %dma_wait3A_104[%mul3A_2, %dma_wait3A_105] : memref<10240x128xf32, #tpu.memory_space<hbm>> -> memref<640x128xf32, #tpu.memory_space<hbm>>
      %dma_wait3A_107 = arith.constant 0 : i32
      %dma_wait3A_108 = tpu.memref_slice %arg11[%mul3A_2, %dma_wait3A_107] : memref<10240x128xf32, #tpu.memory_space<vmem_shared>> -> memref<640x128xf32, #tpu.memory_space<vmem_shared>>
      tpu.wait_dma2 semaphore(%run_scoped3A_83 : memref<!tpu.dma_semaphore, #tpu.memory_space<semaphore_mem>>) src(%dma_wait3A_108 : memref<640x128xf32, #tpu.memory_space<vmem_shared>>) dst(%dma_wait3A_106 : memref<640x128xf32, #tpu.memory_space<hbm>>)
      tpu.yield
    }) : () -> ()
    "tpu.region"() ({
      %run_scoped3A_83 = tpu.sem_alloc : memref<!tpu.dma_semaphore, #tpu.memory_space<semaphore_mem>>
      %dma_start3A_84 = arith.constant 0 : i32
      %dma_start3A_85 = tpu.memref_slice %arg11[%mul3A_2, %dma_start3A_84] : memref<10240x128xf32, #tpu.memory_space<vmem_shared>> -> memref<640x128xf32, #tpu.memory_space<vmem_shared>>
      tpu.enqueue_dma source(%arg5 : memref<640x128xf32, #tpu.memory_space<hbm>>) target(%dma_start3A_85 : memref<640x128xf32, #tpu.memory_space<vmem_shared>>) target_semaphore(%run_scoped3A_83 : memref<!tpu.dma_semaphore, #tpu.memory_space<semaphore_mem>>)
      %dma_wait3A = arith.constant 0 : i32
      %dma_wait3A_86 = tpu.memref_slice %arg11[%mul3A_2, %dma_wait3A] : memref<10240x128xf32, #tpu.memory_space<vmem_shared>> -> memref<640x128xf32, #tpu.memory_space<vmem_shared>>
      tpu.wait_dma2 semaphore(%run_scoped3A_83 : memref<!tpu.dma_semaphore, #tpu.memory_space<semaphore_mem>>) src(%arg5 : memref<640x128xf32, #tpu.memory_space<hbm>>) dst(%dma_wait3A_86 : memref<640x128xf32, #tpu.memory_space<vmem_shared>>)
      tpu.yield
    }) : () -> ()
    %barrier3A_62 = arith.constant 0 : index
    tpu.barrier barrier_id(%barrier3A_62)
    %dma_start3A_63 = arith.constant 3 : i32
    %dma_start3A_64 = arith.constant 0 : i32
    %dma_start3A_65 = arith.constant 0 : i32
    %dma_start3A_66 = tpu.memref_slice %arg7[%dma_start3A_64, %dma_start3A_65] : memref<40x125xi32, #tpu.memory_space<vmem>> -> memref<1x125xi32, #tpu.memory_space<vmem>>
    %dma_start3A_67 = tpu.memref_squeeze %dma_start3A_66 : memref<1x125xi32, #tpu.memory_space<vmem>> -> memref<125xi32, #tpu.memory_space<vmem>>
    %dma_start3A_68 = arith.constant 0 : i32
    %dma_start3A_69 = arith.constant 0 : i32
    %dma_start3A_70 = tpu.memref_slice %arg4[%dma_start3A_63, %dma_start3A_68, %dma_start3A_69] : memref<4x10240x128xf32, #tpu.memory_space<hbm>> -> memref<1x10240x128xf32, #tpu.memory_space<hbm>>
    %dma_start3A_71 = tpu.memref_squeeze %dma_start3A_70 : memref<1x10240x128xf32, #tpu.memory_space<hbm>> -> memref<10240x128xf32, #tpu.memory_space<hbm>>
    %dma_start3A_72 = arith.constant 0 : i32
    %dma_start3A_73 = arith.constant 0 : i32
    %dma_start3A_74 = tpu.memref_slice %dma_start3A_71[%dma_start3A_72, %dma_start3A_73] : memref<10240x128xf32, #tpu.memory_space<hbm>> -> memref<10240x128xf32, #tpu.memory_space<hbm>>
    tpu.enqueue_indirect_dma source(%dma_start3A_74 : memref<10240x128xf32, #tpu.memory_space<hbm>>) target(%arg9 : memref<125x128xf32, #tpu.memory_space<vmem>>) offsets(%dma_start3A_67 : memref<125xi32, #tpu.memory_space<vmem>>) semaphore(%arg12 : memref<!tpu.dma_semaphore, #tpu.memory_space<semaphore_mem>>)
    %scan3A_75 = arith.constant 0 : i32
    %scan3A_76 = arith.constant 0 : i32
    %scan3A_77 = arith.constant 20 : i32
    %scan3A_78 = arith.addi %scan3A_76, %scan3A_77 : i32
    %scan3A_79 = arith.constant 1 : i32
    scf.for %scan3A_83 = %scan3A_76 to %scan3A_78 step %scan3A_79  : i32 {
      %mul3A_84 = arith.constant 2 : i32
      %mul3A_85 = arith.muli %mul3A_84, %scan3A_83 : i32
      %add3A_86 = arith.constant 0 : i32
      %add3A_87 = arith.addi %mul3A_85, %add3A_86 : i32
      %dma_wait3A = arith.constant 3 : i32
      %dma_wait3A_88 = arith.constant 0 : i32
      %dma_wait3A_89 = tpu.memref_slice %arg7[%add3A_87, %dma_wait3A_88] : memref<40x125xi32, #tpu.memory_space<vmem>> -> memref<1x125xi32, #tpu.memory_space<vmem>>
      %dma_wait3A_90 = tpu.memref_squeeze %dma_wait3A_89 : memref<1x125xi32, #tpu.memory_space<vmem>> -> memref<125xi32, #tpu.memory_space<vmem>>
      %dma_wait3A_91 = arith.constant 0 : i32
      %dma_wait3A_92 = arith.constant 0 : i32
      %dma_wait3A_93 = tpu.memref_slice %arg4[%dma_wait3A, %dma_wait3A_91, %dma_wait3A_92] : memref<4x10240x128xf32, #tpu.memory_space<hbm>> -> memref<1x10240x128xf32, #tpu.memory_space<hbm>>
      %dma_wait3A_94 = tpu.memref_squeeze %dma_wait3A_93 : memref<1x10240x128xf32, #tpu.memory_space<hbm>> -> memref<10240x128xf32, #tpu.memory_space<hbm>>
      %dma_wait3A_95 = arith.constant 0 : i32
      %dma_wait3A_96 = arith.constant 0 : i32
      %dma_wait3A_97 = tpu.memref_slice %dma_wait3A_94[%dma_wait3A_95, %dma_wait3A_96] : memref<10240x128xf32, #tpu.memory_space<hbm>> -> memref<10240x128xf32, #tpu.memory_space<hbm>>
      tpu.wait_indirect_dma semaphore(%arg12 : memref<!tpu.dma_semaphore, #tpu.memory_space<semaphore_mem>>) src(%dma_wait3A_97 : memref<10240x128xf32, #tpu.memory_space<hbm>>) dst(%arg9 : memref<125x128xf32, #tpu.memory_space<vmem>>)
      %add3A_98 = arith.constant 1 : i32
      %add3A_99 = arith.addi %add3A_87, %add3A_98 : i32
      %lt3A = arith.constant 40 : i32
      %lt3A_100 = arith.cmpi slt, %add3A_99, %lt3A : i32
      %convert_element_type3A = arith.extui %lt3A_100 : i1 to i32
      %cond3A = arith.constant 0 : i32
      %cond3A_101 = arith.cmpi ne, %convert_element_type3A, %cond3A : i32
      scf.if %cond3A_101 {
        %add3A_124 = arith.constant 1 : i32
        %add3A_125 = arith.addi %add3A_87, %add3A_124 : i32
        %dma_start3A_126 = arith.constant 3 : i32
        %dma_start3A_127 = arith.constant 0 : i32
        %dma_start3A_128 = tpu.memref_slice %arg7[%add3A_125, %dma_start3A_127] : memref<40x125xi32, #tpu.memory_space<vmem>> -> memref<1x125xi32, #tpu.memory_space<vmem>>
        %dma_start3A_129 = tpu.memref_squeeze %dma_start3A_128 : memref<1x125xi32, #tpu.memory_space<vmem>> -> memref<125xi32, #tpu.memory_space<vmem>>
        %dma_start3A_130 = arith.constant 0 : i32
        %dma_start3A_131 = arith.constant 0 : i32
        %dma_start3A_132 = tpu.memref_slice %arg4[%dma_start3A_126, %dma_start3A_130, %dma_start3A_131] : memref<4x10240x128xf32, #tpu.memory_space<hbm>> -> memref<1x10240x128xf32, #tpu.memory_space<hbm>>
        %dma_start3A_133 = tpu.memref_squeeze %dma_start3A_132 : memref<1x10240x128xf32, #tpu.memory_space<hbm>> -> memref<10240x128xf32, #tpu.memory_space<hbm>>
        %dma_start3A_134 = arith.constant 0 : i32
        %dma_start3A_135 = arith.constant 0 : i32
        %dma_start3A_136 = tpu.memref_slice %dma_start3A_133[%dma_start3A_134, %dma_start3A_135] : memref<10240x128xf32, #tpu.memory_space<hbm>> -> memref<10240x128xf32, #tpu.memory_space<hbm>>
        tpu.enqueue_indirect_dma source(%dma_start3A_136 : memref<10240x128xf32, #tpu.memory_space<hbm>>) target(%arg10 : memref<125x128xf32, #tpu.memory_space<vmem>>) offsets(%dma_start3A_129 : memref<125xi32, #tpu.memory_space<vmem>>) semaphore(%arg13 : memref<!tpu.dma_semaphore, #tpu.memory_space<semaphore_mem>>)
      } else {
      }
      "tpu.region"() ({
        %run_scoped3A_124 = tpu.sem_alloc : memref<!tpu.dma_semaphore, #tpu.memory_space<semaphore_mem>>
        %dma_start3A_125 = arith.constant 0 : i32
        %dma_start3A_126 = tpu.memref_slice %arg8[%add3A_87, %dma_start3A_125] : memref<40x125xi32, #tpu.memory_space<vmem>> -> memref<1x125xi32, #tpu.memory_space<vmem>>
        %dma_start3A_127 = tpu.memref_squeeze %dma_start3A_126 : memref<1x125xi32, #tpu.memory_space<vmem>> -> memref<125xi32, #tpu.memory_space<vmem>>
        %dma_start3A_128 = arith.constant 0 : i32
        %dma_start3A_129 = arith.constant 0 : i32
        %dma_start3A_130 = tpu.memref_slice %arg11[%dma_start3A_128, %dma_start3A_129] : memref<10240x128xf32, #tpu.memory_space<vmem_shared>> -> memref<10240x128xf32, #tpu.memory_space<vmem_shared>>
        tpu.enqueue_indirect_dma source(%arg9 : memref<125x128xf32, #tpu.memory_space<vmem>>) target(%dma_start3A_130 : memref<10240x128xf32, #tpu.memory_space<vmem_shared>>) offsets(%dma_start3A_127 : memref<125xi32, #tpu.memory_space<vmem>>) semaphore(%run_scoped3A_124 : memref<!tpu.dma_semaphore, #tpu.memory_space<semaphore_mem>>) {add = true}
        %dma_wait3A_131 = arith.constant 0 : i32
        %dma_wait3A_132 = tpu.memref_slice %arg8[%add3A_87, %dma_wait3A_131] : memref<40x125xi32, #tpu.memory_space<vmem>> -> memref<1x125xi32, #tpu.memory_space<vmem>>
        %dma_wait3A_133 = tpu.memref_squeeze %dma_wait3A_132 : memref<1x125xi32, #tpu.memory_space<vmem>> -> memref<125xi32, #tpu.memory_space<vmem>>
        %dma_wait3A_134 = arith.constant 0 : i32
        %dma_wait3A_135 = arith.constant 0 : i32
        %dma_wait3A_136 = tpu.memref_slice %arg11[%dma_wait3A_134, %dma_wait3A_135] : memref<10240x128xf32, #tpu.memory_space<vmem_shared>> -> memref<10240x128xf32, #tpu.memory_space<vmem_shared>>
        tpu.wait_indirect_dma semaphore(%run_scoped3A_124 : memref<!tpu.dma_semaphore, #tpu.memory_space<semaphore_mem>>) src(%arg9 : memref<125x128xf32, #tpu.memory_space<vmem>>) dst(%dma_wait3A_136 : memref<10240x128xf32, #tpu.memory_space<vmem_shared>>)
        tpu.yield
      }) : () -> ()
      %mul3A_102 = arith.constant 2 : i32
      %mul3A_103 = arith.muli %mul3A_102, %scan3A_83 : i32
      %add3A_104 = arith.constant 1 : i32
      %add3A_105 = arith.addi %mul3A_103, %add3A_104 : i32
      %dma_wait3A_106 = arith.constant 3 : i32
      %dma_wait3A_107 = arith.constant 0 : i32
      %dma_wait3A_108 = tpu.memref_slice %arg7[%add3A_105, %dma_wait3A_107] : memref<40x125xi32, #tpu.memory_space<vmem>> -> memref<1x125xi32, #tpu.memory_space<vmem>>
      %dma_wait3A_109 = tpu.memref_squeeze %dma_wait3A_108 : memref<1x125xi32, #tpu.memory_space<vmem>> -> memref<125xi32, #tpu.memory_space<vmem>>
      %dma_wait3A_110 = arith.constant 0 : i32
      %dma_wait3A_111 = arith.constant 0 : i32
      %dma_wait3A_112 = tpu.memref_slice %arg4[%dma_wait3A_106, %dma_wait3A_110, %dma_wait3A_111] : memref<4x10240x128xf32, #tpu.memory_space<hbm>> -> memref<1x10240x128xf32, #tpu.memory_space<hbm>>
      %dma_wait3A_113 = tpu.memref_squeeze %dma_wait3A_112 : memref<1x10240x128xf32, #tpu.memory_space<hbm>> -> memref<10240x128xf32, #tpu.memory_space<hbm>>
      %dma_wait3A_114 = arith.constant 0 : i32
      %dma_wait3A_115 = arith.constant 0 : i32
      %dma_wait3A_116 = tpu.memref_slice %dma_wait3A_113[%dma_wait3A_114, %dma_wait3A_115] : memref<10240x128xf32, #tpu.memory_space<hbm>> -> memref<10240x128xf32, #tpu.memory_space<hbm>>
      tpu.wait_indirect_dma semaphore(%arg13 : memref<!tpu.dma_semaphore, #tpu.memory_space<semaphore_mem>>) src(%dma_wait3A_116 : memref<10240x128xf32, #tpu.memory_space<hbm>>) dst(%arg10 : memref<125x128xf32, #tpu.memory_space<vmem>>)
      %add3A_117 = arith.constant 1 : i32
      %add3A_118 = arith.addi %add3A_105, %add3A_117 : i32
      %lt3A_119 = arith.constant 40 : i32
      %lt3A_120 = arith.cmpi slt, %add3A_118, %lt3A_119 : i32
      %convert_element_type3A_121 = arith.extui %lt3A_120 : i1 to i32
      %cond3A_122 = arith.constant 0 : i32
      %cond3A_123 = arith.cmpi ne, %convert_element_type3A_121, %cond3A_122 : i32
      scf.if %cond3A_123 {
        %add3A_124 = arith.constant 1 : i32
        %add3A_125 = arith.addi %add3A_105, %add3A_124 : i32
        %dma_start3A_126 = arith.constant 3 : i32
        %dma_start3A_127 = arith.constant 0 : i32
        %dma_start3A_128 = tpu.memref_slice %arg7[%add3A_125, %dma_start3A_127] : memref<40x125xi32, #tpu.memory_space<vmem>> -> memref<1x125xi32, #tpu.memory_space<vmem>>
        %dma_start3A_129 = tpu.memref_squeeze %dma_start3A_128 : memref<1x125xi32, #tpu.memory_space<vmem>> -> memref<125xi32, #tpu.memory_space<vmem>>
        %dma_start3A_130 = arith.constant 0 : i32
        %dma_start3A_131 = arith.constant 0 : i32
        %dma_start3A_132 = tpu.memref_slice %arg4[%dma_start3A_126, %dma_start3A_130, %dma_start3A_131] : memref<4x10240x128xf32, #tpu.memory_space<hbm>> -> memref<1x10240x128xf32, #tpu.memory_space<hbm>>
        %dma_start3A_133 = tpu.memref_squeeze %dma_start3A_132 : memref<1x10240x128xf32, #tpu.memory_space<hbm>> -> memref<10240x128xf32, #tpu.memory_space<hbm>>
        %dma_start3A_134 = arith.constant 0 : i32
        %dma_start3A_135 = arith.constant 0 : i32
        %dma_start3A_136 = tpu.memref_slice %dma_start3A_133[%dma_start3A_134, %dma_start3A_135] : memref<10240x128xf32, #tpu.memory_space<hbm>> -> memref<10240x128xf32, #tpu.memory_space<hbm>>
        tpu.enqueue_indirect_dma source(%dma_start3A_136 : memref<10240x128xf32, #tpu.memory_space<hbm>>) target(%arg9 : memref<125x128xf32, #tpu.memory_space<vmem>>) offsets(%dma_start3A_129 : memref<125xi32, #tpu.memory_space<vmem>>) semaphore(%arg12 : memref<!tpu.dma_semaphore, #tpu.memory_space<semaphore_mem>>)
      } else {
      }
      "tpu.region"() ({
        %run_scoped3A_124 = tpu.sem_alloc : memref<!tpu.dma_semaphore, #tpu.memory_space<semaphore_mem>>
        %dma_start3A_125 = arith.constant 0 : i32
        %dma_start3A_126 = tpu.memref_slice %arg8[%add3A_105, %dma_start3A_125] : memref<40x125xi32, #tpu.memory_space<vmem>> -> memref<1x125xi32, #tpu.memory_space<vmem>>
        %dma_start3A_127 = tpu.memref_squeeze %dma_start3A_126 : memref<1x125xi32, #tpu.memory_space<vmem>> -> memref<125xi32, #tpu.memory_space<vmem>>
        %dma_start3A_128 = arith.constant 0 : i32
        %dma_start3A_129 = arith.constant 0 : i32
        %dma_start3A_130 = tpu.memref_slice %arg11[%dma_start3A_128, %dma_start3A_129] : memref<10240x128xf32, #tpu.memory_space<vmem_shared>> -> memref<10240x128xf32, #tpu.memory_space<vmem_shared>>
        tpu.enqueue_indirect_dma source(%arg10 : memref<125x128xf32, #tpu.memory_space<vmem>>) target(%dma_start3A_130 : memref<10240x128xf32, #tpu.memory_space<vmem_shared>>) offsets(%dma_start3A_127 : memref<125xi32, #tpu.memory_space<vmem>>) semaphore(%run_scoped3A_124 : memref<!tpu.dma_semaphore, #tpu.memory_space<semaphore_mem>>) {add = true}
        %dma_wait3A_131 = arith.constant 0 : i32
        %dma_wait3A_132 = tpu.memref_slice %arg8[%add3A_105, %dma_wait3A_131] : memref<40x125xi32, #tpu.memory_space<vmem>> -> memref<1x125xi32, #tpu.memory_space<vmem>>
        %dma_wait3A_133 = tpu.memref_squeeze %dma_wait3A_132 : memref<1x125xi32, #tpu.memory_space<vmem>> -> memref<125xi32, #tpu.memory_space<vmem>>
        %dma_wait3A_134 = arith.constant 0 : i32
        %dma_wait3A_135 = arith.constant 0 : i32
        %dma_wait3A_136 = tpu.memref_slice %arg11[%dma_wait3A_134, %dma_wait3A_135] : memref<10240x128xf32, #tpu.memory_space<vmem_shared>> -> memref<10240x128xf32, #tpu.memory_space<vmem_shared>>
        tpu.wait_indirect_dma semaphore(%run_scoped3A_124 : memref<!tpu.dma_semaphore, #tpu.memory_space<semaphore_mem>>) src(%arg10 : memref<125x128xf32, #tpu.memory_space<vmem>>) dst(%dma_wait3A_136 : memref<10240x128xf32, #tpu.memory_space<vmem_shared>>)
        tpu.yield
      }) : () -> ()
    }
    %scan3A_80 = arith.constant 20 : i32
    %barrier3A_81 = arith.constant 0 : index
    tpu.barrier barrier_id(%barrier3A_81)
    %run_scoped3A_82 = arith.constant 3 : i32
    "tpu.region"() ({
      %run_scoped3A_83 = tpu.sem_alloc : memref<!tpu.dma_semaphore, #tpu.memory_space<semaphore_mem>>
      %dma_start3A_84 = arith.constant 0 : i32
      %dma_start3A_85 = arith.constant 0 : i32
      %dma_start3A_86 = arith.constant 0 : i32
      %dma_start3A_87 = tpu.memref_slice %arg6[%arg0, %dma_start3A_84, %dma_start3A_85, %dma_start3A_86] : memref<2x4x10240x128xf32, #tpu.memory_space<hbm>> -> memref<1x4x10240x128xf32, #tpu.memory_space<hbm>>
      %dma_start3A_88 = tpu.memref_squeeze %dma_start3A_87 : memref<1x4x10240x128xf32, #tpu.memory_space<hbm>> -> memref<4x10240x128xf32, #tpu.memory_space<hbm>>
      %dma_start3A_89 = arith.constant 0 : i32
      %dma_start3A_90 = arith.constant 0 : i32
      %dma_start3A_91 = tpu.memref_slice %dma_start3A_88[%run_scoped3A_82, %dma_start3A_89, %dma_start3A_90] : memref<4x10240x128xf32, #tpu.memory_space<hbm>> -> memref<1x10240x128xf32, #tpu.memory_space<hbm>>
      %dma_start3A_92 = tpu.memref_squeeze %dma_start3A_91 : memref<1x10240x128xf32, #tpu.memory_space<hbm>> -> memref<10240x128xf32, #tpu.memory_space<hbm>>
      %dma_start3A_93 = arith.constant 0 : i32
      %dma_start3A_94 = tpu.memref_slice %dma_start3A_92[%mul3A_2, %dma_start3A_93] : memref<10240x128xf32, #tpu.memory_space<hbm>> -> memref<640x128xf32, #tpu.memory_space<hbm>>
      %dma_start3A_95 = arith.constant 0 : i32
      %dma_start3A_96 = tpu.memref_slice %arg11[%mul3A_2, %dma_start3A_95] : memref<10240x128xf32, #tpu.memory_space<vmem_shared>> -> memref<640x128xf32, #tpu.memory_space<vmem_shared>>
      tpu.enqueue_dma source(%dma_start3A_96 : memref<640x128xf32, #tpu.memory_space<vmem_shared>>) target(%dma_start3A_94 : memref<640x128xf32, #tpu.memory_space<hbm>>) target_semaphore(%run_scoped3A_83 : memref<!tpu.dma_semaphore, #tpu.memory_space<semaphore_mem>>)
      %dma_wait3A = arith.constant 0 : i32
      %dma_wait3A_97 = arith.constant 0 : i32
      %dma_wait3A_98 = arith.constant 0 : i32
      %dma_wait3A_99 = tpu.memref_slice %arg6[%arg0, %dma_wait3A, %dma_wait3A_97, %dma_wait3A_98] : memref<2x4x10240x128xf32, #tpu.memory_space<hbm>> -> memref<1x4x10240x128xf32, #tpu.memory_space<hbm>>
      %dma_wait3A_100 = tpu.memref_squeeze %dma_wait3A_99 : memref<1x4x10240x128xf32, #tpu.memory_space<hbm>> -> memref<4x10240x128xf32, #tpu.memory_space<hbm>>
      %dma_wait3A_101 = arith.constant 0 : i32
      %dma_wait3A_102 = arith.constant 0 : i32
      %dma_wait3A_103 = tpu.memref_slice %dma_wait3A_100[%run_scoped3A_82, %dma_wait3A_101, %dma_wait3A_102] : memref<4x10240x128xf32, #tpu.memory_space<hbm>> -> memref<1x10240x128xf32, #tpu.memory_space<hbm>>
      %dma_wait3A_104 = tpu.memref_squeeze %dma_wait3A_103 : memref<1x10240x128xf32, #tpu.memory_space<hbm>> -> memref<10240x128xf32, #tpu.memory_space<hbm>>
      %dma_wait3A_105 = arith.constant 0 : i32
      %dma_wait3A_106 = tpu.memref_slice %dma_wait3A_104[%mul3A_2, %dma_wait3A_105] : memref<10240x128xf32, #tpu.memory_space<hbm>> -> memref<640x128xf32, #tpu.memory_space<hbm>>
      %dma_wait3A_107 = arith.constant 0 : i32
      %dma_wait3A_108 = tpu.memref_slice %arg11[%mul3A_2, %dma_wait3A_107] : memref<10240x128xf32, #tpu.memory_space<vmem_shared>> -> memref<640x128xf32, #tpu.memory_space<vmem_shared>>
      tpu.wait_dma2 semaphore(%run_scoped3A_83 : memref<!tpu.dma_semaphore, #tpu.memory_space<semaphore_mem>>) src(%dma_wait3A_108 : memref<640x128xf32, #tpu.memory_space<vmem_shared>>) dst(%dma_wait3A_106 : memref<640x128xf32, #tpu.memory_space<hbm>>)
      tpu.yield
    }) : () -> ()
    return
  }
}

#map = affine_map<(d0, d1) -> (0, 0, 0)>
#map1 = affine_map<(d0, d1) -> (0, 0)>
#map2 = affine_map<(d0, d1) -> (0, 0, 0, 0)>
module attributes {stable_mosaic.version = 14 : i64} {
  func.func @_sc_scatter(%arg0: i32, %arg1: i32, %arg2: memref<32x40x125xi32, #tpu.memory_space<hbm>>, %arg3: memref<32x40x125xi32, #tpu.memory_space<hbm>>, %arg4: memref<4x10240x128xf32, #tpu.memory_space<hbm>>, %arg5: memref<640x128xf32, #tpu.memory_space<hbm>>, %arg6: memref<2x4x10240x128xf32, #tpu.memory_space<hbm>>, %arg7: memref<40x125xi32, #tpu.memory_space<vmem>>, %arg8: memref<40x125xi32, #tpu.memory_space<vmem>>, %arg9: memref<125x128xf32, #tpu.memory_space<vmem>>, %arg10: memref<125x128xf32, #tpu.memory_space<vmem>>, %arg11: memref<10240x128xf32, #tpu.memory_space<vmem_shared>>, %arg12: memref<!tpu.dma_semaphore, #tpu.memory_space<semaphore_mem>>, %arg13: memref<!tpu.dma_semaphore, #tpu.memory_space<semaphore_mem>>) attributes {dimension_semantics = [#tpu.dimension_semantics<core_parallel>, #tpu.dimension_semantics<subcore_parallel>], iteration_bounds = array<i64: 2, 16>, scalar_prefetch = 0 : i64, scratch_operands = 7 : i64, tpu.core_type = #tpu.core_type<sc_vector_subcore>, window_params = [{transform_indices = #map}, {transform_indices = #map}, {transform_indices = #map}, {transform_indices = #map1}, {transform_indices = #map2}]} {
    %mul3A = arith.constant 16 : i32
    %mul3A_0 = arith.muli %arg0, %mul3A : i32
    %add3A = arith.addi %mul3A_0, %arg1 : i32
    "tpu.region"() ({
      %run_scoped3A_83 = tpu.sem_alloc : memref<!tpu.dma_semaphore, #tpu.memory_space<semaphore_mem>>
      %dma_start3A_84 = arith.constant 0 : i32
      %dma_start3A_85 = arith.constant 0 : i32
      %dma_start3A_86 = tpu.memref_slice %arg2[%add3A, %dma_start3A_84, %dma_start3A_85] : memref<32x40x125xi32, #tpu.memory_space<hbm>> -> memref<1x40x125xi32, #tpu.memory_space<hbm>>
      %dma_start3A_87 = tpu.memref_squeeze %dma_start3A_86 : memref<1x40x125xi32, #tpu.memory_space<hbm>> -> memref<40x125xi32, #tpu.memory_space<hbm>>
      %dma_start3A_88 = arith.constant 0 : i32
      %dma_start3A_89 = arith.constant 0 : i32
      %dma_start3A_90 = tpu.memref_slice %arg2[%add3A, %dma_start3A_88, %dma_start3A_89] : memref<32x40x125xi32, #tpu.memory_space<hbm>> -> memref<1x40x125xi32, #tpu.memory_space<hbm>>
      %dma_start3A_91 = tpu.memref_squeeze %dma_start3A_90 : memref<1x40x125xi32, #tpu.memory_space<hbm>> -> memref<40x125xi32, #tpu.memory_space<hbm>>
      tpu.enqueue_dma source(%dma_start3A_91 : memref<40x125xi32, #tpu.memory_space<hbm>>) target(%arg7 : memref<40x125xi32, #tpu.memory_space<vmem>>) target_semaphore(%run_scoped3A_83 : memref<!tpu.dma_semaphore, #tpu.memory_space<semaphore_mem>>)
      %dma_wait3A = arith.constant 0 : i32
      %dma_wait3A_92 = arith.constant 0 : i32
      %dma_wait3A_93 = tpu.memref_slice %arg2[%add3A, %dma_wait3A, %dma_wait3A_92] : memref<32x40x125xi32, #tpu.memory_space<hbm>> -> memref<1x40x125xi32, #tpu.memory_space<hbm>>
      %dma_wait3A_94 = tpu.memref_squeeze %dma_wait3A_93 : memref<1x40x125xi32, #tpu.memory_space<hbm>> -> memref<40x125xi32, #tpu.memory_space<hbm>>
      %dma_wait3A_95 = arith.constant 0 : i32
      %dma_wait3A_96 = arith.constant 0 : i32
      %dma_wait3A_97 = tpu.memref_slice %arg2[%add3A, %dma_wait3A_95, %dma_wait3A_96] : memref<32x40x125xi32, #tpu.memory_space<hbm>> -> memref<1x40x125xi32, #tpu.memory_space<hbm>>
      %dma_wait3A_98 = tpu.memref_squeeze %dma_wait3A_97 : memref<1x40x125xi32, #tpu.memory_space<hbm>> -> memref<40x125xi32, #tpu.memory_space<hbm>>
      tpu.wait_dma2 semaphore(%run_scoped3A_83 : memref<!tpu.dma_semaphore, #tpu.memory_space<semaphore_mem>>) src(%dma_wait3A_98 : memref<40x125xi32, #tpu.memory_space<hbm>>) dst(%arg7 : memref<40x125xi32, #tpu.memory_space<vmem>>)
      tpu.yield
    }) : () -> ()
    "tpu.region"() ({
      %run_scoped3A_83 = tpu.sem_alloc : memref<!tpu.dma_semaphore, #tpu.memory_space<semaphore_mem>>
      %dma_start3A_84 = arith.constant 0 : i32
      %dma_start3A_85 = arith.constant 0 : i32
      %dma_start3A_86 = tpu.memref_slice %arg3[%add3A, %dma_start3A_84, %dma_start3A_85] : memref<32x40x125xi32, #tpu.memory_space<hbm>> -> memref<1x40x125xi32, #tpu.memory_space<hbm>>
      %dma_start3A_87 = tpu.memref_squeeze %dma_start3A_86 : memref<1x40x125xi32, #tpu.memory_space<hbm>> -> memref<40x125xi32, #tpu.memory_space<hbm>>
      %dma_start3A_88 = arith.constant 0 : i32
      %dma_start3A_89 = arith.constant 0 : i32
      %dma_start3A_90 = tpu.memref_slice %arg3[%add3A, %dma_start3A_88, %dma_start3A_89] : memref<32x40x125xi32, #tpu.memory_space<hbm>> -> memref<1x40x125xi32, #tpu.memory_space<hbm>>
      %dma_start3A_91 = tpu.memref_squeeze %dma_start3A_90 : memref<1x40x125xi32, #tpu.memory_space<hbm>> -> memref<40x125xi32, #tpu.memory_space<hbm>>
      tpu.enqueue_dma source(%dma_start3A_91 : memref<40x125xi32, #tpu.memory_space<hbm>>) target(%arg8 : memref<40x125xi32, #tpu.memory_space<vmem>>) target_semaphore(%run_scoped3A_83 : memref<!tpu.dma_semaphore, #tpu.memory_space<semaphore_mem>>)
      %dma_wait3A = arith.constant 0 : i32
      %dma_wait3A_92 = arith.constant 0 : i32
      %dma_wait3A_93 = tpu.memref_slice %arg3[%add3A, %dma_wait3A, %dma_wait3A_92] : memref<32x40x125xi32, #tpu.memory_space<hbm>> -> memref<1x40x125xi32, #tpu.memory_space<hbm>>
      %dma_wait3A_94 = tpu.memref_squeeze %dma_wait3A_93 : memref<1x40x125xi32, #tpu.memory_space<hbm>> -> memref<40x125xi32, #tpu.memory_space<hbm>>
      %dma_wait3A_95 = arith.constant 0 : i32
      %dma_wait3A_96 = arith.constant 0 : i32
      %dma_wait3A_97 = tpu.memref_slice %arg3[%add3A, %dma_wait3A_95, %dma_wait3A_96] : memref<32x40x125xi32, #tpu.memory_space<hbm>> -> memref<1x40x125xi32, #tpu.memory_space<hbm>>
      %dma_wait3A_98 = tpu.memref_squeeze %dma_wait3A_97 : memref<1x40x125xi32, #tpu.memory_space<hbm>> -> memref<40x125xi32, #tpu.memory_space<hbm>>
      tpu.wait_dma2 semaphore(%run_scoped3A_83 : memref<!tpu.dma_semaphore, #tpu.memory_space<semaphore_mem>>) src(%dma_wait3A_98 : memref<40x125xi32, #tpu.memory_space<hbm>>) dst(%arg8 : memref<40x125xi32, #tpu.memory_space<vmem>>)
      tpu.yield
    }) : () -> ()
    %mul3A_1 = arith.constant 640 : i32
    %mul3A_2 = arith.muli %arg1, %mul3A_1 : i32
    "tpu.region"() ({
      %run_scoped3A_83 = tpu.sem_alloc : memref<!tpu.dma_semaphore, #tpu.memory_space<semaphore_mem>>
      %dma_start3A_84 = arith.constant 0 : i32
      %dma_start3A_85 = tpu.memref_slice %arg11[%mul3A_2, %dma_start3A_84] : memref<10240x128xf32, #tpu.memory_space<vmem_shared>> -> memref<640x128xf32, #tpu.memory_space<vmem_shared>>
      tpu.enqueue_dma source(%arg5 : memref<640x128xf32, #tpu.memory_space<hbm>>) target(%dma_start3A_85 : memref<640x128xf32, #tpu.memory_space<vmem_shared>>) target_semaphore(%run_scoped3A_83 : memref<!tpu.dma_semaphore, #tpu.memory_space<semaphore_mem>>)
      %dma_wait3A = arith.constant 0 : i32
      %dma_wait3A_86 = tpu.memref_slice %arg11[%mul3A_2, %dma_wait3A] : memref<10240x128xf32, #tpu.memory_space<vmem_shared>> -> memref<640x128xf32, #tpu.memory_space<vmem_shared>>
      tpu.wait_dma2 semaphore(%run_scoped3A_83 : memref<!tpu.dma_semaphore, #tpu.memory_space<semaphore_mem>>) src(%arg5 : memref<640x128xf32, #tpu.memory_space<hbm>>) dst(%dma_wait3A_86 : memref<640x128xf32, #tpu.memory_space<vmem_shared>>)
      tpu.yield
    }) : () -> ()
    %barrier3A = arith.constant 0 : index
    tpu.barrier barrier_id(%barrier3A)
    %dma_start3A = arith.constant 0 : i32
    %dma_start3A_3 = arith.constant 0 : i32
    %dma_start3A_4 = arith.constant 0 : i32
    %dma_start3A_5 = tpu.memref_slice %arg7[%dma_start3A_3, %dma_start3A_4] : memref<40x125xi32, #tpu.memory_space<vmem>> -> memref<1x125xi32, #tpu.memory_space<vmem>>
    %dma_start3A_6 = tpu.memref_squeeze %dma_start3A_5 : memref<1x125xi32, #tpu.memory_space<vmem>> -> memref<125xi32, #tpu.memory_space<vmem>>
    %dma_start3A_7 = arith.constant 0 : i32
    %dma_start3A_8 = arith.constant 0 : i32
    %dma_start3A_9 = tpu.memref_slice %arg4[%dma_start3A, %dma_start3A_7, %dma_start3A_8] : memref<4x10240x128xf32, #tpu.memory_space<hbm>> -> memref<1x10240x128xf32, #tpu.memory_space<hbm>>
    %dma_start3A_10 = tpu.memref_squeeze %dma_start3A_9 : memref<1x10240x128xf32, #tpu.memory_space<hbm>> -> memref<10240x128xf32, #tpu.memory_space<hbm>>
    %dma_start3A_11 = arith.constant 0 : i32
    %dma_start3A_12 = arith.constant 0 : i32
    %dma_start3A_13 = tpu.memref_slice %dma_start3A_10[%dma_start3A_11, %dma_start3A_12] : memref<10240x128xf32, #tpu.memory_space<hbm>> -> memref<10240x128xf32, #tpu.memory_space<hbm>>
    tpu.enqueue_indirect_dma source(%dma_start3A_13 : memref<10240x128xf32, #tpu.memory_space<hbm>>) target(%arg9 : memref<125x128xf32, #tpu.memory_space<vmem>>) offsets(%dma_start3A_6 : memref<125xi32, #tpu.memory_space<vmem>>) semaphore(%arg12 : memref<!tpu.dma_semaphore, #tpu.memory_space<semaphore_mem>>)
    %scan3A = arith.constant 0 : i32
    %scan3A_14 = arith.constant 0 : i32
    %scan3A_15 = arith.constant 20 : i32
    %scan3A_16 = arith.addi %scan3A_14, %scan3A_15 : i32
    %scan3A_17 = arith.constant 1 : i32
    scf.for %scan3A_83 = %scan3A_14 to %scan3A_16 step %scan3A_17  : i32 {
      %mul3A_84 = arith.constant 2 : i32
      %mul3A_85 = arith.muli %mul3A_84, %scan3A_83 : i32
      %add3A_86 = arith.constant 0 : i32
      %add3A_87 = arith.addi %mul3A_85, %add3A_86 : i32
      %dma_wait3A = arith.constant 0 : i32
      %dma_wait3A_88 = arith.constant 0 : i32
      %dma_wait3A_89 = tpu.memref_slice %arg7[%add3A_87, %dma_wait3A_88] : memref<40x125xi32, #tpu.memory_space<vmem>> -> memref<1x125xi32, #tpu.memory_space<vmem>>
      %dma_wait3A_90 = tpu.memref_squeeze %dma_wait3A_89 : memref<1x125xi32, #tpu.memory_space<vmem>> -> memref<125xi32, #tpu.memory_space<vmem>>
      %dma_wait3A_91 = arith.constant 0 : i32
      %dma_wait3A_92 = arith.constant 0 : i32
      %dma_wait3A_93 = tpu.memref_slice %arg4[%dma_wait3A, %dma_wait3A_91, %dma_wait3A_92] : memref<4x10240x128xf32, #tpu.memory_space<hbm>> -> memref<1x10240x128xf32, #tpu.memory_space<hbm>>
      %dma_wait3A_94 = tpu.memref_squeeze %dma_wait3A_93 : memref<1x10240x128xf32, #tpu.memory_space<hbm>> -> memref<10240x128xf32, #tpu.memory_space<hbm>>
      %dma_wait3A_95 = arith.constant 0 : i32
      %dma_wait3A_96 = arith.constant 0 : i32
      %dma_wait3A_97 = tpu.memref_slice %dma_wait3A_94[%dma_wait3A_95, %dma_wait3A_96] : memref<10240x128xf32, #tpu.memory_space<hbm>> -> memref<10240x128xf32, #tpu.memory_space<hbm>>
      tpu.wait_indirect_dma semaphore(%arg12 : memref<!tpu.dma_semaphore, #tpu.memory_space<semaphore_mem>>) src(%dma_wait3A_97 : memref<10240x128xf32, #tpu.memory_space<hbm>>) dst(%arg9 : memref<125x128xf32, #tpu.memory_space<vmem>>)
      %add3A_98 = arith.constant 1 : i32
      %add3A_99 = arith.addi %add3A_87, %add3A_98 : i32
      %lt3A = arith.constant 40 : i32
      %lt3A_100 = arith.cmpi slt, %add3A_99, %lt3A : i32
      %convert_element_type3A = arith.extui %lt3A_100 : i1 to i32
      %cond3A = arith.constant 0 : i32
      %cond3A_101 = arith.cmpi ne, %convert_element_type3A, %cond3A : i32
      scf.if %cond3A_101 {
        %add3A_124 = arith.constant 1 : i32
        %add3A_125 = arith.addi %add3A_87, %add3A_124 : i32
        %dma_start3A_126 = arith.constant 0 : i32
        %dma_start3A_127 = arith.constant 0 : i32
        %dma_start3A_128 = tpu.memref_slice %arg7[%add3A_125, %dma_start3A_127] : memref<40x125xi32, #tpu.memory_space<vmem>> -> memref<1x125xi32, #tpu.memory_space<vmem>>
        %dma_start3A_129 = tpu.memref_squeeze %dma_start3A_128 : memref<1x125xi32, #tpu.memory_space<vmem>> -> memref<125xi32, #tpu.memory_space<vmem>>
        %dma_start3A_130 = arith.constant 0 : i32
        %dma_start3A_131 = arith.constant 0 : i32
        %dma_start3A_132 = tpu.memref_slice %arg4[%dma_start3A_126, %dma_start3A_130, %dma_start3A_131] : memref<4x10240x128xf32, #tpu.memory_space<hbm>> -> memref<1x10240x128xf32, #tpu.memory_space<hbm>>
        %dma_start3A_133 = tpu.memref_squeeze %dma_start3A_132 : memref<1x10240x128xf32, #tpu.memory_space<hbm>> -> memref<10240x128xf32, #tpu.memory_space<hbm>>
        %dma_start3A_134 = arith.constant 0 : i32
        %dma_start3A_135 = arith.constant 0 : i32
        %dma_start3A_136 = tpu.memref_slice %dma_start3A_133[%dma_start3A_134, %dma_start3A_135] : memref<10240x128xf32, #tpu.memory_space<hbm>> -> memref<10240x128xf32, #tpu.memory_space<hbm>>
        tpu.enqueue_indirect_dma source(%dma_start3A_136 : memref<10240x128xf32, #tpu.memory_space<hbm>>) target(%arg10 : memref<125x128xf32, #tpu.memory_space<vmem>>) offsets(%dma_start3A_129 : memref<125xi32, #tpu.memory_space<vmem>>) semaphore(%arg13 : memref<!tpu.dma_semaphore, #tpu.memory_space<semaphore_mem>>)
      } else {
      }
      "tpu.region"() ({
        %run_scoped3A_124 = tpu.sem_alloc : memref<!tpu.dma_semaphore, #tpu.memory_space<semaphore_mem>>
        %dma_start3A_125 = arith.constant 0 : i32
        %dma_start3A_126 = tpu.memref_slice %arg8[%add3A_87, %dma_start3A_125] : memref<40x125xi32, #tpu.memory_space<vmem>> -> memref<1x125xi32, #tpu.memory_space<vmem>>
        %dma_start3A_127 = tpu.memref_squeeze %dma_start3A_126 : memref<1x125xi32, #tpu.memory_space<vmem>> -> memref<125xi32, #tpu.memory_space<vmem>>
        %dma_start3A_128 = arith.constant 0 : i32
        %dma_start3A_129 = arith.constant 0 : i32
        %dma_start3A_130 = tpu.memref_slice %arg11[%dma_start3A_128, %dma_start3A_129] : memref<10240x128xf32, #tpu.memory_space<vmem_shared>> -> memref<10240x128xf32, #tpu.memory_space<vmem_shared>>
        tpu.enqueue_indirect_dma source(%arg9 : memref<125x128xf32, #tpu.memory_space<vmem>>) target(%dma_start3A_130 : memref<10240x128xf32, #tpu.memory_space<vmem_shared>>) offsets(%dma_start3A_127 : memref<125xi32, #tpu.memory_space<vmem>>) semaphore(%run_scoped3A_124 : memref<!tpu.dma_semaphore, #tpu.memory_space<semaphore_mem>>) {add = true}
        %dma_wait3A_131 = arith.constant 0 : i32
        %dma_wait3A_132 = tpu.memref_slice %arg8[%add3A_87, %dma_wait3A_131] : memref<40x125xi32, #tpu.memory_space<vmem>> -> memref<1x125xi32, #tpu.memory_space<vmem>>
        %dma_wait3A_133 = tpu.memref_squeeze %dma_wait3A_132 : memref<1x125xi32, #tpu.memory_space<vmem>> -> memref<125xi32, #tpu.memory_space<vmem>>
        %dma_wait3A_134 = arith.constant 0 : i32
        %dma_wait3A_135 = arith.constant 0 : i32
        %dma_wait3A_136 = tpu.memref_slice %arg11[%dma_wait3A_134, %dma_wait3A_135] : memref<10240x128xf32, #tpu.memory_space<vmem_shared>> -> memref<10240x128xf32, #tpu.memory_space<vmem_shared>>
        tpu.wait_indirect_dma semaphore(%run_scoped3A_124 : memref<!tpu.dma_semaphore, #tpu.memory_space<semaphore_mem>>) src(%arg9 : memref<125x128xf32, #tpu.memory_space<vmem>>) dst(%dma_wait3A_136 : memref<10240x128xf32, #tpu.memory_space<vmem_shared>>)
        tpu.yield
      }) : () -> ()
      %mul3A_102 = arith.constant 2 : i32
      %mul3A_103 = arith.muli %mul3A_102, %scan3A_83 : i32
      %add3A_104 = arith.constant 1 : i32
      %add3A_105 = arith.addi %mul3A_103, %add3A_104 : i32
      %dma_wait3A_106 = arith.constant 0 : i32
      %dma_wait3A_107 = arith.constant 0 : i32
      %dma_wait3A_108 = tpu.memref_slice %arg7[%add3A_105, %dma_wait3A_107] : memref<40x125xi32, #tpu.memory_space<vmem>> -> memref<1x125xi32, #tpu.memory_space<vmem>>
      %dma_wait3A_109 = tpu.memref_squeeze %dma_wait3A_108 : memref<1x125xi32, #tpu.memory_space<vmem>> -> memref<125xi32, #tpu.memory_space<vmem>>
      %dma_wait3A_110 = arith.constant 0 : i32
      %dma_wait3A_111 = arith.constant 0 : i32
      %dma_wait3A_112 = tpu.memref_slice %arg4[%dma_wait3A_106, %dma_wait3A_110, %dma_wait3A_111] : memref<4x10240x128xf32, #tpu.memory_space<hbm>> -> memref<1x10240x128xf32, #tpu.memory_space<hbm>>
      %dma_wait3A_113 = tpu.memref_squeeze %dma_wait3A_112 : memref<1x10240x128xf32, #tpu.memory_space<hbm>> -> memref<10240x128xf32, #tpu.memory_space<hbm>>
      %dma_wait3A_114 = arith.constant 0 : i32
      %dma_wait3A_115 = arith.constant 0 : i32
      %dma_wait3A_116 = tpu.memref_slice %dma_wait3A_113[%dma_wait3A_114, %dma_wait3A_115] : memref<10240x128xf32, #tpu.memory_space<hbm>> -> memref<10240x128xf32, #tpu.memory_space<hbm>>
      tpu.wait_indirect_dma semaphore(%arg13 : memref<!tpu.dma_semaphore, #tpu.memory_space<semaphore_mem>>) src(%dma_wait3A_116 : memref<10240x128xf32, #tpu.memory_space<hbm>>) dst(%arg10 : memref<125x128xf32, #tpu.memory_space<vmem>>)
      %add3A_117 = arith.constant 1 : i32
      %add3A_118 = arith.addi %add3A_105, %add3A_117 : i32
      %lt3A_119 = arith.constant 40 : i32
      %lt3A_120 = arith.cmpi slt, %add3A_118, %lt3A_119 : i32
      %convert_element_type3A_121 = arith.extui %lt3A_120 : i1 to i32
      %cond3A_122 = arith.constant 0 : i32
      %cond3A_123 = arith.cmpi ne, %convert_element_type3A_121, %cond3A_122 : i32
      scf.if %cond3A_123 {
        %add3A_124 = arith.constant 1 : i32
        %add3A_125 = arith.addi %add3A_105, %add3A_124 : i32
        %dma_start3A_126 = arith.constant 0 : i32
        %dma_start3A_127 = arith.constant 0 : i32
        %dma_start3A_128 = tpu.memref_slice %arg7[%add3A_125, %dma_start3A_127] : memref<40x125xi32, #tpu.memory_space<vmem>> -> memref<1x125xi32, #tpu.memory_space<vmem>>
        %dma_start3A_129 = tpu.memref_squeeze %dma_start3A_128 : memref<1x125xi32, #tpu.memory_space<vmem>> -> memref<125xi32, #tpu.memory_space<vmem>>
        %dma_start3A_130 = arith.constant 0 : i32
        %dma_start3A_131 = arith.constant 0 : i32
        %dma_start3A_132 = tpu.memref_slice %arg4[%dma_start3A_126, %dma_start3A_130, %dma_start3A_131] : memref<4x10240x128xf32, #tpu.memory_space<hbm>> -> memref<1x10240x128xf32, #tpu.memory_space<hbm>>
        %dma_start3A_133 = tpu.memref_squeeze %dma_start3A_132 : memref<1x10240x128xf32, #tpu.memory_space<hbm>> -> memref<10240x128xf32, #tpu.memory_space<hbm>>
        %dma_start3A_134 = arith.constant 0 : i32
        %dma_start3A_135 = arith.constant 0 : i32
        %dma_start3A_136 = tpu.memref_slice %dma_start3A_133[%dma_start3A_134, %dma_start3A_135] : memref<10240x128xf32, #tpu.memory_space<hbm>> -> memref<10240x128xf32, #tpu.memory_space<hbm>>
        tpu.enqueue_indirect_dma source(%dma_start3A_136 : memref<10240x128xf32, #tpu.memory_space<hbm>>) target(%arg9 : memref<125x128xf32, #tpu.memory_space<vmem>>) offsets(%dma_start3A_129 : memref<125xi32, #tpu.memory_space<vmem>>) semaphore(%arg12 : memref<!tpu.dma_semaphore, #tpu.memory_space<semaphore_mem>>)
      } else {
      }
      "tpu.region"() ({
        %run_scoped3A_124 = tpu.sem_alloc : memref<!tpu.dma_semaphore, #tpu.memory_space<semaphore_mem>>
        %dma_start3A_125 = arith.constant 0 : i32
        %dma_start3A_126 = tpu.memref_slice %arg8[%add3A_105, %dma_start3A_125] : memref<40x125xi32, #tpu.memory_space<vmem>> -> memref<1x125xi32, #tpu.memory_space<vmem>>
        %dma_start3A_127 = tpu.memref_squeeze %dma_start3A_126 : memref<1x125xi32, #tpu.memory_space<vmem>> -> memref<125xi32, #tpu.memory_space<vmem>>
        %dma_start3A_128 = arith.constant 0 : i32
        %dma_start3A_129 = arith.constant 0 : i32
        %dma_start3A_130 = tpu.memref_slice %arg11[%dma_start3A_128, %dma_start3A_129] : memref<10240x128xf32, #tpu.memory_space<vmem_shared>> -> memref<10240x128xf32, #tpu.memory_space<vmem_shared>>
        tpu.enqueue_indirect_dma source(%arg10 : memref<125x128xf32, #tpu.memory_space<vmem>>) target(%dma_start3A_130 : memref<10240x128xf32, #tpu.memory_space<vmem_shared>>) offsets(%dma_start3A_127 : memref<125xi32, #tpu.memory_space<vmem>>) semaphore(%run_scoped3A_124 : memref<!tpu.dma_semaphore, #tpu.memory_space<semaphore_mem>>) {add = true}
        %dma_wait3A_131 = arith.constant 0 : i32
        %dma_wait3A_132 = tpu.memref_slice %arg8[%add3A_105, %dma_wait3A_131] : memref<40x125xi32, #tpu.memory_space<vmem>> -> memref<1x125xi32, #tpu.memory_space<vmem>>
        %dma_wait3A_133 = tpu.memref_squeeze %dma_wait3A_132 : memref<1x125xi32, #tpu.memory_space<vmem>> -> memref<125xi32, #tpu.memory_space<vmem>>
        %dma_wait3A_134 = arith.constant 0 : i32
        %dma_wait3A_135 = arith.constant 0 : i32
        %dma_wait3A_136 = tpu.memref_slice %arg11[%dma_wait3A_134, %dma_wait3A_135] : memref<10240x128xf32, #tpu.memory_space<vmem_shared>> -> memref<10240x128xf32, #tpu.memory_space<vmem_shared>>
        tpu.wait_indirect_dma semaphore(%run_scoped3A_124 : memref<!tpu.dma_semaphore, #tpu.memory_space<semaphore_mem>>) src(%arg10 : memref<125x128xf32, #tpu.memory_space<vmem>>) dst(%dma_wait3A_136 : memref<10240x128xf32, #tpu.memory_space<vmem_shared>>)
        tpu.yield
      }) : () -> ()
    }
    %scan3A_18 = arith.constant 20 : i32
    %barrier3A_19 = arith.constant 0 : index
    tpu.barrier barrier_id(%barrier3A_19)
    %run_scoped3A = arith.constant 0 : i32
    "tpu.region"() ({
      %run_scoped3A_83 = tpu.sem_alloc : memref<!tpu.dma_semaphore, #tpu.memory_space<semaphore_mem>>
      %dma_start3A_84 = arith.constant 0 : i32
      %dma_start3A_85 = arith.constant 0 : i32
      %dma_start3A_86 = arith.constant 0 : i32
      %dma_start3A_87 = tpu.memref_slice %arg6[%arg0, %dma_start3A_84, %dma_start3A_85, %dma_start3A_86] : memref<2x4x10240x128xf32, #tpu.memory_space<hbm>> -> memref<1x4x10240x128xf32, #tpu.memory_space<hbm>>
      %dma_start3A_88 = tpu.memref_squeeze %dma_start3A_87 : memref<1x4x10240x128xf32, #tpu.memory_space<hbm>> -> memref<4x10240x128xf32, #tpu.memory_space<hbm>>
      %dma_start3A_89 = arith.constant 0 : i32
      %dma_start3A_90 = arith.constant 0 : i32
      %dma_start3A_91 = tpu.memref_slice %dma_start3A_88[%run_scoped3A, %dma_start3A_89, %dma_start3A_90] : memref<4x10240x128xf32, #tpu.memory_space<hbm>> -> memref<1x10240x128xf32, #tpu.memory_space<hbm>>
      %dma_start3A_92 = tpu.memref_squeeze %dma_start3A_91 : memref<1x10240x128xf32, #tpu.memory_space<hbm>> -> memref<10240x128xf32, #tpu.memory_space<hbm>>
      %dma_start3A_93 = arith.constant 0 : i32
      %dma_start3A_94 = tpu.memref_slice %dma_start3A_92[%mul3A_2, %dma_start3A_93] : memref<10240x128xf32, #tpu.memory_space<hbm>> -> memref<640x128xf32, #tpu.memory_space<hbm>>
      %dma_start3A_95 = arith.constant 0 : i32
      %dma_start3A_96 = tpu.memref_slice %arg11[%mul3A_2, %dma_start3A_95] : memref<10240x128xf32, #tpu.memory_space<vmem_shared>> -> memref<640x128xf32, #tpu.memory_space<vmem_shared>>
      tpu.enqueue_dma source(%dma_start3A_96 : memref<640x128xf32, #tpu.memory_space<vmem_shared>>) target(%dma_start3A_94 : memref<640x128xf32, #tpu.memory_space<hbm>>) target_semaphore(%run_scoped3A_83 : memref<!tpu.dma_semaphore, #tpu.memory_space<semaphore_mem>>)
      %dma_wait3A = arith.constant 0 : i32
      %dma_wait3A_97 = arith.constant 0 : i32
      %dma_wait3A_98 = arith.constant 0 : i32
      %dma_wait3A_99 = tpu.memref_slice %arg6[%arg0, %dma_wait3A, %dma_wait3A_97, %dma_wait3A_98] : memref<2x4x10240x128xf32, #tpu.memory_space<hbm>> -> memref<1x4x10240x128xf32, #tpu.memory_space<hbm>>
      %dma_wait3A_100 = tpu.memref_squeeze %dma_wait3A_99 : memref<1x4x10240x128xf32, #tpu.memory_space<hbm>> -> memref<4x10240x128xf32, #tpu.memory_space<hbm>>
      %dma_wait3A_101 = arith.constant 0 : i32
      %dma_wait3A_102 = arith.constant 0 : i32
      %dma_wait3A_103 = tpu.memref_slice %dma_wait3A_100[%run_scoped3A, %dma_wait3A_101, %dma_wait3A_102] : memref<4x10240x128xf32, #tpu.memory_space<hbm>> -> memref<1x10240x128xf32, #tpu.memory_space<hbm>>
      %dma_wait3A_104 = tpu.memref_squeeze %dma_wait3A_103 : memref<1x10240x128xf32, #tpu.memory_space<hbm>> -> memref<10240x128xf32, #tpu.memory_space<hbm>>
      %dma_wait3A_105 = arith.constant 0 : i32
      %dma_wait3A_106 = tpu.memref_slice %dma_wait3A_104[%mul3A_2, %dma_wait3A_105] : memref<10240x128xf32, #tpu.memory_space<hbm>> -> memref<640x128xf32, #tpu.memory_space<hbm>>
      %dma_wait3A_107 = arith.constant 0 : i32
      %dma_wait3A_108 = tpu.memref_slice %arg11[%mul3A_2, %dma_wait3A_107] : memref<10240x128xf32, #tpu.memory_space<vmem_shared>> -> memref<640x128xf32, #tpu.memory_space<vmem_shared>>
      tpu.wait_dma2 semaphore(%run_scoped3A_83 : memref<!tpu.dma_semaphore, #tpu.memory_space<semaphore_mem>>) src(%dma_wait3A_108 : memref<640x128xf32, #tpu.memory_space<vmem_shared>>) dst(%dma_wait3A_106 : memref<640x128xf32, #tpu.memory_space<hbm>>)
      tpu.yield
    }) : () -> ()
    "tpu.region"() ({
      %run_scoped3A_83 = tpu.sem_alloc : memref<!tpu.dma_semaphore, #tpu.memory_space<semaphore_mem>>
      %dma_start3A_84 = arith.constant 0 : i32
      %dma_start3A_85 = tpu.memref_slice %arg11[%mul3A_2, %dma_start3A_84] : memref<10240x128xf32, #tpu.memory_space<vmem_shared>> -> memref<640x128xf32, #tpu.memory_space<vmem_shared>>
      tpu.enqueue_dma source(%arg5 : memref<640x128xf32, #tpu.memory_space<hbm>>) target(%dma_start3A_85 : memref<640x128xf32, #tpu.memory_space<vmem_shared>>) target_semaphore(%run_scoped3A_83 : memref<!tpu.dma_semaphore, #tpu.memory_space<semaphore_mem>>)
      %dma_wait3A = arith.constant 0 : i32
      %dma_wait3A_86 = tpu.memref_slice %arg11[%mul3A_2, %dma_wait3A] : memref<10240x128xf32, #tpu.memory_space<vmem_shared>> -> memref<640x128xf32, #tpu.memory_space<vmem_shared>>
      tpu.wait_dma2 semaphore(%run_scoped3A_83 : memref<!tpu.dma_semaphore, #tpu.memory_space<semaphore_mem>>) src(%arg5 : memref<640x128xf32, #tpu.memory_space<hbm>>) dst(%dma_wait3A_86 : memref<640x128xf32, #tpu.memory_space<vmem_shared>>)
      tpu.yield
    }) : () -> ()
    %barrier3A_20 = arith.constant 0 : index
    tpu.barrier barrier_id(%barrier3A_20)
    %dma_start3A_21 = arith.constant 1 : i32
    %dma_start3A_22 = arith.constant 0 : i32
    %dma_start3A_23 = arith.constant 0 : i32
    %dma_start3A_24 = tpu.memref_slice %arg7[%dma_start3A_22, %dma_start3A_23] : memref<40x125xi32, #tpu.memory_space<vmem>> -> memref<1x125xi32, #tpu.memory_space<vmem>>
    %dma_start3A_25 = tpu.memref_squeeze %dma_start3A_24 : memref<1x125xi32, #tpu.memory_space<vmem>> -> memref<125xi32, #tpu.memory_space<vmem>>
    %dma_start3A_26 = arith.constant 0 : i32
    %dma_start3A_27 = arith.constant 0 : i32
    %dma_start3A_28 = tpu.memref_slice %arg4[%dma_start3A_21, %dma_start3A_26, %dma_start3A_27] : memref<4x10240x128xf32, #tpu.memory_space<hbm>> -> memref<1x10240x128xf32, #tpu.memory_space<hbm>>
    %dma_start3A_29 = tpu.memref_squeeze %dma_start3A_28 : memref<1x10240x128xf32, #tpu.memory_space<hbm>> -> memref<10240x128xf32, #tpu.memory_space<hbm>>
    %dma_start3A_30 = arith.constant 0 : i32
    %dma_start3A_31 = arith.constant 0 : i32
    %dma_start3A_32 = tpu.memref_slice %dma_start3A_29[%dma_start3A_30, %dma_start3A_31] : memref<10240x128xf32, #tpu.memory_space<hbm>> -> memref<10240x128xf32, #tpu.memory_space<hbm>>
    tpu.enqueue_indirect_dma source(%dma_start3A_32 : memref<10240x128xf32, #tpu.memory_space<hbm>>) target(%arg9 : memref<125x128xf32, #tpu.memory_space<vmem>>) offsets(%dma_start3A_25 : memref<125xi32, #tpu.memory_space<vmem>>) semaphore(%arg12 : memref<!tpu.dma_semaphore, #tpu.memory_space<semaphore_mem>>)
    %scan3A_33 = arith.constant 0 : i32
    %scan3A_34 = arith.constant 0 : i32
    %scan3A_35 = arith.constant 20 : i32
    %scan3A_36 = arith.addi %scan3A_34, %scan3A_35 : i32
    %scan3A_37 = arith.constant 1 : i32
    scf.for %scan3A_83 = %scan3A_34 to %scan3A_36 step %scan3A_37  : i32 {
      %mul3A_84 = arith.constant 2 : i32
      %mul3A_85 = arith.muli %mul3A_84, %scan3A_83 : i32
      %add3A_86 = arith.constant 0 : i32
      %add3A_87 = arith.addi %mul3A_85, %add3A_86 : i32
      %dma_wait3A = arith.constant 1 : i32
      %dma_wait3A_88 = arith.constant 0 : i32
      %dma_wait3A_89 = tpu.memref_slice %arg7[%add3A_87, %dma_wait3A_88] : memref<40x125xi32, #tpu.memory_space<vmem>> -> memref<1x125xi32, #tpu.memory_space<vmem>>
      %dma_wait3A_90 = tpu.memref_squeeze %dma_wait3A_89 : memref<1x125xi32, #tpu.memory_space<vmem>> -> memref<125xi32, #tpu.memory_space<vmem>>
      %dma_wait3A_91 = arith.constant 0 : i32
      %dma_wait3A_92 = arith.constant 0 : i32
      %dma_wait3A_93 = tpu.memref_slice %arg4[%dma_wait3A, %dma_wait3A_91, %dma_wait3A_92] : memref<4x10240x128xf32, #tpu.memory_space<hbm>> -> memref<1x10240x128xf32, #tpu.memory_space<hbm>>
      %dma_wait3A_94 = tpu.memref_squeeze %dma_wait3A_93 : memref<1x10240x128xf32, #tpu.memory_space<hbm>> -> memref<10240x128xf32, #tpu.memory_space<hbm>>
      %dma_wait3A_95 = arith.constant 0 : i32
      %dma_wait3A_96 = arith.constant 0 : i32
      %dma_wait3A_97 = tpu.memref_slice %dma_wait3A_94[%dma_wait3A_95, %dma_wait3A_96] : memref<10240x128xf32, #tpu.memory_space<hbm>> -> memref<10240x128xf32, #tpu.memory_space<hbm>>
      tpu.wait_indirect_dma semaphore(%arg12 : memref<!tpu.dma_semaphore, #tpu.memory_space<semaphore_mem>>) src(%dma_wait3A_97 : memref<10240x128xf32, #tpu.memory_space<hbm>>) dst(%arg9 : memref<125x128xf32, #tpu.memory_space<vmem>>)
      %add3A_98 = arith.constant 1 : i32
      %add3A_99 = arith.addi %add3A_87, %add3A_98 : i32
      %lt3A = arith.constant 40 : i32
      %lt3A_100 = arith.cmpi slt, %add3A_99, %lt3A : i32
      %convert_element_type3A = arith.extui %lt3A_100 : i1 to i32
      %cond3A = arith.constant 0 : i32
      %cond3A_101 = arith.cmpi ne, %convert_element_type3A, %cond3A : i32
      scf.if %cond3A_101 {
        %add3A_124 = arith.constant 1 : i32
        %add3A_125 = arith.addi %add3A_87, %add3A_124 : i32
        %dma_start3A_126 = arith.constant 1 : i32
        %dma_start3A_127 = arith.constant 0 : i32
        %dma_start3A_128 = tpu.memref_slice %arg7[%add3A_125, %dma_start3A_127] : memref<40x125xi32, #tpu.memory_space<vmem>> -> memref<1x125xi32, #tpu.memory_space<vmem>>
        %dma_start3A_129 = tpu.memref_squeeze %dma_start3A_128 : memref<1x125xi32, #tpu.memory_space<vmem>> -> memref<125xi32, #tpu.memory_space<vmem>>
        %dma_start3A_130 = arith.constant 0 : i32
        %dma_start3A_131 = arith.constant 0 : i32
        %dma_start3A_132 = tpu.memref_slice %arg4[%dma_start3A_126, %dma_start3A_130, %dma_start3A_131] : memref<4x10240x128xf32, #tpu.memory_space<hbm>> -> memref<1x10240x128xf32, #tpu.memory_space<hbm>>
        %dma_start3A_133 = tpu.memref_squeeze %dma_start3A_132 : memref<1x10240x128xf32, #tpu.memory_space<hbm>> -> memref<10240x128xf32, #tpu.memory_space<hbm>>
        %dma_start3A_134 = arith.constant 0 : i32
        %dma_start3A_135 = arith.constant 0 : i32
        %dma_start3A_136 = tpu.memref_slice %dma_start3A_133[%dma_start3A_134, %dma_start3A_135] : memref<10240x128xf32, #tpu.memory_space<hbm>> -> memref<10240x128xf32, #tpu.memory_space<hbm>>
        tpu.enqueue_indirect_dma source(%dma_start3A_136 : memref<10240x128xf32, #tpu.memory_space<hbm>>) target(%arg10 : memref<125x128xf32, #tpu.memory_space<vmem>>) offsets(%dma_start3A_129 : memref<125xi32, #tpu.memory_space<vmem>>) semaphore(%arg13 : memref<!tpu.dma_semaphore, #tpu.memory_space<semaphore_mem>>)
      } else {
      }
      "tpu.region"() ({
        %run_scoped3A_124 = tpu.sem_alloc : memref<!tpu.dma_semaphore, #tpu.memory_space<semaphore_mem>>
        %dma_start3A_125 = arith.constant 0 : i32
        %dma_start3A_126 = tpu.memref_slice %arg8[%add3A_87, %dma_start3A_125] : memref<40x125xi32, #tpu.memory_space<vmem>> -> memref<1x125xi32, #tpu.memory_space<vmem>>
        %dma_start3A_127 = tpu.memref_squeeze %dma_start3A_126 : memref<1x125xi32, #tpu.memory_space<vmem>> -> memref<125xi32, #tpu.memory_space<vmem>>
        %dma_start3A_128 = arith.constant 0 : i32
        %dma_start3A_129 = arith.constant 0 : i32
        %dma_start3A_130 = tpu.memref_slice %arg11[%dma_start3A_128, %dma_start3A_129] : memref<10240x128xf32, #tpu.memory_space<vmem_shared>> -> memref<10240x128xf32, #tpu.memory_space<vmem_shared>>
        tpu.enqueue_indirect_dma source(%arg9 : memref<125x128xf32, #tpu.memory_space<vmem>>) target(%dma_start3A_130 : memref<10240x128xf32, #tpu.memory_space<vmem_shared>>) offsets(%dma_start3A_127 : memref<125xi32, #tpu.memory_space<vmem>>) semaphore(%run_scoped3A_124 : memref<!tpu.dma_semaphore, #tpu.memory_space<semaphore_mem>>) {add = true}
        %dma_wait3A_131 = arith.constant 0 : i32
        %dma_wait3A_132 = tpu.memref_slice %arg8[%add3A_87, %dma_wait3A_131] : memref<40x125xi32, #tpu.memory_space<vmem>> -> memref<1x125xi32, #tpu.memory_space<vmem>>
        %dma_wait3A_133 = tpu.memref_squeeze %dma_wait3A_132 : memref<1x125xi32, #tpu.memory_space<vmem>> -> memref<125xi32, #tpu.memory_space<vmem>>
        %dma_wait3A_134 = arith.constant 0 : i32
        %dma_wait3A_135 = arith.constant 0 : i32
        %dma_wait3A_136 = tpu.memref_slice %arg11[%dma_wait3A_134, %dma_wait3A_135] : memref<10240x128xf32, #tpu.memory_space<vmem_shared>> -> memref<10240x128xf32, #tpu.memory_space<vmem_shared>>
        tpu.wait_indirect_dma semaphore(%run_scoped3A_124 : memref<!tpu.dma_semaphore, #tpu.memory_space<semaphore_mem>>) src(%arg9 : memref<125x128xf32, #tpu.memory_space<vmem>>) dst(%dma_wait3A_136 : memref<10240x128xf32, #tpu.memory_space<vmem_shared>>)
        tpu.yield
      }) : () -> ()
      %mul3A_102 = arith.constant 2 : i32
      %mul3A_103 = arith.muli %mul3A_102, %scan3A_83 : i32
      %add3A_104 = arith.constant 1 : i32
      %add3A_105 = arith.addi %mul3A_103, %add3A_104 : i32
      %dma_wait3A_106 = arith.constant 1 : i32
      %dma_wait3A_107 = arith.constant 0 : i32
      %dma_wait3A_108 = tpu.memref_slice %arg7[%add3A_105, %dma_wait3A_107] : memref<40x125xi32, #tpu.memory_space<vmem>> -> memref<1x125xi32, #tpu.memory_space<vmem>>
      %dma_wait3A_109 = tpu.memref_squeeze %dma_wait3A_108 : memref<1x125xi32, #tpu.memory_space<vmem>> -> memref<125xi32, #tpu.memory_space<vmem>>
      %dma_wait3A_110 = arith.constant 0 : i32
      %dma_wait3A_111 = arith.constant 0 : i32
      %dma_wait3A_112 = tpu.memref_slice %arg4[%dma_wait3A_106, %dma_wait3A_110, %dma_wait3A_111] : memref<4x10240x128xf32, #tpu.memory_space<hbm>> -> memref<1x10240x128xf32, #tpu.memory_space<hbm>>
      %dma_wait3A_113 = tpu.memref_squeeze %dma_wait3A_112 : memref<1x10240x128xf32, #tpu.memory_space<hbm>> -> memref<10240x128xf32, #tpu.memory_space<hbm>>
      %dma_wait3A_114 = arith.constant 0 : i32
      %dma_wait3A_115 = arith.constant 0 : i32
      %dma_wait3A_116 = tpu.memref_slice %dma_wait3A_113[%dma_wait3A_114, %dma_wait3A_115] : memref<10240x128xf32, #tpu.memory_space<hbm>> -> memref<10240x128xf32, #tpu.memory_space<hbm>>
      tpu.wait_indirect_dma semaphore(%arg13 : memref<!tpu.dma_semaphore, #tpu.memory_space<semaphore_mem>>) src(%dma_wait3A_116 : memref<10240x128xf32, #tpu.memory_space<hbm>>) dst(%arg10 : memref<125x128xf32, #tpu.memory_space<vmem>>)
      %add3A_117 = arith.constant 1 : i32
      %add3A_118 = arith.addi %add3A_105, %add3A_117 : i32
      %lt3A_119 = arith.constant 40 : i32
      %lt3A_120 = arith.cmpi slt, %add3A_118, %lt3A_119 : i32
      %convert_element_type3A_121 = arith.extui %lt3A_120 : i1 to i32
      %cond3A_122 = arith.constant 0 : i32
      %cond3A_123 = arith.cmpi ne, %convert_element_type3A_121, %cond3A_122 : i32
      scf.if %cond3A_123 {
        %add3A_124 = arith.constant 1 : i32
        %add3A_125 = arith.addi %add3A_105, %add3A_124 : i32
        %dma_start3A_126 = arith.constant 1 : i32
        %dma_start3A_127 = arith.constant 0 : i32
        %dma_start3A_128 = tpu.memref_slice %arg7[%add3A_125, %dma_start3A_127] : memref<40x125xi32, #tpu.memory_space<vmem>> -> memref<1x125xi32, #tpu.memory_space<vmem>>
        %dma_start3A_129 = tpu.memref_squeeze %dma_start3A_128 : memref<1x125xi32, #tpu.memory_space<vmem>> -> memref<125xi32, #tpu.memory_space<vmem>>
        %dma_start3A_130 = arith.constant 0 : i32
        %dma_start3A_131 = arith.constant 0 : i32
        %dma_start3A_132 = tpu.memref_slice %arg4[%dma_start3A_126, %dma_start3A_130, %dma_start3A_131] : memref<4x10240x128xf32, #tpu.memory_space<hbm>> -> memref<1x10240x128xf32, #tpu.memory_space<hbm>>
        %dma_start3A_133 = tpu.memref_squeeze %dma_start3A_132 : memref<1x10240x128xf32, #tpu.memory_space<hbm>> -> memref<10240x128xf32, #tpu.memory_space<hbm>>
        %dma_start3A_134 = arith.constant 0 : i32
        %dma_start3A_135 = arith.constant 0 : i32
        %dma_start3A_136 = tpu.memref_slice %dma_start3A_133[%dma_start3A_134, %dma_start3A_135] : memref<10240x128xf32, #tpu.memory_space<hbm>> -> memref<10240x128xf32, #tpu.memory_space<hbm>>
        tpu.enqueue_indirect_dma source(%dma_start3A_136 : memref<10240x128xf32, #tpu.memory_space<hbm>>) target(%arg9 : memref<125x128xf32, #tpu.memory_space<vmem>>) offsets(%dma_start3A_129 : memref<125xi32, #tpu.memory_space<vmem>>) semaphore(%arg12 : memref<!tpu.dma_semaphore, #tpu.memory_space<semaphore_mem>>)
      } else {
      }
      "tpu.region"() ({
        %run_scoped3A_124 = tpu.sem_alloc : memref<!tpu.dma_semaphore, #tpu.memory_space<semaphore_mem>>
        %dma_start3A_125 = arith.constant 0 : i32
        %dma_start3A_126 = tpu.memref_slice %arg8[%add3A_105, %dma_start3A_125] : memref<40x125xi32, #tpu.memory_space<vmem>> -> memref<1x125xi32, #tpu.memory_space<vmem>>
        %dma_start3A_127 = tpu.memref_squeeze %dma_start3A_126 : memref<1x125xi32, #tpu.memory_space<vmem>> -> memref<125xi32, #tpu.memory_space<vmem>>
        %dma_start3A_128 = arith.constant 0 : i32
        %dma_start3A_129 = arith.constant 0 : i32
        %dma_start3A_130 = tpu.memref_slice %arg11[%dma_start3A_128, %dma_start3A_129] : memref<10240x128xf32, #tpu.memory_space<vmem_shared>> -> memref<10240x128xf32, #tpu.memory_space<vmem_shared>>
        tpu.enqueue_indirect_dma source(%arg10 : memref<125x128xf32, #tpu.memory_space<vmem>>) target(%dma_start3A_130 : memref<10240x128xf32, #tpu.memory_space<vmem_shared>>) offsets(%dma_start3A_127 : memref<125xi32, #tpu.memory_space<vmem>>) semaphore(%run_scoped3A_124 : memref<!tpu.dma_semaphore, #tpu.memory_space<semaphore_mem>>) {add = true}
        %dma_wait3A_131 = arith.constant 0 : i32
        %dma_wait3A_132 = tpu.memref_slice %arg8[%add3A_105, %dma_wait3A_131] : memref<40x125xi32, #tpu.memory_space<vmem>> -> memref<1x125xi32, #tpu.memory_space<vmem>>
        %dma_wait3A_133 = tpu.memref_squeeze %dma_wait3A_132 : memref<1x125xi32, #tpu.memory_space<vmem>> -> memref<125xi32, #tpu.memory_space<vmem>>
        %dma_wait3A_134 = arith.constant 0 : i32
        %dma_wait3A_135 = arith.constant 0 : i32
        %dma_wait3A_136 = tpu.memref_slice %arg11[%dma_wait3A_134, %dma_wait3A_135] : memref<10240x128xf32, #tpu.memory_space<vmem_shared>> -> memref<10240x128xf32, #tpu.memory_space<vmem_shared>>
        tpu.wait_indirect_dma semaphore(%run_scoped3A_124 : memref<!tpu.dma_semaphore, #tpu.memory_space<semaphore_mem>>) src(%arg10 : memref<125x128xf32, #tpu.memory_space<vmem>>) dst(%dma_wait3A_136 : memref<10240x128xf32, #tpu.memory_space<vmem_shared>>)
        tpu.yield
      }) : () -> ()
    }
    %scan3A_38 = arith.constant 20 : i32
    %barrier3A_39 = arith.constant 0 : index
    tpu.barrier barrier_id(%barrier3A_39)
    %run_scoped3A_40 = arith.constant 1 : i32
    "tpu.region"() ({
      %run_scoped3A_83 = tpu.sem_alloc : memref<!tpu.dma_semaphore, #tpu.memory_space<semaphore_mem>>
      %dma_start3A_84 = arith.constant 0 : i32
      %dma_start3A_85 = arith.constant 0 : i32
      %dma_start3A_86 = arith.constant 0 : i32
      %dma_start3A_87 = tpu.memref_slice %arg6[%arg0, %dma_start3A_84, %dma_start3A_85, %dma_start3A_86] : memref<2x4x10240x128xf32, #tpu.memory_space<hbm>> -> memref<1x4x10240x128xf32, #tpu.memory_space<hbm>>
      %dma_start3A_88 = tpu.memref_squeeze %dma_start3A_87 : memref<1x4x10240x128xf32, #tpu.memory_space<hbm>> -> memref<4x10240x128xf32, #tpu.memory_space<hbm>>
      %dma_start3A_89 = arith.constant 0 : i32
      %dma_start3A_90 = arith.constant 0 : i32
      %dma_start3A_91 = tpu.memref_slice %dma_start3A_88[%run_scoped3A_40, %dma_start3A_89, %dma_start3A_90] : memref<4x10240x128xf32, #tpu.memory_space<hbm>> -> memref<1x10240x128xf32, #tpu.memory_space<hbm>>
      %dma_start3A_92 = tpu.memref_squeeze %dma_start3A_91 : memref<1x10240x128xf32, #tpu.memory_space<hbm>> -> memref<10240x128xf32, #tpu.memory_space<hbm>>
      %dma_start3A_93 = arith.constant 0 : i32
      %dma_start3A_94 = tpu.memref_slice %dma_start3A_92[%mul3A_2, %dma_start3A_93] : memref<10240x128xf32, #tpu.memory_space<hbm>> -> memref<640x128xf32, #tpu.memory_space<hbm>>
      %dma_start3A_95 = arith.constant 0 : i32
      %dma_start3A_96 = tpu.memref_slice %arg11[%mul3A_2, %dma_start3A_95] : memref<10240x128xf32, #tpu.memory_space<vmem_shared>> -> memref<640x128xf32, #tpu.memory_space<vmem_shared>>
      tpu.enqueue_dma source(%dma_start3A_96 : memref<640x128xf32, #tpu.memory_space<vmem_shared>>) target(%dma_start3A_94 : memref<640x128xf32, #tpu.memory_space<hbm>>) target_semaphore(%run_scoped3A_83 : memref<!tpu.dma_semaphore, #tpu.memory_space<semaphore_mem>>)
      %dma_wait3A = arith.constant 0 : i32
      %dma_wait3A_97 = arith.constant 0 : i32
      %dma_wait3A_98 = arith.constant 0 : i32
      %dma_wait3A_99 = tpu.memref_slice %arg6[%arg0, %dma_wait3A, %dma_wait3A_97, %dma_wait3A_98] : memref<2x4x10240x128xf32, #tpu.memory_space<hbm>> -> memref<1x4x10240x128xf32, #tpu.memory_space<hbm>>
      %dma_wait3A_100 = tpu.memref_squeeze %dma_wait3A_99 : memref<1x4x10240x128xf32, #tpu.memory_space<hbm>> -> memref<4x10240x128xf32, #tpu.memory_space<hbm>>
      %dma_wait3A_101 = arith.constant 0 : i32
      %dma_wait3A_102 = arith.constant 0 : i32
      %dma_wait3A_103 = tpu.memref_slice %dma_wait3A_100[%run_scoped3A_40, %dma_wait3A_101, %dma_wait3A_102] : memref<4x10240x128xf32, #tpu.memory_space<hbm>> -> memref<1x10240x128xf32, #tpu.memory_space<hbm>>
      %dma_wait3A_104 = tpu.memref_squeeze %dma_wait3A_103 : memref<1x10240x128xf32, #tpu.memory_space<hbm>> -> memref<10240x128xf32, #tpu.memory_space<hbm>>
      %dma_wait3A_105 = arith.constant 0 : i32
      %dma_wait3A_106 = tpu.memref_slice %dma_wait3A_104[%mul3A_2, %dma_wait3A_105] : memref<10240x128xf32, #tpu.memory_space<hbm>> -> memref<640x128xf32, #tpu.memory_space<hbm>>
      %dma_wait3A_107 = arith.constant 0 : i32
      %dma_wait3A_108 = tpu.memref_slice %arg11[%mul3A_2, %dma_wait3A_107] : memref<10240x128xf32, #tpu.memory_space<vmem_shared>> -> memref<640x128xf32, #tpu.memory_space<vmem_shared>>
      tpu.wait_dma2 semaphore(%run_scoped3A_83 : memref<!tpu.dma_semaphore, #tpu.memory_space<semaphore_mem>>) src(%dma_wait3A_108 : memref<640x128xf32, #tpu.memory_space<vmem_shared>>) dst(%dma_wait3A_106 : memref<640x128xf32, #tpu.memory_space<hbm>>)
      tpu.yield
    }) : () -> ()
    "tpu.region"() ({
      %run_scoped3A_83 = tpu.sem_alloc : memref<!tpu.dma_semaphore, #tpu.memory_space<semaphore_mem>>
      %dma_start3A_84 = arith.constant 0 : i32
      %dma_start3A_85 = tpu.memref_slice %arg11[%mul3A_2, %dma_start3A_84] : memref<10240x128xf32, #tpu.memory_space<vmem_shared>> -> memref<640x128xf32, #tpu.memory_space<vmem_shared>>
      tpu.enqueue_dma source(%arg5 : memref<640x128xf32, #tpu.memory_space<hbm>>) target(%dma_start3A_85 : memref<640x128xf32, #tpu.memory_space<vmem_shared>>) target_semaphore(%run_scoped3A_83 : memref<!tpu.dma_semaphore, #tpu.memory_space<semaphore_mem>>)
      %dma_wait3A = arith.constant 0 : i32
      %dma_wait3A_86 = tpu.memref_slice %arg11[%mul3A_2, %dma_wait3A] : memref<10240x128xf32, #tpu.memory_space<vmem_shared>> -> memref<640x128xf32, #tpu.memory_space<vmem_shared>>
      tpu.wait_dma2 semaphore(%run_scoped3A_83 : memref<!tpu.dma_semaphore, #tpu.memory_space<semaphore_mem>>) src(%arg5 : memref<640x128xf32, #tpu.memory_space<hbm>>) dst(%dma_wait3A_86 : memref<640x128xf32, #tpu.memory_space<vmem_shared>>)
      tpu.yield
    }) : () -> ()
    %barrier3A_41 = arith.constant 0 : index
    tpu.barrier barrier_id(%barrier3A_41)
    %dma_start3A_42 = arith.constant 2 : i32
    %dma_start3A_43 = arith.constant 0 : i32
    %dma_start3A_44 = arith.constant 0 : i32
    %dma_start3A_45 = tpu.memref_slice %arg7[%dma_start3A_43, %dma_start3A_44] : memref<40x125xi32, #tpu.memory_space<vmem>> -> memref<1x125xi32, #tpu.memory_space<vmem>>
    %dma_start3A_46 = tpu.memref_squeeze %dma_start3A_45 : memref<1x125xi32, #tpu.memory_space<vmem>> -> memref<125xi32, #tpu.memory_space<vmem>>
    %dma_start3A_47 = arith.constant 0 : i32
    %dma_start3A_48 = arith.constant 0 : i32
    %dma_start3A_49 = tpu.memref_slice %arg4[%dma_start3A_42, %dma_start3A_47, %dma_start3A_48] : memref<4x10240x128xf32, #tpu.memory_space<hbm>> -> memref<1x10240x128xf32, #tpu.memory_space<hbm>>
    %dma_start3A_50 = tpu.memref_squeeze %dma_start3A_49 : memref<1x10240x128xf32, #tpu.memory_space<hbm>> -> memref<10240x128xf32, #tpu.memory_space<hbm>>
    %dma_start3A_51 = arith.constant 0 : i32
    %dma_start3A_52 = arith.constant 0 : i32
    %dma_start3A_53 = tpu.memref_slice %dma_start3A_50[%dma_start3A_51, %dma_start3A_52] : memref<10240x128xf32, #tpu.memory_space<hbm>> -> memref<10240x128xf32, #tpu.memory_space<hbm>>
    tpu.enqueue_indirect_dma source(%dma_start3A_53 : memref<10240x128xf32, #tpu.memory_space<hbm>>) target(%arg9 : memref<125x128xf32, #tpu.memory_space<vmem>>) offsets(%dma_start3A_46 : memref<125xi32, #tpu.memory_space<vmem>>) semaphore(%arg12 : memref<!tpu.dma_semaphore, #tpu.memory_space<semaphore_mem>>)
    %scan3A_54 = arith.constant 0 : i32
    %scan3A_55 = arith.constant 0 : i32
    %scan3A_56 = arith.constant 20 : i32
    %scan3A_57 = arith.addi %scan3A_55, %scan3A_56 : i32
    %scan3A_58 = arith.constant 1 : i32
    scf.for %scan3A_83 = %scan3A_55 to %scan3A_57 step %scan3A_58  : i32 {
      %mul3A_84 = arith.constant 2 : i32
      %mul3A_85 = arith.muli %mul3A_84, %scan3A_83 : i32
      %add3A_86 = arith.constant 0 : i32
      %add3A_87 = arith.addi %mul3A_85, %add3A_86 : i32
      %dma_wait3A = arith.constant 2 : i32
      %dma_wait3A_88 = arith.constant 0 : i32
      %dma_wait3A_89 = tpu.memref_slice %arg7[%add3A_87, %dma_wait3A_88] : memref<40x125xi32, #tpu.memory_space<vmem>> -> memref<1x125xi32, #tpu.memory_space<vmem>>
      %dma_wait3A_90 = tpu.memref_squeeze %dma_wait3A_89 : memref<1x125xi32, #tpu.memory_space<vmem>> -> memref<125xi32, #tpu.memory_space<vmem>>
      %dma_wait3A_91 = arith.constant 0 : i32
      %dma_wait3A_92 = arith.constant 0 : i32
      %dma_wait3A_93 = tpu.memref_slice %arg4[%dma_wait3A, %dma_wait3A_91, %dma_wait3A_92] : memref<4x10240x128xf32, #tpu.memory_space<hbm>> -> memref<1x10240x128xf32, #tpu.memory_space<hbm>>
      %dma_wait3A_94 = tpu.memref_squeeze %dma_wait3A_93 : memref<1x10240x128xf32, #tpu.memory_space<hbm>> -> memref<10240x128xf32, #tpu.memory_space<hbm>>
      %dma_wait3A_95 = arith.constant 0 : i32
      %dma_wait3A_96 = arith.constant 0 : i32
      %dma_wait3A_97 = tpu.memref_slice %dma_wait3A_94[%dma_wait3A_95, %dma_wait3A_96] : memref<10240x128xf32, #tpu.memory_space<hbm>> -> memref<10240x128xf32, #tpu.memory_space<hbm>>
      tpu.wait_indirect_dma semaphore(%arg12 : memref<!tpu.dma_semaphore, #tpu.memory_space<semaphore_mem>>) src(%dma_wait3A_97 : memref<10240x128xf32, #tpu.memory_space<hbm>>) dst(%arg9 : memref<125x128xf32, #tpu.memory_space<vmem>>)
      %add3A_98 = arith.constant 1 : i32
      %add3A_99 = arith.addi %add3A_87, %add3A_98 : i32
      %lt3A = arith.constant 40 : i32
      %lt3A_100 = arith.cmpi slt, %add3A_99, %lt3A : i32
      %convert_element_type3A = arith.extui %lt3A_100 : i1 to i32
      %cond3A = arith.constant 0 : i32
      %cond3A_101 = arith.cmpi ne, %convert_element_type3A, %cond3A : i32
      scf.if %cond3A_101 {
        %add3A_124 = arith.constant 1 : i32
        %add3A_125 = arith.addi %add3A_87, %add3A_124 : i32
        %dma_start3A_126 = arith.constant 2 : i32
        %dma_start3A_127 = arith.constant 0 : i32
        %dma_start3A_128 = tpu.memref_slice %arg7[%add3A_125, %dma_start3A_127] : memref<40x125xi32, #tpu.memory_space<vmem>> -> memref<1x125xi32, #tpu.memory_space<vmem>>
        %dma_start3A_129 = tpu.memref_squeeze %dma_start3A_128 : memref<1x125xi32, #tpu.memory_space<vmem>> -> memref<125xi32, #tpu.memory_space<vmem>>
        %dma_start3A_130 = arith.constant 0 : i32
        %dma_start3A_131 = arith.constant 0 : i32
        %dma_start3A_132 = tpu.memref_slice %arg4[%dma_start3A_126, %dma_start3A_130, %dma_start3A_131] : memref<4x10240x128xf32, #tpu.memory_space<hbm>> -> memref<1x10240x128xf32, #tpu.memory_space<hbm>>
        %dma_start3A_133 = tpu.memref_squeeze %dma_start3A_132 : memref<1x10240x128xf32, #tpu.memory_space<hbm>> -> memref<10240x128xf32, #tpu.memory_space<hbm>>
        %dma_start3A_134 = arith.constant 0 : i32
        %dma_start3A_135 = arith.constant 0 : i32
        %dma_start3A_136 = tpu.memref_slice %dma_start3A_133[%dma_start3A_134, %dma_start3A_135] : memref<10240x128xf32, #tpu.memory_space<hbm>> -> memref<10240x128xf32, #tpu.memory_space<hbm>>
        tpu.enqueue_indirect_dma source(%dma_start3A_136 : memref<10240x128xf32, #tpu.memory_space<hbm>>) target(%arg10 : memref<125x128xf32, #tpu.memory_space<vmem>>) offsets(%dma_start3A_129 : memref<125xi32, #tpu.memory_space<vmem>>) semaphore(%arg13 : memref<!tpu.dma_semaphore, #tpu.memory_space<semaphore_mem>>)
      } else {
      }
      "tpu.region"() ({
        %run_scoped3A_124 = tpu.sem_alloc : memref<!tpu.dma_semaphore, #tpu.memory_space<semaphore_mem>>
        %dma_start3A_125 = arith.constant 0 : i32
        %dma_start3A_126 = tpu.memref_slice %arg8[%add3A_87, %dma_start3A_125] : memref<40x125xi32, #tpu.memory_space<vmem>> -> memref<1x125xi32, #tpu.memory_space<vmem>>
        %dma_start3A_127 = tpu.memref_squeeze %dma_start3A_126 : memref<1x125xi32, #tpu.memory_space<vmem>> -> memref<125xi32, #tpu.memory_space<vmem>>
        %dma_start3A_128 = arith.constant 0 : i32
        %dma_start3A_129 = arith.constant 0 : i32
        %dma_start3A_130 = tpu.memref_slice %arg11[%dma_start3A_128, %dma_start3A_129] : memref<10240x128xf32, #tpu.memory_space<vmem_shared>> -> memref<10240x128xf32, #tpu.memory_space<vmem_shared>>
        tpu.enqueue_indirect_dma source(%arg9 : memref<125x128xf32, #tpu.memory_space<vmem>>) target(%dma_start3A_130 : memref<10240x128xf32, #tpu.memory_space<vmem_shared>>) offsets(%dma_start3A_127 : memref<125xi32, #tpu.memory_space<vmem>>) semaphore(%run_scoped3A_124 : memref<!tpu.dma_semaphore, #tpu.memory_space<semaphore_mem>>) {add = true}
        %dma_wait3A_131 = arith.constant 0 : i32
        %dma_wait3A_132 = tpu.memref_slice %arg8[%add3A_87, %dma_wait3A_131] : memref<40x125xi32, #tpu.memory_space<vmem>> -> memref<1x125xi32, #tpu.memory_space<vmem>>
        %dma_wait3A_133 = tpu.memref_squeeze %dma_wait3A_132 : memref<1x125xi32, #tpu.memory_space<vmem>> -> memref<125xi32, #tpu.memory_space<vmem>>
        %dma_wait3A_134 = arith.constant 0 : i32
        %dma_wait3A_135 = arith.constant 0 : i32
        %dma_wait3A_136 = tpu.memref_slice %arg11[%dma_wait3A_134, %dma_wait3A_135] : memref<10240x128xf32, #tpu.memory_space<vmem_shared>> -> memref<10240x128xf32, #tpu.memory_space<vmem_shared>>
        tpu.wait_indirect_dma semaphore(%run_scoped3A_124 : memref<!tpu.dma_semaphore, #tpu.memory_space<semaphore_mem>>) src(%arg9 : memref<125x128xf32, #tpu.memory_space<vmem>>) dst(%dma_wait3A_136 : memref<10240x128xf32, #tpu.memory_space<vmem_shared>>)
        tpu.yield
      }) : () -> ()
      %mul3A_102 = arith.constant 2 : i32
      %mul3A_103 = arith.muli %mul3A_102, %scan3A_83 : i32
      %add3A_104 = arith.constant 1 : i32
      %add3A_105 = arith.addi %mul3A_103, %add3A_104 : i32
      %dma_wait3A_106 = arith.constant 2 : i32
      %dma_wait3A_107 = arith.constant 0 : i32
      %dma_wait3A_108 = tpu.memref_slice %arg7[%add3A_105, %dma_wait3A_107] : memref<40x125xi32, #tpu.memory_space<vmem>> -> memref<1x125xi32, #tpu.memory_space<vmem>>
      %dma_wait3A_109 = tpu.memref_squeeze %dma_wait3A_108 : memref<1x125xi32, #tpu.memory_space<vmem>> -> memref<125xi32, #tpu.memory_space<vmem>>
      %dma_wait3A_110 = arith.constant 0 : i32
      %dma_wait3A_111 = arith.constant 0 : i32
      %dma_wait3A_112 = tpu.memref_slice %arg4[%dma_wait3A_106, %dma_wait3A_110, %dma_wait3A_111] : memref<4x10240x128xf32, #tpu.memory_space<hbm>> -> memref<1x10240x128xf32, #tpu.memory_space<hbm>>
      %dma_wait3A_113 = tpu.memref_squeeze %dma_wait3A_112 : memref<1x10240x128xf32, #tpu.memory_space<hbm>> -> memref<10240x128xf32, #tpu.memory_space<hbm>>
      %dma_wait3A_114 = arith.constant 0 : i32
      %dma_wait3A_115 = arith.constant 0 : i32
      %dma_wait3A_116 = tpu.memref_slice %dma_wait3A_113[%dma_wait3A_114, %dma_wait3A_115] : memref<10240x128xf32, #tpu.memory_space<hbm>> -> memref<10240x128xf32, #tpu.memory_space<hbm>>
      tpu.wait_indirect_dma semaphore(%arg13 : memref<!tpu.dma_semaphore, #tpu.memory_space<semaphore_mem>>) src(%dma_wait3A_116 : memref<10240x128xf32, #tpu.memory_space<hbm>>) dst(%arg10 : memref<125x128xf32, #tpu.memory_space<vmem>>)
      %add3A_117 = arith.constant 1 : i32
      %add3A_118 = arith.addi %add3A_105, %add3A_117 : i32
      %lt3A_119 = arith.constant 40 : i32
      %lt3A_120 = arith.cmpi slt, %add3A_118, %lt3A_119 : i32
      %convert_element_type3A_121 = arith.extui %lt3A_120 : i1 to i32
      %cond3A_122 = arith.constant 0 : i32
      %cond3A_123 = arith.cmpi ne, %convert_element_type3A_121, %cond3A_122 : i32
      scf.if %cond3A_123 {
        %add3A_124 = arith.constant 1 : i32
        %add3A_125 = arith.addi %add3A_105, %add3A_124 : i32
        %dma_start3A_126 = arith.constant 2 : i32
        %dma_start3A_127 = arith.constant 0 : i32
        %dma_start3A_128 = tpu.memref_slice %arg7[%add3A_125, %dma_start3A_127] : memref<40x125xi32, #tpu.memory_space<vmem>> -> memref<1x125xi32, #tpu.memory_space<vmem>>
        %dma_start3A_129 = tpu.memref_squeeze %dma_start3A_128 : memref<1x125xi32, #tpu.memory_space<vmem>> -> memref<125xi32, #tpu.memory_space<vmem>>
        %dma_start3A_130 = arith.constant 0 : i32
        %dma_start3A_131 = arith.constant 0 : i32
        %dma_start3A_132 = tpu.memref_slice %arg4[%dma_start3A_126, %dma_start3A_130, %dma_start3A_131] : memref<4x10240x128xf32, #tpu.memory_space<hbm>> -> memref<1x10240x128xf32, #tpu.memory_space<hbm>>
        %dma_start3A_133 = tpu.memref_squeeze %dma_start3A_132 : memref<1x10240x128xf32, #tpu.memory_space<hbm>> -> memref<10240x128xf32, #tpu.memory_space<hbm>>
        %dma_start3A_134 = arith.constant 0 : i32
        %dma_start3A_135 = arith.constant 0 : i32
        %dma_start3A_136 = tpu.memref_slice %dma_start3A_133[%dma_start3A_134, %dma_start3A_135] : memref<10240x128xf32, #tpu.memory_space<hbm>> -> memref<10240x128xf32, #tpu.memory_space<hbm>>
        tpu.enqueue_indirect_dma source(%dma_start3A_136 : memref<10240x128xf32, #tpu.memory_space<hbm>>) target(%arg9 : memref<125x128xf32, #tpu.memory_space<vmem>>) offsets(%dma_start3A_129 : memref<125xi32, #tpu.memory_space<vmem>>) semaphore(%arg12 : memref<!tpu.dma_semaphore, #tpu.memory_space<semaphore_mem>>)
      } else {
      }
      "tpu.region"() ({
        %run_scoped3A_124 = tpu.sem_alloc : memref<!tpu.dma_semaphore, #tpu.memory_space<semaphore_mem>>
        %dma_start3A_125 = arith.constant 0 : i32
        %dma_start3A_126 = tpu.memref_slice %arg8[%add3A_105, %dma_start3A_125] : memref<40x125xi32, #tpu.memory_space<vmem>> -> memref<1x125xi32, #tpu.memory_space<vmem>>
        %dma_start3A_127 = tpu.memref_squeeze %dma_start3A_126 : memref<1x125xi32, #tpu.memory_space<vmem>> -> memref<125xi32, #tpu.memory_space<vmem>>
        %dma_start3A_128 = arith.constant 0 : i32
        %dma_start3A_129 = arith.constant 0 : i32
        %dma_start3A_130 = tpu.memref_slice %arg11[%dma_start3A_128, %dma_start3A_129] : memref<10240x128xf32, #tpu.memory_space<vmem_shared>> -> memref<10240x128xf32, #tpu.memory_space<vmem_shared>>
        tpu.enqueue_indirect_dma source(%arg10 : memref<125x128xf32, #tpu.memory_space<vmem>>) target(%dma_start3A_130 : memref<10240x128xf32, #tpu.memory_space<vmem_shared>>) offsets(%dma_start3A_127 : memref<125xi32, #tpu.memory_space<vmem>>) semaphore(%run_scoped3A_124 : memref<!tpu.dma_semaphore, #tpu.memory_space<semaphore_mem>>) {add = true}
        %dma_wait3A_131 = arith.constant 0 : i32
        %dma_wait3A_132 = tpu.memref_slice %arg8[%add3A_105, %dma_wait3A_131] : memref<40x125xi32, #tpu.memory_space<vmem>> -> memref<1x125xi32, #tpu.memory_space<vmem>>
        %dma_wait3A_133 = tpu.memref_squeeze %dma_wait3A_132 : memref<1x125xi32, #tpu.memory_space<vmem>> -> memref<125xi32, #tpu.memory_space<vmem>>
        %dma_wait3A_134 = arith.constant 0 : i32
        %dma_wait3A_135 = arith.constant 0 : i32
        %dma_wait3A_136 = tpu.memref_slice %arg11[%dma_wait3A_134, %dma_wait3A_135] : memref<10240x128xf32, #tpu.memory_space<vmem_shared>> -> memref<10240x128xf32, #tpu.memory_space<vmem_shared>>
        tpu.wait_indirect_dma semaphore(%run_scoped3A_124 : memref<!tpu.dma_semaphore, #tpu.memory_space<semaphore_mem>>) src(%arg10 : memref<125x128xf32, #tpu.memory_space<vmem>>) dst(%dma_wait3A_136 : memref<10240x128xf32, #tpu.memory_space<vmem_shared>>)
        tpu.yield
      }) : () -> ()
    }
    %scan3A_59 = arith.constant 20 : i32
    %barrier3A_60 = arith.constant 0 : index
    tpu.barrier barrier_id(%barrier3A_60)
    %run_scoped3A_61 = arith.constant 2 : i32
    "tpu.region"() ({
      %run_scoped3A_83 = tpu.sem_alloc : memref<!tpu.dma_semaphore, #tpu.memory_space<semaphore_mem>>
      %dma_start3A_84 = arith.constant 0 : i32
      %dma_start3A_85 = arith.constant 0 : i32
      %dma_start3A_86 = arith.constant 0 : i32
      %dma_start3A_87 = tpu.memref_slice %arg6[%arg0, %dma_start3A_84, %dma_start3A_85, %dma_start3A_86] : memref<2x4x10240x128xf32, #tpu.memory_space<hbm>> -> memref<1x4x10240x128xf32, #tpu.memory_space<hbm>>
      %dma_start3A_88 = tpu.memref_squeeze %dma_start3A_87 : memref<1x4x10240x128xf32, #tpu.memory_space<hbm>> -> memref<4x10240x128xf32, #tpu.memory_space<hbm>>
      %dma_start3A_89 = arith.constant 0 : i32
      %dma_start3A_90 = arith.constant 0 : i32
      %dma_start3A_91 = tpu.memref_slice %dma_start3A_88[%run_scoped3A_61, %dma_start3A_89, %dma_start3A_90] : memref<4x10240x128xf32, #tpu.memory_space<hbm>> -> memref<1x10240x128xf32, #tpu.memory_space<hbm>>
      %dma_start3A_92 = tpu.memref_squeeze %dma_start3A_91 : memref<1x10240x128xf32, #tpu.memory_space<hbm>> -> memref<10240x128xf32, #tpu.memory_space<hbm>>
      %dma_start3A_93 = arith.constant 0 : i32
      %dma_start3A_94 = tpu.memref_slice %dma_start3A_92[%mul3A_2, %dma_start3A_93] : memref<10240x128xf32, #tpu.memory_space<hbm>> -> memref<640x128xf32, #tpu.memory_space<hbm>>
      %dma_start3A_95 = arith.constant 0 : i32
      %dma_start3A_96 = tpu.memref_slice %arg11[%mul3A_2, %dma_start3A_95] : memref<10240x128xf32, #tpu.memory_space<vmem_shared>> -> memref<640x128xf32, #tpu.memory_space<vmem_shared>>
      tpu.enqueue_dma source(%dma_start3A_96 : memref<640x128xf32, #tpu.memory_space<vmem_shared>>) target(%dma_start3A_94 : memref<640x128xf32, #tpu.memory_space<hbm>>) target_semaphore(%run_scoped3A_83 : memref<!tpu.dma_semaphore, #tpu.memory_space<semaphore_mem>>)
      %dma_wait3A = arith.constant 0 : i32
      %dma_wait3A_97 = arith.constant 0 : i32
      %dma_wait3A_98 = arith.constant 0 : i32
      %dma_wait3A_99 = tpu.memref_slice %arg6[%arg0, %dma_wait3A, %dma_wait3A_97, %dma_wait3A_98] : memref<2x4x10240x128xf32, #tpu.memory_space<hbm>> -> memref<1x4x10240x128xf32, #tpu.memory_space<hbm>>
      %dma_wait3A_100 = tpu.memref_squeeze %dma_wait3A_99 : memref<1x4x10240x128xf32, #tpu.memory_space<hbm>> -> memref<4x10240x128xf32, #tpu.memory_space<hbm>>
      %dma_wait3A_101 = arith.constant 0 : i32
      %dma_wait3A_102 = arith.constant 0 : i32
      %dma_wait3A_103 = tpu.memref_slice %dma_wait3A_100[%run_scoped3A_61, %dma_wait3A_101, %dma_wait3A_102] : memref<4x10240x128xf32, #tpu.memory_space<hbm>> -> memref<1x10240x128xf32, #tpu.memory_space<hbm>>
      %dma_wait3A_104 = tpu.memref_squeeze %dma_wait3A_103 : memref<1x10240x128xf32, #tpu.memory_space<hbm>> -> memref<10240x128xf32, #tpu.memory_space<hbm>>
      %dma_wait3A_105 = arith.constant 0 : i32
      %dma_wait3A_106 = tpu.memref_slice %dma_wait3A_104[%mul3A_2, %dma_wait3A_105] : memref<10240x128xf32, #tpu.memory_space<hbm>> -> memref<640x128xf32, #tpu.memory_space<hbm>>
      %dma_wait3A_107 = arith.constant 0 : i32
      %dma_wait3A_108 = tpu.memref_slice %arg11[%mul3A_2, %dma_wait3A_107] : memref<10240x128xf32, #tpu.memory_space<vmem_shared>> -> memref<640x128xf32, #tpu.memory_space<vmem_shared>>
      tpu.wait_dma2 semaphore(%run_scoped3A_83 : memref<!tpu.dma_semaphore, #tpu.memory_space<semaphore_mem>>) src(%dma_wait3A_108 : memref<640x128xf32, #tpu.memory_space<vmem_shared>>) dst(%dma_wait3A_106 : memref<640x128xf32, #tpu.memory_space<hbm>>)
      tpu.yield
    }) : () -> ()
    "tpu.region"() ({
      %run_scoped3A_83 = tpu.sem_alloc : memref<!tpu.dma_semaphore, #tpu.memory_space<semaphore_mem>>
      %dma_start3A_84 = arith.constant 0 : i32
      %dma_start3A_85 = tpu.memref_slice %arg11[%mul3A_2, %dma_start3A_84] : memref<10240x128xf32, #tpu.memory_space<vmem_shared>> -> memref<640x128xf32, #tpu.memory_space<vmem_shared>>
      tpu.enqueue_dma source(%arg5 : memref<640x128xf32, #tpu.memory_space<hbm>>) target(%dma_start3A_85 : memref<640x128xf32, #tpu.memory_space<vmem_shared>>) target_semaphore(%run_scoped3A_83 : memref<!tpu.dma_semaphore, #tpu.memory_space<semaphore_mem>>)
      %dma_wait3A = arith.constant 0 : i32
      %dma_wait3A_86 = tpu.memref_slice %arg11[%mul3A_2, %dma_wait3A] : memref<10240x128xf32, #tpu.memory_space<vmem_shared>> -> memref<640x128xf32, #tpu.memory_space<vmem_shared>>
      tpu.wait_dma2 semaphore(%run_scoped3A_83 : memref<!tpu.dma_semaphore, #tpu.memory_space<semaphore_mem>>) src(%arg5 : memref<640x128xf32, #tpu.memory_space<hbm>>) dst(%dma_wait3A_86 : memref<640x128xf32, #tpu.memory_space<vmem_shared>>)
      tpu.yield
    }) : () -> ()
    %barrier3A_62 = arith.constant 0 : index
    tpu.barrier barrier_id(%barrier3A_62)
    %dma_start3A_63 = arith.constant 3 : i32
    %dma_start3A_64 = arith.constant 0 : i32
    %dma_start3A_65 = arith.constant 0 : i32
    %dma_start3A_66 = tpu.memref_slice %arg7[%dma_start3A_64, %dma_start3A_65] : memref<40x125xi32, #tpu.memory_space<vmem>> -> memref<1x125xi32, #tpu.memory_space<vmem>>
    %dma_start3A_67 = tpu.memref_squeeze %dma_start3A_66 : memref<1x125xi32, #tpu.memory_space<vmem>> -> memref<125xi32, #tpu.memory_space<vmem>>
    %dma_start3A_68 = arith.constant 0 : i32
    %dma_start3A_69 = arith.constant 0 : i32
    %dma_start3A_70 = tpu.memref_slice %arg4[%dma_start3A_63, %dma_start3A_68, %dma_start3A_69] : memref<4x10240x128xf32, #tpu.memory_space<hbm>> -> memref<1x10240x128xf32, #tpu.memory_space<hbm>>
    %dma_start3A_71 = tpu.memref_squeeze %dma_start3A_70 : memref<1x10240x128xf32, #tpu.memory_space<hbm>> -> memref<10240x128xf32, #tpu.memory_space<hbm>>
    %dma_start3A_72 = arith.constant 0 : i32
    %dma_start3A_73 = arith.constant 0 : i32
    %dma_start3A_74 = tpu.memref_slice %dma_start3A_71[%dma_start3A_72, %dma_start3A_73] : memref<10240x128xf32, #tpu.memory_space<hbm>> -> memref<10240x128xf32, #tpu.memory_space<hbm>>
    tpu.enqueue_indirect_dma source(%dma_start3A_74 : memref<10240x128xf32, #tpu.memory_space<hbm>>) target(%arg9 : memref<125x128xf32, #tpu.memory_space<vmem>>) offsets(%dma_start3A_67 : memref<125xi32, #tpu.memory_space<vmem>>) semaphore(%arg12 : memref<!tpu.dma_semaphore, #tpu.memory_space<semaphore_mem>>)
    %scan3A_75 = arith.constant 0 : i32
    %scan3A_76 = arith.constant 0 : i32
    %scan3A_77 = arith.constant 20 : i32
    %scan3A_78 = arith.addi %scan3A_76, %scan3A_77 : i32
    %scan3A_79 = arith.constant 1 : i32
    scf.for %scan3A_83 = %scan3A_76 to %scan3A_78 step %scan3A_79  : i32 {
      %mul3A_84 = arith.constant 2 : i32
      %mul3A_85 = arith.muli %mul3A_84, %scan3A_83 : i32
      %add3A_86 = arith.constant 0 : i32
      %add3A_87 = arith.addi %mul3A_85, %add3A_86 : i32
      %dma_wait3A = arith.constant 3 : i32
      %dma_wait3A_88 = arith.constant 0 : i32
      %dma_wait3A_89 = tpu.memref_slice %arg7[%add3A_87, %dma_wait3A_88] : memref<40x125xi32, #tpu.memory_space<vmem>> -> memref<1x125xi32, #tpu.memory_space<vmem>>
      %dma_wait3A_90 = tpu.memref_squeeze %dma_wait3A_89 : memref<1x125xi32, #tpu.memory_space<vmem>> -> memref<125xi32, #tpu.memory_space<vmem>>
      %dma_wait3A_91 = arith.constant 0 : i32
      %dma_wait3A_92 = arith.constant 0 : i32
      %dma_wait3A_93 = tpu.memref_slice %arg4[%dma_wait3A, %dma_wait3A_91, %dma_wait3A_92] : memref<4x10240x128xf32, #tpu.memory_space<hbm>> -> memref<1x10240x128xf32, #tpu.memory_space<hbm>>
      %dma_wait3A_94 = tpu.memref_squeeze %dma_wait3A_93 : memref<1x10240x128xf32, #tpu.memory_space<hbm>> -> memref<10240x128xf32, #tpu.memory_space<hbm>>
      %dma_wait3A_95 = arith.constant 0 : i32
      %dma_wait3A_96 = arith.constant 0 : i32
      %dma_wait3A_97 = tpu.memref_slice %dma_wait3A_94[%dma_wait3A_95, %dma_wait3A_96] : memref<10240x128xf32, #tpu.memory_space<hbm>> -> memref<10240x128xf32, #tpu.memory_space<hbm>>
      tpu.wait_indirect_dma semaphore(%arg12 : memref<!tpu.dma_semaphore, #tpu.memory_space<semaphore_mem>>) src(%dma_wait3A_97 : memref<10240x128xf32, #tpu.memory_space<hbm>>) dst(%arg9 : memref<125x128xf32, #tpu.memory_space<vmem>>)
      %add3A_98 = arith.constant 1 : i32
      %add3A_99 = arith.addi %add3A_87, %add3A_98 : i32
      %lt3A = arith.constant 40 : i32
      %lt3A_100 = arith.cmpi slt, %add3A_99, %lt3A : i32
      %convert_element_type3A = arith.extui %lt3A_100 : i1 to i32
      %cond3A = arith.constant 0 : i32
      %cond3A_101 = arith.cmpi ne, %convert_element_type3A, %cond3A : i32
      scf.if %cond3A_101 {
        %add3A_124 = arith.constant 1 : i32
        %add3A_125 = arith.addi %add3A_87, %add3A_124 : i32
        %dma_start3A_126 = arith.constant 3 : i32
        %dma_start3A_127 = arith.constant 0 : i32
        %dma_start3A_128 = tpu.memref_slice %arg7[%add3A_125, %dma_start3A_127] : memref<40x125xi32, #tpu.memory_space<vmem>> -> memref<1x125xi32, #tpu.memory_space<vmem>>
        %dma_start3A_129 = tpu.memref_squeeze %dma_start3A_128 : memref<1x125xi32, #tpu.memory_space<vmem>> -> memref<125xi32, #tpu.memory_space<vmem>>
        %dma_start3A_130 = arith.constant 0 : i32
        %dma_start3A_131 = arith.constant 0 : i32
        %dma_start3A_132 = tpu.memref_slice %arg4[%dma_start3A_126, %dma_start3A_130, %dma_start3A_131] : memref<4x10240x128xf32, #tpu.memory_space<hbm>> -> memref<1x10240x128xf32, #tpu.memory_space<hbm>>
        %dma_start3A_133 = tpu.memref_squeeze %dma_start3A_132 : memref<1x10240x128xf32, #tpu.memory_space<hbm>> -> memref<10240x128xf32, #tpu.memory_space<hbm>>
        %dma_start3A_134 = arith.constant 0 : i32
        %dma_start3A_135 = arith.constant 0 : i32
        %dma_start3A_136 = tpu.memref_slice %dma_start3A_133[%dma_start3A_134, %dma_start3A_135] : memref<10240x128xf32, #tpu.memory_space<hbm>> -> memref<10240x128xf32, #tpu.memory_space<hbm>>
        tpu.enqueue_indirect_dma source(%dma_start3A_136 : memref<10240x128xf32, #tpu.memory_space<hbm>>) target(%arg10 : memref<125x128xf32, #tpu.memory_space<vmem>>) offsets(%dma_start3A_129 : memref<125xi32, #tpu.memory_space<vmem>>) semaphore(%arg13 : memref<!tpu.dma_semaphore, #tpu.memory_space<semaphore_mem>>)
      } else {
      }
      "tpu.region"() ({
        %run_scoped3A_124 = tpu.sem_alloc : memref<!tpu.dma_semaphore, #tpu.memory_space<semaphore_mem>>
        %dma_start3A_125 = arith.constant 0 : i32
        %dma_start3A_126 = tpu.memref_slice %arg8[%add3A_87, %dma_start3A_125] : memref<40x125xi32, #tpu.memory_space<vmem>> -> memref<1x125xi32, #tpu.memory_space<vmem>>
        %dma_start3A_127 = tpu.memref_squeeze %dma_start3A_126 : memref<1x125xi32, #tpu.memory_space<vmem>> -> memref<125xi32, #tpu.memory_space<vmem>>
        %dma_start3A_128 = arith.constant 0 : i32
        %dma_start3A_129 = arith.constant 0 : i32
        %dma_start3A_130 = tpu.memref_slice %arg11[%dma_start3A_128, %dma_start3A_129] : memref<10240x128xf32, #tpu.memory_space<vmem_shared>> -> memref<10240x128xf32, #tpu.memory_space<vmem_shared>>
        tpu.enqueue_indirect_dma source(%arg9 : memref<125x128xf32, #tpu.memory_space<vmem>>) target(%dma_start3A_130 : memref<10240x128xf32, #tpu.memory_space<vmem_shared>>) offsets(%dma_start3A_127 : memref<125xi32, #tpu.memory_space<vmem>>) semaphore(%run_scoped3A_124 : memref<!tpu.dma_semaphore, #tpu.memory_space<semaphore_mem>>) {add = true}
        %dma_wait3A_131 = arith.constant 0 : i32
        %dma_wait3A_132 = tpu.memref_slice %arg8[%add3A_87, %dma_wait3A_131] : memref<40x125xi32, #tpu.memory_space<vmem>> -> memref<1x125xi32, #tpu.memory_space<vmem>>
        %dma_wait3A_133 = tpu.memref_squeeze %dma_wait3A_132 : memref<1x125xi32, #tpu.memory_space<vmem>> -> memref<125xi32, #tpu.memory_space<vmem>>
        %dma_wait3A_134 = arith.constant 0 : i32
        %dma_wait3A_135 = arith.constant 0 : i32
        %dma_wait3A_136 = tpu.memref_slice %arg11[%dma_wait3A_134, %dma_wait3A_135] : memref<10240x128xf32, #tpu.memory_space<vmem_shared>> -> memref<10240x128xf32, #tpu.memory_space<vmem_shared>>
        tpu.wait_indirect_dma semaphore(%run_scoped3A_124 : memref<!tpu.dma_semaphore, #tpu.memory_space<semaphore_mem>>) src(%arg9 : memref<125x128xf32, #tpu.memory_space<vmem>>) dst(%dma_wait3A_136 : memref<10240x128xf32, #tpu.memory_space<vmem_shared>>)
        tpu.yield
      }) : () -> ()
      %mul3A_102 = arith.constant 2 : i32
      %mul3A_103 = arith.muli %mul3A_102, %scan3A_83 : i32
      %add3A_104 = arith.constant 1 : i32
      %add3A_105 = arith.addi %mul3A_103, %add3A_104 : i32
      %dma_wait3A_106 = arith.constant 3 : i32
      %dma_wait3A_107 = arith.constant 0 : i32
      %dma_wait3A_108 = tpu.memref_slice %arg7[%add3A_105, %dma_wait3A_107] : memref<40x125xi32, #tpu.memory_space<vmem>> -> memref<1x125xi32, #tpu.memory_space<vmem>>
      %dma_wait3A_109 = tpu.memref_squeeze %dma_wait3A_108 : memref<1x125xi32, #tpu.memory_space<vmem>> -> memref<125xi32, #tpu.memory_space<vmem>>
      %dma_wait3A_110 = arith.constant 0 : i32
      %dma_wait3A_111 = arith.constant 0 : i32
      %dma_wait3A_112 = tpu.memref_slice %arg4[%dma_wait3A_106, %dma_wait3A_110, %dma_wait3A_111] : memref<4x10240x128xf32, #tpu.memory_space<hbm>> -> memref<1x10240x128xf32, #tpu.memory_space<hbm>>
      %dma_wait3A_113 = tpu.memref_squeeze %dma_wait3A_112 : memref<1x10240x128xf32, #tpu.memory_space<hbm>> -> memref<10240x128xf32, #tpu.memory_space<hbm>>
      %dma_wait3A_114 = arith.constant 0 : i32
      %dma_wait3A_115 = arith.constant 0 : i32
      %dma_wait3A_116 = tpu.memref_slice %dma_wait3A_113[%dma_wait3A_114, %dma_wait3A_115] : memref<10240x128xf32, #tpu.memory_space<hbm>> -> memref<10240x128xf32, #tpu.memory_space<hbm>>
      tpu.wait_indirect_dma semaphore(%arg13 : memref<!tpu.dma_semaphore, #tpu.memory_space<semaphore_mem>>) src(%dma_wait3A_116 : memref<10240x128xf32, #tpu.memory_space<hbm>>) dst(%arg10 : memref<125x128xf32, #tpu.memory_space<vmem>>)
      %add3A_117 = arith.constant 1 : i32
      %add3A_118 = arith.addi %add3A_105, %add3A_117 : i32
      %lt3A_119 = arith.constant 40 : i32
      %lt3A_120 = arith.cmpi slt, %add3A_118, %lt3A_119 : i32
      %convert_element_type3A_121 = arith.extui %lt3A_120 : i1 to i32
      %cond3A_122 = arith.constant 0 : i32
      %cond3A_123 = arith.cmpi ne, %convert_element_type3A_121, %cond3A_122 : i32
      scf.if %cond3A_123 {
        %add3A_124 = arith.constant 1 : i32
        %add3A_125 = arith.addi %add3A_105, %add3A_124 : i32
        %dma_start3A_126 = arith.constant 3 : i32
        %dma_start3A_127 = arith.constant 0 : i32
        %dma_start3A_128 = tpu.memref_slice %arg7[%add3A_125, %dma_start3A_127] : memref<40x125xi32, #tpu.memory_space<vmem>> -> memref<1x125xi32, #tpu.memory_space<vmem>>
        %dma_start3A_129 = tpu.memref_squeeze %dma_start3A_128 : memref<1x125xi32, #tpu.memory_space<vmem>> -> memref<125xi32, #tpu.memory_space<vmem>>
        %dma_start3A_130 = arith.constant 0 : i32
        %dma_start3A_131 = arith.constant 0 : i32
        %dma_start3A_132 = tpu.memref_slice %arg4[%dma_start3A_126, %dma_start3A_130, %dma_start3A_131] : memref<4x10240x128xf32, #tpu.memory_space<hbm>> -> memref<1x10240x128xf32, #tpu.memory_space<hbm>>
        %dma_start3A_133 = tpu.memref_squeeze %dma_start3A_132 : memref<1x10240x128xf32, #tpu.memory_space<hbm>> -> memref<10240x128xf32, #tpu.memory_space<hbm>>
        %dma_start3A_134 = arith.constant 0 : i32
        %dma_start3A_135 = arith.constant 0 : i32
        %dma_start3A_136 = tpu.memref_slice %dma_start3A_133[%dma_start3A_134, %dma_start3A_135] : memref<10240x128xf32, #tpu.memory_space<hbm>> -> memref<10240x128xf32, #tpu.memory_space<hbm>>
        tpu.enqueue_indirect_dma source(%dma_start3A_136 : memref<10240x128xf32, #tpu.memory_space<hbm>>) target(%arg9 : memref<125x128xf32, #tpu.memory_space<vmem>>) offsets(%dma_start3A_129 : memref<125xi32, #tpu.memory_space<vmem>>) semaphore(%arg12 : memref<!tpu.dma_semaphore, #tpu.memory_space<semaphore_mem>>)
      } else {
      }
      "tpu.region"() ({
        %run_scoped3A_124 = tpu.sem_alloc : memref<!tpu.dma_semaphore, #tpu.memory_space<semaphore_mem>>
        %dma_start3A_125 = arith.constant 0 : i32
        %dma_start3A_126 = tpu.memref_slice %arg8[%add3A_105, %dma_start3A_125] : memref<40x125xi32, #tpu.memory_space<vmem>> -> memref<1x125xi32, #tpu.memory_space<vmem>>
        %dma_start3A_127 = tpu.memref_squeeze %dma_start3A_126 : memref<1x125xi32, #tpu.memory_space<vmem>> -> memref<125xi32, #tpu.memory_space<vmem>>
        %dma_start3A_128 = arith.constant 0 : i32
        %dma_start3A_129 = arith.constant 0 : i32
        %dma_start3A_130 = tpu.memref_slice %arg11[%dma_start3A_128, %dma_start3A_129] : memref<10240x128xf32, #tpu.memory_space<vmem_shared>> -> memref<10240x128xf32, #tpu.memory_space<vmem_shared>>
        tpu.enqueue_indirect_dma source(%arg10 : memref<125x128xf32, #tpu.memory_space<vmem>>) target(%dma_start3A_130 : memref<10240x128xf32, #tpu.memory_space<vmem_shared>>) offsets(%dma_start3A_127 : memref<125xi32, #tpu.memory_space<vmem>>) semaphore(%run_scoped3A_124 : memref<!tpu.dma_semaphore, #tpu.memory_space<semaphore_mem>>) {add = true}
        %dma_wait3A_131 = arith.constant 0 : i32
        %dma_wait3A_132 = tpu.memref_slice %arg8[%add3A_105, %dma_wait3A_131] : memref<40x125xi32, #tpu.memory_space<vmem>> -> memref<1x125xi32, #tpu.memory_space<vmem>>
        %dma_wait3A_133 = tpu.memref_squeeze %dma_wait3A_132 : memref<1x125xi32, #tpu.memory_space<vmem>> -> memref<125xi32, #tpu.memory_space<vmem>>
        %dma_wait3A_134 = arith.constant 0 : i32
        %dma_wait3A_135 = arith.constant 0 : i32
        %dma_wait3A_136 = tpu.memref_slice %arg11[%dma_wait3A_134, %dma_wait3A_135] : memref<10240x128xf32, #tpu.memory_space<vmem_shared>> -> memref<10240x128xf32, #tpu.memory_space<vmem_shared>>
        tpu.wait_indirect_dma semaphore(%run_scoped3A_124 : memref<!tpu.dma_semaphore, #tpu.memory_space<semaphore_mem>>) src(%arg10 : memref<125x128xf32, #tpu.memory_space<vmem>>) dst(%dma_wait3A_136 : memref<10240x128xf32, #tpu.memory_space<vmem_shared>>)
        tpu.yield
      }) : () -> ()
    }
    %scan3A_80 = arith.constant 20 : i32
    %barrier3A_81 = arith.constant 0 : index
    tpu.barrier barrier_id(%barrier3A_81)
    %run_scoped3A_82 = arith.constant 3 : i32
    "tpu.region"() ({
      %run_scoped3A_83 = tpu.sem_alloc : memref<!tpu.dma_semaphore, #tpu.memory_space<semaphore_mem>>
      %dma_start3A_84 = arith.constant 0 : i32
      %dma_start3A_85 = arith.constant 0 : i32
      %dma_start3A_86 = arith.constant 0 : i32
      %dma_start3A_87 = tpu.memref_slice %arg6[%arg0, %dma_start3A_84, %dma_start3A_85, %dma_start3A_86] : memref<2x4x10240x128xf32, #tpu.memory_space<hbm>> -> memref<1x4x10240x128xf32, #tpu.memory_space<hbm>>
      %dma_start3A_88 = tpu.memref_squeeze %dma_start3A_87 : memref<1x4x10240x128xf32, #tpu.memory_space<hbm>> -> memref<4x10240x128xf32, #tpu.memory_space<hbm>>
      %dma_start3A_89 = arith.constant 0 : i32
      %dma_start3A_90 = arith.constant 0 : i32
      %dma_start3A_91 = tpu.memref_slice %dma_start3A_88[%run_scoped3A_82, %dma_start3A_89, %dma_start3A_90] : memref<4x10240x128xf32, #tpu.memory_space<hbm>> -> memref<1x10240x128xf32, #tpu.memory_space<hbm>>
      %dma_start3A_92 = tpu.memref_squeeze %dma_start3A_91 : memref<1x10240x128xf32, #tpu.memory_space<hbm>> -> memref<10240x128xf32, #tpu.memory_space<hbm>>
      %dma_start3A_93 = arith.constant 0 : i32
      %dma_start3A_94 = tpu.memref_slice %dma_start3A_92[%mul3A_2, %dma_start3A_93] : memref<10240x128xf32, #tpu.memory_space<hbm>> -> memref<640x128xf32, #tpu.memory_space<hbm>>
      %dma_start3A_95 = arith.constant 0 : i32
      %dma_start3A_96 = tpu.memref_slice %arg11[%mul3A_2, %dma_start3A_95] : memref<10240x128xf32, #tpu.memory_space<vmem_shared>> -> memref<640x128xf32, #tpu.memory_space<vmem_shared>>
      tpu.enqueue_dma source(%dma_start3A_96 : memref<640x128xf32, #tpu.memory_space<vmem_shared>>) target(%dma_start3A_94 : memref<640x128xf32, #tpu.memory_space<hbm>>) target_semaphore(%run_scoped3A_83 : memref<!tpu.dma_semaphore, #tpu.memory_space<semaphore_mem>>)
      %dma_wait3A = arith.constant 0 : i32
      %dma_wait3A_97 = arith.constant 0 : i32
      %dma_wait3A_98 = arith.constant 0 : i32
      %dma_wait3A_99 = tpu.memref_slice %arg6[%arg0, %dma_wait3A, %dma_wait3A_97, %dma_wait3A_98] : memref<2x4x10240x128xf32, #tpu.memory_space<hbm>> -> memref<1x4x10240x128xf32, #tpu.memory_space<hbm>>
      %dma_wait3A_100 = tpu.memref_squeeze %dma_wait3A_99 : memref<1x4x10240x128xf32, #tpu.memory_space<hbm>> -> memref<4x10240x128xf32, #tpu.memory_space<hbm>>
      %dma_wait3A_101 = arith.constant 0 : i32
      %dma_wait3A_102 = arith.constant 0 : i32
      %dma_wait3A_103 = tpu.memref_slice %dma_wait3A_100[%run_scoped3A_82, %dma_wait3A_101, %dma_wait3A_102] : memref<4x10240x128xf32, #tpu.memory_space<hbm>> -> memref<1x10240x128xf32, #tpu.memory_space<hbm>>
      %dma_wait3A_104 = tpu.memref_squeeze %dma_wait3A_103 : memref<1x10240x128xf32, #tpu.memory_space<hbm>> -> memref<10240x128xf32, #tpu.memory_space<hbm>>
      %dma_wait3A_105 = arith.constant 0 : i32
      %dma_wait3A_106 = tpu.memref_slice %dma_wait3A_104[%mul3A_2, %dma_wait3A_105] : memref<10240x128xf32, #tpu.memory_space<hbm>> -> memref<640x128xf32, #tpu.memory_space<hbm>>
      %dma_wait3A_107 = arith.constant 0 : i32
      %dma_wait3A_108 = tpu.memref_slice %arg11[%mul3A_2, %dma_wait3A_107] : memref<10240x128xf32, #tpu.memory_space<vmem_shared>> -> memref<640x128xf32, #tpu.memory_space<vmem_shared>>
      tpu.wait_dma2 semaphore(%run_scoped3A_83 : memref<!tpu.dma_semaphore, #tpu.memory_space<semaphore_mem>>) src(%dma_wait3A_108 : memref<640x128xf32, #tpu.memory_space<vmem_shared>>) dst(%dma_wait3A_106 : memref<640x128xf32, #tpu.memory_space<hbm>>)
      tpu.yield
    }) : () -> ()
    return
  }
}

module attributes {stable_mosaic.version = 14 : i64} {
  func.func @_ff_body(%arg0: i32, %arg1: memref<1024x256xf32, #tpu.memory_space<vmem>>, %arg2: memref<256x1024xf32, #tpu.memory_space<vmem>>, %arg3: memref<1x1024xf32, #tpu.memory_space<vmem>>, %arg4: memref<1x1024xf32, #tpu.memory_space<vmem>>, %arg5: memref<1x1024xf32, #tpu.memory_space<vmem>>, %arg6: memref<1024x512xf32, #tpu.memory_space<vmem>>, %arg7: memref<1x512xf32, #tpu.memory_space<vmem>>, %arg8: memref<1x512xf32, #tpu.memory_space<vmem>>, %arg9: memref<1x512xf32, #tpu.memory_space<vmem>>, %arg10: memref<1024x512xf32, #tpu.memory_space<vmem>>) attributes {dimension_semantics = [#tpu.dimension_semantics<arbitrary>], iteration_bounds = array<i64: 10>, scalar_prefetch = 0 : i64, scratch_operands = 0 : i64, tpu.core_type = #tpu.core_type<tc>, window_params = [{transform_indices = @transform_0, window_bounds = array<i64: 1024, 256>}, {pipeline_mode = #tpu.pipeline_mode<synchronous>, transform_indices = @transform_1, window_bounds = array<i64: 256, 1024>}, {pipeline_mode = #tpu.pipeline_mode<synchronous>, transform_indices = @transform_2, window_bounds = array<i64: 1, 1024>}, {pipeline_mode = #tpu.pipeline_mode<synchronous>, transform_indices = @transform_3, window_bounds = array<i64: 1, 1024>}, {pipeline_mode = #tpu.pipeline_mode<synchronous>, transform_indices = @transform_4, window_bounds = array<i64: 1, 1024>}, {pipeline_mode = #tpu.pipeline_mode<synchronous>, transform_indices = @transform_5, window_bounds = array<i64: 1024, 512>}, {pipeline_mode = #tpu.pipeline_mode<synchronous>, transform_indices = @transform_6, window_bounds = array<i64: 1, 512>}, {pipeline_mode = #tpu.pipeline_mode<synchronous>, transform_indices = @transform_7, window_bounds = array<i64: 1, 512>}, {pipeline_mode = #tpu.pipeline_mode<synchronous>, transform_indices = @transform_8, window_bounds = array<i64: 1, 512>}, {transform_indices = @transform_9, window_bounds = array<i64: 1024, 512>}]} {
    %get3A = arith.constant 0 : index
    %get3A_0 = arith.constant 0 : index
    %get3A_1 = vector.load %arg1[%get3A, %get3A_0] : memref<1024x256xf32, #tpu.memory_space<vmem>>, vector<1024x256xf32>
    %get3A_2 = arith.constant 0 : index
    %get3A_3 = arith.constant 0 : index
    %get3A_4 = vector.load %arg2[%get3A_2, %get3A_3] : memref<256x1024xf32, #tpu.memory_space<vmem>>, vector<256x1024xf32>
    %dot_general3A = arith.constant dense<0.000000e+00> : vector<1024x1024xf32>
    %dot_general3A_5 = tpu.matmul %get3A_1, %get3A_4, %dot_general3A {dimension_numbers = #tpu.dot_dimension_numbers<[1], [0], [0], [1], [0, 0, 1, 1], [], []>, transpose_lhs_hint = false} : vector<1024x256xf32>, vector<256x1024xf32>, vector<1024x1024xf32> -> vector<1024x1024xf32>
    %get3A_6 = arith.constant 0 : index
    %get3A_7 = arith.constant 0 : index
    %get3A_8 = vector.load %arg3[%get3A_6, %get3A_7] : memref<1x1024xf32, #tpu.memory_space<vmem>>, vector<1x1024xf32>
    %add3A = vector.broadcast %get3A_8 : vector<1x1024xf32> to vector<1024x1024xf32>
    %add3A_9 = arith.addf %dot_general3A_5, %add3A : vector<1024x1024xf32>
    %logistic3A = arith.negf %add3A_9 : vector<1024x1024xf32>
    %logistic3A_10 = math.exp %logistic3A : vector<1024x1024xf32>
    %logistic3A_11 = arith.constant 1.000000e+00 : f32
    %logistic3A_12 = vector.broadcast %logistic3A_11 : f32 to vector<1024x1024xf32>
    %logistic3A_13 = arith.addf %logistic3A_12, %logistic3A_10 : vector<1024x1024xf32>
    %logistic3A_14 = arith.divf %logistic3A_12, %logistic3A_13 : vector<1024x1024xf32>
    %mul3A = arith.mulf %add3A_9, %logistic3A_14 : vector<1024x1024xf32>
    %get3A_15 = arith.constant 0 : index
    %get3A_16 = arith.constant 0 : index
    %get3A_17 = vector.load %arg4[%get3A_15, %get3A_16] : memref<1x1024xf32, #tpu.memory_space<vmem>>, vector<1x1024xf32>
    %get3A_18 = arith.constant 0 : index
    %get3A_19 = arith.constant 0 : index
    %get3A_20 = vector.load %arg5[%get3A_18, %get3A_19] : memref<1x1024xf32, #tpu.memory_space<vmem>>, vector<1x1024xf32>
    %reduce_sum3A = arith.constant dense<0.000000e+00> : vector<1024xf32>
    %reduce_sum3A_21 = vector.multi_reduction <add>, %mul3A, %reduce_sum3A [1] : vector<1024x1024xf32> to vector<1024xf32>
    %broadcast_in_dim3A = vector.shape_cast %reduce_sum3A_21 : vector<1024xf32> to vector<1024x1xf32>
    %div3A = arith.constant 1.024000e+03 : f32
    %div3A_22 = vector.broadcast %div3A : f32 to vector<1024x1xf32>
    %div3A_23 = arith.divf %broadcast_in_dim3A, %div3A_22 : vector<1024x1xf32>
    %sub3A = vector.broadcast %div3A_23 : vector<1024x1xf32> to vector<1024x1024xf32>
    %sub3A_24 = arith.subf %mul3A, %sub3A : vector<1024x1024xf32>
    %integer_pow3A = arith.mulf %sub3A_24, %sub3A_24 : vector<1024x1024xf32>
    %reduce_sum3A_25 = arith.constant dense<0.000000e+00> : vector<1024xf32>
    %reduce_sum3A_26 = vector.multi_reduction <add>, %integer_pow3A, %reduce_sum3A_25 [1] : vector<1024x1024xf32> to vector<1024xf32>
    %broadcast_in_dim3A_27 = vector.shape_cast %reduce_sum3A_26 : vector<1024xf32> to vector<1024x1xf32>
    %div3A_28 = arith.constant 1.024000e+03 : f32
    %div3A_29 = vector.broadcast %div3A_28 : f32 to vector<1024x1xf32>
    %div3A_30 = arith.divf %broadcast_in_dim3A_27, %div3A_29 : vector<1024x1xf32>
    %sub3A_31 = vector.broadcast %div3A_23 : vector<1024x1xf32> to vector<1024x1024xf32>
    %sub3A_32 = arith.subf %mul3A, %sub3A_31 : vector<1024x1024xf32>
    %add3A_33 = arith.constant 9.99999974E-6 : f32
    %add3A_34 = vector.broadcast %add3A_33 : f32 to vector<1024x1xf32>
    %add3A_35 = arith.addf %div3A_30, %add3A_34 : vector<1024x1xf32>
    %rsqrt3A = math.rsqrt %add3A_35 : vector<1024x1xf32>
    %mul3A_36 = vector.broadcast %rsqrt3A : vector<1024x1xf32> to vector<1024x1024xf32>
    %mul3A_37 = arith.mulf %sub3A_32, %mul3A_36 : vector<1024x1024xf32>
    %mul3A_38 = vector.broadcast %get3A_17 : vector<1x1024xf32> to vector<1024x1024xf32>
    %mul3A_39 = arith.mulf %mul3A_37, %mul3A_38 : vector<1024x1024xf32>
    %add3A_40 = vector.broadcast %get3A_20 : vector<1x1024xf32> to vector<1024x1024xf32>
    %add3A_41 = arith.addf %mul3A_39, %add3A_40 : vector<1024x1024xf32>
    %get3A_42 = arith.constant 0 : index
    %get3A_43 = arith.constant 0 : index
    %get3A_44 = vector.load %arg6[%get3A_42, %get3A_43] : memref<1024x512xf32, #tpu.memory_space<vmem>>, vector<1024x512xf32>
    %dot_general3A_45 = arith.constant dense<0.000000e+00> : vector<1024x512xf32>
    %dot_general3A_46 = tpu.matmul %add3A_41, %get3A_44, %dot_general3A_45 {dimension_numbers = #tpu.dot_dimension_numbers<[1], [0], [0], [1], [0, 0, 1, 1], [], []>, transpose_lhs_hint = false} : vector<1024x1024xf32>, vector<1024x512xf32>, vector<1024x512xf32> -> vector<1024x512xf32>
    %get3A_47 = arith.constant 0 : index
    %get3A_48 = arith.constant 0 : index
    %get3A_49 = vector.load %arg7[%get3A_47, %get3A_48] : memref<1x512xf32, #tpu.memory_space<vmem>>, vector<1x512xf32>
    %add3A_50 = vector.broadcast %get3A_49 : vector<1x512xf32> to vector<1024x512xf32>
    %add3A_51 = arith.addf %dot_general3A_46, %add3A_50 : vector<1024x512xf32>
    %get3A_52 = arith.constant 0 : index
    %get3A_53 = arith.constant 0 : index
    %get3A_54 = vector.load %arg8[%get3A_52, %get3A_53] : memref<1x512xf32, #tpu.memory_space<vmem>>, vector<1x512xf32>
    %get3A_55 = arith.constant 0 : index
    %get3A_56 = arith.constant 0 : index
    %get3A_57 = vector.load %arg9[%get3A_55, %get3A_56] : memref<1x512xf32, #tpu.memory_space<vmem>>, vector<1x512xf32>
    %reduce_sum3A_58 = arith.constant dense<0.000000e+00> : vector<1024xf32>
    %reduce_sum3A_59 = vector.multi_reduction <add>, %add3A_51, %reduce_sum3A_58 [1] : vector<1024x512xf32> to vector<1024xf32>
    %broadcast_in_dim3A_60 = vector.shape_cast %reduce_sum3A_59 : vector<1024xf32> to vector<1024x1xf32>
    %div3A_61 = arith.constant 5.120000e+02 : f32
    %div3A_62 = vector.broadcast %div3A_61 : f32 to vector<1024x1xf32>
    %div3A_63 = arith.divf %broadcast_in_dim3A_60, %div3A_62 : vector<1024x1xf32>
    %sub3A_64 = vector.broadcast %div3A_63 : vector<1024x1xf32> to vector<1024x512xf32>
    %sub3A_65 = arith.subf %add3A_51, %sub3A_64 : vector<1024x512xf32>
    %integer_pow3A_66 = arith.mulf %sub3A_65, %sub3A_65 : vector<1024x512xf32>
    %reduce_sum3A_67 = arith.constant dense<0.000000e+00> : vector<1024xf32>
    %reduce_sum3A_68 = vector.multi_reduction <add>, %integer_pow3A_66, %reduce_sum3A_67 [1] : vector<1024x512xf32> to vector<1024xf32>
    %broadcast_in_dim3A_69 = vector.shape_cast %reduce_sum3A_68 : vector<1024xf32> to vector<1024x1xf32>
    %div3A_70 = arith.constant 5.120000e+02 : f32
    %div3A_71 = vector.broadcast %div3A_70 : f32 to vector<1024x1xf32>
    %div3A_72 = arith.divf %broadcast_in_dim3A_69, %div3A_71 : vector<1024x1xf32>
    %sub3A_73 = vector.broadcast %div3A_63 : vector<1024x1xf32> to vector<1024x512xf32>
    %sub3A_74 = arith.subf %add3A_51, %sub3A_73 : vector<1024x512xf32>
    %add3A_75 = arith.constant 9.99999974E-6 : f32
    %add3A_76 = vector.broadcast %add3A_75 : f32 to vector<1024x1xf32>
    %add3A_77 = arith.addf %div3A_72, %add3A_76 : vector<1024x1xf32>
    %rsqrt3A_78 = math.rsqrt %add3A_77 : vector<1024x1xf32>
    %mul3A_79 = vector.broadcast %rsqrt3A_78 : vector<1024x1xf32> to vector<1024x512xf32>
    %mul3A_80 = arith.mulf %sub3A_74, %mul3A_79 : vector<1024x512xf32>
    %mul3A_81 = vector.broadcast %get3A_54 : vector<1x512xf32> to vector<1024x512xf32>
    %mul3A_82 = arith.mulf %mul3A_80, %mul3A_81 : vector<1024x512xf32>
    %add3A_83 = vector.broadcast %get3A_57 : vector<1x512xf32> to vector<1024x512xf32>
    %add3A_84 = arith.addf %mul3A_82, %add3A_83 : vector<1024x512xf32>
    %swap3A = arith.constant 0 : index
    %swap3A_85 = arith.constant 0 : index
    %swap3A_86 = vector.load %arg10[%swap3A, %swap3A_85] : memref<1024x512xf32, #tpu.memory_space<vmem>>, vector<1024x512xf32>
    tpu.vector_store %arg10[%swap3A, %swap3A_85], %add3A_84 {strides = array<i32>} : memref<1024x512xf32, #tpu.memory_space<vmem>>, vector<1024x512xf32>,
    return
  }
  func.func @transform_0(%arg0: i32) -> (i32, i32) {
    %c0_i32 = arith.constant 0 : i32
    %c0_i32_0 = arith.constant 0 : i32
    return %arg0, %c0_i32 : i32, i32
  }
  func.func @transform_1(%arg0: i32) -> (i32, i32) {
    %c0_i32 = arith.constant 0 : i32
    %c0_i32_0 = arith.constant 0 : i32
    %c0_i32_1 = arith.constant 0 : i32
    return %c0_i32, %c0_i32_0 : i32, i32
  }
  func.func @transform_2(%arg0: i32) -> (i32, i32) {
    %c0_i32 = arith.constant 0 : i32
    %c0_i32_0 = arith.constant 0 : i32
    %c0_i32_1 = arith.constant 0 : i32
    return %c0_i32, %c0_i32_0 : i32, i32
  }
  func.func @transform_3(%arg0: i32) -> (i32, i32) {
    %c0_i32 = arith.constant 0 : i32
    %c0_i32_0 = arith.constant 0 : i32
    %c0_i32_1 = arith.constant 0 : i32
    return %c0_i32, %c0_i32_0 : i32, i32
  }
  func.func @transform_4(%arg0: i32) -> (i32, i32) {
    %c0_i32 = arith.constant 0 : i32
    %c0_i32_0 = arith.constant 0 : i32
    %c0_i32_1 = arith.constant 0 : i32
    return %c0_i32, %c0_i32_0 : i32, i32
  }
  func.func @transform_5(%arg0: i32) -> (i32, i32) {
    %c0_i32 = arith.constant 0 : i32
    %c0_i32_0 = arith.constant 0 : i32
    %c0_i32_1 = arith.constant 0 : i32
    return %c0_i32, %c0_i32_0 : i32, i32
  }
  func.func @transform_6(%arg0: i32) -> (i32, i32) {
    %c0_i32 = arith.constant 0 : i32
    %c0_i32_0 = arith.constant 0 : i32
    %c0_i32_1 = arith.constant 0 : i32
    return %c0_i32, %c0_i32_0 : i32, i32
  }
  func.func @transform_7(%arg0: i32) -> (i32, i32) {
    %c0_i32 = arith.constant 0 : i32
    %c0_i32_0 = arith.constant 0 : i32
    %c0_i32_1 = arith.constant 0 : i32
    return %c0_i32, %c0_i32_0 : i32, i32
  }
  func.func @transform_8(%arg0: i32) -> (i32, i32) {
    %c0_i32 = arith.constant 0 : i32
    %c0_i32_0 = arith.constant 0 : i32
    %c0_i32_1 = arith.constant 0 : i32
    return %c0_i32, %c0_i32_0 : i32, i32
  }
  func.func @transform_9(%arg0: i32) -> (i32, i32) {
    %c0_i32 = arith.constant 0 : i32
    %c0_i32_0 = arith.constant 0 : i32
    return %arg0, %c0_i32 : i32, i32
  }
}

module attributes {stable_mosaic.version = 14 : i64} {
  func.func @_prep_body(%arg0: i32, %arg1: memref<2x1024x128xf32, #tpu.memory_space<vmem>>, %arg2: memref<1024x512xf32, #tpu.memory_space<vmem>>, %arg3: memref<1024x128xf32, #tpu.memory_space<vmem>>, %arg4: memref<4x1024x128xf32, #tpu.memory_space<vmem>>) attributes {dimension_semantics = [#tpu.dimension_semantics<arbitrary>], iteration_bounds = array<i64: 10>, scalar_prefetch = 0 : i64, scratch_operands = 0 : i64, tpu.core_type = #tpu.core_type<tc>, window_params = [{transform_indices = @transform_0, window_bounds = array<i64: 2, 1024, 128>}, {transform_indices = @transform_1, window_bounds = array<i64: 1024, 512>}, {transform_indices = @transform_2, window_bounds = array<i64: 1024, 128>}, {transform_indices = @transform_3, window_bounds = array<i64: 4, 1024, 128>}]} {
    %get3A = arith.constant 0 : index
    %get3A_0 = arith.constant 0 : index
    %get3A_1 = arith.constant 0 : index
    %get3A_2 = vector.load %arg1[%get3A, %get3A_0, %get3A_1] : memref<2x1024x128xf32, #tpu.memory_space<vmem>>, vector<1x1024x1xf32>
    %get3A_3 = vector.shape_cast %get3A_2 : vector<1x1024x1xf32> to vector<1024x1xf32>
    %get3A_4 = arith.constant 1 : index
    %get3A_5 = arith.constant 0 : index
    %get3A_6 = arith.constant 0 : index
    %get3A_7 = vector.load %arg1[%get3A_4, %get3A_5, %get3A_6] : memref<2x1024x128xf32, #tpu.memory_space<vmem>>, vector<1x1024x1xf32>
    %get3A_8 = vector.shape_cast %get3A_7 : vector<1x1024x1xf32> to vector<1024x1xf32>
    %add3A = arith.addf %get3A_3, %get3A_8 : vector<1024x1xf32>
    %max3A = arith.constant 1.000000e+00 : f32
    %max3A_9 = vector.broadcast %max3A : f32 to vector<1024x1xf32>
    %max3A_10 = arith.maximumf %add3A, %max3A_9 : vector<1024x1xf32>
    %rsqrt3A = math.rsqrt %max3A_10 : vector<1024x1xf32>
    %broadcast_in_dim3A = vector.shape_cast %rsqrt3A : vector<1024x1xf32> to vector<1024x1xf32>
    %broadcast_in_dim3A_11 = vector.broadcast %broadcast_in_dim3A : vector<1024x1xf32> to vector<1024x128xf32>
    %swap3A = arith.constant 0 : index
    %swap3A_12 = arith.constant 0 : index
    %swap3A_13 = vector.load %arg3[%swap3A, %swap3A_12] : memref<1024x128xf32, #tpu.memory_space<vmem>>, vector<1024x128xf32>
    tpu.vector_store %arg3[%swap3A, %swap3A_12], %broadcast_in_dim3A_11 {strides = array<i32>} : memref<1024x128xf32, #tpu.memory_space<vmem>>, vector<1024x128xf32>,
    %get3A_14 = arith.constant 0 : index
    %get3A_15 = arith.constant 0 : index
    %get3A_16 = vector.load %arg2[%get3A_14, %get3A_15] : memref<1024x512xf32, #tpu.memory_space<vmem>>, vector<1024x128xf32>
    %mul3A = vector.broadcast %rsqrt3A : vector<1024x1xf32> to vector<1024x128xf32>
    %mul3A_17 = arith.mulf %get3A_16, %mul3A : vector<1024x128xf32>
    %swap3A_18 = arith.constant 0 : index
    %swap3A_19 = arith.constant 0 : index
    %swap3A_20 = arith.constant 0 : index
    %swap3A_21 = vector.load %arg4[%swap3A_18, %swap3A_19, %swap3A_20] : memref<4x1024x128xf32, #tpu.memory_space<vmem>>, vector<1x1024x128xf32>
    %swap3A_22 = vector.shape_cast %swap3A_21 : vector<1x1024x128xf32> to vector<1024x128xf32>
    %swap3A_23 = vector.shape_cast %mul3A_17 : vector<1024x128xf32> to vector<1x1024x128xf32>
    tpu.vector_store %arg4[%swap3A_18, %swap3A_19, %swap3A_20], %swap3A_23 {strides = array<i32>} : memref<4x1024x128xf32, #tpu.memory_space<vmem>>, vector<1x1024x128xf32>,
    %get3A_24 = arith.constant 0 : index
    %get3A_25 = arith.constant 128 : index
    %get3A_26 = vector.load %arg2[%get3A_24, %get3A_25] : memref<1024x512xf32, #tpu.memory_space<vmem>>, vector<1024x128xf32>
    %mul3A_27 = vector.broadcast %rsqrt3A : vector<1024x1xf32> to vector<1024x128xf32>
    %mul3A_28 = arith.mulf %get3A_26, %mul3A_27 : vector<1024x128xf32>
    %swap3A_29 = arith.constant 1 : index
    %swap3A_30 = arith.constant 0 : index
    %swap3A_31 = arith.constant 0 : index
    %swap3A_32 = vector.load %arg4[%swap3A_29, %swap3A_30, %swap3A_31] : memref<4x1024x128xf32, #tpu.memory_space<vmem>>, vector<1x1024x128xf32>
    %swap3A_33 = vector.shape_cast %swap3A_32 : vector<1x1024x128xf32> to vector<1024x128xf32>
    %swap3A_34 = vector.shape_cast %mul3A_28 : vector<1024x128xf32> to vector<1x1024x128xf32>
    tpu.vector_store %arg4[%swap3A_29, %swap3A_30, %swap3A_31], %swap3A_34 {strides = array<i32>} : memref<4x1024x128xf32, #tpu.memory_space<vmem>>, vector<1x1024x128xf32>,
    %get3A_35 = arith.constant 0 : index
    %get3A_36 = arith.constant 256 : index
    %get3A_37 = vector.load %arg2[%get3A_35, %get3A_36] : memref<1024x512xf32, #tpu.memory_space<vmem>>, vector<1024x128xf32>
    %mul3A_38 = vector.broadcast %rsqrt3A : vector<1024x1xf32> to vector<1024x128xf32>
    %mul3A_39 = arith.mulf %get3A_37, %mul3A_38 : vector<1024x128xf32>
    %swap3A_40 = arith.constant 2 : index
    %swap3A_41 = arith.constant 0 : index
    %swap3A_42 = arith.constant 0 : index
    %swap3A_43 = vector.load %arg4[%swap3A_40, %swap3A_41, %swap3A_42] : memref<4x1024x128xf32, #tpu.memory_space<vmem>>, vector<1x1024x128xf32>
    %swap3A_44 = vector.shape_cast %swap3A_43 : vector<1x1024x128xf32> to vector<1024x128xf32>
    %swap3A_45 = vector.shape_cast %mul3A_39 : vector<1024x128xf32> to vector<1x1024x128xf32>
    tpu.vector_store %arg4[%swap3A_40, %swap3A_41, %swap3A_42], %swap3A_45 {strides = array<i32>} : memref<4x1024x128xf32, #tpu.memory_space<vmem>>, vector<1x1024x128xf32>,
    %get3A_46 = arith.constant 0 : index
    %get3A_47 = arith.constant 384 : index
    %get3A_48 = vector.load %arg2[%get3A_46, %get3A_47] : memref<1024x512xf32, #tpu.memory_space<vmem>>, vector<1024x128xf32>
    %mul3A_49 = vector.broadcast %rsqrt3A : vector<1024x1xf32> to vector<1024x128xf32>
    %mul3A_50 = arith.mulf %get3A_48, %mul3A_49 : vector<1024x128xf32>
    %swap3A_51 = arith.constant 3 : index
    %swap3A_52 = arith.constant 0 : index
    %swap3A_53 = arith.constant 0 : index
    %swap3A_54 = vector.load %arg4[%swap3A_51, %swap3A_52, %swap3A_53] : memref<4x1024x128xf32, #tpu.memory_space<vmem>>, vector<1x1024x128xf32>
    %swap3A_55 = vector.shape_cast %swap3A_54 : vector<1x1024x128xf32> to vector<1024x128xf32>
    %swap3A_56 = vector.shape_cast %mul3A_50 : vector<1024x128xf32> to vector<1x1024x128xf32>
    tpu.vector_store %arg4[%swap3A_51, %swap3A_52, %swap3A_53], %swap3A_56 {strides = array<i32>} : memref<4x1024x128xf32, #tpu.memory_space<vmem>>, vector<1x1024x128xf32>,
    return
  }
  func.func @transform_0(%arg0: i32) -> (i32, i32, i32) {
    %c0_i32 = arith.constant 0 : i32
    %c0_i32_0 = arith.constant 0 : i32
    %c0_i32_1 = arith.constant 0 : i32
    return %c0_i32, %arg0, %c0_i32_0 : i32, i32, i32
  }
  func.func @transform_1(%arg0: i32) -> (i32, i32) {
    %c0_i32 = arith.constant 0 : i32
    %c0_i32_0 = arith.constant 0 : i32
    return %arg0, %c0_i32 : i32, i32
  }
  func.func @transform_2(%arg0: i32) -> (i32, i32) {
    %c0_i32 = arith.constant 0 : i32
    %c0_i32_0 = arith.constant 0 : i32
    return %arg0, %c0_i32 : i32, i32
  }
  func.func @transform_3(%arg0: i32) -> (i32, i32, i32) {
    %c0_i32 = arith.constant 0 : i32
    %c0_i32_0 = arith.constant 0 : i32
    %c0_i32_1 = arith.constant 0 : i32
    return %c0_i32, %arg0, %c0_i32_0 : i32, i32, i32
  }
}

module attributes {stable_mosaic.version = 14 : i64} {
  func.func @_gcn_body(%arg0: i32, %arg1: memref<2x4x1024x128xf32, #tpu.memory_space<vmem>>, %arg2: memref<1024x512xf32, #tpu.memory_space<vmem>>, %arg3: memref<1024x128xf32, #tpu.memory_space<vmem>>, %arg4: memref<512x512xf32, #tpu.memory_space<vmem>>, %arg5: memref<1x512xf32, #tpu.memory_space<vmem>>, %arg6: memref<512x512xf32, #tpu.memory_space<vmem>>, %arg7: memref<1x512xf32, #tpu.memory_space<vmem>>, %arg8: memref<1024x512xf32, #tpu.memory_space<vmem>>, %arg9: memref<4x1024x128xf32, #tpu.memory_space<vmem>>) attributes {dimension_semantics = [#tpu.dimension_semantics<arbitrary>], iteration_bounds = array<i64: 10>, scalar_prefetch = 0 : i64, scratch_operands = 0 : i64, tpu.core_type = #tpu.core_type<tc>, window_params = [{transform_indices = @transform_0, window_bounds = array<i64: 2, 4, 1024, 128>}, {transform_indices = @transform_1, window_bounds = array<i64: 1024, 512>}, {transform_indices = @transform_2, window_bounds = array<i64: 1024, 128>}, {pipeline_mode = #tpu.pipeline_mode<synchronous>, transform_indices = @transform_3, window_bounds = array<i64: 512, 512>}, {pipeline_mode = #tpu.pipeline_mode<synchronous>, transform_indices = @transform_4, window_bounds = array<i64: 1, 512>}, {pipeline_mode = #tpu.pipeline_mode<synchronous>, transform_indices = @transform_5, window_bounds = array<i64: 512, 512>}, {pipeline_mode = #tpu.pipeline_mode<synchronous>, transform_indices = @transform_6, window_bounds = array<i64: 1, 512>}, {transform_indices = @transform_7, window_bounds = array<i64: 1024, 512>}, {transform_indices = @transform_8, window_bounds = array<i64: 4, 1024, 128>}]} {
    %get3A = arith.constant 0 : index
    %get3A_0 = arith.constant 0 : index
    %get3A_1 = vector.load %arg3[%get3A, %get3A_0] : memref<1024x128xf32, #tpu.memory_space<vmem>>, vector<1024x1xf32>
    %get3A_2 = arith.constant 0 : index
    %get3A_3 = arith.constant 0 : index
    %get3A_4 = arith.constant 0 : index
    %get3A_5 = arith.constant 0 : index
    %get3A_6 = vector.load %arg1[%get3A_2, %get3A_3, %get3A_4, %get3A_5] : memref<2x4x1024x128xf32, #tpu.memory_space<vmem>>, vector<1x1x1024x128xf32>
    %get3A_7 = vector.shape_cast %get3A_6 : vector<1x1x1024x128xf32> to vector<1024x128xf32>
    %get3A_8 = arith.constant 1 : index
    %get3A_9 = arith.constant 0 : index
    %get3A_10 = arith.constant 0 : index
    %get3A_11 = arith.constant 0 : index
    %get3A_12 = vector.load %arg1[%get3A_8, %get3A_9, %get3A_10, %get3A_11] : memref<2x4x1024x128xf32, #tpu.memory_space<vmem>>, vector<1x1x1024x128xf32>
    %get3A_13 = vector.shape_cast %get3A_12 : vector<1x1x1024x128xf32> to vector<1024x128xf32>
    %add3A = arith.addf %get3A_7, %get3A_13 : vector<1024x128xf32>
    %get3A_14 = arith.constant 0 : index
    %get3A_15 = arith.constant 1 : index
    %get3A_16 = arith.constant 0 : index
    %get3A_17 = arith.constant 0 : index
    %get3A_18 = vector.load %arg1[%get3A_14, %get3A_15, %get3A_16, %get3A_17] : memref<2x4x1024x128xf32, #tpu.memory_space<vmem>>, vector<1x1x1024x128xf32>
    %get3A_19 = vector.shape_cast %get3A_18 : vector<1x1x1024x128xf32> to vector<1024x128xf32>
    %get3A_20 = arith.constant 1 : index
    %get3A_21 = arith.constant 1 : index
    %get3A_22 = arith.constant 0 : index
    %get3A_23 = arith.constant 0 : index
    %get3A_24 = vector.load %arg1[%get3A_20, %get3A_21, %get3A_22, %get3A_23] : memref<2x4x1024x128xf32, #tpu.memory_space<vmem>>, vector<1x1x1024x128xf32>
    %get3A_25 = vector.shape_cast %get3A_24 : vector<1x1x1024x128xf32> to vector<1024x128xf32>
    %add3A_26 = arith.addf %get3A_19, %get3A_25 : vector<1024x128xf32>
    %get3A_27 = arith.constant 0 : index
    %get3A_28 = arith.constant 2 : index
    %get3A_29 = arith.constant 0 : index
    %get3A_30 = arith.constant 0 : index
    %get3A_31 = vector.load %arg1[%get3A_27, %get3A_28, %get3A_29, %get3A_30] : memref<2x4x1024x128xf32, #tpu.memory_space<vmem>>, vector<1x1x1024x128xf32>
    %get3A_32 = vector.shape_cast %get3A_31 : vector<1x1x1024x128xf32> to vector<1024x128xf32>
    %get3A_33 = arith.constant 1 : index
    %get3A_34 = arith.constant 2 : index
    %get3A_35 = arith.constant 0 : index
    %get3A_36 = arith.constant 0 : index
    %get3A_37 = vector.load %arg1[%get3A_33, %get3A_34, %get3A_35, %get3A_36] : memref<2x4x1024x128xf32, #tpu.memory_space<vmem>>, vector<1x1x1024x128xf32>
    %get3A_38 = vector.shape_cast %get3A_37 : vector<1x1x1024x128xf32> to vector<1024x128xf32>
    %add3A_39 = arith.addf %get3A_32, %get3A_38 : vector<1024x128xf32>
    %get3A_40 = arith.constant 0 : index
    %get3A_41 = arith.constant 3 : index
    %get3A_42 = arith.constant 0 : index
    %get3A_43 = arith.constant 0 : index
    %get3A_44 = vector.load %arg1[%get3A_40, %get3A_41, %get3A_42, %get3A_43] : memref<2x4x1024x128xf32, #tpu.memory_space<vmem>>, vector<1x1x1024x128xf32>
    %get3A_45 = vector.shape_cast %get3A_44 : vector<1x1x1024x128xf32> to vector<1024x128xf32>
    %get3A_46 = arith.constant 1 : index
    %get3A_47 = arith.constant 3 : index
    %get3A_48 = arith.constant 0 : index
    %get3A_49 = arith.constant 0 : index
    %get3A_50 = vector.load %arg1[%get3A_46, %get3A_47, %get3A_48, %get3A_49] : memref<2x4x1024x128xf32, #tpu.memory_space<vmem>>, vector<1x1x1024x128xf32>
    %get3A_51 = vector.shape_cast %get3A_50 : vector<1x1x1024x128xf32> to vector<1024x128xf32>
    %add3A_52 = arith.addf %get3A_45, %get3A_51 : vector<1024x128xf32>
    %concatenate3A = tpu.concatenate %add3A, %add3A_26, %add3A_39, %add3A_52 in 1 : vector<1024x128xf32>, vector<1024x128xf32>, vector<1024x128xf32>, vector<1024x128xf32> -> vector<1024x512xf32>
    %mul3A = vector.broadcast %get3A_1 : vector<1024x1xf32> to vector<1024x512xf32>
    %mul3A_53 = arith.mulf %concatenate3A, %mul3A : vector<1024x512xf32>
    %get3A_54 = arith.constant 0 : index
    %get3A_55 = arith.constant 0 : index
    %get3A_56 = vector.load %arg4[%get3A_54, %get3A_55] : memref<512x512xf32, #tpu.memory_space<vmem>>, vector<512x512xf32>
    %dot_general3A = arith.constant dense<0.000000e+00> : vector<1024x512xf32>
    %dot_general3A_57 = tpu.matmul %mul3A_53, %get3A_56, %dot_general3A {dimension_numbers = #tpu.dot_dimension_numbers<[1], [0], [0], [1], [0, 0, 1, 1], [], []>, transpose_lhs_hint = false} : vector<1024x512xf32>, vector<512x512xf32>, vector<1024x512xf32> -> vector<1024x512xf32>
    %get3A_58 = arith.constant 0 : index
    %get3A_59 = arith.constant 0 : index
    %get3A_60 = vector.load %arg2[%get3A_58, %get3A_59] : memref<1024x512xf32, #tpu.memory_space<vmem>>, vector<1024x512xf32>
    %get3A_61 = arith.constant 0 : index
    %get3A_62 = arith.constant 0 : index
    %get3A_63 = vector.load %arg6[%get3A_61, %get3A_62] : memref<512x512xf32, #tpu.memory_space<vmem>>, vector<512x512xf32>
    %dot_general3A_64 = arith.constant dense<0.000000e+00> : vector<1024x512xf32>
    %dot_general3A_65 = tpu.matmul %get3A_60, %get3A_63, %dot_general3A_64 {dimension_numbers = #tpu.dot_dimension_numbers<[1], [0], [0], [1], [0, 0, 1, 1], [], []>, transpose_lhs_hint = false} : vector<1024x512xf32>, vector<512x512xf32>, vector<1024x512xf32> -> vector<1024x512xf32>
    %add3A_66 = arith.addf %dot_general3A_57, %dot_general3A_65 : vector<1024x512xf32>
    %get3A_67 = arith.constant 0 : index
    %get3A_68 = arith.constant 0 : index
    %get3A_69 = vector.load %arg5[%get3A_67, %get3A_68] : memref<1x512xf32, #tpu.memory_space<vmem>>, vector<1x512xf32>
    %add3A_70 = vector.broadcast %get3A_69 : vector<1x512xf32> to vector<1024x512xf32>
    %add3A_71 = arith.addf %add3A_66, %add3A_70 : vector<1024x512xf32>
    %get3A_72 = arith.constant 0 : index
    %get3A_73 = arith.constant 0 : index
    %get3A_74 = vector.load %arg7[%get3A_72, %get3A_73] : memref<1x512xf32, #tpu.memory_space<vmem>>, vector<1x512xf32>
    %add3A_75 = vector.broadcast %get3A_74 : vector<1x512xf32> to vector<1024x512xf32>
    %add3A_76 = arith.addf %add3A_71, %add3A_75 : vector<1024x512xf32>
    %swap3A = arith.constant 0 : index
    %swap3A_77 = arith.constant 0 : index
    %swap3A_78 = vector.load %arg8[%swap3A, %swap3A_77] : memref<1024x512xf32, #tpu.memory_space<vmem>>, vector<1024x512xf32>
    tpu.vector_store %arg8[%swap3A, %swap3A_77], %add3A_76 {strides = array<i32>} : memref<1024x512xf32, #tpu.memory_space<vmem>>, vector<1024x512xf32>,
    %slice3A = vector.extract_strided_slice %add3A_76 {offsets = [0, 0], sizes = [1024, 128], strides = [1, 1]} : vector<1024x512xf32> to vector<1024x128xf32>
    %mul3A_79 = vector.broadcast %get3A_1 : vector<1024x1xf32> to vector<1024x128xf32>
    %mul3A_80 = arith.mulf %slice3A, %mul3A_79 : vector<1024x128xf32>
    %swap3A_81 = arith.constant 0 : index
    %swap3A_82 = arith.constant 0 : index
    %swap3A_83 = arith.constant 0 : index
    %swap3A_84 = vector.load %arg9[%swap3A_81, %swap3A_82, %swap3A_83] : memref<4x1024x128xf32, #tpu.memory_space<vmem>>, vector<1x1024x128xf32>
    %swap3A_85 = vector.shape_cast %swap3A_84 : vector<1x1024x128xf32> to vector<1024x128xf32>
    %swap3A_86 = vector.shape_cast %mul3A_80 : vector<1024x128xf32> to vector<1x1024x128xf32>
    tpu.vector_store %arg9[%swap3A_81, %swap3A_82, %swap3A_83], %swap3A_86 {strides = array<i32>} : memref<4x1024x128xf32, #tpu.memory_space<vmem>>, vector<1x1024x128xf32>,
    %slice3A_87 = vector.extract_strided_slice %add3A_76 {offsets = [0, 128], sizes = [1024, 128], strides = [1, 1]} : vector<1024x512xf32> to vector<1024x128xf32>
    %mul3A_88 = vector.broadcast %get3A_1 : vector<1024x1xf32> to vector<1024x128xf32>
    %mul3A_89 = arith.mulf %slice3A_87, %mul3A_88 : vector<1024x128xf32>
    %swap3A_90 = arith.constant 1 : index
    %swap3A_91 = arith.constant 0 : index
    %swap3A_92 = arith.constant 0 : index
    %swap3A_93 = vector.load %arg9[%swap3A_90, %swap3A_91, %swap3A_92] : memref<4x1024x128xf32, #tpu.memory_space<vmem>>, vector<1x1024x128xf32>
    %swap3A_94 = vector.shape_cast %swap3A_93 : vector<1x1024x128xf32> to vector<1024x128xf32>
    %swap3A_95 = vector.shape_cast %mul3A_89 : vector<1024x128xf32> to vector<1x1024x128xf32>
    tpu.vector_store %arg9[%swap3A_90, %swap3A_91, %swap3A_92], %swap3A_95 {strides = array<i32>} : memref<4x1024x128xf32, #tpu.memory_space<vmem>>, vector<1x1024x128xf32>,
    %slice3A_96 = vector.extract_strided_slice %add3A_76 {offsets = [0, 256], sizes = [1024, 128], strides = [1, 1]} : vector<1024x512xf32> to vector<1024x128xf32>
    %mul3A_97 = vector.broadcast %get3A_1 : vector<1024x1xf32> to vector<1024x128xf32>
    %mul3A_98 = arith.mulf %slice3A_96, %mul3A_97 : vector<1024x128xf32>
    %swap3A_99 = arith.constant 2 : index
    %swap3A_100 = arith.constant 0 : index
    %swap3A_101 = arith.constant 0 : index
    %swap3A_102 = vector.load %arg9[%swap3A_99, %swap3A_100, %swap3A_101] : memref<4x1024x128xf32, #tpu.memory_space<vmem>>, vector<1x1024x128xf32>
    %swap3A_103 = vector.shape_cast %swap3A_102 : vector<1x1024x128xf32> to vector<1024x128xf32>
    %swap3A_104 = vector.shape_cast %mul3A_98 : vector<1024x128xf32> to vector<1x1024x128xf32>
    tpu.vector_store %arg9[%swap3A_99, %swap3A_100, %swap3A_101], %swap3A_104 {strides = array<i32>} : memref<4x1024x128xf32, #tpu.memory_space<vmem>>, vector<1x1024x128xf32>,
    %slice3A_105 = vector.extract_strided_slice %add3A_76 {offsets = [0, 384], sizes = [1024, 128], strides = [1, 1]} : vector<1024x512xf32> to vector<1024x128xf32>
    %mul3A_106 = vector.broadcast %get3A_1 : vector<1024x1xf32> to vector<1024x128xf32>
    %mul3A_107 = arith.mulf %slice3A_105, %mul3A_106 : vector<1024x128xf32>
    %swap3A_108 = arith.constant 3 : index
    %swap3A_109 = arith.constant 0 : index
    %swap3A_110 = arith.constant 0 : index
    %swap3A_111 = vector.load %arg9[%swap3A_108, %swap3A_109, %swap3A_110] : memref<4x1024x128xf32, #tpu.memory_space<vmem>>, vector<1x1024x128xf32>
    %swap3A_112 = vector.shape_cast %swap3A_111 : vector<1x1024x128xf32> to vector<1024x128xf32>
    %swap3A_113 = vector.shape_cast %mul3A_107 : vector<1024x128xf32> to vector<1x1024x128xf32>
    tpu.vector_store %arg9[%swap3A_108, %swap3A_109, %swap3A_110], %swap3A_113 {strides = array<i32>} : memref<4x1024x128xf32, #tpu.memory_space<vmem>>, vector<1x1024x128xf32>,
    return
  }
  func.func @transform_0(%arg0: i32) -> (i32, i32, i32, i32) {
    %c0_i32 = arith.constant 0 : i32
    %c0_i32_0 = arith.constant 0 : i32
    %c0_i32_1 = arith.constant 0 : i32
    %c0_i32_2 = arith.constant 0 : i32
    return %c0_i32, %c0_i32_0, %arg0, %c0_i32_1 : i32, i32, i32, i32
  }
  func.func @transform_1(%arg0: i32) -> (i32, i32) {
    %c0_i32 = arith.constant 0 : i32
    %c0_i32_0 = arith.constant 0 : i32
    return %arg0, %c0_i32 : i32, i32
  }
  func.func @transform_2(%arg0: i32) -> (i32, i32) {
    %c0_i32 = arith.constant 0 : i32
    %c0_i32_0 = arith.constant 0 : i32
    return %arg0, %c0_i32 : i32, i32
  }
  func.func @transform_3(%arg0: i32) -> (i32, i32) {
    %c0_i32 = arith.constant 0 : i32
    %c0_i32_0 = arith.constant 0 : i32
    %c0_i32_1 = arith.constant 0 : i32
    return %c0_i32, %c0_i32_0 : i32, i32
  }
  func.func @transform_4(%arg0: i32) -> (i32, i32) {
    %c0_i32 = arith.constant 0 : i32
    %c0_i32_0 = arith.constant 0 : i32
    %c0_i32_1 = arith.constant 0 : i32
    return %c0_i32, %c0_i32_0 : i32, i32
  }
  func.func @transform_5(%arg0: i32) -> (i32, i32) {
    %c0_i32 = arith.constant 0 : i32
    %c0_i32_0 = arith.constant 0 : i32
    %c0_i32_1 = arith.constant 0 : i32
    return %c0_i32, %c0_i32_0 : i32, i32
  }
  func.func @transform_6(%arg0: i32) -> (i32, i32) {
    %c0_i32 = arith.constant 0 : i32
    %c0_i32_0 = arith.constant 0 : i32
    %c0_i32_1 = arith.constant 0 : i32
    return %c0_i32, %c0_i32_0 : i32, i32
  }
  func.func @transform_7(%arg0: i32) -> (i32, i32) {
    %c0_i32 = arith.constant 0 : i32
    %c0_i32_0 = arith.constant 0 : i32
    return %arg0, %c0_i32 : i32, i32
  }
  func.func @transform_8(%arg0: i32) -> (i32, i32, i32) {
    %c0_i32 = arith.constant 0 : i32
    %c0_i32_0 = arith.constant 0 : i32
    %c0_i32_1 = arith.constant 0 : i32
    return %c0_i32, %arg0, %c0_i32_0 : i32, i32, i32
  }
}

module attributes {stable_mosaic.version = 14 : i64} {
  func.func @_gcn_final_body(%arg0: i32, %arg1: memref<2x4x1024x128xf32, #tpu.memory_space<vmem>>, %arg2: memref<1024x512xf32, #tpu.memory_space<vmem>>, %arg3: memref<1024x128xf32, #tpu.memory_space<vmem>>, %arg4: memref<512x512xf32, #tpu.memory_space<vmem>>, %arg5: memref<1x512xf32, #tpu.memory_space<vmem>>, %arg6: memref<512x512xf32, #tpu.memory_space<vmem>>, %arg7: memref<1x512xf32, #tpu.memory_space<vmem>>, %arg8: memref<1x512xf32, #tpu.memory_space<vmem>>) attributes {dimension_semantics = [#tpu.dimension_semantics<arbitrary>], iteration_bounds = array<i64: 10>, scalar_prefetch = 0 : i64, scratch_operands = 0 : i64, tpu.core_type = #tpu.core_type<tc>, window_params = [{transform_indices = @transform_0, window_bounds = array<i64: 2, 4, 1024, 128>}, {transform_indices = @transform_1, window_bounds = array<i64: 1024, 512>}, {transform_indices = @transform_2, window_bounds = array<i64: 1024, 128>}, {pipeline_mode = #tpu.pipeline_mode<synchronous>, transform_indices = @transform_3, window_bounds = array<i64: 512, 512>}, {pipeline_mode = #tpu.pipeline_mode<synchronous>, transform_indices = @transform_4, window_bounds = array<i64: 1, 512>}, {pipeline_mode = #tpu.pipeline_mode<synchronous>, transform_indices = @transform_5, window_bounds = array<i64: 512, 512>}, {pipeline_mode = #tpu.pipeline_mode<synchronous>, transform_indices = @transform_6, window_bounds = array<i64: 1, 512>}, {pipeline_mode = #tpu.pipeline_mode<synchronous>, transform_indices = @transform_7, window_bounds = array<i64: 1, 512>}]} {
    %get3A = arith.constant 0 : index
    %get3A_0 = arith.constant 0 : index
    %get3A_1 = vector.load %arg3[%get3A, %get3A_0] : memref<1024x128xf32, #tpu.memory_space<vmem>>, vector<1024x1xf32>
    %get3A_2 = arith.constant 0 : index
    %get3A_3 = arith.constant 0 : index
    %get3A_4 = arith.constant 0 : index
    %get3A_5 = arith.constant 0 : index
    %get3A_6 = vector.load %arg1[%get3A_2, %get3A_3, %get3A_4, %get3A_5] : memref<2x4x1024x128xf32, #tpu.memory_space<vmem>>, vector<1x1x1024x128xf32>
    %get3A_7 = vector.shape_cast %get3A_6 : vector<1x1x1024x128xf32> to vector<1024x128xf32>
    %get3A_8 = arith.constant 1 : index
    %get3A_9 = arith.constant 0 : index
    %get3A_10 = arith.constant 0 : index
    %get3A_11 = arith.constant 0 : index
    %get3A_12 = vector.load %arg1[%get3A_8, %get3A_9, %get3A_10, %get3A_11] : memref<2x4x1024x128xf32, #tpu.memory_space<vmem>>, vector<1x1x1024x128xf32>
    %get3A_13 = vector.shape_cast %get3A_12 : vector<1x1x1024x128xf32> to vector<1024x128xf32>
    %add3A = arith.addf %get3A_7, %get3A_13 : vector<1024x128xf32>
    %get3A_14 = arith.constant 0 : index
    %get3A_15 = arith.constant 1 : index
    %get3A_16 = arith.constant 0 : index
    %get3A_17 = arith.constant 0 : index
    %get3A_18 = vector.load %arg1[%get3A_14, %get3A_15, %get3A_16, %get3A_17] : memref<2x4x1024x128xf32, #tpu.memory_space<vmem>>, vector<1x1x1024x128xf32>
    %get3A_19 = vector.shape_cast %get3A_18 : vector<1x1x1024x128xf32> to vector<1024x128xf32>
    %get3A_20 = arith.constant 1 : index
    %get3A_21 = arith.constant 1 : index
    %get3A_22 = arith.constant 0 : index
    %get3A_23 = arith.constant 0 : index
    %get3A_24 = vector.load %arg1[%get3A_20, %get3A_21, %get3A_22, %get3A_23] : memref<2x4x1024x128xf32, #tpu.memory_space<vmem>>, vector<1x1x1024x128xf32>
    %get3A_25 = vector.shape_cast %get3A_24 : vector<1x1x1024x128xf32> to vector<1024x128xf32>
    %add3A_26 = arith.addf %get3A_19, %get3A_25 : vector<1024x128xf32>
    %get3A_27 = arith.constant 0 : index
    %get3A_28 = arith.constant 2 : index
    %get3A_29 = arith.constant 0 : index
    %get3A_30 = arith.constant 0 : index
    %get3A_31 = vector.load %arg1[%get3A_27, %get3A_28, %get3A_29, %get3A_30] : memref<2x4x1024x128xf32, #tpu.memory_space<vmem>>, vector<1x1x1024x128xf32>
    %get3A_32 = vector.shape_cast %get3A_31 : vector<1x1x1024x128xf32> to vector<1024x128xf32>
    %get3A_33 = arith.constant 1 : index
    %get3A_34 = arith.constant 2 : index
    %get3A_35 = arith.constant 0 : index
    %get3A_36 = arith.constant 0 : index
    %get3A_37 = vector.load %arg1[%get3A_33, %get3A_34, %get3A_35, %get3A_36] : memref<2x4x1024x128xf32, #tpu.memory_space<vmem>>, vector<1x1x1024x128xf32>
    %get3A_38 = vector.shape_cast %get3A_37 : vector<1x1x1024x128xf32> to vector<1024x128xf32>
    %add3A_39 = arith.addf %get3A_32, %get3A_38 : vector<1024x128xf32>
    %get3A_40 = arith.constant 0 : index
    %get3A_41 = arith.constant 3 : index
    %get3A_42 = arith.constant 0 : index
    %get3A_43 = arith.constant 0 : index
    %get3A_44 = vector.load %arg1[%get3A_40, %get3A_41, %get3A_42, %get3A_43] : memref<2x4x1024x128xf32, #tpu.memory_space<vmem>>, vector<1x1x1024x128xf32>
    %get3A_45 = vector.shape_cast %get3A_44 : vector<1x1x1024x128xf32> to vector<1024x128xf32>
    %get3A_46 = arith.constant 1 : index
    %get3A_47 = arith.constant 3 : index
    %get3A_48 = arith.constant 0 : index
    %get3A_49 = arith.constant 0 : index
    %get3A_50 = vector.load %arg1[%get3A_46, %get3A_47, %get3A_48, %get3A_49] : memref<2x4x1024x128xf32, #tpu.memory_space<vmem>>, vector<1x1x1024x128xf32>
    %get3A_51 = vector.shape_cast %get3A_50 : vector<1x1x1024x128xf32> to vector<1024x128xf32>
    %add3A_52 = arith.addf %get3A_45, %get3A_51 : vector<1024x128xf32>
    %concatenate3A = tpu.concatenate %add3A, %add3A_26, %add3A_39, %add3A_52 in 1 : vector<1024x128xf32>, vector<1024x128xf32>, vector<1024x128xf32>, vector<1024x128xf32> -> vector<1024x512xf32>
    %mul3A = vector.broadcast %get3A_1 : vector<1024x1xf32> to vector<1024x512xf32>
    %mul3A_53 = arith.mulf %concatenate3A, %mul3A : vector<1024x512xf32>
    %get3A_54 = arith.constant 0 : index
    %get3A_55 = arith.constant 0 : index
    %get3A_56 = vector.load %arg4[%get3A_54, %get3A_55] : memref<512x512xf32, #tpu.memory_space<vmem>>, vector<512x512xf32>
    %dot_general3A = arith.constant dense<0.000000e+00> : vector<1024x512xf32>
    %dot_general3A_57 = tpu.matmul %mul3A_53, %get3A_56, %dot_general3A {dimension_numbers = #tpu.dot_dimension_numbers<[1], [0], [0], [1], [0, 0, 1, 1], [], []>, transpose_lhs_hint = false} : vector<1024x512xf32>, vector<512x512xf32>, vector<1024x512xf32> -> vector<1024x512xf32>
    %get3A_58 = arith.constant 0 : index
    %get3A_59 = arith.constant 0 : index
    %get3A_60 = vector.load %arg2[%get3A_58, %get3A_59] : memref<1024x512xf32, #tpu.memory_space<vmem>>, vector<1024x512xf32>
    %get3A_61 = arith.constant 0 : index
    %get3A_62 = arith.constant 0 : index
    %get3A_63 = vector.load %arg6[%get3A_61, %get3A_62] : memref<512x512xf32, #tpu.memory_space<vmem>>, vector<512x512xf32>
    %dot_general3A_64 = arith.constant dense<0.000000e+00> : vector<1024x512xf32>
    %dot_general3A_65 = tpu.matmul %get3A_60, %get3A_63, %dot_general3A_64 {dimension_numbers = #tpu.dot_dimension_numbers<[1], [0], [0], [1], [0, 0, 1, 1], [], []>, transpose_lhs_hint = false} : vector<1024x512xf32>, vector<512x512xf32>, vector<1024x512xf32> -> vector<1024x512xf32>
    %add3A_66 = arith.addf %dot_general3A_57, %dot_general3A_65 : vector<1024x512xf32>
    %get3A_67 = arith.constant 0 : index
    %get3A_68 = arith.constant 0 : index
    %get3A_69 = vector.load %arg5[%get3A_67, %get3A_68] : memref<1x512xf32, #tpu.memory_space<vmem>>, vector<1x512xf32>
    %add3A_70 = vector.broadcast %get3A_69 : vector<1x512xf32> to vector<1024x512xf32>
    %add3A_71 = arith.addf %add3A_66, %add3A_70 : vector<1024x512xf32>
    %get3A_72 = arith.constant 0 : index
    %get3A_73 = arith.constant 0 : index
    %get3A_74 = vector.load %arg7[%get3A_72, %get3A_73] : memref<1x512xf32, #tpu.memory_space<vmem>>, vector<1x512xf32>
    %add3A_75 = vector.broadcast %get3A_74 : vector<1x512xf32> to vector<1024x512xf32>
    %add3A_76 = arith.addf %add3A_71, %add3A_75 : vector<1024x512xf32>
    %mul3A_77 = arith.constant 1024 : i32
    %mul3A_78 = arith.muli %arg0, %mul3A_77 : i32
    %iota3A = tpu.iota {dimensions = array<i32: 0>} : vector<1024x1xi32>
    %add3A_79 = vector.broadcast %mul3A_78 : i32 to vector<1024x1xi32>
    %add3A_80 = arith.addi %add3A_79, %iota3A : vector<1024x1xi32>
    %lt3A = arith.constant 10000 : i32
    %lt3A_81 = vector.broadcast %lt3A : i32 to vector<1024x1xi32>
    %lt3A_82 = arith.cmpi slt, %add3A_80, %lt3A_81 : vector<1024x1xi32>
    %jit3A = arith.constant 0xFF800000 : f32
    %broadcast_in_dim3A = vector.shape_cast %lt3A_82 : vector<1024x1xi1> to vector<1024x1xi1>
    %broadcast_in_dim3A_83 = vector.broadcast %broadcast_in_dim3A : vector<1024x1xi1> to vector<1024x512xi1>
    %broadcast_in_dim3A_84 = vector.broadcast %jit3A : f32 to vector<1024x512xf32>
    %select_n3A = arith.select %broadcast_in_dim3A_83, %add3A_76, %broadcast_in_dim3A_84 : vector<1024x512xi1>, vector<1024x512xf32>
    %eq3A = arith.constant 0 : i32
    %eq3A_85 = arith.cmpi eq, %arg0, %eq3A : i32
    %convert_element_type3A = arith.extui %eq3A_85 : i1 to i32
    %cond3A = arith.constant 0 : i32
    %cond3A_86 = arith.cmpi ne, %convert_element_type3A, %cond3A : i32
    scf.if %cond3A_86 {
      %broadcast_in_dim3A_94 = arith.constant 0xFF800000 : f32
      %broadcast_in_dim3A_95 = vector.broadcast %broadcast_in_dim3A_94 : f32 to vector<1x512xf32>
      %swap3A_96 = arith.constant 0 : index
      %swap3A_97 = arith.constant 0 : index
      %swap3A_98 = vector.load %arg8[%swap3A_96, %swap3A_97] : memref<1x512xf32, #tpu.memory_space<vmem>>, vector<1x512xf32>
      tpu.vector_store %arg8[%swap3A_96, %swap3A_97], %broadcast_in_dim3A_95 {strides = array<i32>} : memref<1x512xf32, #tpu.memory_space<vmem>>, vector<1x512xf32>,
    } else {
    }
    %get3A_87 = arith.constant 0 : index
    %get3A_88 = arith.constant 0 : index
    %get3A_89 = vector.load %arg8[%get3A_87, %get3A_88] : memref<1x512xf32, #tpu.memory_space<vmem>>, vector<1x512xf32>
    %reduce_max3A = arith.constant dense<0xFF800000> : vector<512xf32>
    %reduce_max3A_90 = vector.multi_reduction <maximumf>, %select_n3A, %reduce_max3A [0] : vector<1024x512xf32> to vector<512xf32>
    %broadcast_in_dim3A_91 = vector.shape_cast %reduce_max3A_90 : vector<512xf32> to vector<1x512xf32>
    %max3A = arith.maximumf %get3A_89, %broadcast_in_dim3A_91 : vector<1x512xf32>
    %swap3A = arith.constant 0 : index
    %swap3A_92 = arith.constant 0 : index
    %swap3A_93 = vector.load %arg8[%swap3A, %swap3A_92] : memref<1x512xf32, #tpu.memory_space<vmem>>, vector<1x512xf32>
    tpu.vector_store %arg8[%swap3A, %swap3A_92], %max3A {strides = array<i32>} : memref<1x512xf32, #tpu.memory_space<vmem>>, vector<1x512xf32>,
    return
  }
  func.func @transform_0(%arg0: i32) -> (i32, i32, i32, i32) {
    %c0_i32 = arith.constant 0 : i32
    %c0_i32_0 = arith.constant 0 : i32
    %c0_i32_1 = arith.constant 0 : i32
    %c0_i32_2 = arith.constant 0 : i32
    return %c0_i32, %c0_i32_0, %arg0, %c0_i32_1 : i32, i32, i32, i32
  }
  func.func @transform_1(%arg0: i32) -> (i32, i32) {
    %c0_i32 = arith.constant 0 : i32
    %c0_i32_0 = arith.constant 0 : i32
    return %arg0, %c0_i32 : i32, i32
  }
  func.func @transform_2(%arg0: i32) -> (i32, i32) {
    %c0_i32 = arith.constant 0 : i32
    %c0_i32_0 = arith.constant 0 : i32
    return %arg0, %c0_i32 : i32, i32
  }
  func.func @transform_3(%arg0: i32) -> (i32, i32) {
    %c0_i32 = arith.constant 0 : i32
    %c0_i32_0 = arith.constant 0 : i32
    %c0_i32_1 = arith.constant 0 : i32
    return %c0_i32, %c0_i32_0 : i32, i32
  }
  func.func @transform_4(%arg0: i32) -> (i32, i32) {
    %c0_i32 = arith.constant 0 : i32
    %c0_i32_0 = arith.constant 0 : i32
    %c0_i32_1 = arith.constant 0 : i32
    return %c0_i32, %c0_i32_0 : i32, i32
  }
  func.func @transform_5(%arg0: i32) -> (i32, i32) {
    %c0_i32 = arith.constant 0 : i32
    %c0_i32_0 = arith.constant 0 : i32
    %c0_i32_1 = arith.constant 0 : i32
    return %c0_i32, %c0_i32_0 : i32, i32
  }
  func.func @transform_6(%arg0: i32) -> (i32, i32) {
    %c0_i32 = arith.constant 0 : i32
    %c0_i32_0 = arith.constant 0 : i32
    %c0_i32_1 = arith.constant 0 : i32
    return %c0_i32, %c0_i32_0 : i32, i32
  }
  func.func @transform_7(%arg0: i32) -> (i32, i32) {
    %c0_i32 = arith.constant 0 : i32
    %c0_i32_0 = arith.constant 0 : i32
    %c0_i32_1 = arith.constant 0 : i32
    return %c0_i32, %c0_i32_0 : i32, i32
  }
}

</mosaic_0001>

<sc_bundles>
// kernel: kernel.13.cloned.1.call-start
scs
__scs_entry_jumppad:
0x0: {  	(pc) =	sbr.rel $0x88, $3  }
0x1: {  	(tag) =	ssettag $0x0;
	lr =	simm.s32 $0x1  }
0x2: {  	[smem:$0x3F87] =	sst lr;
	_ =	strace $0xD0000000  }
0x3: {  	_ = 	snop  }
0x4: {  	_ = 	snop  }
0x5: {  	_ = 	snop  }
0x6: {  	_ = 	snop  }
0x7: {  	_ = 	snop  }
__scs_overlays_trampoline_lowered:
0x8: {  	[smem:$0x3F96] =	sst s0  }
0x9: {  	[smem:$0x3F97] =	sst s1  }
0xa: {  	[smem:$0x3F98] =	sst s2  }
0xb: {  	[smem:$0x3F99] =	sst s3  }
0xc: {  	[smem:$0x3F9A] =	sst s4  }
0xd: {  	[smem:$0x3F9B] =	sst s5  }
0xe: {  	[smem:$0x3F9C] =	sst s6  }
0xf: {  	[smem:$0x3F9D] =	sst s7  }
0x10: {  	[smem:$0x3F9E] =	sst s8  }
0x11: {  	[smem:$0x3F9F] =	sst s9;
	s0 =	simm.s32 @!p0 $0x0  }
0x12: {  	s1 =	sld [smem:$0x3F85];
	s0 =	simm.s32 @p0 $0x1  }
0x13: {  	[smem:$0x3FA0] =	sst s0;
	s0 =	simm.s32 @!p1 $0x0  }
0x14: {  	s2 =	sld [smem:$0x3F84];
	s0 =	simm.s32 @p1 $0x1  }
0x15: {  	[smem:$0x3FA1] =	sst s0;
	s0 =	simm.s32 @!p2 $0x0  }
0x16: {  	s3 =	sld [smem:$0x3FDB];
	s0 =	simm.s32 @p2 $0x1  }
0x17: {  	s4 =	simm.s32 $0x1BF5;
	[smem:$0x3FA3] =	sst s0  }
0x18: {  	s0 =	sld [smem:$0x3F86];
	_ =	swait.ge [sflag:s4], $0x0  }
0x19: {  	s7 =	sld [smem:$0x3F87]  }
0x1a: {  	s8 =	sadd.s32 $0xFFFFE003, lr  }
0x1b: {  	s9 =	sadd.s32 $0xFFFFFEF7, lr;
	s5 =	simm.s32 $0xFFFFFFFF;
	p2 =	slt.u32 s8, $0xFFFFF086  }
0x1c: {  	p1 =	slt.u32 s9, $0xF7A;
	s5 =	simm.s32 @!p2 $0x0  }
0x1d: {  	s5 =	simm.s32 @p1 $0x1;
	p0 =	seq.s32 s7, s2  }
0x1e: {  	s7 =	smul.u32 @!p0 $0xF7A, s2;
	p2 =	seq.s32 @!p0 s5, $0x0  }
0x1f: {  	s9 =	smul.u32 $0xF7A, s1;
	s8 =	simm.s32 @!p0 $0x1BF5;
	p2 =	por !p2, p0  }
0x20: {  	[sflag:s8] =	ssyncset.s32 @!p0 $0xFFFFF086;
	s6 =	sadd.s32 @!p0 s3, s7;
	s7 =	simm.s32 @!p0 $0x108  }
0x21: {  	s3 =	sadd.s32 s3, s9;
	s6 =	sadd.s32 @!p0 $0x88, s6;
	s7 =	simm.s32 @p2 $0x1082  }
0x22: {  	[simem:s7], [sflag:s8] =	dma.local @!p0 [hbm:s6], $0xF7A  }
0x23: {  	s9 =	sor.u32 $0xD0000000, s2;
	s6 =	simm.s32 $0x108;
	_ =	swait.ge @!p0 [sflag:s8], $0x0  }
0x24: {  	s3 =	sadd.s32 $0x88, s3;
	s6 =	simm.s32 @!p1 $0x1082;
	[sflag:s4] =	ssyncset.s32 $0xFFFFF086  }
0x25: {  	[simem:s6], [sflag:s4] =	dma.local [hbm:s3], $0xF7A  }
0x26: {  	[smem:$0x3F87] =	sst s1;
	(tag) =	ssettag s2;
	_ =	strace s9  }
0x27: {  	s1 =	sld [smem:$0x3F97]  }
0x28: {  	s2 =	sld [smem:$0x3F98]  }
0x29: {  	s4 =	sld [smem:$0x3F9A]  }
0x2a: {  	p0 =	seq.s32 s5, $0x0;
	s5 =	sld [smem:$0x3F9B]  }
0x2b: {  	s6 =	sld [smem:$0x3F9C]  }
0x2c: {  	s7 =	sld [smem:$0x3F9D]  }
0x2d: {  	s3 =	simm.s32 $0x108;
	s8 =	sld [smem:$0x3F9E]  }
0x2e: {  	s3 =	simm.s32 @!p0 $0x1082;
	s9 =	sld [smem:$0x3F9F]  }
0x2f: {  	lr =	sadd.s32 s0, s3;
	s0 =	sld [smem:$0x3F96]  }
0x30: {  	s3 =	sld [smem:$0x3F99]  }
0x31: {  	[smem:$0x3FA2] =	sst s10  }
0x32: {  	s10 =	sld [smem:$0x3FA0];
	_ =	sdelay $0x3  }
0x33: {  	p0 =	seq.s32 s10, $0x1;
	s10 =	sld [smem:$0x3FA2];
	_ =	sdelay $0x3  }
0x34: {  	[smem:$0x3FA2] =	sst s10  }
0x35: {  	s10 =	sld [smem:$0x3FA1];
	_ =	sdelay $0x3  }
0x36: {  	p1 =	seq.s32 s10, $0x1;
	s10 =	sld [smem:$0x3FA2];
	_ =	sdelay $0x3  }
0x37: {  	[smem:$0x3FA2] =	sst s10  }
0x38: {  	s10 =	sld [smem:$0x3FA3]  }
0x39: {  	_ = 	snop;
	(pc) =	sbr.ind lr, $3  }
0x3a: {  	_ = 	snop  }
0x3b: {  	_ = 	snop  }
0x3c: {  	p2 =	seq.s32 s10, $0x1;
	s10 =	sld [smem:$0x3FA2]  }
0x3d: {  	_ =	shalt  }
0x3e: {  	_ =	shalt  }
0x3f: {  	_ =	shalt  }
0x40: {  	_ =	shalt  }
0x41: {  	_ =	shalt  }
0x42: {  	_ =	shalt  }
0x43: {  	_ =	shalt  }
0x44: {  	_ =	shalt  }
0x45: {  	_ =	shalt  }
0x46: {  	_ =	shalt  }
0x47: {  	_ =	shalt  }
0x48: {  	_ =	shalt  }
0x49: {  	_ =	shalt  }
0x4a: {  	_ =	shalt  }
0x4b: {  	_ =	shalt  }
0x4c: {  	_ =	shalt  }
0x4d: {  	_ =	shalt  }
0x4e: {  	_ =	shalt  }
0x4f: {  	_ =	shalt  }
0x50: {  	_ =	shalt  }
0x51: {  	_ =	shalt  }
0x52: {  	_ =	shalt  }
0x53: {  	_ =	shalt  }
0x54: {  	_ =	shalt  }
0x55: {  	_ =	shalt  }
0x56: {  	_ =	shalt  }
0x57: {  	_ =	shalt  }
0x58: {  	_ =	shalt  }
0x59: {  	_ =	shalt  }
0x5a: {  	_ =	shalt  }
0x5b: {  	_ =	shalt  }
0x5c: {  	_ =	shalt  }
0x5d: {  	_ =	shalt  }
0x5e: {  	_ =	shalt  }
0x5f: {  	_ =	shalt  }
0x60: {  	_ =	shalt  }
0x61: {  	_ =	shalt  }
0x62: {  	_ =	shalt  }
0x63: {  	_ =	shalt  }
0x64: {  	_ =	shalt  }
0x65: {  	_ =	shalt  }
0x66: {  	_ =	shalt  }
0x67: {  	_ =	shalt  }
0x68: {  	_ =	shalt  }
0x69: {  	_ =	shalt  }
0x6a: {  	_ =	shalt  }
0x6b: {  	_ =	shalt  }
0x6c: {  	_ =	shalt  }
0x6d: {  	_ =	shalt  }
0x6e: {  	_ =	shalt  }
0x6f: {  	_ =	shalt  }
0x70: {  	_ =	shalt  }
0x71: {  	_ =	shalt  }
0x72: {  	_ =	shalt  }
0x73: {  	_ =	shalt  }
0x74: {  	_ =	shalt  }
0x75: {  	_ =	shalt  }
0x76: {  	_ =	shalt  }
0x77: {  	_ =	shalt  }
0x78: {  	_ =	shalt  }
0x79: {  	_ =	shalt  }
0x7a: {  	_ =	shalt  }
0x7b: {  	_ =	shalt  }
0x7c: {  	_ =	shalt  }
0x7d: {  	_ =	shalt  }
0x7e: {  	_ =	shalt  }
0x7f: {  	_ =	shalt  }
0x80: {  	_ =	shalt  }
0x81: {  	_ =	shalt  }
0x82: {  	_ =	shalt  }
0x83: {  	_ =	shalt  }
0x84: {  	_ =	shalt  }
0x85: {  	_ =	shalt  }
0x86: {  	_ =	shalt  }
0x87: {  	_ =	shalt  }
.Lfunc_end0:
.L_simem_size_0:
called_computation_lowered:
.L_overlay_start_0:
0x88: {  	s2 =	sld [smem:$0x3FD9]  }
0x89: {  	s3 =	sld [smem:$0x3FFE];
	_ =	sdelay $0x1  }
0x8a: {  	s1 =	srdreg.scid  }
0x8b: {  	s0 =	sand.u32 $0x1, s1  }
0x8c: {  	s16 =	sshll.u32 s0, $0xA;
	s2 =	sadd.s32 s3, s2  }
0x8d: {  	s2 =	sadd.s32 s2, s16  }
0x8e: {  	[smem:$0x3FAE] =	sst s2  }
0x8f: {  	_ = 	snop  }
0x90: {  	(tm) =	ssettm $0x1  }
0x91: {  	s17 =	sld [smem:$0x3FFB];
	_ =	sdelay $0x3  }
0x92: {  	_ =	strace s17  }
0x93: {  	s2 =	sld [smem:$0x3FFC];
	_ =	sdelay $0x3  }
0x94: {  	_ =	strace s2  }
0x95: {  	s2 =	sld [smem:$0x3FFD];
	_ =	sdelay $0x3  }
0x96: {  	_ =	strace s2  }
0x97: {  	_ =	strace $0x8FFFFFFF  }
0x98: {  	s18 =	sld [smem:$0x3FDB];
	_ =	sdelay $0x1  }
0x99: {  	s19 =	simm.s32 $_scs_section_size  }
0x9a: {  	s4 =	simm.s32 $_size__tile_overlayer_lowered;
	s5 =	simm.s32 $_tile_overlayer_lowered  }
0x9b: {  	s22 =	simm.s32 $0x1BFF;
	s21 =	sshll.u32 s5, $0x1;
	s2 =	sadd.s32 s19, s18  }
0x9c: {  	s6 =	simm.s32 $0x0;
	s20 =	sshll.u32 s4, $0x1;
	s4 =	sadd.s32 s21, s2  }
0x9d: {  	[timem:s6], [sflag:s22] =	dma.local [hbm:s4], s20  }
0x9e: {  	_ =	swait.ge [sflag:s22], s20  }
0x9f: {  	s3 =	ssub.s32 $0x0, s20;
	[sflag:s22] =	ssyncset.done $0x0  }
0xa0: {  	[sflag:s22] =	ssyncadd.s32 s3;
	_ =	sdelay $0x1  }
0xa1: {  	s23 =	simm.s32 $0x1B8B  }
0xa2: {  	_ =	swait.ge [sflag:s23], $0x1  }
0xa3: {  	[sflag:s23] =	ssyncset.done $0x0  }
0xa4: {  	s25 =	simm.s32 $0x1B8E;
	s24 =	sld [smem:$0x3FFE];
	[sflag:s23] =	ssyncadd.s32 $0xFFFFFFFF  }
0xa5: {  	s26 =	simm.s32 $execute0_lowered;
	[smem:$0x3FD2] =	sst s25  }
0xa6: {  	s4 =	sshll.u32 s26, $0x1;
	_ =	strace $0x80000046;
	[dreg:$0x1] =	wrdreg $0xFFFFFFFF  }
0xa7: {  	s28 =	simm.s32 $_size_execute0_lowered;
	s2 =	sadd.s32 s2, s4;
	[dreg:$0x0] =	wrdreg $0x0  }
0xa8: {  	s4 =	sshll.u32 s28, $0x1;
	[dreg:$0x2] =	wrdreg s2  }
0xa9: {  	[dreg:$0x3] =	wrdreg s4  }
0xaa: {  	[dreg:$0x4] =	wrdreg $0xC0  }
0xab: {  	_ =	task [dreg:s6], $0x5FFFF  }
0xac: {  	[dreg:$0x1] =	wrdreg $0xFFFFFFFF  }
0xad: {  	[dreg:$0x0] =	wrdreg $0x60  }
0xae: {  	[dreg:$0x2] =	wrdreg s24  }
0xaf: {  	[dreg:$0x3] =	wrdreg $0x54000  }
0xb0: {  	[dreg:$0x4] =	wrdreg $0x9  }
0xb1: {  	_ =	task.clear_ibuf [dreg:s6], $0x5FFFF;
	_ =	strace $0x90000046  }
0xb2: {  	s29 =	simm.s32 $0x9;
	_ =	strace $0x80000048  }
0xb3: {  	_ =	swait.ge [sflag:s29], $0x1  }
0xb4: {  	[sflag:s29] =	ssyncadd.s32 $0xFFFFFFFF  }
0xb5: {  	_ =	strace $0x90000048  }
0xb6: {  	_ =	sfence  }
0xb7: {  	s30 =	sld [smem:$0x0];
	_ =	sdelay $0x2  }
0xb8: {  	s31 =	sshll.u32 s1, $0xD;
	s1 =	sshrl.u32 s1, $0x2  }
0xb9: {  	s3 =	sand.u32 $0x4000, s31;
	s1 =	sadd.s32 s1, s30  }
0xba: {  	s0 =	sor.u32 s3, s0;
	s1 =	sshll.u32 s1, $0x11  }
0xbb: {  	s0 =	sor.u32 s1, s0  }
0xbc: {  	s0 =	sadd.s32 $0x8F2B, s0  }
0xbd: {  	[sflag:s0] =	ssyncadd.remote.s32 $0x1  }
0xbe: {  	_ =	sfence.sel $0xFFFF  }
0xbf: {  	[dreg:$0x0] =	wrdreg $0xFFFFFFFF;
	(pc) =	sbr.abs _section_cstart, $3  }
0xc0: {  	[dreg:$0x1] =	wrdreg $0xFFFFFFFF  }
0xc1: {  	_ =	task.clear_ibuf [dreg:s6], $0x2FFFF;
	_ =	strace $0x9FFFFFFF  }
0xc2: {  	(tm) =	ssettm $0x7FFFFFFF  }
0xc3: {  	_ =	shalt  }
tec
execute0_lowered:
.L_overlay_start_1:
0x0: {  	(tag) =	ssettag $0x1  }
0x1: {  	s0 =	srdreg.scid;
	s6 =	rddreg [dreg:$0x0]  }
0x2: {  	s2 =	rddreg [dreg:$0x1];
	s3 =	simm.s32 $0x0;
	s5 =	sand.u32 $0x1, s0  }
0x3: {  	s12 =	simm.s32 $0x7D;
	s0 =	stileid.u32;
	s8 =	smul.u32 $0x28000, s5  }
0x4: {  	[smem:$0x7FF] =	sst s3;
	s1 =	sshll.u32 s5, $0x4;
	s10 =	smul.u32 $0x50000, s0  }
0x5: {  	s9 =	ssub.s32 $0x2, s5;
	s5 =	sadd.s32 $0xAA00, s6;
	s14 =	smul.u32 $0x2800, s0  }
0x6: {  	s31 =	sshll.u32 s0, $0x6;
	s4 =	sor.u32 s0, s1;
	s1 =	rddreg [dreg:$0x2]  }
0x7: {  	_ =	strace $0x80000047;
	s29 =	sshrl.u32 s9, $0x1;
	s4 =	smul.u32 $0x280, s4  }
0x8: {  	s8 =	sadd.s32 s8, s6;
	s9 =	ssub.s32 s9, s29;
	s30 =	sshrl.u32 s10, $0x2  }
0x9: {  	s10 =	sor.u32 $0x1C01, s31;
	s11 =	sadd.s32 s30, s2;
	s13 =	sadd.s32 $0xD200, s8  }
0xa: {  	s8 =	simm.s32 $0x1;
	s7 =	sadd.s32 s4, s6;
	s4 =	sadd.s32 $0xA200, s6  }
0xb: {  	s11 =	sshrl.u32 s11, $0x3;
	s13 =	sadd.s32 s14, s13;
	s14 =	simm.s32 $0x0  }
0xc: {  	s6 =	sadd.s32 $0x5200, s7;
	s7 =	smax.u32 s9, $0x1;
	s9 =	simm.s32 $0x1400  }
.LBB2_1:
0xd: {  	[tilespmem:s3], [sflag:$0x1] =	stream.linear.gather [hbm4b:s6+s3], $0x1400, $0x38;
	[tilespmem:$0x19400] =	vst v63  }
0xe: {  	_ =	swait.ge [sflag:s8], $0x1400  }
0xf: {  	[sflag:s8] =	ssyncset.done $0x0  }
0x10: {  	[sflag:s8] =	ssyncadd.s32 $0xFFFFEC00  }
0x11: {  	[tilespmem:s9], [sflag:$0x1] =	stream.linear.gather [hbm4b:s4+s3], $0x3E80, $0x38;
	[tilespmem:$0x19400] =	vst v63  }
0x12: {  	_ =	swait.ge [sflag:s8], $0x3E80  }
0x13: {  	[sflag:s8] =	ssyncset.done $0x0  }
0x14: {  	[sflag:s8] =	ssyncadd.s32 $0xFFFFC180  }
0x15: {  	[spmem:s11], [sflag:s10] =	dma.local [hbm:s5], $0x2800  }
0x16: {  	_ =	swait.ge [sflag:s8], $0x2800  }
0x17: {  	[sflag:s8] =	ssyncset.done $0x0  }
0x18: {  	[sflag:s8] =	ssyncadd.s32 $0xFFFFD800  }
0x19: {  	s15 =	simm.s32 $0x0;
	[bflag:$0x0] =	sbarrier.arrive $0xFFFF  }
0x1a: {  	[spmem:s2] =	stream.indirect.scatter.add.f32 [tilespmem:s9], [sflag:$0x1], $0x80, s15, s12, $0xb8;
	[tilespmem:$0x19400] =	vst v63  }
0x1b: {  	_ =	swait.ge [sflag:s8], $0x3E80  }
0x1c: {  	s15 =	simm.s32 $0x200;
	[sflag:s8] =	ssyncset.done $0x0  }
.LBB2_2:
0x1d: {  	s16 =	sshra.s32 s15, $0x2;
	[sflag:s8] =	ssyncadd.s32 $0xFFFFC180;
	p0 =	sne.s32 s15, $0x4E00  }
0x1e: {  	[spmem:s2] =	stream.indirect.scatter.add.f32 [tilespmem:s9], [sflag:$0x1], $0x80, s16, s12, $0xb8;
	[tilespmem:$0x19400] =	vst v63  }
.Ltmp0:
0x1f: {  	_ = 	snop;
	(pc) =	sbr.rel @p0 .LBB2_2-.Ltmp0, $4  }
0x20: {  	_ = 	snop  }
0x21: {  	s15 =	sadd.s32 $0x200, s15  }
0x22: {  	_ =	swait.ge [sflag:s8], $0x3E80  }
0x23: {  	[sflag:s8] =	ssyncset.done $0x0  }
0x24: {  	s14 =	sadd.s32 $0x1, s14  }
0x25: {  	[sflag:s8] =	ssyncadd.s32 $0xFFFFC180;
	p0 =	sne.s32 s14, s7  }
.Ltmp1:
0x26: {  	[bflag:$0x0] =	sbarrier.arrive $0xFFFF;
	(pc) =	sbr.rel @p0 .LBB2_1-.Ltmp1, $4  }
0x27: {  	[hbm:s13], [sflag:s10] =	dma.local [spmem:s11], $0x2800  }
0x28: {  	_ =	swait.ge [sflag:s8], $0x2800  }
0x29: {  	[sflag:s8] =	ssyncset.done $0x0  }
0x2a: {  	[sflag:s8] =	ssyncadd.s32 $0xFFFFD800  }
0x2b: {  	_ =	sfence.sel $0x180000  }
0x2c: {  	[bflag:$0x0] =	sbarrier.arrive $0xFFFF  }
0x2d: {  	p0 =	sne.s32 s0, $0x0;
	_ =	strace $0x90000047  }
0x2e: {  	s0 =	sadd.s32 @!p0 $0x100000, s1;
	[bflag:$0x2] =	sbarrier.arrive $0xFFFF  }
0x2f: {  	[sflag:s0] =	ssyncadd.tile.s32 @!p0 $0x1;
	_ =	shalt  }
.Lfunc_end2:
_tile_overlayer_lowered:
.L_overlay_start_2:
0x30: {  	(tag) =	ssettag $0x2  }
0x31: {  	s0 =	rddreg [dreg:$0x0];
	s2 =	stileid.u32  }
0x32: {  	s1 =	rddreg [dreg:$0x1];
	p0 =	sne.s32 s2, $0x0  }
0x33: {  	s3 =	rddreg [dreg:$0x2];
	[bflag:$0x3] =	sbarrier.arrive $0xFFFF;
	s2 =	simm.s32 @!p0 $0x1C01  }
0x34: {  	[timem:s3], [sflag:s2] =	dma.local @!p0 [hbm:s0], s1  }
0x35: {  	s0 =	simm.s32 @!p0 $0x1  }
0x36: {  	_ =	swait.ge @!p0 [sflag:s0], s1  }
0x37: {  	s1 =	ssub.s32 @!p0 $0x0, s1;
	[sflag:s0] =	ssyncset.done @!p0 $0x0  }
0x38: {  	[sflag:s0] =	ssyncadd.s32 @!p0 s1  }
0x39: {  	[bflag:$0x3] =	sbarrier.arrive $0xFFFF  }
0x3a: {  	_ =	shalt  }

// kernel: kernel.16.cloned.1.call-start
scs
__scs_entry_jumppad:
0x0: {  	(pc) =	sbr.rel $0x88, $3  }
0x1: {  	(tag) =	ssettag $0x0;
	lr =	simm.s32 $0x1  }
0x2: {  	[smem:$0x3F87] =	sst lr;
	_ =	strace $0xD0000000  }
0x3: {  	_ = 	snop  }
0x4: {  	_ = 	snop  }
0x5: {  	_ = 	snop  }
0x6: {  	_ = 	snop  }
0x7: {  	_ = 	snop  }
__scs_overlays_trampoline_lowered:
0x8: {  	[smem:$0x3F96] =	sst s0  }
0x9: {  	[smem:$0x3F97] =	sst s1  }
0xa: {  	[smem:$0x3F98] =	sst s2  }
0xb: {  	[smem:$0x3F99] =	sst s3  }
0xc: {  	[smem:$0x3F9A] =	sst s4  }
0xd: {  	[smem:$0x3F9B] =	sst s5  }
0xe: {  	[smem:$0x3F9C] =	sst s6  }
0xf: {  	[smem:$0x3F9D] =	sst s7  }
0x10: {  	[smem:$0x3F9E] =	sst s8  }
0x11: {  	[smem:$0x3F9F] =	sst s9;
	s0 =	simm.s32 @!p0 $0x0  }
0x12: {  	s1 =	sld [smem:$0x3F85];
	s0 =	simm.s32 @p0 $0x1  }
0x13: {  	[smem:$0x3FA0] =	sst s0;
	s0 =	simm.s32 @!p1 $0x0  }
0x14: {  	s2 =	sld [smem:$0x3F84];
	s0 =	simm.s32 @p1 $0x1  }
0x15: {  	[smem:$0x3FA1] =	sst s0;
	s0 =	simm.s32 @!p2 $0x0  }
0x16: {  	s3 =	sld [smem:$0x3FDB];
	s0 =	simm.s32 @p2 $0x1  }
0x17: {  	s4 =	simm.s32 $0x1BF5;
	[smem:$0x3FA3] =	sst s0  }
0x18: {  	s0 =	sld [smem:$0x3F86];
	_ =	swait.ge [sflag:s4], $0x0  }
0x19: {  	s7 =	sld [smem:$0x3F87]  }
0x1a: {  	s8 =	sadd.s32 $0xFFFFE003, lr  }
0x1b: {  	s9 =	sadd.s32 $0xFFFFFEF7, lr;
	s5 =	simm.s32 $0xFFFFFFFF;
	p2 =	slt.u32 s8, $0xFFFFF086  }
0x1c: {  	p1 =	slt.u32 s9, $0xF7A;
	s5 =	simm.s32 @!p2 $0x0  }
0x1d: {  	s5 =	simm.s32 @p1 $0x1;
	p0 =	seq.s32 s7, s2  }
0x1e: {  	s7 =	smul.u32 @!p0 $0xF7A, s2;
	p2 =	seq.s32 @!p0 s5, $0x0  }
0x1f: {  	s9 =	smul.u32 $0xF7A, s1;
	s8 =	simm.s32 @!p0 $0x1BF5;
	p2 =	por !p2, p0  }
0x20: {  	[sflag:s8] =	ssyncset.s32 @!p0 $0xFFFFF086;
	s6 =	sadd.s32 @!p0 s3, s7;
	s7 =	simm.s32 @!p0 $0x108  }
0x21: {  	s3 =	sadd.s32 s3, s9;
	s6 =	sadd.s32 @!p0 $0x88, s6;
	s7 =	simm.s32 @p2 $0x1082  }
0x22: {  	[simem:s7], [sflag:s8] =	dma.local @!p0 [hbm:s6], $0xF7A  }
0x23: {  	s9 =	sor.u32 $0xD0000000, s2;
	s6 =	simm.s32 $0x108;
	_ =	swait.ge @!p0 [sflag:s8], $0x0  }
0x24: {  	s3 =	sadd.s32 $0x88, s3;
	s6 =	simm.s32 @!p1 $0x1082;
	[sflag:s4] =	ssyncset.s32 $0xFFFFF086  }
0x25: {  	[simem:s6], [sflag:s4] =	dma.local [hbm:s3], $0xF7A  }
0x26: {  	[smem:$0x3F87] =	sst s1;
	(tag) =	ssettag s2;
	_ =	strace s9  }
0x27: {  	s1 =	sld [smem:$0x3F97]  }
0x28: {  	s2 =	sld [smem:$0x3F98]  }
0x29: {  	s4 =	sld [smem:$0x3F9A]  }
0x2a: {  	p0 =	seq.s32 s5, $0x0;
	s5 =	sld [smem:$0x3F9B]  }
0x2b: {  	s6 =	sld [smem:$0x3F9C]  }
0x2c: {  	s7 =	sld [smem:$0x3F9D]  }
0x2d: {  	s3 =	simm.s32 $0x108;
	s8 =	sld [smem:$0x3F9E]  }
0x2e: {  	s3 =	simm.s32 @!p0 $0x1082;
	s9 =	sld [smem:$0x3F9F]  }
0x2f: {  	lr =	sadd.s32 s0, s3;
	s0 =	sld [smem:$0x3F96]  }
0x30: {  	s3 =	sld [smem:$0x3F99]  }
0x31: {  	[smem:$0x3FA2] =	sst s10  }
0x32: {  	s10 =	sld [smem:$0x3FA0];
	_ =	sdelay $0x3  }
0x33: {  	p0 =	seq.s32 s10, $0x1;
	s10 =	sld [smem:$0x3FA2];
	_ =	sdelay $0x3  }
0x34: {  	[smem:$0x3FA2] =	sst s10  }
0x35: {  	s10 =	sld [smem:$0x3FA1];
	_ =	sdelay $0x3  }
0x36: {  	p1 =	seq.s32 s10, $0x1;
	s10 =	sld [smem:$0x3FA2];
	_ =	sdelay $0x3  }
0x37: {  	[smem:$0x3FA2] =	sst s10  }
0x38: {  	s10 =	sld [smem:$0x3FA3]  }
0x39: {  	_ = 	snop;
	(pc) =	sbr.ind lr, $3  }
0x3a: {  	_ = 	snop  }
0x3b: {  	_ = 	snop  }
0x3c: {  	p2 =	seq.s32 s10, $0x1;
	s10 =	sld [smem:$0x3FA2]  }
0x3d: {  	_ =	shalt  }
0x3e: {  	_ =	shalt  }
0x3f: {  	_ =	shalt  }
0x40: {  	_ =	shalt  }
0x41: {  	_ =	shalt  }
0x42: {  	_ =	shalt  }
0x43: {  	_ =	shalt  }
0x44: {  	_ =	shalt  }
0x45: {  	_ =	shalt  }
0x46: {  	_ =	shalt  }
0x47: {  	_ =	shalt  }
0x48: {  	_ =	shalt  }
0x49: {  	_ =	shalt  }
0x4a: {  	_ =	shalt  }
0x4b: {  	_ =	shalt  }
0x4c: {  	_ =	shalt  }
0x4d: {  	_ =	shalt  }
0x4e: {  	_ =	shalt  }
0x4f: {  	_ =	shalt  }
0x50: {  	_ =	shalt  }
0x51: {  	_ =	shalt  }
0x52: {  	_ =	shalt  }
0x53: {  	_ =	shalt  }
0x54: {  	_ =	shalt  }
0x55: {  	_ =	shalt  }
0x56: {  	_ =	shalt  }
0x57: {  	_ =	shalt  }
0x58: {  	_ =	shalt  }
0x59: {  	_ =	shalt  }
0x5a: {  	_ =	shalt  }
0x5b: {  	_ =	shalt  }
0x5c: {  	_ =	shalt  }
0x5d: {  	_ =	shalt  }
0x5e: {  	_ =	shalt  }
0x5f: {  	_ =	shalt  }
0x60: {  	_ =	shalt  }
0x61: {  	_ =	shalt  }
0x62: {  	_ =	shalt  }
0x63: {  	_ =	shalt  }
0x64: {  	_ =	shalt  }
0x65: {  	_ =	shalt  }
0x66: {  	_ =	shalt  }
0x67: {  	_ =	shalt  }
0x68: {  	_ =	shalt  }
0x69: {  	_ =	shalt  }
0x6a: {  	_ =	shalt  }
0x6b: {  	_ =	shalt  }
0x6c: {  	_ =	shalt  }
0x6d: {  	_ =	shalt  }
0x6e: {  	_ =	shalt  }
0x6f: {  	_ =	shalt  }
0x70: {  	_ =	shalt  }
0x71: {  	_ =	shalt  }
0x72: {  	_ =	shalt  }
0x73: {  	_ =	shalt  }
0x74: {  	_ =	shalt  }
0x75: {  	_ =	shalt  }
0x76: {  	_ =	shalt  }
0x77: {  	_ =	shalt  }
0x78: {  	_ =	shalt  }
0x79: {  	_ =	shalt  }
0x7a: {  	_ =	shalt  }
0x7b: {  	_ =	shalt  }
0x7c: {  	_ =	shalt  }
0x7d: {  	_ =	shalt  }
0x7e: {  	_ =	shalt  }
0x7f: {  	_ =	shalt  }
0x80: {  	_ =	shalt  }
0x81: {  	_ =	shalt  }
0x82: {  	_ =	shalt  }
0x83: {  	_ =	shalt  }
0x84: {  	_ =	shalt  }
0x85: {  	_ =	shalt  }
0x86: {  	_ =	shalt  }
0x87: {  	_ =	shalt  }
.Lfunc_end0:
.L_simem_size_0:
called_computation.1_lowered:
.L_overlay_start_0:
0x88: {  	s2 =	sld [smem:$0x3FD9]  }
0x89: {  	s3 =	sld [smem:$0x3FFE];
	_ =	sdelay $0x1  }
0x8a: {  	s1 =	srdreg.scid  }
0x8b: {  	s0 =	sand.u32 $0x1, s1  }
0x8c: {  	s16 =	sshll.u32 s0, $0xA;
	s2 =	sadd.s32 s3, s2  }
0x8d: {  	s2 =	sadd.s32 s2, s16  }
0x8e: {  	[smem:$0x3FAE] =	sst s2  }
0x8f: {  	_ = 	snop  }
0x90: {  	(tm) =	ssettm $0x1  }
0x91: {  	s17 =	sld [smem:$0x3FFB];
	_ =	sdelay $0x3  }
0x92: {  	_ =	strace s17  }
0x93: {  	s2 =	sld [smem:$0x3FFC];
	_ =	sdelay $0x3  }
0x94: {  	_ =	strace s2  }
0x95: {  	s2 =	sld [smem:$0x3FFD];
	_ =	sdelay $0x3  }
0x96: {  	_ =	strace s2  }
0x97: {  	_ =	strace $0x8FFFFFFF  }
0x98: {  	s18 =	sld [smem:$0x3FDB];
	_ =	sdelay $0x1  }
0x99: {  	s19 =	simm.s32 $_scs_section_size  }
0x9a: {  	s4 =	simm.s32 $_size__tile_overlayer_lowered;
	s5 =	simm.s32 $_tile_overlayer_lowered  }
0x9b: {  	s22 =	simm.s32 $0x1BFF;
	s21 =	sshll.u32 s5, $0x1;
	s2 =	sadd.s32 s19, s18  }
0x9c: {  	s6 =	simm.s32 $0x0;
	s20 =	sshll.u32 s4, $0x1;
	s4 =	sadd.s32 s21, s2  }
0x9d: {  	[timem:s6], [sflag:s22] =	dma.local [hbm:s4], s20  }
0x9e: {  	_ =	swait.ge [sflag:s22], s20  }
0x9f: {  	s3 =	ssub.s32 $0x0, s20;
	[sflag:s22] =	ssyncset.done $0x0  }
0xa0: {  	[sflag:s22] =	ssyncadd.s32 s3;
	_ =	sdelay $0x1  }
0xa1: {  	s23 =	simm.s32 $0x1B8B  }
0xa2: {  	_ =	swait.ge [sflag:s23], $0x1  }
0xa3: {  	[sflag:s23] =	ssyncset.done $0x0  }
0xa4: {  	s25 =	simm.s32 $0x1B8E;
	s24 =	sld [smem:$0x3FFE];
	[sflag:s23] =	ssyncadd.s32 $0xFFFFFFFF  }
0xa5: {  	s26 =	simm.s32 $execute0_lowered;
	[smem:$0x3FD2] =	sst s25  }
0xa6: {  	s4 =	sshll.u32 s26, $0x1;
	_ =	strace $0x80000049;
	[dreg:$0x1] =	wrdreg $0xFFFFFFFF  }
0xa7: {  	s28 =	simm.s32 $_size_execute0_lowered;
	s2 =	sadd.s32 s2, s4;
	[dreg:$0x0] =	wrdreg $0x0  }
0xa8: {  	s4 =	sshll.u32 s28, $0x1;
	[dreg:$0x2] =	wrdreg s2  }
0xa9: {  	[dreg:$0x3] =	wrdreg s4  }
0xaa: {  	[dreg:$0x4] =	wrdreg $0xC0  }
0xab: {  	_ =	task [dreg:s6], $0x5FFFF  }
0xac: {  	[dreg:$0x1] =	wrdreg $0xFFFFFFFF  }
0xad: {  	[dreg:$0x0] =	wrdreg $0x60  }
0xae: {  	[dreg:$0x2] =	wrdreg s24  }
0xaf: {  	[dreg:$0x3] =	wrdreg $0xA8000  }
0xb0: {  	[dreg:$0x4] =	wrdreg $0x9  }
0xb1: {  	_ =	task.clear_ibuf [dreg:s6], $0x5FFFF;
	_ =	strace $0x90000049  }
0xb2: {  	s29 =	simm.s32 $0x9;
	_ =	strace $0x8000004B  }
0xb3: {  	_ =	swait.ge [sflag:s29], $0x1  }
0xb4: {  	[sflag:s29] =	ssyncadd.s32 $0xFFFFFFFF  }
0xb5: {  	_ =	strace $0x9000004B  }
0xb6: {  	_ =	sfence  }
0xb7: {  	s30 =	sld [smem:$0x0];
	_ =	sdelay $0x2  }
0xb8: {  	s31 =	sshll.u32 s1, $0xD;
	s1 =	sshrl.u32 s1, $0x2  }
0xb9: {  	s3 =	sand.u32 $0x4000, s31;
	s1 =	sadd.s32 s1, s30  }
0xba: {  	s0 =	sor.u32 s3, s0;
	s1 =	sshll.u32 s1, $0x11  }
0xbb: {  	s0 =	sor.u32 s1, s0  }
0xbc: {  	s0 =	sadd.s32 $0x8F2B, s0  }
0xbd: {  	[sflag:s0] =	ssyncadd.remote.s32 $0x1  }
0xbe: {  	_ =	sfence.sel $0xFFFF  }
0xbf: {  	[dreg:$0x0] =	wrdreg $0xFFFFFFFF;
	(pc) =	sbr.abs _section_cstart, $3  }
0xc0: {  	[dreg:$0x1] =	wrdreg $0xFFFFFFFF  }
0xc1: {  	_ =	task.clear_ibuf [dreg:s6], $0x2FFFF;
	_ =	strace $0x9FFFFFFF  }
0xc2: {  	(tm) =	ssettm $0x7FFFFFFF  }
0xc3: {  	_ =	shalt  }
tec
execute0_lowered:
.L_overlay_start_1:
0x0: {  	(tag) =	ssettag $0x1  }
0x1: {  	s12 =	rddreg [dreg:$0x0]  }
0x2: {  	s0 =	srdreg.scid;
	s2 =	rddreg [dreg:$0x1]  }
0x3: {  	s1 =	stileid.u32;
	s3 =	simm.s32 $0x0;
	s14 =	simm.s32 $0x3  }
0x4: {  	s15 =	simm.s32 $0x1400;
	s18 =	simm.s32 $0x7D;
	s19 =	simm.s32 $0x2800  }
0x5: {  	s20 =	simm.s32 $0x1;
	s21 =	simm.s32 $0x6800;
	s22 =	simm.s32 $0x2  }
0x6: {  	s23 =	simm.s32 $0x1380;
	s24 =	simm.s32 $0x2700;
	s25 =	simm.s32 $0x2780  }
0x7: {  	s26 =	simm.s32 $0x0;
	s4 =	sand.u32 $0x1, s0;
	s0 =	rddreg [dreg:$0x2]  }
0x8: {  	[smem:$0x7FF] =	sst s3;
	s31 =	smul.u32 $0x50000, s1;
	s16 =	sshll.u32 s1, $0x6  }
0x9: {  	s5 =	sshll.u32 s4, $0x4;
	_ =	strace $0x8000004A;
	s6 =	smul.u32 $0xA0000, s4  }
0xa: {  	s8 =	ssub.s32 $0x2, s4;
	s4 =	sadd.s32 $0x102200, s12;
	s16 =	sor.u32 $0x1C03, s16  }
0xb: {  	s5 =	sor.u32 s1, s5;
	s9 =	sshrl.u32 s8, $0x1;
	s11 =	sshrl.u32 s31, $0x2  }
0xc: {  	s5 =	smul.u32 $0x280, s5;
	s10 =	sadd.s32 s6, s12;
	s13 =	ssub.s32 s8, s9  }
0xd: {  	s9 =	smul.u32 $0x2800, s1;
	s17 =	sadd.s32 s11, s2;
	s11 =	sadd.s32 $0x152200, s12  }
0xe: {  	s8 =	sadd.s32 $0x1A2200, s10;
	s10 =	sadd.s32 $0x12A200, s12;
	s13 =	smax.u32 s13, $0x1  }
0xf: {  	s17 =	sshrl.u32 s17, $0x3;
	s7 =	sadd.s32 s5, s12;
	s5 =	sadd.s32 $0xAA00, s12  }
0x10: {  	s12 =	sadd.s32 $0x17A200, s12;
	s6 =	sadd.s32 $0x5D200, s7;
	s7 =	sadd.s32 $0x5200, s7  }
.LBB2_1:
0x11: {  	[tilespmem:s3], [sflag:$0x3] =	stream.linear.gather [hbm4b:s6+s3], $0x1400, $0x38;
	[tilespmem:$0x1E800] =	vst v63  }
0x12: {  	_ =	swait.ge [sflag:s14], $0x1400  }
0x13: {  	[sflag:s14] =	ssyncset.done $0x0  }
0x14: {  	[sflag:s14] =	ssyncadd.s32 $0xFFFFEC00  }
0x15: {  	[tilespmem:s15], [sflag:$0x3] =	stream.linear.gather [hbm4b:s7+s3], $0x1400, $0x38;
	[tilespmem:$0x1E800] =	vst v63  }
0x16: {  	_ =	swait.ge [sflag:s14], $0x1400  }
0x17: {  	[sflag:s14] =	ssyncset.done $0x0  }
0x18: {  	[sflag:s14] =	ssyncadd.s32 $0xFFFFEC00  }
0x19: {  	[spmem:s17], [sflag:s16] =	dma.local [hbm:s5], $0x2800  }
0x1a: {  	_ =	swait.ge [sflag:s14], $0x2800  }
0x1b: {  	[sflag:s14] =	ssyncset.done $0x0  }
0x1c: {  	[sflag:s14] =	ssyncadd.s32 $0xFFFFD800  }
0x1d: {  	[bflag:$0x0] =	sbarrier.arrive $0xFFFF  }
0x1e: {  	[tilespmem:s19], [sflag:$0x1] =	stream.indirect.gather [hbm4b:s4+s18], $0x80, s3, s18, $0xb8;
	[tilespmem:$0x1E800] =	vst v63  }
0x1f: {  	_ =	swait.ge [sflag:s20], $0x3E80  }
0x20: {  	[sflag:s20] =	ssyncset.done $0x0  }
0x21: {  	s28 =	simm.s32 $0x80;
	[sflag:s20] =	ssyncadd.s32 $0xFFFFC180  }
0x22: {  	[tilespmem:s21], [sflag:$0x2] =	stream.indirect.gather [hbm4b:s4+s18], $0x80, s28, s18, $0xb8;
	[tilespmem:$0x1E800] =	vst v63  }
0x23: {  	s28 =	simm.s32 $0x1400  }
0x24: {  	[spmem:s2] =	stream.indirect.scatter.add.f32 [tilespmem:s19], [sflag:$0x3], $0x80, s28, s18, $0xb8;
	[tilespmem:$0x1E800] =	vst v63  }
0x25: {  	_ =	swait.ge [sflag:s14], $0x3E80  }
0x26: {  	[sflag:s14] =	ssyncset.done $0x0  }
0x27: {  	[sflag:s14] =	ssyncadd.s32 $0xFFFFC180  }
0x28: {  	_ =	swait.ge [sflag:s22], $0x3E80  }
0x29: {  	[sflag:s22] =	ssyncset.done $0x0  }
0x2a: {  	s28 =	simm.s32 $0x100;
	[sflag:s22] =	ssyncadd.s32 $0xFFFFC180  }
0x2b: {  	[tilespmem:s19], [sflag:$0x1] =	stream.indirect.gather [hbm4b:s4+s18], $0x80, s28, s18, $0xb8;
	[tilespmem:$0x1E800] =	vst v63  }
0x2c: {  	s28 =	simm.s32 $0x1480  }
0x2d: {  	[spmem:s2] =	stream.indirect.scatter.add.f32 [tilespmem:s21], [sflag:$0x3], $0x80, s28, s18, $0xb8;
	[tilespmem:$0x1E800] =	vst v63  }
0x2e: {  	_ =	swait.ge [sflag:s14], $0x3E80  }
0x2f: {  	s28 =	simm.s32 $0x400;
	[sflag:s14] =	ssyncset.done $0x0  }
.LBB2_2:
0x30: {  	p0 =	sne.s32 s28, $0x4800  }
0x31: {  	[sflag:s14] =	ssyncadd.s32 $0xFFFFC180;
	s29 =	smov.u32 s28;
	s28 =	sadd.s32 $0x400, s28  }
0x32: {  	_ = 	snop  }
0x33: {  	_ =	swait.ge [sflag:s20], $0x3E80  }
0x34: {  	s29 =	sshra.s32 s29, $0x2;
	[sflag:s20] =	ssyncset.done $0x0  }
0x35: {  	s30 =	sadd.s32 $0x80, s29;
	[sflag:s20] =	ssyncadd.s32 $0xFFFFC180  }
0x36: {  	[tilespmem:s21], [sflag:$0x2] =	stream.indirect.gather [hbm4b:s4+s18], $0x80, s30, s18, $0xb8;
	[tilespmem:$0x1E800] =	vst v63  }
0x37: {  	s30 =	sadd.s32 $0x1400, s29  }
0x38: {  	[spmem:s2] =	stream.indirect.scatter.add.f32 [tilespmem:s19], [sflag:$0x3], $0x80, s30, s18, $0xb8;
	[tilespmem:$0x1E800] =	vst v63  }
0x39: {  	_ =	swait.ge [sflag:s14], $0x3E80  }
0x3a: {  	[sflag:s14] =	ssyncset.done $0x0  }
0x3b: {  	[sflag:s14] =	ssyncadd.s32 $0xFFFFC180  }
0x3c: {  	_ =	swait.ge [sflag:s22], $0x3E80  }
0x3d: {  	[sflag:s22] =	ssyncset.done $0x0  }
0x3e: {  	s30 =	sadd.s32 $0x100, s29;
	[sflag:s22] =	ssyncadd.s32 $0xFFFFC180  }
0x3f: {  	[tilespmem:s19], [sflag:$0x1] =	stream.indirect.gather [hbm4b:s4+s18], $0x80, s30, s18, $0xb8;
	[tilespmem:$0x1E800] =	vst v63  }
.Ltmp0:
0x40: {  	_ = 	snop;
	(pc) =	sbr.rel @p0 .LBB2_2-.Ltmp0, $4  }
0x41: {  	s29 =	sadd.s32 $0x1480, s29  }
0x42: {  	[spmem:s2] =	stream.indirect.scatter.add.f32 [tilespmem:s21], [sflag:$0x3], $0x80, s29, s18, $0xb8;
	[tilespmem:$0x1E800] =	vst v63  }
0x43: {  	_ =	swait.ge [sflag:s14], $0x3E80  }
0x44: {  	[sflag:s14] =	ssyncset.done $0x0  }
0x45: {  	[sflag:s14] =	ssyncadd.s32 $0xFFFFC180  }
0x46: {  	_ =	swait.ge [sflag:s20], $0x3E80  }
0x47: {  	[sflag:s20] =	ssyncset.done $0x0  }
0x48: {  	[sflag:s20] =	ssyncadd.s32 $0xFFFFC180  }
0x49: {  	[tilespmem:s21], [sflag:$0x2] =	stream.indirect.gather [hbm4b:s4+s18], $0x80, s23, s18, $0xb8;
	[tilespmem:$0x1E800] =	vst v63  }
0x4a: {  	_ = 	snop  }
0x4b: {  	[spmem:s2] =	stream.indirect.scatter.add.f32 [tilespmem:s19], [sflag:$0x3], $0x80, s24, s18, $0xb8;
	[tilespmem:$0x1E800] =	vst v63  }
0x4c: {  	_ =	swait.ge [sflag:s14], $0x3E80  }
0x4d: {  	[sflag:s14] =	ssyncset.done $0x0  }
0x4e: {  	[sflag:s14] =	ssyncadd.s32 $0xFFFFC180  }
0x4f: {  	_ =	swait.ge [sflag:s22], $0x3E80  }
0x50: {  	[sflag:s22] =	ssyncset.done $0x0  }
0x51: {  	[sflag:s22] =	ssyncadd.s32 $0xFFFFC180  }
0x52: {  	[spmem:s2] =	stream.indirect.scatter.add.f32 [tilespmem:s21], [sflag:$0x3], $0x80, s25, s18, $0xb8;
	[tilespmem:$0x1E800] =	vst v63  }
0x53: {  	_ =	swait.ge [sflag:s14], $0x3E80  }
0x54: {  	[sflag:s14] =	ssyncset.done $0x0  }
0x55: {  	[sflag:s14] =	ssyncadd.s32 $0xFFFFC180  }
0x56: {  	s28 =	sadd.s32 s9, s8;
	[bflag:$0x0] =	sbarrier.arrive $0xFFFF  }
0x57: {  	[hbm:s28], [sflag:s16] =	dma.local [spmem:s17], $0x2800  }
0x58: {  	_ =	swait.ge [sflag:s14], $0x2800  }
0x59: {  	[sflag:s14] =	ssyncset.done $0x0  }
0x5a: {  	[sflag:s14] =	ssyncadd.s32 $0xFFFFD800  }
0x5b: {  	[spmem:s17], [sflag:s16] =	dma.local [hbm:s5], $0x2800  }
0x5c: {  	_ =	swait.ge [sflag:s14], $0x2800  }
0x5d: {  	[sflag:s14] =	ssyncset.done $0x0  }
0x5e: {  	[sflag:s14] =	ssyncadd.s32 $0xFFFFD800  }
0x5f: {  	s29 =	simm.s32 $0x0;
	[bflag:$0x0] =	sbarrier.arrive $0xFFFF  }
0x60: {  	[tilespmem:s19], [sflag:$0x1] =	stream.indirect.gather [hbm4b:s10+s18], $0x80, s29, s18, $0xb8;
	[tilespmem:$0x1E800] =	vst v63  }
0x61: {  	_ =	swait.ge [sflag:s20], $0x3E80  }
0x62: {  	[sflag:s20] =	ssyncset.done $0x0  }
0x63: {  	s29 =	simm.s32 $0x80;
	[sflag:s20] =	ssyncadd.s32 $0xFFFFC180  }
0x64: {  	[tilespmem:s21], [sflag:$0x2] =	stream.indirect.gather [hbm4b:s10+s18], $0x80, s29, s18, $0xb8;
	[tilespmem:$0x1E800] =	vst v63  }
0x65: {  	s29 =	simm.s32 $0x1400  }
0x66: {  	[spmem:s2] =	stream.indirect.scatter.add.f32 [tilespmem:s19], [sflag:$0x3], $0x80, s29, s18, $0xb8;
	[tilespmem:$0x1E800] =	vst v63  }
0x67: {  	_ =	swait.ge [sflag:s14], $0x3E80  }
0x68: {  	[sflag:s14] =	ssyncset.done $0x0  }
0x69: {  	[sflag:s14] =	ssyncadd.s32 $0xFFFFC180  }
0x6a: {  	_ =	swait.ge [sflag:s22], $0x3E80  }
0x6b: {  	[sflag:s22] =	ssyncset.done $0x0  }
0x6c: {  	s29 =	simm.s32 $0x100;
	[sflag:s22] =	ssyncadd.s32 $0xFFFFC180  }
0x6d: {  	[tilespmem:s19], [sflag:$0x1] =	stream.indirect.gather [hbm4b:s10+s18], $0x80, s29, s18, $0xb8;
	[tilespmem:$0x1E800] =	vst v63  }
0x6e: {  	s29 =	simm.s32 $0x1480  }
0x6f: {  	[spmem:s2] =	stream.indirect.scatter.add.f32 [tilespmem:s21], [sflag:$0x3], $0x80, s29, s18, $0xb8;
	[tilespmem:$0x1E800] =	vst v63  }
0x70: {  	_ =	swait.ge [sflag:s14], $0x3E80  }
0x71: {  	s29 =	simm.s32 $0x400;
	[sflag:s14] =	ssyncset.done $0x0  }
.LBB2_4:
0x72: {  	p0 =	sne.s32 s29, $0x4800  }
0x73: {  	[sflag:s14] =	ssyncadd.s32 $0xFFFFC180;
	s30 =	smov.u32 s29;
	s29 =	sadd.s32 $0x400, s29  }
0x74: {  	_ = 	snop  }
0x75: {  	_ =	swait.ge [sflag:s20], $0x3E80  }
0x76: {  	s30 =	sshra.s32 s30, $0x2;
	[sflag:s20] =	ssyncset.done $0x0  }
0x77: {  	s31 =	sadd.s32 $0x80, s30;
	[sflag:s20] =	ssyncadd.s32 $0xFFFFC180  }
0x78: {  	[tilespmem:s21], [sflag:$0x2] =	stream.indirect.gather [hbm4b:s10+s18], $0x80, s31, s18, $0xb8;
	[tilespmem:$0x1E800] =	vst v63  }
0x79: {  	s31 =	sadd.s32 $0x1400, s30  }
0x7a: {  	[spmem:s2] =	stream.indirect.scatter.add.f32 [tilespmem:s19], [sflag:$0x3], $0x80, s31, s18, $0xb8;
	[tilespmem:$0x1E800] =	vst v63  }
0x7b: {  	_ =	swait.ge [sflag:s14], $0x3E80  }
0x7c: {  	[sflag:s14] =	ssyncset.done $0x0  }
0x7d: {  	[sflag:s14] =	ssyncadd.s32 $0xFFFFC180  }
0x7e: {  	_ =	swait.ge [sflag:s22], $0x3E80  }
0x7f: {  	[sflag:s22] =	ssyncset.done $0x0  }
0x80: {  	s31 =	sadd.s32 $0x100, s30;
	[sflag:s22] =	ssyncadd.s32 $0xFFFFC180  }
0x81: {  	[tilespmem:s19], [sflag:$0x1] =	stream.indirect.gather [hbm4b:s10+s18], $0x80, s31, s18, $0xb8;
	[tilespmem:$0x1E800] =	vst v63  }
.Ltmp1:
0x82: {  	_ = 	snop;
	(pc) =	sbr.rel @p0 .LBB2_4-.Ltmp1, $4  }
0x83: {  	s30 =	sadd.s32 $0x1480, s30  }
0x84: {  	[spmem:s2] =	stream.indirect.scatter.add.f32 [tilespmem:s21], [sflag:$0x3], $0x80, s30, s18, $0xb8;
	[tilespmem:$0x1E800] =	vst v63  }
0x85: {  	_ =	swait.ge [sflag:s14], $0x3E80  }
0x86: {  	[sflag:s14] =	ssyncset.done $0x0  }
0x87: {  	[sflag:s14] =	ssyncadd.s32 $0xFFFFC180  }
0x88: {  	_ =	swait.ge [sflag:s20], $0x3E80  }
0x89: {  	[sflag:s20] =	ssyncset.done $0x0  }
0x8a: {  	[sflag:s20] =	ssyncadd.s32 $0xFFFFC180  }
0x8b: {  	[tilespmem:s21], [sflag:$0x2] =	stream.indirect.gather [hbm4b:s10+s18], $0x80, s23, s18, $0xb8;
	[tilespmem:$0x1E800] =	vst v63  }
0x8c: {  	_ = 	snop  }
0x8d: {  	[spmem:s2] =	stream.indirect.scatter.add.f32 [tilespmem:s19], [sflag:$0x3], $0x80, s24, s18, $0xb8;
	[tilespmem:$0x1E800] =	vst v63  }
0x8e: {  	_ =	swait.ge [sflag:s14], $0x3E80  }
0x8f: {  	[sflag:s14] =	ssyncset.done $0x0  }
0x90: {  	[sflag:s14] =	ssyncadd.s32 $0xFFFFC180  }
0x91: {  	_ =	swait.ge [sflag:s22], $0x3E80  }
0x92: {  	[sflag:s22] =	ssyncset.done $0x0  }
0x93: {  	[sflag:s22] =	ssyncadd.s32 $0xFFFFC180  }
0x94: {  	[spmem:s2] =	stream.indirect.scatter.add.f32 [tilespmem:s21], [sflag:$0x3], $0x80, s25, s18, $0xb8;
	[tilespmem:$0x1E800] =	vst v63  }
0x95: {  	_ =	swait.ge [sflag:s14], $0x3E80  }
0x96: {  	[sflag:s14] =	ssyncset.done $0x0  }
0x97: {  	[sflag:s14] =	ssyncadd.s32 $0xFFFFC180  }
0x98: {  	s29 =	sadd.s32 $0x28000, s28;
	[bflag:$0x0] =	sbarrier.arrive $0xFFFF  }
0x99: {  	[hbm:s29], [sflag:s16] =	dma.local [spmem:s17], $0x2800  }
0x9a: {  	_ =	swait.ge [sflag:s14], $0x2800  }
0x9b: {  	[sflag:s14] =	ssyncset.done $0x0  }
0x9c: {  	[sflag:s14] =	ssyncadd.s32 $0xFFFFD800  }
0x9d: {  	[spmem:s17], [sflag:s16] =	dma.local [hbm:s5], $0x2800  }
0x9e: {  	_ =	swait.ge [sflag:s14], $0x2800  }
0x9f: {  	[sflag:s14] =	ssyncset.done $0x0  }
0xa0: {  	[sflag:s14] =	ssyncadd.s32 $0xFFFFD800  }
0xa1: {  	s29 =	simm.s32 $0x0;
	[bflag:$0x0] =	sbarrier.arrive $0xFFFF  }
0xa2: {  	[tilespmem:s19], [sflag:$0x1] =	stream.indirect.gather [hbm4b:s11+s18], $0x80, s29, s18, $0xb8;
	[tilespmem:$0x1E800] =	vst v63  }
0xa3: {  	_ =	swait.ge [sflag:s20], $0x3E80  }
0xa4: {  	[sflag:s20] =	ssyncset.done $0x0  }
0xa5: {  	s29 =	simm.s32 $0x80;
	[sflag:s20] =	ssyncadd.s32 $0xFFFFC180  }
0xa6: {  	[tilespmem:s21], [sflag:$0x2] =	stream.indirect.gather [hbm4b:s11+s18], $0x80, s29, s18, $0xb8;
	[tilespmem:$0x1E800] =	vst v63  }
0xa7: {  	s29 =	simm.s32 $0x1400  }
0xa8: {  	[spmem:s2] =	stream.indirect.scatter.add.f32 [tilespmem:s19], [sflag:$0x3], $0x80, s29, s18, $0xb8;
	[tilespmem:$0x1E800] =	vst v63  }
0xa9: {  	_ =	swait.ge [sflag:s14], $0x3E80  }
0xaa: {  	[sflag:s14] =	ssyncset.done $0x0  }
0xab: {  	[sflag:s14] =	ssyncadd.s32 $0xFFFFC180  }
0xac: {  	_ =	swait.ge [sflag:s22], $0x3E80  }
0xad: {  	[sflag:s22] =	ssyncset.done $0x0  }
0xae: {  	s29 =	simm.s32 $0x100;
	[sflag:s22] =	ssyncadd.s32 $0xFFFFC180  }
0xaf: {  	[tilespmem:s19], [sflag:$0x1] =	stream.indirect.gather [hbm4b:s11+s18], $0x80, s29, s18, $0xb8;
	[tilespmem:$0x1E800] =	vst v63  }
0xb0: {  	s29 =	simm.s32 $0x1480  }
0xb1: {  	[spmem:s2] =	stream.indirect.scatter.add.f32 [tilespmem:s21], [sflag:$0x3], $0x80, s29, s18, $0xb8;
	[tilespmem:$0x1E800] =	vst v63  }
0xb2: {  	_ =	swait.ge [sflag:s14], $0x3E80  }
0xb3: {  	s29 =	simm.s32 $0x400;
	[sflag:s14] =	ssyncset.done $0x0  }
.LBB2_6:
0xb4: {  	p0 =	sne.s32 s29, $0x4800  }
0xb5: {  	[sflag:s14] =	ssyncadd.s32 $0xFFFFC180;
	s30 =	smov.u32 s29;
	s29 =	sadd.s32 $0x400, s29  }
0xb6: {  	_ = 	snop  }
0xb7: {  	_ =	swait.ge [sflag:s20], $0x3E80  }
0xb8: {  	s30 =	sshra.s32 s30, $0x2;
	[sflag:s20] =	ssyncset.done $0x0  }
0xb9: {  	s31 =	sadd.s32 $0x80, s30;
	[sflag:s20] =	ssyncadd.s32 $0xFFFFC180  }
0xba: {  	[tilespmem:s21], [sflag:$0x2] =	stream.indirect.gather [hbm4b:s11+s18], $0x80, s31, s18, $0xb8;
	[tilespmem:$0x1E800] =	vst v63  }
0xbb: {  	s31 =	sadd.s32 $0x1400, s30  }
0xbc: {  	[spmem:s2] =	stream.indirect.scatter.add.f32 [tilespmem:s19], [sflag:$0x3], $0x80, s31, s18, $0xb8;
	[tilespmem:$0x1E800] =	vst v63  }
0xbd: {  	_ =	swait.ge [sflag:s14], $0x3E80  }
0xbe: {  	[sflag:s14] =	ssyncset.done $0x0  }
0xbf: {  	[sflag:s14] =	ssyncadd.s32 $0xFFFFC180  }
0xc0: {  	_ =	swait.ge [sflag:s22], $0x3E80  }
0xc1: {  	[sflag:s22] =	ssyncset.done $0x0  }
0xc2: {  	s31 =	sadd.s32 $0x100, s30;
	[sflag:s22] =	ssyncadd.s32 $0xFFFFC180  }
0xc3: {  	[tilespmem:s19], [sflag:$0x1] =	stream.indirect.gather [hbm4b:s11+s18], $0x80, s31, s18, $0xb8;
	[tilespmem:$0x1E800] =	vst v63  }
.Ltmp2:
0xc4: {  	_ = 	snop;
	(pc) =	sbr.rel @p0 .LBB2_6-.Ltmp2, $4  }
0xc5: {  	s30 =	sadd.s32 $0x1480, s30  }
0xc6: {  	[spmem:s2] =	stream.indirect.scatter.add.f32 [tilespmem:s21], [sflag:$0x3], $0x80, s30, s18, $0xb8;
	[tilespmem:$0x1E800] =	vst v63  }
0xc7: {  	_ =	swait.ge [sflag:s14], $0x3E80  }
0xc8: {  	[sflag:s14] =	ssyncset.done $0x0  }
0xc9: {  	[sflag:s14] =	ssyncadd.s32 $0xFFFFC180  }
0xca: {  	_ =	swait.ge [sflag:s20], $0x3E80  }
0xcb: {  	[sflag:s20] =	ssyncset.done $0x0  }
0xcc: {  	[sflag:s20] =	ssyncadd.s32 $0xFFFFC180  }
0xcd: {  	[tilespmem:s21], [sflag:$0x2] =	stream.indirect.gather [hbm4b:s11+s18], $0x80, s23, s18, $0xb8;
	[tilespmem:$0x1E800] =	vst v63  }
0xce: {  	_ = 	snop  }
0xcf: {  	[spmem:s2] =	stream.indirect.scatter.add.f32 [tilespmem:s19], [sflag:$0x3], $0x80, s24, s18, $0xb8;
	[tilespmem:$0x1E800] =	vst v63  }
0xd0: {  	_ =	swait.ge [sflag:s14], $0x3E80  }
0xd1: {  	[sflag:s14] =	ssyncset.done $0x0  }
0xd2: {  	[sflag:s14] =	ssyncadd.s32 $0xFFFFC180  }
0xd3: {  	_ =	swait.ge [sflag:s22], $0x3E80  }
0xd4: {  	[sflag:s22] =	ssyncset.done $0x0  }
0xd5: {  	[sflag:s22] =	ssyncadd.s32 $0xFFFFC180  }
0xd6: {  	[spmem:s2] =	stream.indirect.scatter.add.f32 [tilespmem:s21], [sflag:$0x3], $0x80, s25, s18, $0xb8;
	[tilespmem:$0x1E800] =	vst v63  }
0xd7: {  	_ =	swait.ge [sflag:s14], $0x3E80  }
0xd8: {  	[sflag:s14] =	ssyncset.done $0x0  }
0xd9: {  	[sflag:s14] =	ssyncadd.s32 $0xFFFFC180  }
0xda: {  	s29 =	sadd.s32 $0x50000, s28;
	[bflag:$0x0] =	sbarrier.arrive $0xFFFF  }
0xdb: {  	[hbm:s29], [sflag:s16] =	dma.local [spmem:s17], $0x2800  }
0xdc: {  	_ =	swait.ge [sflag:s14], $0x2800  }
0xdd: {  	[sflag:s14] =	ssyncset.done $0x0  }
0xde: {  	[sflag:s14] =	ssyncadd.s32 $0xFFFFD800  }
0xdf: {  	[spmem:s17], [sflag:s16] =	dma.local [hbm:s5], $0x2800  }
0xe0: {  	_ =	swait.ge [sflag:s14], $0x2800  }
0xe1: {  	[sflag:s14] =	ssyncset.done $0x0  }
0xe2: {  	[sflag:s14] =	ssyncadd.s32 $0xFFFFD800  }
0xe3: {  	s29 =	simm.s32 $0x0;
	[bflag:$0x0] =	sbarrier.arrive $0xFFFF  }
0xe4: {  	[tilespmem:s19], [sflag:$0x1] =	stream.indirect.gather [hbm4b:s12+s18], $0x80, s29, s18, $0xb8;
	[tilespmem:$0x1E800] =	vst v63  }
0xe5: {  	_ =	swait.ge [sflag:s20], $0x3E80  }
0xe6: {  	[sflag:s20] =	ssyncset.done $0x0  }
0xe7: {  	s29 =	simm.s32 $0x80;
	[sflag:s20] =	ssyncadd.s32 $0xFFFFC180  }
0xe8: {  	[tilespmem:s21], [sflag:$0x2] =	stream.indirect.gather [hbm4b:s12+s18], $0x80, s29, s18, $0xb8;
	[tilespmem:$0x1E800] =	vst v63  }
0xe9: {  	s29 =	simm.s32 $0x1400  }
0xea: {  	[spmem:s2] =	stream.indirect.scatter.add.f32 [tilespmem:s19], [sflag:$0x3], $0x80, s29, s18, $0xb8;
	[tilespmem:$0x1E800] =	vst v63  }
0xeb: {  	_ =	swait.ge [sflag:s14], $0x3E80  }
0xec: {  	[sflag:s14] =	ssyncset.done $0x0  }
0xed: {  	[sflag:s14] =	ssyncadd.s32 $0xFFFFC180  }
0xee: {  	_ =	swait.ge [sflag:s22], $0x3E80  }
0xef: {  	[sflag:s22] =	ssyncset.done $0x0  }
0xf0: {  	s29 =	simm.s32 $0x100;
	[sflag:s22] =	ssyncadd.s32 $0xFFFFC180  }
0xf1: {  	[tilespmem:s19], [sflag:$0x1] =	stream.indirect.gather [hbm4b:s12+s18], $0x80, s29, s18, $0xb8;
	[tilespmem:$0x1E800] =	vst v63  }
0xf2: {  	s29 =	simm.s32 $0x1480  }
0xf3: {  	[spmem:s2] =	stream.indirect.scatter.add.f32 [tilespmem:s21], [sflag:$0x3], $0x80, s29, s18, $0xb8;
	[tilespmem:$0x1E800] =	vst v63  }
0xf4: {  	_ =	swait.ge [sflag:s14], $0x3E80  }
0xf5: {  	s29 =	simm.s32 $0x400;
	[sflag:s14] =	ssyncset.done $0x0  }
.LBB2_8:
0xf6: {  	p0 =	sne.s32 s29, $0x4800  }
0xf7: {  	[sflag:s14] =	ssyncadd.s32 $0xFFFFC180;
	s30 =	smov.u32 s29;
	s29 =	sadd.s32 $0x400, s29  }
0xf8: {  	_ = 	snop  }
0xf9: {  	_ =	swait.ge [sflag:s20], $0x3E80  }
0xfa: {  	s30 =	sshra.s32 s30, $0x2;
	[sflag:s20] =	ssyncset.done $0x0  }
0xfb: {  	s31 =	sadd.s32 $0x80, s30;
	[sflag:s20] =	ssyncadd.s32 $0xFFFFC180  }
0xfc: {  	[tilespmem:s21], [sflag:$0x2] =	stream.indirect.gather [hbm4b:s12+s18], $0x80, s31, s18, $0xb8;
	[tilespmem:$0x1E800] =	vst v63  }
0xfd: {  	s31 =	sadd.s32 $0x1400, s30  }
0xfe: {  	[spmem:s2] =	stream.indirect.scatter.add.f32 [tilespmem:s19], [sflag:$0x3], $0x80, s31, s18, $0xb8;
	[tilespmem:$0x1E800] =	vst v63  }
0xff: {  	_ =	swait.ge [sflag:s14], $0x3E80  }
0x100: {  	[sflag:s14] =	ssyncset.done $0x0  }
0x101: {  	[sflag:s14] =	ssyncadd.s32 $0xFFFFC180  }
0x102: {  	_ =	swait.ge [sflag:s22], $0x3E80  }
0x103: {  	[sflag:s22] =	ssyncset.done $0x0  }
0x104: {  	s31 =	sadd.s32 $0x100, s30;
	[sflag:s22] =	ssyncadd.s32 $0xFFFFC180  }
0x105: {  	[tilespmem:s19], [sflag:$0x1] =	stream.indirect.gather [hbm4b:s12+s18], $0x80, s31, s18, $0xb8;
	[tilespmem:$0x1E800] =	vst v63  }
.Ltmp3:
0x106: {  	_ = 	snop;
	(pc) =	sbr.rel @p0 .LBB2_8-.Ltmp3, $4  }
0x107: {  	s30 =	sadd.s32 $0x1480, s30  }
0x108: {  	[spmem:s2] =	stream.indirect.scatter.add.f32 [tilespmem:s21], [sflag:$0x3], $0x80, s30, s18, $0xb8;
	[tilespmem:$0x1E800] =	vst v63  }
0x109: {  	_ =	swait.ge [sflag:s14], $0x3E80  }
0x10a: {  	[sflag:s14] =	ssyncset.done $0x0  }
0x10b: {  	[sflag:s14] =	ssyncadd.s32 $0xFFFFC180  }
0x10c: {  	_ =	swait.ge [sflag:s20], $0x3E80  }
0x10d: {  	[sflag:s20] =	ssyncset.done $0x0  }
0x10e: {  	[sflag:s20] =	ssyncadd.s32 $0xFFFFC180  }
0x10f: {  	[tilespmem:s21], [sflag:$0x2] =	stream.indirect.gather [hbm4b:s12+s18], $0x80, s23, s18, $0xb8;
	[tilespmem:$0x1E800] =	vst v63  }
0x110: {  	_ = 	snop  }
0x111: {  	[spmem:s2] =	stream.indirect.scatter.add.f32 [tilespmem:s19], [sflag:$0x3], $0x80, s24, s18, $0xb8;
	[tilespmem:$0x1E800] =	vst v63  }
0x112: {  	_ =	swait.ge [sflag:s14], $0x3E80  }
0x113: {  	[sflag:s14] =	ssyncset.done $0x0  }
0x114: {  	[sflag:s14] =	ssyncadd.s32 $0xFFFFC180  }
0x115: {  	_ =	swait.ge [sflag:s22], $0x3E80  }
0x116: {  	[sflag:s22] =	ssyncset.done $0x0  }
0x117: {  	[sflag:s22] =	ssyncadd.s32 $0xFFFFC180  }
0x118: {  	[spmem:s2] =	stream.indirect.scatter.add.f32 [tilespmem:s21], [sflag:$0x3], $0x80, s25, s18, $0xb8;
	[tilespmem:$0x1E800] =	vst v63  }
0x119: {  	_ =	swait.ge [sflag:s14], $0x3E80  }
0x11a: {  	s26 =	sadd.s32 $0x1, s26;
	[sflag:s14] =	ssyncset.done $0x0  }
0x11b: {  	p0 =	sne.s32 s26, s13;
	[sflag:s14] =	ssyncadd.s32 $0xFFFFC180  }
.Ltmp4:
0x11c: {  	s28 =	sadd.s32 $0x78000, s28;
	[bflag:$0x0] =	sbarrier.arrive $0xFFFF;
	(pc) =	sbr.rel @p0 .LBB2_1-.Ltmp4, $4  }
0x11d: {  	[hbm:s28], [sflag:s16] =	dma.local [spmem:s17], $0x2800  }
0x11e: {  	_ =	swait.ge [sflag:s14], $0x2800  }
0x11f: {  	[sflag:s14] =	ssyncset.done $0x0  }
0x120: {  	[sflag:s14] =	ssyncadd.s32 $0xFFFFD800  }
0x121: {  	_ =	sfence.sel $0x180000  }
0x122: {  	[bflag:$0x0] =	sbarrier.arrive $0xFFFF  }
0x123: {  	p0 =	sne.s32 s1, $0x0;
	_ =	strace $0x9000004A  }
0x124: {  	s0 =	sadd.s32 @!p0 $0x100000, s0;
	[bflag:$0x2] =	sbarrier.arrive $0xFFFF  }
0x125: {  	[sflag:s0] =	ssyncadd.tile.s32 @!p0 $0x1;
	_ =	shalt  }
.Lfunc_end2:
_tile_overlayer_lowered:
.L_overlay_start_2:
0x126: {  	(tag) =	ssettag $0x2  }
0x127: {  	s0 =	rddreg [dreg:$0x0];
	s2 =	stileid.u32  }
0x128: {  	s1 =	rddreg [dreg:$0x1];
	p0 =	sne.s32 s2, $0x0  }
0x129: {  	s3 =	rddreg [dreg:$0x2];
	[bflag:$0x3] =	sbarrier.arrive $0xFFFF;
	s2 =	simm.s32 @!p0 $0x1C03  }
0x12a: {  	[timem:s3], [sflag:s2] =	dma.local @!p0 [hbm:s0], s1  }
0x12b: {  	s0 =	simm.s32 @!p0 $0x3  }
0x12c: {  	_ =	swait.ge @!p0 [sflag:s0], s1  }
0x12d: {  	s1 =	ssub.s32 @!p0 $0x0, s1;
	[sflag:s0] =	ssyncset.done @!p0 $0x0  }
0x12e: {  	[sflag:s0] =	ssyncadd.s32 @!p0 s1  }
0x12f: {  	[bflag:$0x3] =	sbarrier.arrive $0xFFFF  }
0x130: {  	_ =	shalt  }

// kernel: kernel.19.cloned.1.call-start
scs
__scs_entry_jumppad:
0x0: {  	(pc) =	sbr.rel $0x88, $3  }
0x1: {  	(tag) =	ssettag $0x0;
	lr =	simm.s32 $0x1  }
0x2: {  	[smem:$0x3F87] =	sst lr;
	_ =	strace $0xD0000000  }
0x3: {  	_ = 	snop  }
0x4: {  	_ = 	snop  }
0x5: {  	_ = 	snop  }
0x6: {  	_ = 	snop  }
0x7: {  	_ = 	snop  }
__scs_overlays_trampoline_lowered:
0x8: {  	[smem:$0x3F96] =	sst s0  }
0x9: {  	[smem:$0x3F97] =	sst s1  }
0xa: {  	[smem:$0x3F98] =	sst s2  }
0xb: {  	[smem:$0x3F99] =	sst s3  }
0xc: {  	[smem:$0x3F9A] =	sst s4  }
0xd: {  	[smem:$0x3F9B] =	sst s5  }
0xe: {  	[smem:$0x3F9C] =	sst s6  }
0xf: {  	[smem:$0x3F9D] =	sst s7  }
0x10: {  	[smem:$0x3F9E] =	sst s8  }
0x11: {  	[smem:$0x3F9F] =	sst s9;
	s0 =	simm.s32 @!p0 $0x0  }
0x12: {  	s1 =	sld [smem:$0x3F85];
	s0 =	simm.s32 @p0 $0x1  }
0x13: {  	[smem:$0x3FA0] =	sst s0;
	s0 =	simm.s32 @!p1 $0x0  }
0x14: {  	s2 =	sld [smem:$0x3F84];
	s0 =	simm.s32 @p1 $0x1  }
0x15: {  	[smem:$0x3FA1] =	sst s0;
	s0 =	simm.s32 @!p2 $0x0  }
0x16: {  	s3 =	sld [smem:$0x3FDB];
	s0 =	simm.s32 @p2 $0x1  }
0x17: {  	s4 =	simm.s32 $0x1BF5;
	[smem:$0x3FA3] =	sst s0  }
0x18: {  	s0 =	sld [smem:$0x3F86];
	_ =	swait.ge [sflag:s4], $0x0  }
0x19: {  	s7 =	sld [smem:$0x3F87]  }
0x1a: {  	s8 =	sadd.s32 $0xFFFFE003, lr  }
0x1b: {  	s9 =	sadd.s32 $0xFFFFFEF7, lr;
	s5 =	simm.s32 $0xFFFFFFFF;
	p2 =	slt.u32 s8, $0xFFFFF086  }
0x1c: {  	p1 =	slt.u32 s9, $0xF7A;
	s5 =	simm.s32 @!p2 $0x0  }
0x1d: {  	s5 =	simm.s32 @p1 $0x1;
	p0 =	seq.s32 s7, s2  }
0x1e: {  	s7 =	smul.u32 @!p0 $0xF7A, s2;
	p2 =	seq.s32 @!p0 s5, $0x0  }
0x1f: {  	s9 =	smul.u32 $0xF7A, s1;
	s8 =	simm.s32 @!p0 $0x1BF5;
	p2 =	por !p2, p0  }
0x20: {  	[sflag:s8] =	ssyncset.s32 @!p0 $0xFFFFF086;
	s6 =	sadd.s32 @!p0 s3, s7;
	s7 =	simm.s32 @!p0 $0x108  }
0x21: {  	s3 =	sadd.s32 s3, s9;
	s6 =	sadd.s32 @!p0 $0x88, s6;
	s7 =	simm.s32 @p2 $0x1082  }
0x22: {  	[simem:s7], [sflag:s8] =	dma.local @!p0 [hbm:s6], $0xF7A  }
0x23: {  	s9 =	sor.u32 $0xD0000000, s2;
	s6 =	simm.s32 $0x108;
	_ =	swait.ge @!p0 [sflag:s8], $0x0  }
0x24: {  	s3 =	sadd.s32 $0x88, s3;
	s6 =	simm.s32 @!p1 $0x1082;
	[sflag:s4] =	ssyncset.s32 $0xFFFFF086  }
0x25: {  	[simem:s6], [sflag:s4] =	dma.local [hbm:s3], $0xF7A  }
0x26: {  	[smem:$0x3F87] =	sst s1;
	(tag) =	ssettag s2;
	_ =	strace s9  }
0x27: {  	s1 =	sld [smem:$0x3F97]  }
0x28: {  	s2 =	sld [smem:$0x3F98]  }
0x29: {  	s4 =	sld [smem:$0x3F9A]  }
0x2a: {  	p0 =	seq.s32 s5, $0x0;
	s5 =	sld [smem:$0x3F9B]  }
0x2b: {  	s6 =	sld [smem:$0x3F9C]  }
0x2c: {  	s7 =	sld [smem:$0x3F9D]  }
0x2d: {  	s3 =	simm.s32 $0x108;
	s8 =	sld [smem:$0x3F9E]  }
0x2e: {  	s3 =	simm.s32 @!p0 $0x1082;
	s9 =	sld [smem:$0x3F9F]  }
0x2f: {  	lr =	sadd.s32 s0, s3;
	s0 =	sld [smem:$0x3F96]  }
0x30: {  	s3 =	sld [smem:$0x3F99]  }
0x31: {  	[smem:$0x3FA2] =	sst s10  }
0x32: {  	s10 =	sld [smem:$0x3FA0];
	_ =	sdelay $0x3  }
0x33: {  	p0 =	seq.s32 s10, $0x1;
	s10 =	sld [smem:$0x3FA2];
	_ =	sdelay $0x3  }
0x34: {  	[smem:$0x3FA2] =	sst s10  }
0x35: {  	s10 =	sld [smem:$0x3FA1];
	_ =	sdelay $0x3  }
0x36: {  	p1 =	seq.s32 s10, $0x1;
	s10 =	sld [smem:$0x3FA2];
	_ =	sdelay $0x3  }
0x37: {  	[smem:$0x3FA2] =	sst s10  }
0x38: {  	s10 =	sld [smem:$0x3FA3]  }
0x39: {  	_ = 	snop;
	(pc) =	sbr.ind lr, $3  }
0x3a: {  	_ = 	snop  }
0x3b: {  	_ = 	snop  }
0x3c: {  	p2 =	seq.s32 s10, $0x1;
	s10 =	sld [smem:$0x3FA2]  }
0x3d: {  	_ =	shalt  }
0x3e: {  	_ =	shalt  }
0x3f: {  	_ =	shalt  }
0x40: {  	_ =	shalt  }
0x41: {  	_ =	shalt  }
0x42: {  	_ =	shalt  }
0x43: {  	_ =	shalt  }
0x44: {  	_ =	shalt  }
0x45: {  	_ =	shalt  }
0x46: {  	_ =	shalt  }
0x47: {  	_ =	shalt  }
0x48: {  	_ =	shalt  }
0x49: {  	_ =	shalt  }
0x4a: {  	_ =	shalt  }
0x4b: {  	_ =	shalt  }
0x4c: {  	_ =	shalt  }
0x4d: {  	_ =	shalt  }
0x4e: {  	_ =	shalt  }
0x4f: {  	_ =	shalt  }
0x50: {  	_ =	shalt  }
0x51: {  	_ =	shalt  }
0x52: {  	_ =	shalt  }
0x53: {  	_ =	shalt  }
0x54: {  	_ =	shalt  }
0x55: {  	_ =	shalt  }
0x56: {  	_ =	shalt  }
0x57: {  	_ =	shalt  }
0x58: {  	_ =	shalt  }
0x59: {  	_ =	shalt  }
0x5a: {  	_ =	shalt  }
0x5b: {  	_ =	shalt  }
0x5c: {  	_ =	shalt  }
0x5d: {  	_ =	shalt  }
0x5e: {  	_ =	shalt  }
0x5f: {  	_ =	shalt  }
0x60: {  	_ =	shalt  }
0x61: {  	_ =	shalt  }
0x62: {  	_ =	shalt  }
0x63: {  	_ =	shalt  }
0x64: {  	_ =	shalt  }
0x65: {  	_ =	shalt  }
0x66: {  	_ =	shalt  }
0x67: {  	_ =	shalt  }
0x68: {  	_ =	shalt  }
0x69: {  	_ =	shalt  }
0x6a: {  	_ =	shalt  }
0x6b: {  	_ =	shalt  }
0x6c: {  	_ =	shalt  }
0x6d: {  	_ =	shalt  }
0x6e: {  	_ =	shalt  }
0x6f: {  	_ =	shalt  }
0x70: {  	_ =	shalt  }
0x71: {  	_ =	shalt  }
0x72: {  	_ =	shalt  }
0x73: {  	_ =	shalt  }
0x74: {  	_ =	shalt  }
0x75: {  	_ =	shalt  }
0x76: {  	_ =	shalt  }
0x77: {  	_ =	shalt  }
0x78: {  	_ =	shalt  }
0x79: {  	_ =	shalt  }
0x7a: {  	_ =	shalt  }
0x7b: {  	_ =	shalt  }
0x7c: {  	_ =	shalt  }
0x7d: {  	_ =	shalt  }
0x7e: {  	_ =	shalt  }
0x7f: {  	_ =	shalt  }
0x80: {  	_ =	shalt  }
0x81: {  	_ =	shalt  }
0x82: {  	_ =	shalt  }
0x83: {  	_ =	shalt  }
0x84: {  	_ =	shalt  }
0x85: {  	_ =	shalt  }
0x86: {  	_ =	shalt  }
0x87: {  	_ =	shalt  }
.Lfunc_end0:
.L_simem_size_0:
called_computation.2_lowered:
.L_overlay_start_0:
0x88: {  	s2 =	sld [smem:$0x3FD9]  }
0x89: {  	s3 =	sld [smem:$0x3FFE];
	_ =	sdelay $0x1  }
0x8a: {  	s1 =	srdreg.scid  }
0x8b: {  	s0 =	sand.u32 $0x1, s1  }
0x8c: {  	s16 =	sshll.u32 s0, $0xA;
	s2 =	sadd.s32 s3, s2  }
0x8d: {  	s2 =	sadd.s32 s2, s16  }
0x8e: {  	[smem:$0x3FAE] =	sst s2  }
0x8f: {  	_ = 	snop  }
0x90: {  	(tm) =	ssettm $0x1  }
0x91: {  	s17 =	sld [smem:$0x3FFB];
	_ =	sdelay $0x3  }
0x92: {  	_ =	strace s17  }
0x93: {  	s2 =	sld [smem:$0x3FFC];
	_ =	sdelay $0x3  }
0x94: {  	_ =	strace s2  }
0x95: {  	s2 =	sld [smem:$0x3FFD];
	_ =	sdelay $0x3  }
0x96: {  	_ =	strace s2  }
0x97: {  	_ =	strace $0x8FFFFFFF  }
0x98: {  	s18 =	sld [smem:$0x3FDB];
	_ =	sdelay $0x1  }
0x99: {  	s19 =	simm.s32 $_scs_section_size  }
0x9a: {  	s4 =	simm.s32 $_size__tile_overlayer_lowered;
	s5 =	simm.s32 $_tile_overlayer_lowered  }
0x9b: {  	s22 =	simm.s32 $0x1BFF;
	s21 =	sshll.u32 s5, $0x1;
	s2 =	sadd.s32 s19, s18  }
0x9c: {  	s6 =	simm.s32 $0x0;
	s20 =	sshll.u32 s4, $0x1;
	s4 =	sadd.s32 s21, s2  }
0x9d: {  	[timem:s6], [sflag:s22] =	dma.local [hbm:s4], s20  }
0x9e: {  	_ =	swait.ge [sflag:s22], s20  }
0x9f: {  	s3 =	ssub.s32 $0x0, s20;
	[sflag:s22] =	ssyncset.done $0x0  }
0xa0: {  	[sflag:s22] =	ssyncadd.s32 s3;
	_ =	sdelay $0x1  }
0xa1: {  	s23 =	simm.s32 $0x1B8B  }
0xa2: {  	_ =	swait.ge [sflag:s23], $0x1  }
0xa3: {  	[sflag:s23] =	ssyncset.done $0x0  }
0xa4: {  	s25 =	simm.s32 $0x1B8E;
	s24 =	sld [smem:$0x3FFE];
	[sflag:s23] =	ssyncadd.s32 $0xFFFFFFFF  }
0xa5: {  	s26 =	simm.s32 $execute0_lowered;
	[smem:$0x3FD2] =	sst s25  }
0xa6: {  	s4 =	sshll.u32 s26, $0x1;
	_ =	strace $0x8000004C;
	[dreg:$0x1] =	wrdreg $0xFFFFFFFF  }
0xa7: {  	s28 =	simm.s32 $_size_execute0_lowered;
	s2 =	sadd.s32 s2, s4;
	[dreg:$0x0] =	wrdreg $0x0  }
0xa8: {  	s4 =	sshll.u32 s28, $0x1;
	[dreg:$0x2] =	wrdreg s2  }
0xa9: {  	[dreg:$0x3] =	wrdreg s4  }
0xaa: {  	[dreg:$0x4] =	wrdreg $0xC0  }
0xab: {  	_ =	task [dreg:s6], $0x5FFFF  }
0xac: {  	[dreg:$0x1] =	wrdreg $0xFFFFFFFF  }
0xad: {  	[dreg:$0x0] =	wrdreg $0x60  }
0xae: {  	[dreg:$0x2] =	wrdreg s24  }
0xaf: {  	[dreg:$0x3] =	wrdreg $0xA8000  }
0xb0: {  	[dreg:$0x4] =	wrdreg $0x9  }
0xb1: {  	_ =	task.clear_ibuf [dreg:s6], $0x5FFFF;
	_ =	strace $0x9000004C  }
0xb2: {  	s29 =	simm.s32 $0x9;
	_ =	strace $0x8000004E  }
0xb3: {  	_ =	swait.ge [sflag:s29], $0x1  }
0xb4: {  	[sflag:s29] =	ssyncadd.s32 $0xFFFFFFFF  }
0xb5: {  	_ =	strace $0x9000004E  }
0xb6: {  	_ =	sfence  }
0xb7: {  	s30 =	sld [smem:$0x0];
	_ =	sdelay $0x2  }
0xb8: {  	s31 =	sshll.u32 s1, $0xD;
	s1 =	sshrl.u32 s1, $0x2  }
0xb9: {  	s3 =	sand.u32 $0x4000, s31;
	s1 =	sadd.s32 s1, s30  }
0xba: {  	s0 =	sor.u32 s3, s0;
	s1 =	sshll.u32 s1, $0x11  }
0xbb: {  	s0 =	sor.u32 s1, s0  }
0xbc: {  	s0 =	sadd.s32 $0x8F2B, s0  }
0xbd: {  	[sflag:s0] =	ssyncadd.remote.s32 $0x1  }
0xbe: {  	_ =	sfence.sel $0xFFFF  }
0xbf: {  	[dreg:$0x0] =	wrdreg $0xFFFFFFFF;
	(pc) =	sbr.abs _section_cstart, $3  }
0xc0: {  	[dreg:$0x1] =	wrdreg $0xFFFFFFFF  }
0xc1: {  	_ =	task.clear_ibuf [dreg:s6], $0x2FFFF;
	_ =	strace $0x9FFFFFFF  }
0xc2: {  	(tm) =	ssettm $0x7FFFFFFF  }
0xc3: {  	_ =	shalt  }
tec
execute0_lowered:
.L_overlay_start_1:
0x0: {  	(tag) =	ssettag $0x1  }
0x1: {  	s12 =	rddreg [dreg:$0x0]  }
0x2: {  	s0 =	srdreg.scid;
	s2 =	rddreg [dreg:$0x1]  }
0x3: {  	s1 =	stileid.u32;
	s3 =	simm.s32 $0x0;
	s14 =	simm.s32 $0x3  }
0x4: {  	s15 =	simm.s32 $0x1400;
	s18 =	simm.s32 $0x7D;
	s19 =	simm.s32 $0x2800  }
0x5: {  	s20 =	simm.s32 $0x1;
	s21 =	simm.s32 $0x6800;
	s22 =	simm.s32 $0x2  }
0x6: {  	s23 =	simm.s32 $0x1380;
	s24 =	simm.s32 $0x2700;
	s25 =	simm.s32 $0x2780  }
0x7: {  	s26 =	simm.s32 $0x0;
	s4 =	sand.u32 $0x1, s0;
	s0 =	rddreg [dreg:$0x2]  }
0x8: {  	[smem:$0x7FF] =	sst s3;
	s31 =	smul.u32 $0x50000, s1;
	s16 =	sshll.u32 s1, $0x6  }
0x9: {  	s5 =	sshll.u32 s4, $0x4;
	_ =	strace $0x8000004D;
	s6 =	smul.u32 $0xA0000, s4  }
0xa: {  	s8 =	ssub.s32 $0x2, s4;
	s4 =	sadd.s32 $0x102200, s12;
	s16 =	sor.u32 $0x1C03, s16  }
0xb: {  	s5 =	sor.u32 s1, s5;
	s9 =	sshrl.u32 s8, $0x1;
	s11 =	sshrl.u32 s31, $0x2  }
0xc: {  	s5 =	smul.u32 $0x280, s5;
	s10 =	sadd.s32 s6, s12;
	s13 =	ssub.s32 s8, s9  }
0xd: {  	s9 =	smul.u32 $0x2800, s1;
	s17 =	sadd.s32 s11, s2;
	s11 =	sadd.s32 $0x152200, s12  }
0xe: {  	s8 =	sadd.s32 $0x1A2200, s10;
	s10 =	sadd.s32 $0x12A200, s12;
	s13 =	smax.u32 s13, $0x1  }
0xf: {  	s17 =	sshrl.u32 s17, $0x3;
	s7 =	sadd.s32 s5, s12;
	s5 =	sadd.s32 $0xAA00, s12  }
0x10: {  	s12 =	sadd.s32 $0x17A200, s12;
	s6 =	sadd.s32 $0x5D200, s7;
	s7 =	sadd.s32 $0x5200, s7  }
.LBB2_1:
0x11: {  	[tilespmem:s3], [sflag:$0x3] =	stream.linear.gather [hbm4b:s6+s3], $0x1400, $0x38;
	[tilespmem:$0x1E800] =	vst v63  }
0x12: {  	_ =	swait.ge [sflag:s14], $0x1400  }
0x13: {  	[sflag:s14] =	ssyncset.done $0x0  }
0x14: {  	[sflag:s14] =	ssyncadd.s32 $0xFFFFEC00  }
0x15: {  	[tilespmem:s15], [sflag:$0x3] =	stream.linear.gather [hbm4b:s7+s3], $0x1400, $0x38;
	[tilespmem:$0x1E800] =	vst v63  }
0x16: {  	_ =	swait.ge [sflag:s14], $0x1400  }
0x17: {  	[sflag:s14] =	ssyncset.done $0x0  }
0x18: {  	[sflag:s14] =	ssyncadd.s32 $0xFFFFEC00  }
0x19: {  	[spmem:s17], [sflag:s16] =	dma.local [hbm:s5], $0x2800  }
0x1a: {  	_ =	swait.ge [sflag:s14], $0x2800  }
0x1b: {  	[sflag:s14] =	ssyncset.done $0x0  }
0x1c: {  	[sflag:s14] =	ssyncadd.s32 $0xFFFFD800  }
0x1d: {  	[bflag:$0x0] =	sbarrier.arrive $0xFFFF  }
0x1e: {  	[tilespmem:s19], [sflag:$0x1] =	stream.indirect.gather [hbm4b:s4+s18], $0x80, s3, s18, $0xb8;
	[tilespmem:$0x1E800] =	vst v63  }
0x1f: {  	_ =	swait.ge [sflag:s20], $0x3E80  }
0x20: {  	[sflag:s20] =	ssyncset.done $0x0  }
0x21: {  	s28 =	simm.s32 $0x80;
	[sflag:s20] =	ssyncadd.s32 $0xFFFFC180  }
0x22: {  	[tilespmem:s21], [sflag:$0x2] =	stream.indirect.gather [hbm4b:s4+s18], $0x80, s28, s18, $0xb8;
	[tilespmem:$0x1E800] =	vst v63  }
0x23: {  	s28 =	simm.s32 $0x1400  }
0x24: {  	[spmem:s2] =	stream.indirect.scatter.add.f32 [tilespmem:s19], [sflag:$0x3], $0x80, s28, s18, $0xb8;
	[tilespmem:$0x1E800] =	vst v63  }
0x25: {  	_ =	swait.ge [sflag:s14], $0x3E80  }
0x26: {  	[sflag:s14] =	ssyncset.done $0x0  }
0x27: {  	[sflag:s14] =	ssyncadd.s32 $0xFFFFC180  }
0x28: {  	_ =	swait.ge [sflag:s22], $0x3E80  }
0x29: {  	[sflag:s22] =	ssyncset.done $0x0  }
0x2a: {  	s28 =	simm.s32 $0x100;
	[sflag:s22] =	ssyncadd.s32 $0xFFFFC180  }
0x2b: {  	[tilespmem:s19], [sflag:$0x1] =	stream.indirect.gather [hbm4b:s4+s18], $0x80, s28, s18, $0xb8;
	[tilespmem:$0x1E800] =	vst v63  }
0x2c: {  	s28 =	simm.s32 $0x1480  }
0x2d: {  	[spmem:s2] =	stream.indirect.scatter.add.f32 [tilespmem:s21], [sflag:$0x3], $0x80, s28, s18, $0xb8;
	[tilespmem:$0x1E800] =	vst v63  }
0x2e: {  	_ =	swait.ge [sflag:s14], $0x3E80  }
0x2f: {  	s28 =	simm.s32 $0x400;
	[sflag:s14] =	ssyncset.done $0x0  }
.LBB2_2:
0x30: {  	p0 =	sne.s32 s28, $0x4800  }
0x31: {  	[sflag:s14] =	ssyncadd.s32 $0xFFFFC180;
	s29 =	smov.u32 s28;
	s28 =	sadd.s32 $0x400, s28  }
0x32: {  	_ = 	snop  }
0x33: {  	_ =	swait.ge [sflag:s20], $0x3E80  }
0x34: {  	s29 =	sshra.s32 s29, $0x2;
	[sflag:s20] =	ssyncset.done $0x0  }
0x35: {  	s30 =	sadd.s32 $0x80, s29;
	[sflag:s20] =	ssyncadd.s32 $0xFFFFC180  }
0x36: {  	[tilespmem:s21], [sflag:$0x2] =	stream.indirect.gather [hbm4b:s4+s18], $0x80, s30, s18, $0xb8;
	[tilespmem:$0x1E800] =	vst v63  }
0x37: {  	s30 =	sadd.s32 $0x1400, s29  }
0x38: {  	[spmem:s2] =	stream.indirect.scatter.add.f32 [tilespmem:s19], [sflag:$0x3], $0x80, s30, s18, $0xb8;
	[tilespmem:$0x1E800] =	vst v63  }
0x39: {  	_ =	swait.ge [sflag:s14], $0x3E80  }
0x3a: {  	[sflag:s14] =	ssyncset.done $0x0  }
0x3b: {  	[sflag:s14] =	ssyncadd.s32 $0xFFFFC180  }
0x3c: {  	_ =	swait.ge [sflag:s22], $0x3E80  }
0x3d: {  	[sflag:s22] =	ssyncset.done $0x0  }
0x3e: {  	s30 =	sadd.s32 $0x100, s29;
	[sflag:s22] =	ssyncadd.s32 $0xFFFFC180  }
0x3f: {  	[tilespmem:s19], [sflag:$0x1] =	stream.indirect.gather [hbm4b:s4+s18], $0x80, s30, s18, $0xb8;
	[tilespmem:$0x1E800] =	vst v63  }
.Ltmp0:
0x40: {  	_ = 	snop;
	(pc) =	sbr.rel @p0 .LBB2_2-.Ltmp0, $4  }
0x41: {  	s29 =	sadd.s32 $0x1480, s29  }
0x42: {  	[spmem:s2] =	stream.indirect.scatter.add.f32 [tilespmem:s21], [sflag:$0x3], $0x80, s29, s18, $0xb8;
	[tilespmem:$0x1E800] =	vst v63  }
0x43: {  	_ =	swait.ge [sflag:s14], $0x3E80  }
0x44: {  	[sflag:s14] =	ssyncset.done $0x0  }
0x45: {  	[sflag:s14] =	ssyncadd.s32 $0xFFFFC180  }
0x46: {  	_ =	swait.ge [sflag:s20], $0x3E80  }
0x47: {  	[sflag:s20] =	ssyncset.done $0x0  }
0x48: {  	[sflag:s20] =	ssyncadd.s32 $0xFFFFC180  }
0x49: {  	[tilespmem:s21], [sflag:$0x2] =	stream.indirect.gather [hbm4b:s4+s18], $0x80, s23, s18, $0xb8;
	[tilespmem:$0x1E800] =	vst v63  }
0x4a: {  	_ = 	snop  }
0x4b: {  	[spmem:s2] =	stream.indirect.scatter.add.f32 [tilespmem:s19], [sflag:$0x3], $0x80, s24, s18, $0xb8;
	[tilespmem:$0x1E800] =	vst v63  }
0x4c: {  	_ =	swait.ge [sflag:s14], $0x3E80  }
0x4d: {  	[sflag:s14] =	ssyncset.done $0x0  }
0x4e: {  	[sflag:s14] =	ssyncadd.s32 $0xFFFFC180  }
0x4f: {  	_ =	swait.ge [sflag:s22], $0x3E80  }
0x50: {  	[sflag:s22] =	ssyncset.done $0x0  }
0x51: {  	[sflag:s22] =	ssyncadd.s32 $0xFFFFC180  }
0x52: {  	[spmem:s2] =	stream.indirect.scatter.add.f32 [tilespmem:s21], [sflag:$0x3], $0x80, s25, s18, $0xb8;
	[tilespmem:$0x1E800] =	vst v63  }
0x53: {  	_ =	swait.ge [sflag:s14], $0x3E80  }
0x54: {  	[sflag:s14] =	ssyncset.done $0x0  }
0x55: {  	[sflag:s14] =	ssyncadd.s32 $0xFFFFC180  }
0x56: {  	s28 =	sadd.s32 s9, s8;
	[bflag:$0x0] =	sbarrier.arrive $0xFFFF  }
0x57: {  	[hbm:s28], [sflag:s16] =	dma.local [spmem:s17], $0x2800  }
0x58: {  	_ =	swait.ge [sflag:s14], $0x2800  }
0x59: {  	[sflag:s14] =	ssyncset.done $0x0  }
0x5a: {  	[sflag:s14] =	ssyncadd.s32 $0xFFFFD800  }
0x5b: {  	[spmem:s17], [sflag:s16] =	dma.local [hbm:s5], $0x2800  }
0x5c: {  	_ =	swait.ge [sflag:s14], $0x2800  }
0x5d: {  	[sflag:s14] =	ssyncset.done $0x0  }
0x5e: {  	[sflag:s14] =	ssyncadd.s32 $0xFFFFD800  }
0x5f: {  	s29 =	simm.s32 $0x0;
	[bflag:$0x0] =	sbarrier.arrive $0xFFFF  }
0x60: {  	[tilespmem:s19], [sflag:$0x1] =	stream.indirect.gather [hbm4b:s10+s18], $0x80, s29, s18, $0xb8;
	[tilespmem:$0x1E800] =	vst v63  }
0x61: {  	_ =	swait.ge [sflag:s20], $0x3E80  }
0x62: {  	[sflag:s20] =	ssyncset.done $0x0  }
0x63: {  	s29 =	simm.s32 $0x80;
	[sflag:s20] =	ssyncadd.s32 $0xFFFFC180  }
0x64: {  	[tilespmem:s21], [sflag:$0x2] =	stream.indirect.gather [hbm4b:s10+s18], $0x80, s29, s18, $0xb8;
	[tilespmem:$0x1E800] =	vst v63  }
0x65: {  	s29 =	simm.s32 $0x1400  }
0x66: {  	[spmem:s2] =	stream.indirect.scatter.add.f32 [tilespmem:s19], [sflag:$0x3], $0x80, s29, s18, $0xb8;
	[tilespmem:$0x1E800] =	vst v63  }
0x67: {  	_ =	swait.ge [sflag:s14], $0x3E80  }
0x68: {  	[sflag:s14] =	ssyncset.done $0x0  }
0x69: {  	[sflag:s14] =	ssyncadd.s32 $0xFFFFC180  }
0x6a: {  	_ =	swait.ge [sflag:s22], $0x3E80  }
0x6b: {  	[sflag:s22] =	ssyncset.done $0x0  }
0x6c: {  	s29 =	simm.s32 $0x100;
	[sflag:s22] =	ssyncadd.s32 $0xFFFFC180  }
0x6d: {  	[tilespmem:s19], [sflag:$0x1] =	stream.indirect.gather [hbm4b:s10+s18], $0x80, s29, s18, $0xb8;
	[tilespmem:$0x1E800] =	vst v63  }
0x6e: {  	s29 =	simm.s32 $0x1480  }
0x6f: {  	[spmem:s2] =	stream.indirect.scatter.add.f32 [tilespmem:s21], [sflag:$0x3], $0x80, s29, s18, $0xb8;
	[tilespmem:$0x1E800] =	vst v63  }
0x70: {  	_ =	swait.ge [sflag:s14], $0x3E80  }
0x71: {  	s29 =	simm.s32 $0x400;
	[sflag:s14] =	ssyncset.done $0x0  }
.LBB2_4:
0x72: {  	p0 =	sne.s32 s29, $0x4800  }
0x73: {  	[sflag:s14] =	ssyncadd.s32 $0xFFFFC180;
	s30 =	smov.u32 s29;
	s29 =	sadd.s32 $0x400, s29  }
0x74: {  	_ = 	snop  }
0x75: {  	_ =	swait.ge [sflag:s20], $0x3E80  }
0x76: {  	s30 =	sshra.s32 s30, $0x2;
	[sflag:s20] =	ssyncset.done $0x0  }
0x77: {  	s31 =	sadd.s32 $0x80, s30;
	[sflag:s20] =	ssyncadd.s32 $0xFFFFC180  }
0x78: {  	[tilespmem:s21], [sflag:$0x2] =	stream.indirect.gather [hbm4b:s10+s18], $0x80, s31, s18, $0xb8;
	[tilespmem:$0x1E800] =	vst v63  }
0x79: {  	s31 =	sadd.s32 $0x1400, s30  }
0x7a: {  	[spmem:s2] =	stream.indirect.scatter.add.f32 [tilespmem:s19], [sflag:$0x3], $0x80, s31, s18, $0xb8;
	[tilespmem:$0x1E800] =	vst v63  }
0x7b: {  	_ =	swait.ge [sflag:s14], $0x3E80  }
0x7c: {  	[sflag:s14] =	ssyncset.done $0x0  }
0x7d: {  	[sflag:s14] =	ssyncadd.s32 $0xFFFFC180  }
0x7e: {  	_ =	swait.ge [sflag:s22], $0x3E80  }
0x7f: {  	[sflag:s22] =	ssyncset.done $0x0  }
0x80: {  	s31 =	sadd.s32 $0x100, s30;
	[sflag:s22] =	ssyncadd.s32 $0xFFFFC180  }
0x81: {  	[tilespmem:s19], [sflag:$0x1] =	stream.indirect.gather [hbm4b:s10+s18], $0x80, s31, s18, $0xb8;
	[tilespmem:$0x1E800] =	vst v63  }
.Ltmp1:
0x82: {  	_ = 	snop;
	(pc) =	sbr.rel @p0 .LBB2_4-.Ltmp1, $4  }
0x83: {  	s30 =	sadd.s32 $0x1480, s30  }
0x84: {  	[spmem:s2] =	stream.indirect.scatter.add.f32 [tilespmem:s21], [sflag:$0x3], $0x80, s30, s18, $0xb8;
	[tilespmem:$0x1E800] =	vst v63  }
0x85: {  	_ =	swait.ge [sflag:s14], $0x3E80  }
0x86: {  	[sflag:s14] =	ssyncset.done $0x0  }
0x87: {  	[sflag:s14] =	ssyncadd.s32 $0xFFFFC180  }
0x88: {  	_ =	swait.ge [sflag:s20], $0x3E80  }
0x89: {  	[sflag:s20] =	ssyncset.done $0x0  }
0x8a: {  	[sflag:s20] =	ssyncadd.s32 $0xFFFFC180  }
0x8b: {  	[tilespmem:s21], [sflag:$0x2] =	stream.indirect.gather [hbm4b:s10+s18], $0x80, s23, s18, $0xb8;
	[tilespmem:$0x1E800] =	vst v63  }
0x8c: {  	_ = 	snop  }
0x8d: {  	[spmem:s2] =	stream.indirect.scatter.add.f32 [tilespmem:s19], [sflag:$0x3], $0x80, s24, s18, $0xb8;
	[tilespmem:$0x1E800] =	vst v63  }
0x8e: {  	_ =	swait.ge [sflag:s14], $0x3E80  }
0x8f: {  	[sflag:s14] =	ssyncset.done $0x0  }
0x90: {  	[sflag:s14] =	ssyncadd.s32 $0xFFFFC180  }
0x91: {  	_ =	swait.ge [sflag:s22], $0x3E80  }
0x92: {  	[sflag:s22] =	ssyncset.done $0x0  }
0x93: {  	[sflag:s22] =	ssyncadd.s32 $0xFFFFC180  }
0x94: {  	[spmem:s2] =	stream.indirect.scatter.add.f32 [tilespmem:s21], [sflag:$0x3], $0x80, s25, s18, $0xb8;
	[tilespmem:$0x1E800] =	vst v63  }
0x95: {  	_ =	swait.ge [sflag:s14], $0x3E80  }
0x96: {  	[sflag:s14] =	ssyncset.done $0x0  }
0x97: {  	[sflag:s14] =	ssyncadd.s32 $0xFFFFC180  }
0x98: {  	s29 =	sadd.s32 $0x28000, s28;
	[bflag:$0x0] =	sbarrier.arrive $0xFFFF  }
0x99: {  	[hbm:s29], [sflag:s16] =	dma.local [spmem:s17], $0x2800  }
0x9a: {  	_ =	swait.ge [sflag:s14], $0x2800  }
0x9b: {  	[sflag:s14] =	ssyncset.done $0x0  }
0x9c: {  	[sflag:s14] =	ssyncadd.s32 $0xFFFFD800  }
0x9d: {  	[spmem:s17], [sflag:s16] =	dma.local [hbm:s5], $0x2800  }
0x9e: {  	_ =	swait.ge [sflag:s14], $0x2800  }
0x9f: {  	[sflag:s14] =	ssyncset.done $0x0  }
0xa0: {  	[sflag:s14] =	ssyncadd.s32 $0xFFFFD800  }
0xa1: {  	s29 =	simm.s32 $0x0;
	[bflag:$0x0] =	sbarrier.arrive $0xFFFF  }
0xa2: {  	[tilespmem:s19], [sflag:$0x1] =	stream.indirect.gather [hbm4b:s11+s18], $0x80, s29, s18, $0xb8;
	[tilespmem:$0x1E800] =	vst v63  }
0xa3: {  	_ =	swait.ge [sflag:s20], $0x3E80  }
0xa4: {  	[sflag:s20] =	ssyncset.done $0x0  }
0xa5: {  	s29 =	simm.s32 $0x80;
	[sflag:s20] =	ssyncadd.s32 $0xFFFFC180  }
0xa6: {  	[tilespmem:s21], [sflag:$0x2] =	stream.indirect.gather [hbm4b:s11+s18], $0x80, s29, s18, $0xb8;
	[tilespmem:$0x1E800] =	vst v63  }
0xa7: {  	s29 =	simm.s32 $0x1400  }
0xa8: {  	[spmem:s2] =	stream.indirect.scatter.add.f32 [tilespmem:s19], [sflag:$0x3], $0x80, s29, s18, $0xb8;
	[tilespmem:$0x1E800] =	vst v63  }
0xa9: {  	_ =	swait.ge [sflag:s14], $0x3E80  }
0xaa: {  	[sflag:s14] =	ssyncset.done $0x0  }
0xab: {  	[sflag:s14] =	ssyncadd.s32 $0xFFFFC180  }
0xac: {  	_ =	swait.ge [sflag:s22], $0x3E80  }
0xad: {  	[sflag:s22] =	ssyncset.done $0x0  }
0xae: {  	s29 =	simm.s32 $0x100;
	[sflag:s22] =	ssyncadd.s32 $0xFFFFC180  }
0xaf: {  	[tilespmem:s19], [sflag:$0x1] =	stream.indirect.gather [hbm4b:s11+s18], $0x80, s29, s18, $0xb8;
	[tilespmem:$0x1E800] =	vst v63  }
0xb0: {  	s29 =	simm.s32 $0x1480  }
0xb1: {  	[spmem:s2] =	stream.indirect.scatter.add.f32 [tilespmem:s21], [sflag:$0x3], $0x80, s29, s18, $0xb8;
	[tilespmem:$0x1E800] =	vst v63  }
0xb2: {  	_ =	swait.ge [sflag:s14], $0x3E80  }
0xb3: {  	s29 =	simm.s32 $0x400;
	[sflag:s14] =	ssyncset.done $0x0  }
.LBB2_6:
0xb4: {  	p0 =	sne.s32 s29, $0x4800  }
0xb5: {  	[sflag:s14] =	ssyncadd.s32 $0xFFFFC180;
	s30 =	smov.u32 s29;
	s29 =	sadd.s32 $0x400, s29  }
0xb6: {  	_ = 	snop  }
0xb7: {  	_ =	swait.ge [sflag:s20], $0x3E80  }
0xb8: {  	s30 =	sshra.s32 s30, $0x2;
	[sflag:s20] =	ssyncset.done $0x0  }
0xb9: {  	s31 =	sadd.s32 $0x80, s30;
	[sflag:s20] =	ssyncadd.s32 $0xFFFFC180  }
0xba: {  	[tilespmem:s21], [sflag:$0x2] =	stream.indirect.gather [hbm4b:s11+s18], $0x80, s31, s18, $0xb8;
	[tilespmem:$0x1E800] =	vst v63  }
0xbb: {  	s31 =	sadd.s32 $0x1400, s30  }
0xbc: {  	[spmem:s2] =	stream.indirect.scatter.add.f32 [tilespmem:s19], [sflag:$0x3], $0x80, s31, s18, $0xb8;
	[tilespmem:$0x1E800] =	vst v63  }
0xbd: {  	_ =	swait.ge [sflag:s14], $0x3E80  }
0xbe: {  	[sflag:s14] =	ssyncset.done $0x0  }
0xbf: {  	[sflag:s14] =	ssyncadd.s32 $0xFFFFC180  }
0xc0: {  	_ =	swait.ge [sflag:s22], $0x3E80  }
0xc1: {  	[sflag:s22] =	ssyncset.done $0x0  }
0xc2: {  	s31 =	sadd.s32 $0x100, s30;
	[sflag:s22] =	ssyncadd.s32 $0xFFFFC180  }
0xc3: {  	[tilespmem:s19], [sflag:$0x1] =	stream.indirect.gather [hbm4b:s11+s18], $0x80, s31, s18, $0xb8;
	[tilespmem:$0x1E800] =	vst v63  }
.Ltmp2:
0xc4: {  	_ = 	snop;
	(pc) =	sbr.rel @p0 .LBB2_6-.Ltmp2, $4  }
0xc5: {  	s30 =	sadd.s32 $0x1480, s30  }
0xc6: {  	[spmem:s2] =	stream.indirect.scatter.add.f32 [tilespmem:s21], [sflag:$0x3], $0x80, s30, s18, $0xb8;
	[tilespmem:$0x1E800] =	vst v63  }
0xc7: {  	_ =	swait.ge [sflag:s14], $0x3E80  }
0xc8: {  	[sflag:s14] =	ssyncset.done $0x0  }
0xc9: {  	[sflag:s14] =	ssyncadd.s32 $0xFFFFC180  }
0xca: {  	_ =	swait.ge [sflag:s20], $0x3E80  }
0xcb: {  	[sflag:s20] =	ssyncset.done $0x0  }
0xcc: {  	[sflag:s20] =	ssyncadd.s32 $0xFFFFC180  }
0xcd: {  	[tilespmem:s21], [sflag:$0x2] =	stream.indirect.gather [hbm4b:s11+s18], $0x80, s23, s18, $0xb8;
	[tilespmem:$0x1E800] =	vst v63  }
0xce: {  	_ = 	snop  }
0xcf: {  	[spmem:s2] =	stream.indirect.scatter.add.f32 [tilespmem:s19], [sflag:$0x3], $0x80, s24, s18, $0xb8;
	[tilespmem:$0x1E800] =	vst v63  }
0xd0: {  	_ =	swait.ge [sflag:s14], $0x3E80  }
0xd1: {  	[sflag:s14] =	ssyncset.done $0x0  }
0xd2: {  	[sflag:s14] =	ssyncadd.s32 $0xFFFFC180  }
0xd3: {  	_ =	swait.ge [sflag:s22], $0x3E80  }
0xd4: {  	[sflag:s22] =	ssyncset.done $0x0  }
0xd5: {  	[sflag:s22] =	ssyncadd.s32 $0xFFFFC180  }
0xd6: {  	[spmem:s2] =	stream.indirect.scatter.add.f32 [tilespmem:s21], [sflag:$0x3], $0x80, s25, s18, $0xb8;
	[tilespmem:$0x1E800] =	vst v63  }
0xd7: {  	_ =	swait.ge [sflag:s14], $0x3E80  }
0xd8: {  	[sflag:s14] =	ssyncset.done $0x0  }
0xd9: {  	[sflag:s14] =	ssyncadd.s32 $0xFFFFC180  }
0xda: {  	s29 =	sadd.s32 $0x50000, s28;
	[bflag:$0x0] =	sbarrier.arrive $0xFFFF  }
0xdb: {  	[hbm:s29], [sflag:s16] =	dma.local [spmem:s17], $0x2800  }
0xdc: {  	_ =	swait.ge [sflag:s14], $0x2800  }
0xdd: {  	[sflag:s14] =	ssyncset.done $0x0  }
0xde: {  	[sflag:s14] =	ssyncadd.s32 $0xFFFFD800  }
0xdf: {  	[spmem:s17], [sflag:s16] =	dma.local [hbm:s5], $0x2800  }
0xe0: {  	_ =	swait.ge [sflag:s14], $0x2800  }
0xe1: {  	[sflag:s14] =	ssyncset.done $0x0  }
0xe2: {  	[sflag:s14] =	ssyncadd.s32 $0xFFFFD800  }
0xe3: {  	s29 =	simm.s32 $0x0;
	[bflag:$0x0] =	sbarrier.arrive $0xFFFF  }
0xe4: {  	[tilespmem:s19], [sflag:$0x1] =	stream.indirect.gather [hbm4b:s12+s18], $0x80, s29, s18, $0xb8;
	[tilespmem:$0x1E800] =	vst v63  }
0xe5: {  	_ =	swait.ge [sflag:s20], $0x3E80  }
0xe6: {  	[sflag:s20] =	ssyncset.done $0x0  }
0xe7: {  	s29 =	simm.s32 $0x80;
	[sflag:s20] =	ssyncadd.s32 $0xFFFFC180  }
0xe8: {  	[tilespmem:s21], [sflag:$0x2] =	stream.indirect.gather [hbm4b:s12+s18], $0x80, s29, s18, $0xb8;
	[tilespmem:$0x1E800] =	vst v63  }
0xe9: {  	s29 =	simm.s32 $0x1400  }
0xea: {  	[spmem:s2] =	stream.indirect.scatter.add.f32 [tilespmem:s19], [sflag:$0x3], $0x80, s29, s18, $0xb8;
	[tilespmem:$0x1E800] =	vst v63  }
0xeb: {  	_ =	swait.ge [sflag:s14], $0x3E80  }
0xec: {  	[sflag:s14] =	ssyncset.done $0x0  }
0xed: {  	[sflag:s14] =	ssyncadd.s32 $0xFFFFC180  }
0xee: {  	_ =	swait.ge [sflag:s22], $0x3E80  }
0xef: {  	[sflag:s22] =	ssyncset.done $0x0  }
0xf0: {  	s29 =	simm.s32 $0x100;
	[sflag:s22] =	ssyncadd.s32 $0xFFFFC180  }
0xf1: {  	[tilespmem:s19], [sflag:$0x1] =	stream.indirect.gather [hbm4b:s12+s18], $0x80, s29, s18, $0xb8;
	[tilespmem:$0x1E800] =	vst v63  }
0xf2: {  	s29 =	simm.s32 $0x1480  }
0xf3: {  	[spmem:s2] =	stream.indirect.scatter.add.f32 [tilespmem:s21], [sflag:$0x3], $0x80, s29, s18, $0xb8;
	[tilespmem:$0x1E800] =	vst v63  }
0xf4: {  	_ =	swait.ge [sflag:s14], $0x3E80  }
0xf5: {  	s29 =	simm.s32 $0x400;
	[sflag:s14] =	ssyncset.done $0x0  }
.LBB2_8:
0xf6: {  	p0 =	sne.s32 s29, $0x4800  }
0xf7: {  	[sflag:s14] =	ssyncadd.s32 $0xFFFFC180;
	s30 =	smov.u32 s29;
	s29 =	sadd.s32 $0x400, s29  }
0xf8: {  	_ = 	snop  }
0xf9: {  	_ =	swait.ge [sflag:s20], $0x3E80  }
0xfa: {  	s30 =	sshra.s32 s30, $0x2;
	[sflag:s20] =	ssyncset.done $0x0  }
0xfb: {  	s31 =	sadd.s32 $0x80, s30;
	[sflag:s20] =	ssyncadd.s32 $0xFFFFC180  }
0xfc: {  	[tilespmem:s21], [sflag:$0x2] =	stream.indirect.gather [hbm4b:s12+s18], $0x80, s31, s18, $0xb8;
	[tilespmem:$0x1E800] =	vst v63  }
0xfd: {  	s31 =	sadd.s32 $0x1400, s30  }
0xfe: {  	[spmem:s2] =	stream.indirect.scatter.add.f32 [tilespmem:s19], [sflag:$0x3], $0x80, s31, s18, $0xb8;
	[tilespmem:$0x1E800] =	vst v63  }
0xff: {  	_ =	swait.ge [sflag:s14], $0x3E80  }
0x100: {  	[sflag:s14] =	ssyncset.done $0x0  }
0x101: {  	[sflag:s14] =	ssyncadd.s32 $0xFFFFC180  }
0x102: {  	_ =	swait.ge [sflag:s22], $0x3E80  }
0x103: {  	[sflag:s22] =	ssyncset.done $0x0  }
0x104: {  	s31 =	sadd.s32 $0x100, s30;
	[sflag:s22] =	ssyncadd.s32 $0xFFFFC180  }
0x105: {  	[tilespmem:s19], [sflag:$0x1] =	stream.indirect.gather [hbm4b:s12+s18], $0x80, s31, s18, $0xb8;
	[tilespmem:$0x1E800] =	vst v63  }
.Ltmp3:
0x106: {  	_ = 	snop;
	(pc) =	sbr.rel @p0 .LBB2_8-.Ltmp3, $4  }
0x107: {  	s30 =	sadd.s32 $0x1480, s30  }
0x108: {  	[spmem:s2] =	stream.indirect.scatter.add.f32 [tilespmem:s21], [sflag:$0x3], $0x80, s30, s18, $0xb8;
	[tilespmem:$0x1E800] =	vst v63  }
0x109: {  	_ =	swait.ge [sflag:s14], $0x3E80  }
0x10a: {  	[sflag:s14] =	ssyncset.done $0x0  }
0x10b: {  	[sflag:s14] =	ssyncadd.s32 $0xFFFFC180  }
0x10c: {  	_ =	swait.ge [sflag:s20], $0x3E80  }
0x10d: {  	[sflag:s20] =	ssyncset.done $0x0  }
0x10e: {  	[sflag:s20] =	ssyncadd.s32 $0xFFFFC180  }
0x10f: {  	[tilespmem:s21], [sflag:$0x2] =	stream.indirect.gather [hbm4b:s12+s18], $0x80, s23, s18, $0xb8;
	[tilespmem:$0x1E800] =	vst v63  }
0x110: {  	_ = 	snop  }
0x111: {  	[spmem:s2] =	stream.indirect.scatter.add.f32 [tilespmem:s19], [sflag:$0x3], $0x80, s24, s18, $0xb8;
	[tilespmem:$0x1E800] =	vst v63  }
0x112: {  	_ =	swait.ge [sflag:s14], $0x3E80  }
0x113: {  	[sflag:s14] =	ssyncset.done $0x0  }
0x114: {  	[sflag:s14] =	ssyncadd.s32 $0xFFFFC180  }
0x115: {  	_ =	swait.ge [sflag:s22], $0x3E80  }
0x116: {  	[sflag:s22] =	ssyncset.done $0x0  }
0x117: {  	[sflag:s22] =	ssyncadd.s32 $0xFFFFC180  }
0x118: {  	[spmem:s2] =	stream.indirect.scatter.add.f32 [tilespmem:s21], [sflag:$0x3], $0x80, s25, s18, $0xb8;
	[tilespmem:$0x1E800] =	vst v63  }
0x119: {  	_ =	swait.ge [sflag:s14], $0x3E80  }
0x11a: {  	s26 =	sadd.s32 $0x1, s26;
	[sflag:s14] =	ssyncset.done $0x0  }
0x11b: {  	p0 =	sne.s32 s26, s13;
	[sflag:s14] =	ssyncadd.s32 $0xFFFFC180  }
.Ltmp4:
0x11c: {  	s28 =	sadd.s32 $0x78000, s28;
	[bflag:$0x0] =	sbarrier.arrive $0xFFFF;
	(pc) =	sbr.rel @p0 .LBB2_1-.Ltmp4, $4  }
0x11d: {  	[hbm:s28], [sflag:s16] =	dma.local [spmem:s17], $0x2800  }
0x11e: {  	_ =	swait.ge [sflag:s14], $0x2800  }
0x11f: {  	[sflag:s14] =	ssyncset.done $0x0  }
0x120: {  	[sflag:s14] =	ssyncadd.s32 $0xFFFFD800  }
0x121: {  	_ =	sfence.sel $0x180000  }
0x122: {  	[bflag:$0x0] =	sbarrier.arrive $0xFFFF  }
0x123: {  	p0 =	sne.s32 s1, $0x0;
	_ =	strace $0x9000004D  }
0x124: {  	s0 =	sadd.s32 @!p0 $0x100000, s0;
	[bflag:$0x2] =	sbarrier.arrive $0xFFFF  }
0x125: {  	[sflag:s0] =	ssyncadd.tile.s32 @!p0 $0x1;
	_ =	shalt  }
.Lfunc_end2:
_tile_overlayer_lowered:
.L_overlay_start_2:
0x126: {  	(tag) =	ssettag $0x2  }
0x127: {  	s0 =	rddreg [dreg:$0x0];
	s2 =	stileid.u32  }
0x128: {  	s1 =	rddreg [dreg:$0x1];
	p0 =	sne.s32 s2, $0x0  }
0x129: {  	s3 =	rddreg [dreg:$0x2];
	[bflag:$0x3] =	sbarrier.arrive $0xFFFF;
	s2 =	simm.s32 @!p0 $0x1C03  }
0x12a: {  	[timem:s3], [sflag:s2] =	dma.local @!p0 [hbm:s0], s1  }
0x12b: {  	s0 =	simm.s32 @!p0 $0x3  }
0x12c: {  	_ =	swait.ge @!p0 [sflag:s0], s1  }
0x12d: {  	s1 =	ssub.s32 @!p0 $0x0, s1;
	[sflag:s0] =	ssyncset.done @!p0 $0x0  }
0x12e: {  	[sflag:s0] =	ssyncadd.s32 @!p0 s1  }
0x12f: {  	[bflag:$0x3] =	sbarrier.arrive $0xFFFF  }
0x130: {  	_ =	shalt  }

// kernel: kernel.22.cloned.1.call-start
scs
__scs_entry_jumppad:
0x0: {  	(pc) =	sbr.rel $0x88, $3  }
0x1: {  	(tag) =	ssettag $0x0;
	lr =	simm.s32 $0x1  }
0x2: {  	[smem:$0x3F87] =	sst lr;
	_ =	strace $0xD0000000  }
0x3: {  	_ = 	snop  }
0x4: {  	_ = 	snop  }
0x5: {  	_ = 	snop  }
0x6: {  	_ = 	snop  }
0x7: {  	_ = 	snop  }
__scs_overlays_trampoline_lowered:
0x8: {  	[smem:$0x3F96] =	sst s0  }
0x9: {  	[smem:$0x3F97] =	sst s1  }
0xa: {  	[smem:$0x3F98] =	sst s2  }
0xb: {  	[smem:$0x3F99] =	sst s3  }
0xc: {  	[smem:$0x3F9A] =	sst s4  }
0xd: {  	[smem:$0x3F9B] =	sst s5  }
0xe: {  	[smem:$0x3F9C] =	sst s6  }
0xf: {  	[smem:$0x3F9D] =	sst s7  }
0x10: {  	[smem:$0x3F9E] =	sst s8  }
0x11: {  	[smem:$0x3F9F] =	sst s9;
	s0 =	simm.s32 @!p0 $0x0  }
0x12: {  	s1 =	sld [smem:$0x3F85];
	s0 =	simm.s32 @p0 $0x1  }
0x13: {  	[smem:$0x3FA0] =	sst s0;
	s0 =	simm.s32 @!p1 $0x0  }
0x14: {  	s2 =	sld [smem:$0x3F84];
	s0 =	simm.s32 @p1 $0x1  }
0x15: {  	[smem:$0x3FA1] =	sst s0;
	s0 =	simm.s32 @!p2 $0x0  }
0x16: {  	s3 =	sld [smem:$0x3FDB];
	s0 =	simm.s32 @p2 $0x1  }
0x17: {  	s4 =	simm.s32 $0x1BF5;
	[smem:$0x3FA3] =	sst s0  }
0x18: {  	s0 =	sld [smem:$0x3F86];
	_ =	swait.ge [sflag:s4], $0x0  }
0x19: {  	s7 =	sld [smem:$0x3F87]  }
0x1a: {  	s8 =	sadd.s32 $0xFFFFE003, lr  }
0x1b: {  	s9 =	sadd.s32 $0xFFFFFEF7, lr;
	s5 =	simm.s32 $0xFFFFFFFF;
	p2 =	slt.u32 s8, $0xFFFFF086  }
0x1c: {  	p1 =	slt.u32 s9, $0xF7A;
	s5 =	simm.s32 @!p2 $0x0  }
0x1d: {  	s5 =	simm.s32 @p1 $0x1;
	p0 =	seq.s32 s7, s2  }
0x1e: {  	s7 =	smul.u32 @!p0 $0xF7A, s2;
	p2 =	seq.s32 @!p0 s5, $0x0  }
0x1f: {  	s9 =	smul.u32 $0xF7A, s1;
	s8 =	simm.s32 @!p0 $0x1BF5;
	p2 =	por !p2, p0  }
0x20: {  	[sflag:s8] =	ssyncset.s32 @!p0 $0xFFFFF086;
	s6 =	sadd.s32 @!p0 s3, s7;
	s7 =	simm.s32 @!p0 $0x108  }
0x21: {  	s3 =	sadd.s32 s3, s9;
	s6 =	sadd.s32 @!p0 $0x88, s6;
	s7 =	simm.s32 @p2 $0x1082  }
0x22: {  	[simem:s7], [sflag:s8] =	dma.local @!p0 [hbm:s6], $0xF7A  }
0x23: {  	s9 =	sor.u32 $0xD0000000, s2;
	s6 =	simm.s32 $0x108;
	_ =	swait.ge @!p0 [sflag:s8], $0x0  }
0x24: {  	s3 =	sadd.s32 $0x88, s3;
	s6 =	simm.s32 @!p1 $0x1082;
	[sflag:s4] =	ssyncset.s32 $0xFFFFF086  }
0x25: {  	[simem:s6], [sflag:s4] =	dma.local [hbm:s3], $0xF7A  }
0x26: {  	[smem:$0x3F87] =	sst s1;
	(tag) =	ssettag s2;
	_ =	strace s9  }
0x27: {  	s1 =	sld [smem:$0x3F97]  }
0x28: {  	s2 =	sld [smem:$0x3F98]  }
0x29: {  	s4 =	sld [smem:$0x3F9A]  }
0x2a: {  	p0 =	seq.s32 s5, $0x0;
	s5 =	sld [smem:$0x3F9B]  }
0x2b: {  	s6 =	sld [smem:$0x3F9C]  }
0x2c: {  	s7 =	sld [smem:$0x3F9D]  }
0x2d: {  	s3 =	simm.s32 $0x108;
	s8 =	sld [smem:$0x3F9E]  }
0x2e: {  	s3 =	simm.s32 @!p0 $0x1082;
	s9 =	sld [smem:$0x3F9F]  }
0x2f: {  	lr =	sadd.s32 s0, s3;
	s0 =	sld [smem:$0x3F96]  }
0x30: {  	s3 =	sld [smem:$0x3F99]  }
0x31: {  	[smem:$0x3FA2] =	sst s10  }
0x32: {  	s10 =	sld [smem:$0x3FA0];
	_ =	sdelay $0x3  }
0x33: {  	p0 =	seq.s32 s10, $0x1;
	s10 =	sld [smem:$0x3FA2];
	_ =	sdelay $0x3  }
0x34: {  	[smem:$0x3FA2] =	sst s10  }
0x35: {  	s10 =	sld [smem:$0x3FA1];
	_ =	sdelay $0x3  }
0x36: {  	p1 =	seq.s32 s10, $0x1;
	s10 =	sld [smem:$0x3FA2];
	_ =	sdelay $0x3  }
0x37: {  	[smem:$0x3FA2] =	sst s10  }
0x38: {  	s10 =	sld [smem:$0x3FA3]  }
0x39: {  	_ = 	snop;
	(pc) =	sbr.ind lr, $3  }
0x3a: {  	_ = 	snop  }
0x3b: {  	_ = 	snop  }
0x3c: {  	p2 =	seq.s32 s10, $0x1;
	s10 =	sld [smem:$0x3FA2]  }
0x3d: {  	_ =	shalt  }
0x3e: {  	_ =	shalt  }
0x3f: {  	_ =	shalt  }
0x40: {  	_ =	shalt  }
0x41: {  	_ =	shalt  }
0x42: {  	_ =	shalt  }
0x43: {  	_ =	shalt  }
0x44: {  	_ =	shalt  }
0x45: {  	_ =	shalt  }
0x46: {  	_ =	shalt  }
0x47: {  	_ =	shalt  }
0x48: {  	_ =	shalt  }
0x49: {  	_ =	shalt  }
0x4a: {  	_ =	shalt  }
0x4b: {  	_ =	shalt  }
0x4c: {  	_ =	shalt  }
0x4d: {  	_ =	shalt  }
0x4e: {  	_ =	shalt  }
0x4f: {  	_ =	shalt  }
0x50: {  	_ =	shalt  }
0x51: {  	_ =	shalt  }
0x52: {  	_ =	shalt  }
0x53: {  	_ =	shalt  }
0x54: {  	_ =	shalt  }
0x55: {  	_ =	shalt  }
0x56: {  	_ =	shalt  }
0x57: {  	_ =	shalt  }
0x58: {  	_ =	shalt  }
0x59: {  	_ =	shalt  }
0x5a: {  	_ =	shalt  }
0x5b: {  	_ =	shalt  }
0x5c: {  	_ =	shalt  }
0x5d: {  	_ =	shalt  }
0x5e: {  	_ =	shalt  }
0x5f: {  	_ =	shalt  }
0x60: {  	_ =	shalt  }
0x61: {  	_ =	shalt  }
0x62: {  	_ =	shalt  }
0x63: {  	_ =	shalt  }
0x64: {  	_ =	shalt  }
0x65: {  	_ =	shalt  }
0x66: {  	_ =	shalt  }
0x67: {  	_ =	shalt  }
0x68: {  	_ =	shalt  }
0x69: {  	_ =	shalt  }
0x6a: {  	_ =	shalt  }
0x6b: {  	_ =	shalt  }
0x6c: {  	_ =	shalt  }
0x6d: {  	_ =	shalt  }
0x6e: {  	_ =	shalt  }
0x6f: {  	_ =	shalt  }
0x70: {  	_ =	shalt  }
0x71: {  	_ =	shalt  }
0x72: {  	_ =	shalt  }
0x73: {  	_ =	shalt  }
0x74: {  	_ =	shalt  }
0x75: {  	_ =	shalt  }
0x76: {  	_ =	shalt  }
0x77: {  	_ =	shalt  }
0x78: {  	_ =	shalt  }
0x79: {  	_ =	shalt  }
0x7a: {  	_ =	shalt  }
0x7b: {  	_ =	shalt  }
0x7c: {  	_ =	shalt  }
0x7d: {  	_ =	shalt  }
0x7e: {  	_ =	shalt  }
0x7f: {  	_ =	shalt  }
0x80: {  	_ =	shalt  }
0x81: {  	_ =	shalt  }
0x82: {  	_ =	shalt  }
0x83: {  	_ =	shalt  }
0x84: {  	_ =	shalt  }
0x85: {  	_ =	shalt  }
0x86: {  	_ =	shalt  }
0x87: {  	_ =	shalt  }
.Lfunc_end0:
.L_simem_size_0:
called_computation.3_lowered:
.L_overlay_start_0:
0x88: {  	s2 =	sld [smem:$0x3FD9]  }
0x89: {  	s3 =	sld [smem:$0x3FFE];
	_ =	sdelay $0x1  }
0x8a: {  	s1 =	srdreg.scid  }
0x8b: {  	s0 =	sand.u32 $0x1, s1  }
0x8c: {  	s16 =	sshll.u32 s0, $0xA;
	s2 =	sadd.s32 s3, s2  }
0x8d: {  	s2 =	sadd.s32 s2, s16  }
0x8e: {  	[smem:$0x3FAE] =	sst s2  }
0x8f: {  	_ = 	snop  }
0x90: {  	(tm) =	ssettm $0x1  }
0x91: {  	s17 =	sld [smem:$0x3FFB];
	_ =	sdelay $0x3  }
0x92: {  	_ =	strace s17  }
0x93: {  	s2 =	sld [smem:$0x3FFC];
	_ =	sdelay $0x3  }
0x94: {  	_ =	strace s2  }
0x95: {  	s2 =	sld [smem:$0x3FFD];
	_ =	sdelay $0x3  }
0x96: {  	_ =	strace s2  }
0x97: {  	_ =	strace $0x8FFFFFFF  }
0x98: {  	s18 =	sld [smem:$0x3FDB];
	_ =	sdelay $0x1  }
0x99: {  	s19 =	simm.s32 $_scs_section_size  }
0x9a: {  	s4 =	simm.s32 $_size__tile_overlayer_lowered;
	s5 =	simm.s32 $_tile_overlayer_lowered  }
0x9b: {  	s22 =	simm.s32 $0x1BFF;
	s21 =	sshll.u32 s5, $0x1;
	s2 =	sadd.s32 s19, s18  }
0x9c: {  	s6 =	simm.s32 $0x0;
	s20 =	sshll.u32 s4, $0x1;
	s4 =	sadd.s32 s21, s2  }
0x9d: {  	[timem:s6], [sflag:s22] =	dma.local [hbm:s4], s20  }
0x9e: {  	_ =	swait.ge [sflag:s22], s20  }
0x9f: {  	s3 =	ssub.s32 $0x0, s20;
	[sflag:s22] =	ssyncset.done $0x0  }
0xa0: {  	[sflag:s22] =	ssyncadd.s32 s3;
	_ =	sdelay $0x1  }
0xa1: {  	s23 =	simm.s32 $0x1B8B  }
0xa2: {  	_ =	swait.ge [sflag:s23], $0x1  }
0xa3: {  	[sflag:s23] =	ssyncset.done $0x0  }
0xa4: {  	s25 =	simm.s32 $0x1B8E;
	s24 =	sld [smem:$0x3FFE];
	[sflag:s23] =	ssyncadd.s32 $0xFFFFFFFF  }
0xa5: {  	s26 =	simm.s32 $execute0_lowered;
	[smem:$0x3FD2] =	sst s25  }
0xa6: {  	s4 =	sshll.u32 s26, $0x1;
	_ =	strace $0x8000004F;
	[dreg:$0x1] =	wrdreg $0xFFFFFFFF  }
0xa7: {  	s28 =	simm.s32 $_size_execute0_lowered;
	s2 =	sadd.s32 s2, s4;
	[dreg:$0x0] =	wrdreg $0x0  }
0xa8: {  	s4 =	sshll.u32 s28, $0x1;
	[dreg:$0x2] =	wrdreg s2  }
0xa9: {  	[dreg:$0x3] =	wrdreg s4  }
0xaa: {  	[dreg:$0x4] =	wrdreg $0xC0  }
0xab: {  	_ =	task [dreg:s6], $0x5FFFF  }
0xac: {  	[dreg:$0x1] =	wrdreg $0xFFFFFFFF  }
0xad: {  	[dreg:$0x0] =	wrdreg $0x60  }
0xae: {  	[dreg:$0x2] =	wrdreg s24  }
0xaf: {  	[dreg:$0x3] =	wrdreg $0xA8000  }
0xb0: {  	[dreg:$0x4] =	wrdreg $0x9  }
0xb1: {  	_ =	task.clear_ibuf [dreg:s6], $0x5FFFF;
	_ =	strace $0x9000004F  }
0xb2: {  	s29 =	simm.s32 $0x9;
	_ =	strace $0x80000051  }
0xb3: {  	_ =	swait.ge [sflag:s29], $0x1  }
0xb4: {  	[sflag:s29] =	ssyncadd.s32 $0xFFFFFFFF  }
0xb5: {  	_ =	strace $0x90000051  }
0xb6: {  	_ =	sfence  }
0xb7: {  	s30 =	sld [smem:$0x0];
	_ =	sdelay $0x2  }
0xb8: {  	s31 =	sshll.u32 s1, $0xD;
	s1 =	sshrl.u32 s1, $0x2  }
0xb9: {  	s3 =	sand.u32 $0x4000, s31;
	s1 =	sadd.s32 s1, s30  }
0xba: {  	s0 =	sor.u32 s3, s0;
	s1 =	sshll.u32 s1, $0x11  }
0xbb: {  	s0 =	sor.u32 s1, s0  }
0xbc: {  	s0 =	sadd.s32 $0x8F2B, s0  }
0xbd: {  	[sflag:s0] =	ssyncadd.remote.s32 $0x1  }
0xbe: {  	_ =	sfence.sel $0xFFFF  }
0xbf: {  	[dreg:$0x0] =	wrdreg $0xFFFFFFFF;
	(pc) =	sbr.abs _section_cstart, $3  }
0xc0: {  	[dreg:$0x1] =	wrdreg $0xFFFFFFFF  }
0xc1: {  	_ =	task.clear_ibuf [dreg:s6], $0x2FFFF;
	_ =	strace $0x9FFFFFFF  }
0xc2: {  	(tm) =	ssettm $0x7FFFFFFF  }
0xc3: {  	_ =	shalt  }
tec
execute0_lowered:
.L_overlay_start_1:
0x0: {  	(tag) =	ssettag $0x1  }
0x1: {  	s12 =	rddreg [dreg:$0x0]  }
0x2: {  	s0 =	srdreg.scid;
	s2 =	rddreg [dreg:$0x1]  }
0x3: {  	s1 =	stileid.u32;
	s3 =	simm.s32 $0x0;
	s14 =	simm.s32 $0x3  }
0x4: {  	s15 =	simm.s32 $0x1400;
	s18 =	simm.s32 $0x7D;
	s19 =	simm.s32 $0x2800  }
0x5: {  	s20 =	simm.s32 $0x1;
	s21 =	simm.s32 $0x6800;
	s22 =	simm.s32 $0x2  }
0x6: {  	s23 =	simm.s32 $0x1380;
	s24 =	simm.s32 $0x2700;
	s25 =	simm.s32 $0x2780  }
0x7: {  	s26 =	simm.s32 $0x0;
	s4 =	sand.u32 $0x1, s0;
	s0 =	rddreg [dreg:$0x2]  }
0x8: {  	[smem:$0x7FF] =	sst s3;
	s10 =	smul.u32 $0x50000, s1;
	s16 =	sshll.u32 s1, $0x6  }
0x9: {  	s5 =	sshll.u32 s4, $0x4;
	_ =	strace $0x80000050;
	s6 =	smul.u32 $0xA0000, s4  }
0xa: {  	s8 =	ssub.s32 $0x2, s4;
	s4 =	sadd.s32 $0x62200, s12;
	s16 =	sor.u32 $0x1C03, s16  }
0xb: {  	s5 =	sor.u32 s1, s5;
	s9 =	sshrl.u32 s8, $0x1;
	s31 =	sshrl.u32 s10, $0x2  }
0xc: {  	s10 =	sadd.s32 $0x8A200, s12;
	s5 =	smul.u32 $0x280, s5;
	s11 =	sadd.s32 s6, s12  }
0xd: {  	s13 =	ssub.s32 s8, s9;
	s17 =	sadd.s32 s31, s2;
	s9 =	smul.u32 $0x2800, s1  }
0xe: {  	s8 =	sadd.s32 $0x1A2200, s11;
	s11 =	sadd.s32 $0xB2200, s12;
	s13 =	smax.u32 s13, $0x1  }
0xf: {  	s17 =	sshrl.u32 s17, $0x3;
	s7 =	sadd.s32 s5, s12;
	s5 =	sadd.s32 $0xAA00, s12  }
0x10: {  	s12 =	sadd.s32 $0xDA200, s12;
	s6 =	sadd.s32 $0x5D200, s7;
	s7 =	sadd.s32 $0x5200, s7  }
.LBB2_1:
0x11: {  	[tilespmem:s3], [sflag:$0x3] =	stream.linear.gather [hbm4b:s6+s3], $0x1400, $0x38;
	[tilespmem:$0x1E800] =	vst v63  }
0x12: {  	_ =	swait.ge [sflag:s14], $0x1400  }
0x13: {  	[sflag:s14] =	ssyncset.done $0x0  }
0x14: {  	[sflag:s14] =	ssyncadd.s32 $0xFFFFEC00  }
0x15: {  	[tilespmem:s15], [sflag:$0x3] =	stream.linear.gather [hbm4b:s7+s3], $0x1400, $0x38;
	[tilespmem:$0x1E800] =	vst v63  }
0x16: {  	_ =	swait.ge [sflag:s14], $0x1400  }
0x17: {  	[sflag:s14] =	ssyncset.done $0x0  }
0x18: {  	[sflag:s14] =	ssyncadd.s32 $0xFFFFEC00  }
0x19: {  	[spmem:s17], [sflag:s16] =	dma.local [hbm:s5], $0x2800  }
0x1a: {  	_ =	swait.ge [sflag:s14], $0x2800  }
0x1b: {  	[sflag:s14] =	ssyncset.done $0x0  }
0x1c: {  	[sflag:s14] =	ssyncadd.s32 $0xFFFFD800  }
0x1d: {  	[bflag:$0x0] =	sbarrier.arrive $0xFFFF  }
0x1e: {  	[tilespmem:s19], [sflag:$0x1] =	stream.indirect.gather [hbm4b:s4+s18], $0x80, s3, s18, $0xb8;
	[tilespmem:$0x1E800] =	vst v63  }
0x1f: {  	_ =	swait.ge [sflag:s20], $0x3E80  }
0x20: {  	[sflag:s20] =	ssyncset.done $0x0  }
0x21: {  	s28 =	simm.s32 $0x80;
	[sflag:s20] =	ssyncadd.s32 $0xFFFFC180  }
0x22: {  	[tilespmem:s21], [sflag:$0x2] =	stream.indirect.gather [hbm4b:s4+s18], $0x80, s28, s18, $0xb8;
	[tilespmem:$0x1E800] =	vst v63  }
0x23: {  	s28 =	simm.s32 $0x1400  }
0x24: {  	[spmem:s2] =	stream.indirect.scatter.add.f32 [tilespmem:s19], [sflag:$0x3], $0x80, s28, s18, $0xb8;
	[tilespmem:$0x1E800] =	vst v63  }
0x25: {  	_ =	swait.ge [sflag:s14], $0x3E80  }
0x26: {  	[sflag:s14] =	ssyncset.done $0x0  }
0x27: {  	[sflag:s14] =	ssyncadd.s32 $0xFFFFC180  }
0x28: {  	_ =	swait.ge [sflag:s22], $0x3E80  }
0x29: {  	[sflag:s22] =	ssyncset.done $0x0  }
0x2a: {  	s28 =	simm.s32 $0x100;
	[sflag:s22] =	ssyncadd.s32 $0xFFFFC180  }
0x2b: {  	[tilespmem:s19], [sflag:$0x1] =	stream.indirect.gather [hbm4b:s4+s18], $0x80, s28, s18, $0xb8;
	[tilespmem:$0x1E800] =	vst v63  }
0x2c: {  	s28 =	simm.s32 $0x1480  }
0x2d: {  	[spmem:s2] =	stream.indirect.scatter.add.f32 [tilespmem:s21], [sflag:$0x3], $0x80, s28, s18, $0xb8;
	[tilespmem:$0x1E800] =	vst v63  }
0x2e: {  	_ =	swait.ge [sflag:s14], $0x3E80  }
0x2f: {  	s28 =	simm.s32 $0x400;
	[sflag:s14] =	ssyncset.done $0x0  }
.LBB2_2:
0x30: {  	p0 =	sne.s32 s28, $0x4800  }
0x31: {  	[sflag:s14] =	ssyncadd.s32 $0xFFFFC180;
	s29 =	smov.u32 s28;
	s28 =	sadd.s32 $0x400, s28  }
0x32: {  	_ = 	snop  }
0x33: {  	_ =	swait.ge [sflag:s20], $0x3E80  }
0x34: {  	s29 =	sshra.s32 s29, $0x2;
	[sflag:s20] =	ssyncset.done $0x0  }
0x35: {  	s30 =	sadd.s32 $0x80, s29;
	[sflag:s20] =	ssyncadd.s32 $0xFFFFC180  }
0x36: {  	[tilespmem:s21], [sflag:$0x2] =	stream.indirect.gather [hbm4b:s4+s18], $0x80, s30, s18, $0xb8;
	[tilespmem:$0x1E800] =	vst v63  }
0x37: {  	s30 =	sadd.s32 $0x1400, s29  }
0x38: {  	[spmem:s2] =	stream.indirect.scatter.add.f32 [tilespmem:s19], [sflag:$0x3], $0x80, s30, s18, $0xb8;
	[tilespmem:$0x1E800] =	vst v63  }
0x39: {  	_ =	swait.ge [sflag:s14], $0x3E80  }
0x3a: {  	[sflag:s14] =	ssyncset.done $0x0  }
0x3b: {  	[sflag:s14] =	ssyncadd.s32 $0xFFFFC180  }
0x3c: {  	_ =	swait.ge [sflag:s22], $0x3E80  }
0x3d: {  	[sflag:s22] =	ssyncset.done $0x0  }
0x3e: {  	s30 =	sadd.s32 $0x100, s29;
	[sflag:s22] =	ssyncadd.s32 $0xFFFFC180  }
0x3f: {  	[tilespmem:s19], [sflag:$0x1] =	stream.indirect.gather [hbm4b:s4+s18], $0x80, s30, s18, $0xb8;
	[tilespmem:$0x1E800] =	vst v63  }
.Ltmp0:
0x40: {  	_ = 	snop;
	(pc) =	sbr.rel @p0 .LBB2_2-.Ltmp0, $4  }
0x41: {  	s29 =	sadd.s32 $0x1480, s29  }
0x42: {  	[spmem:s2] =	stream.indirect.scatter.add.f32 [tilespmem:s21], [sflag:$0x3], $0x80, s29, s18, $0xb8;
	[tilespmem:$0x1E800] =	vst v63  }
0x43: {  	_ =	swait.ge [sflag:s14], $0x3E80  }
0x44: {  	[sflag:s14] =	ssyncset.done $0x0  }
0x45: {  	[sflag:s14] =	ssyncadd.s32 $0xFFFFC180  }
0x46: {  	_ =	swait.ge [sflag:s20], $0x3E80  }
0x47: {  	[sflag:s20] =	ssyncset.done $0x0  }
0x48: {  	[sflag:s20] =	ssyncadd.s32 $0xFFFFC180  }
0x49: {  	[tilespmem:s21], [sflag:$0x2] =	stream.indirect.gather [hbm4b:s4+s18], $0x80, s23, s18, $0xb8;
	[tilespmem:$0x1E800] =	vst v63  }
0x4a: {  	_ = 	snop  }
0x4b: {  	[spmem:s2] =	stream.indirect.scatter.add.f32 [tilespmem:s19], [sflag:$0x3], $0x80, s24, s18, $0xb8;
	[tilespmem:$0x1E800] =	vst v63  }
0x4c: {  	_ =	swait.ge [sflag:s14], $0x3E80  }
0x4d: {  	[sflag:s14] =	ssyncset.done $0x0  }
0x4e: {  	[sflag:s14] =	ssyncadd.s32 $0xFFFFC180  }
0x4f: {  	_ =	swait.ge [sflag:s22], $0x3E80  }
0x50: {  	[sflag:s22] =	ssyncset.done $0x0  }
0x51: {  	[sflag:s22] =	ssyncadd.s32 $0xFFFFC180  }
0x52: {  	[spmem:s2] =	stream.indirect.scatter.add.f32 [tilespmem:s21], [sflag:$0x3], $0x80, s25, s18, $0xb8;
	[tilespmem:$0x1E800] =	vst v63  }
0x53: {  	_ =	swait.ge [sflag:s14], $0x3E80  }
0x54: {  	[sflag:s14] =	ssyncset.done $0x0  }
0x55: {  	[sflag:s14] =	ssyncadd.s32 $0xFFFFC180  }
0x56: {  	s28 =	sadd.s32 s9, s8;
	[bflag:$0x0] =	sbarrier.arrive $0xFFFF  }
0x57: {  	[hbm:s28], [sflag:s16] =	dma.local [spmem:s17], $0x2800  }
0x58: {  	_ =	swait.ge [sflag:s14], $0x2800  }
0x59: {  	[sflag:s14] =	ssyncset.done $0x0  }
0x5a: {  	[sflag:s14] =	ssyncadd.s32 $0xFFFFD800  }
0x5b: {  	[spmem:s17], [sflag:s16] =	dma.local [hbm:s5], $0x2800  }
0x5c: {  	_ =	swait.ge [sflag:s14], $0x2800  }
0x5d: {  	[sflag:s14] =	ssyncset.done $0x0  }
0x5e: {  	[sflag:s14] =	ssyncadd.s32 $0xFFFFD800  }
0x5f: {  	s29 =	simm.s32 $0x0;
	[bflag:$0x0] =	sbarrier.arrive $0xFFFF  }
0x60: {  	[tilespmem:s19], [sflag:$0x1] =	stream.indirect.gather [hbm4b:s10+s18], $0x80, s29, s18, $0xb8;
	[tilespmem:$0x1E800] =	vst v63  }
0x61: {  	_ =	swait.ge [sflag:s20], $0x3E80  }
0x62: {  	[sflag:s20] =	ssyncset.done $0x0  }
0x63: {  	s29 =	simm.s32 $0x80;
	[sflag:s20] =	ssyncadd.s32 $0xFFFFC180  }
0x64: {  	[tilespmem:s21], [sflag:$0x2] =	stream.indirect.gather [hbm4b:s10+s18], $0x80, s29, s18, $0xb8;
	[tilespmem:$0x1E800] =	vst v63  }
0x65: {  	s29 =	simm.s32 $0x1400  }
0x66: {  	[spmem:s2] =	stream.indirect.scatter.add.f32 [tilespmem:s19], [sflag:$0x3], $0x80, s29, s18, $0xb8;
	[tilespmem:$0x1E800] =	vst v63  }
0x67: {  	_ =	swait.ge [sflag:s14], $0x3E80  }
0x68: {  	[sflag:s14] =	ssyncset.done $0x0  }
0x69: {  	[sflag:s14] =	ssyncadd.s32 $0xFFFFC180  }
0x6a: {  	_ =	swait.ge [sflag:s22], $0x3E80  }
0x6b: {  	[sflag:s22] =	ssyncset.done $0x0  }
0x6c: {  	s29 =	simm.s32 $0x100;
	[sflag:s22] =	ssyncadd.s32 $0xFFFFC180  }
0x6d: {  	[tilespmem:s19], [sflag:$0x1] =	stream.indirect.gather [hbm4b:s10+s18], $0x80, s29, s18, $0xb8;
	[tilespmem:$0x1E800] =	vst v63  }
0x6e: {  	s29 =	simm.s32 $0x1480  }
0x6f: {  	[spmem:s2] =	stream.indirect.scatter.add.f32 [tilespmem:s21], [sflag:$0x3], $0x80, s29, s18, $0xb8;
	[tilespmem:$0x1E800] =	vst v63  }
0x70: {  	_ =	swait.ge [sflag:s14], $0x3E80  }
0x71: {  	s29 =	simm.s32 $0x400;
	[sflag:s14] =	ssyncset.done $0x0  }
.LBB2_4:
0x72: {  	p0 =	sne.s32 s29, $0x4800  }
0x73: {  	[sflag:s14] =	ssyncadd.s32 $0xFFFFC180;
	s30 =	smov.u32 s29;
	s29 =	sadd.s32 $0x400, s29  }
0x74: {  	_ = 	snop  }
0x75: {  	_ =	swait.ge [sflag:s20], $0x3E80  }
0x76: {  	s30 =	sshra.s32 s30, $0x2;
	[sflag:s20] =	ssyncset.done $0x0  }
0x77: {  	s31 =	sadd.s32 $0x80, s30;
	[sflag:s20] =	ssyncadd.s32 $0xFFFFC180  }
0x78: {  	[tilespmem:s21], [sflag:$0x2] =	stream.indirect.gather [hbm4b:s10+s18], $0x80, s31, s18, $0xb8;
	[tilespmem:$0x1E800] =	vst v63  }
0x79: {  	s31 =	sadd.s32 $0x1400, s30  }
0x7a: {  	[spmem:s2] =	stream.indirect.scatter.add.f32 [tilespmem:s19], [sflag:$0x3], $0x80, s31, s18, $0xb8;
	[tilespmem:$0x1E800] =	vst v63  }
0x7b: {  	_ =	swait.ge [sflag:s14], $0x3E80  }
0x7c: {  	[sflag:s14] =	ssyncset.done $0x0  }
0x7d: {  	[sflag:s14] =	ssyncadd.s32 $0xFFFFC180  }
0x7e: {  	_ =	swait.ge [sflag:s22], $0x3E80  }
0x7f: {  	[sflag:s22] =	ssyncset.done $0x0  }
0x80: {  	s31 =	sadd.s32 $0x100, s30;
	[sflag:s22] =	ssyncadd.s32 $0xFFFFC180  }
0x81: {  	[tilespmem:s19], [sflag:$0x1] =	stream.indirect.gather [hbm4b:s10+s18], $0x80, s31, s18, $0xb8;
	[tilespmem:$0x1E800] =	vst v63  }
.Ltmp1:
0x82: {  	_ = 	snop;
	(pc) =	sbr.rel @p0 .LBB2_4-.Ltmp1, $4  }
0x83: {  	s30 =	sadd.s32 $0x1480, s30  }
0x84: {  	[spmem:s2] =	stream.indirect.scatter.add.f32 [tilespmem:s21], [sflag:$0x3], $0x80, s30, s18, $0xb8;
	[tilespmem:$0x1E800] =	vst v63  }
0x85: {  	_ =	swait.ge [sflag:s14], $0x3E80  }
0x86: {  	[sflag:s14] =	ssyncset.done $0x0  }
0x87: {  	[sflag:s14] =	ssyncadd.s32 $0xFFFFC180  }
0x88: {  	_ =	swait.ge [sflag:s20], $0x3E80  }
0x89: {  	[sflag:s20] =	ssyncset.done $0x0  }
0x8a: {  	[sflag:s20] =	ssyncadd.s32 $0xFFFFC180  }
0x8b: {  	[tilespmem:s21], [sflag:$0x2] =	stream.indirect.gather [hbm4b:s10+s18], $0x80, s23, s18, $0xb8;
	[tilespmem:$0x1E800] =	vst v63  }
0x8c: {  	_ = 	snop  }
0x8d: {  	[spmem:s2] =	stream.indirect.scatter.add.f32 [tilespmem:s19], [sflag:$0x3], $0x80, s24, s18, $0xb8;
	[tilespmem:$0x1E800] =	vst v63  }
0x8e: {  	_ =	swait.ge [sflag:s14], $0x3E80  }
0x8f: {  	[sflag:s14] =	ssyncset.done $0x0  }
0x90: {  	[sflag:s14] =	ssyncadd.s32 $0xFFFFC180  }
0x91: {  	_ =	swait.ge [sflag:s22], $0x3E80  }
0x92: {  	[sflag:s22] =	ssyncset.done $0x0  }
0x93: {  	[sflag:s22] =	ssyncadd.s32 $0xFFFFC180  }
0x94: {  	[spmem:s2] =	stream.indirect.scatter.add.f32 [tilespmem:s21], [sflag:$0x3], $0x80, s25, s18, $0xb8;
	[tilespmem:$0x1E800] =	vst v63  }
0x95: {  	_ =	swait.ge [sflag:s14], $0x3E80  }
0x96: {  	[sflag:s14] =	ssyncset.done $0x0  }
0x97: {  	[sflag:s14] =	ssyncadd.s32 $0xFFFFC180  }
0x98: {  	s29 =	sadd.s32 $0x28000, s28;
	[bflag:$0x0] =	sbarrier.arrive $0xFFFF  }
0x99: {  	[hbm:s29], [sflag:s16] =	dma.local [spmem:s17], $0x2800  }
0x9a: {  	_ =	swait.ge [sflag:s14], $0x2800  }
0x9b: {  	[sflag:s14] =	ssyncset.done $0x0  }
0x9c: {  	[sflag:s14] =	ssyncadd.s32 $0xFFFFD800  }
0x9d: {  	[spmem:s17], [sflag:s16] =	dma.local [hbm:s5], $0x2800  }
0x9e: {  	_ =	swait.ge [sflag:s14], $0x2800  }
0x9f: {  	[sflag:s14] =	ssyncset.done $0x0  }
0xa0: {  	[sflag:s14] =	ssyncadd.s32 $0xFFFFD800  }
0xa1: {  	s29 =	simm.s32 $0x0;
	[bflag:$0x0] =	sbarrier.arrive $0xFFFF  }
0xa2: {  	[tilespmem:s19], [sflag:$0x1] =	stream.indirect.gather [hbm4b:s11+s18], $0x80, s29, s18, $0xb8;
	[tilespmem:$0x1E800] =	vst v63  }
0xa3: {  	_ =	swait.ge [sflag:s20], $0x3E80  }
0xa4: {  	[sflag:s20] =	ssyncset.done $0x0  }
0xa5: {  	s29 =	simm.s32 $0x80;
	[sflag:s20] =	ssyncadd.s32 $0xFFFFC180  }
0xa6: {  	[tilespmem:s21], [sflag:$0x2] =	stream.indirect.gather [hbm4b:s11+s18], $0x80, s29, s18, $0xb8;
	[tilespmem:$0x1E800] =	vst v63  }
0xa7: {  	s29 =	simm.s32 $0x1400  }
0xa8: {  	[spmem:s2] =	stream.indirect.scatter.add.f32 [tilespmem:s19], [sflag:$0x3], $0x80, s29, s18, $0xb8;
	[tilespmem:$0x1E800] =	vst v63  }
0xa9: {  	_ =	swait.ge [sflag:s14], $0x3E80  }
0xaa: {  	[sflag:s14] =	ssyncset.done $0x0  }
0xab: {  	[sflag:s14] =	ssyncadd.s32 $0xFFFFC180  }
0xac: {  	_ =	swait.ge [sflag:s22], $0x3E80  }
0xad: {  	[sflag:s22] =	ssyncset.done $0x0  }
0xae: {  	s29 =	simm.s32 $0x100;
	[sflag:s22] =	ssyncadd.s32 $0xFFFFC180  }
0xaf: {  	[tilespmem:s19], [sflag:$0x1] =	stream.indirect.gather [hbm4b:s11+s18], $0x80, s29, s18, $0xb8;
	[tilespmem:$0x1E800] =	vst v63  }
0xb0: {  	s29 =	simm.s32 $0x1480  }
0xb1: {  	[spmem:s2] =	stream.indirect.scatter.add.f32 [tilespmem:s21], [sflag:$0x3], $0x80, s29, s18, $0xb8;
	[tilespmem:$0x1E800] =	vst v63  }
0xb2: {  	_ =	swait.ge [sflag:s14], $0x3E80  }
0xb3: {  	s29 =	simm.s32 $0x400;
	[sflag:s14] =	ssyncset.done $0x0  }
.LBB2_6:
0xb4: {  	p0 =	sne.s32 s29, $0x4800  }
0xb5: {  	[sflag:s14] =	ssyncadd.s32 $0xFFFFC180;
	s30 =	smov.u32 s29;
	s29 =	sadd.s32 $0x400, s29  }
0xb6: {  	_ = 	snop  }
0xb7: {  	_ =	swait.ge [sflag:s20], $0x3E80  }
0xb8: {  	s30 =	sshra.s32 s30, $0x2;
	[sflag:s20] =	ssyncset.done $0x0  }
0xb9: {  	s31 =	sadd.s32 $0x80, s30;
	[sflag:s20] =	ssyncadd.s32 $0xFFFFC180  }
0xba: {  	[tilespmem:s21], [sflag:$0x2] =	stream.indirect.gather [hbm4b:s11+s18], $0x80, s31, s18, $0xb8;
	[tilespmem:$0x1E800] =	vst v63  }
0xbb: {  	s31 =	sadd.s32 $0x1400, s30  }
0xbc: {  	[spmem:s2] =	stream.indirect.scatter.add.f32 [tilespmem:s19], [sflag:$0x3], $0x80, s31, s18, $0xb8;
	[tilespmem:$0x1E800] =	vst v63  }
0xbd: {  	_ =	swait.ge [sflag:s14], $0x3E80  }
0xbe: {  	[sflag:s14] =	ssyncset.done $0x0  }
0xbf: {  	[sflag:s14] =	ssyncadd.s32 $0xFFFFC180  }
0xc0: {  	_ =	swait.ge [sflag:s22], $0x3E80  }
0xc1: {  	[sflag:s22] =	ssyncset.done $0x0  }
0xc2: {  	s31 =	sadd.s32 $0x100, s30;
	[sflag:s22] =	ssyncadd.s32 $0xFFFFC180  }
0xc3: {  	[tilespmem:s19], [sflag:$0x1] =	stream.indirect.gather [hbm4b:s11+s18], $0x80, s31, s18, $0xb8;
	[tilespmem:$0x1E800] =	vst v63  }
.Ltmp2:
0xc4: {  	_ = 	snop;
	(pc) =	sbr.rel @p0 .LBB2_6-.Ltmp2, $4  }
0xc5: {  	s30 =	sadd.s32 $0x1480, s30  }
0xc6: {  	[spmem:s2] =	stream.indirect.scatter.add.f32 [tilespmem:s21], [sflag:$0x3], $0x80, s30, s18, $0xb8;
	[tilespmem:$0x1E800] =	vst v63  }
0xc7: {  	_ =	swait.ge [sflag:s14], $0x3E80  }
0xc8: {  	[sflag:s14] =	ssyncset.done $0x0  }
0xc9: {  	[sflag:s14] =	ssyncadd.s32 $0xFFFFC180  }
0xca: {  	_ =	swait.ge [sflag:s20], $0x3E80  }
0xcb: {  	[sflag:s20] =	ssyncset.done $0x0  }
0xcc: {  	[sflag:s20] =	ssyncadd.s32 $0xFFFFC180  }
0xcd: {  	[tilespmem:s21], [sflag:$0x2] =	stream.indirect.gather [hbm4b:s11+s18], $0x80, s23, s18, $0xb8;
	[tilespmem:$0x1E800] =	vst v63  }
0xce: {  	_ = 	snop  }
0xcf: {  	[spmem:s2] =	stream.indirect.scatter.add.f32 [tilespmem:s19], [sflag:$0x3], $0x80, s24, s18, $0xb8;
	[tilespmem:$0x1E800] =	vst v63  }
0xd0: {  	_ =	swait.ge [sflag:s14], $0x3E80  }
0xd1: {  	[sflag:s14] =	ssyncset.done $0x0  }
0xd2: {  	[sflag:s14] =	ssyncadd.s32 $0xFFFFC180  }
0xd3: {  	_ =	swait.ge [sflag:s22], $0x3E80  }
0xd4: {  	[sflag:s22] =	ssyncset.done $0x0  }
0xd5: {  	[sflag:s22] =	ssyncadd.s32 $0xFFFFC180  }
0xd6: {  	[spmem:s2] =	stream.indirect.scatter.add.f32 [tilespmem:s21], [sflag:$0x3], $0x80, s25, s18, $0xb8;
	[tilespmem:$0x1E800] =	vst v63  }
0xd7: {  	_ =	swait.ge [sflag:s14], $0x3E80  }
0xd8: {  	[sflag:s14] =	ssyncset.done $0x0  }
0xd9: {  	[sflag:s14] =	ssyncadd.s32 $0xFFFFC180  }
0xda: {  	s29 =	sadd.s32 $0x50000, s28;
	[bflag:$0x0] =	sbarrier.arrive $0xFFFF  }
0xdb: {  	[hbm:s29], [sflag:s16] =	dma.local [spmem:s17], $0x2800  }
0xdc: {  	_ =	swait.ge [sflag:s14], $0x2800  }
0xdd: {  	[sflag:s14] =	ssyncset.done $0x0  }
0xde: {  	[sflag:s14] =	ssyncadd.s32 $0xFFFFD800  }
0xdf: {  	[spmem:s17], [sflag:s16] =	dma.local [hbm:s5], $0x2800  }
0xe0: {  	_ =	swait.ge [sflag:s14], $0x2800  }
0xe1: {  	[sflag:s14] =	ssyncset.done $0x0  }
0xe2: {  	[sflag:s14] =	ssyncadd.s32 $0xFFFFD800  }
0xe3: {  	s29 =	simm.s32 $0x0;
	[bflag:$0x0] =	sbarrier.arrive $0xFFFF  }
0xe4: {  	[tilespmem:s19], [sflag:$0x1] =	stream.indirect.gather [hbm4b:s12+s18], $0x80, s29, s18, $0xb8;
	[tilespmem:$0x1E800] =	vst v63  }
0xe5: {  	_ =	swait.ge [sflag:s20], $0x3E80  }
0xe6: {  	[sflag:s20] =	ssyncset.done $0x0  }
0xe7: {  	s29 =	simm.s32 $0x80;
	[sflag:s20] =	ssyncadd.s32 $0xFFFFC180  }
0xe8: {  	[tilespmem:s21], [sflag:$0x2] =	stream.indirect.gather [hbm4b:s12+s18], $0x80, s29, s18, $0xb8;
	[tilespmem:$0x1E800] =	vst v63  }
0xe9: {  	s29 =	simm.s32 $0x1400  }
0xea: {  	[spmem:s2] =	stream.indirect.scatter.add.f32 [tilespmem:s19], [sflag:$0x3], $0x80, s29, s18, $0xb8;
	[tilespmem:$0x1E800] =	vst v63  }
0xeb: {  	_ =	swait.ge [sflag:s14], $0x3E80  }
0xec: {  	[sflag:s14] =	ssyncset.done $0x0  }
0xed: {  	[sflag:s14] =	ssyncadd.s32 $0xFFFFC180  }
0xee: {  	_ =	swait.ge [sflag:s22], $0x3E80  }
0xef: {  	[sflag:s22] =	ssyncset.done $0x0  }
0xf0: {  	s29 =	simm.s32 $0x100;
	[sflag:s22] =	ssyncadd.s32 $0xFFFFC180  }
0xf1: {  	[tilespmem:s19], [sflag:$0x1] =	stream.indirect.gather [hbm4b:s12+s18], $0x80, s29, s18, $0xb8;
	[tilespmem:$0x1E800] =	vst v63  }
0xf2: {  	s29 =	simm.s32 $0x1480  }
0xf3: {  	[spmem:s2] =	stream.indirect.scatter.add.f32 [tilespmem:s21], [sflag:$0x3], $0x80, s29, s18, $0xb8;
	[tilespmem:$0x1E800] =	vst v63  }
0xf4: {  	_ =	swait.ge [sflag:s14], $0x3E80  }
0xf5: {  	s29 =	simm.s32 $0x400;
	[sflag:s14] =	ssyncset.done $0x0  }
.LBB2_8:
0xf6: {  	p0 =	sne.s32 s29, $0x4800  }
0xf7: {  	[sflag:s14] =	ssyncadd.s32 $0xFFFFC180;
	s30 =	smov.u32 s29;
	s29 =	sadd.s32 $0x400, s29  }
0xf8: {  	_ = 	snop  }
0xf9: {  	_ =	swait.ge [sflag:s20], $0x3E80  }
0xfa: {  	s30 =	sshra.s32 s30, $0x2;
	[sflag:s20] =	ssyncset.done $0x0  }
0xfb: {  	s31 =	sadd.s32 $0x80, s30;
	[sflag:s20] =	ssyncadd.s32 $0xFFFFC180  }
0xfc: {  	[tilespmem:s21], [sflag:$0x2] =	stream.indirect.gather [hbm4b:s12+s18], $0x80, s31, s18, $0xb8;
	[tilespmem:$0x1E800] =	vst v63  }
0xfd: {  	s31 =	sadd.s32 $0x1400, s30  }
0xfe: {  	[spmem:s2] =	stream.indirect.scatter.add.f32 [tilespmem:s19], [sflag:$0x3], $0x80, s31, s18, $0xb8;
	[tilespmem:$0x1E800] =	vst v63  }
0xff: {  	_ =	swait.ge [sflag:s14], $0x3E80  }
0x100: {  	[sflag:s14] =	ssyncset.done $0x0  }
0x101: {  	[sflag:s14] =	ssyncadd.s32 $0xFFFFC180  }
0x102: {  	_ =	swait.ge [sflag:s22], $0x3E80  }
0x103: {  	[sflag:s22] =	ssyncset.done $0x0  }
0x104: {  	s31 =	sadd.s32 $0x100, s30;
	[sflag:s22] =	ssyncadd.s32 $0xFFFFC180  }
0x105: {  	[tilespmem:s19], [sflag:$0x1] =	stream.indirect.gather [hbm4b:s12+s18], $0x80, s31, s18, $0xb8;
	[tilespmem:$0x1E800] =	vst v63  }
.Ltmp3:
0x106: {  	_ = 	snop;
	(pc) =	sbr.rel @p0 .LBB2_8-.Ltmp3, $4  }
0x107: {  	s30 =	sadd.s32 $0x1480, s30  }
0x108: {  	[spmem:s2] =	stream.indirect.scatter.add.f32 [tilespmem:s21], [sflag:$0x3], $0x80, s30, s18, $0xb8;
	[tilespmem:$0x1E800] =	vst v63  }
0x109: {  	_ =	swait.ge [sflag:s14], $0x3E80  }
0x10a: {  	[sflag:s14] =	ssyncset.done $0x0  }
0x10b: {  	[sflag:s14] =	ssyncadd.s32 $0xFFFFC180  }
0x10c: {  	_ =	swait.ge [sflag:s20], $0x3E80  }
0x10d: {  	[sflag:s20] =	ssyncset.done $0x0  }
0x10e: {  	[sflag:s20] =	ssyncadd.s32 $0xFFFFC180  }
0x10f: {  	[tilespmem:s21], [sflag:$0x2] =	stream.indirect.gather [hbm4b:s12+s18], $0x80, s23, s18, $0xb8;
	[tilespmem:$0x1E800] =	vst v63  }
0x110: {  	_ = 	snop  }
0x111: {  	[spmem:s2] =	stream.indirect.scatter.add.f32 [tilespmem:s19], [sflag:$0x3], $0x80, s24, s18, $0xb8;
	[tilespmem:$0x1E800] =	vst v63  }
0x112: {  	_ =	swait.ge [sflag:s14], $0x3E80  }
0x113: {  	[sflag:s14] =	ssyncset.done $0x0  }
0x114: {  	[sflag:s14] =	ssyncadd.s32 $0xFFFFC180  }
0x115: {  	_ =	swait.ge [sflag:s22], $0x3E80  }
0x116: {  	[sflag:s22] =	ssyncset.done $0x0  }
0x117: {  	[sflag:s22] =	ssyncadd.s32 $0xFFFFC180  }
0x118: {  	[spmem:s2] =	stream.indirect.scatter.add.f32 [tilespmem:s21], [sflag:$0x3], $0x80, s25, s18, $0xb8;
	[tilespmem:$0x1E800] =	vst v63  }
0x119: {  	_ =	swait.ge [sflag:s14], $0x3E80  }
0x11a: {  	s26 =	sadd.s32 $0x1, s26;
	[sflag:s14] =	ssyncset.done $0x0  }
0x11b: {  	p0 =	sne.s32 s26, s13;
	[sflag:s14] =	ssyncadd.s32 $0xFFFFC180  }
.Ltmp4:
0x11c: {  	s28 =	sadd.s32 $0x78000, s28;
	[bflag:$0x0] =	sbarrier.arrive $0xFFFF;
	(pc) =	sbr.rel @p0 .LBB2_1-.Ltmp4, $4  }
0x11d: {  	[hbm:s28], [sflag:s16] =	dma.local [spmem:s17], $0x2800  }
0x11e: {  	_ =	swait.ge [sflag:s14], $0x2800  }
0x11f: {  	[sflag:s14] =	ssyncset.done $0x0  }
0x120: {  	[sflag:s14] =	ssyncadd.s32 $0xFFFFD800  }
0x121: {  	_ =	sfence.sel $0x180000  }
0x122: {  	[bflag:$0x0] =	sbarrier.arrive $0xFFFF  }
0x123: {  	p0 =	sne.s32 s1, $0x0;
	_ =	strace $0x90000050  }
0x124: {  	s0 =	sadd.s32 @!p0 $0x100000, s0;
	[bflag:$0x2] =	sbarrier.arrive $0xFFFF  }
0x125: {  	[sflag:s0] =	ssyncadd.tile.s32 @!p0 $0x1;
	_ =	shalt  }
.Lfunc_end2:
_tile_overlayer_lowered:
.L_overlay_start_2:
0x126: {  	(tag) =	ssettag $0x2  }
0x127: {  	s0 =	rddreg [dreg:$0x0];
	s2 =	stileid.u32  }
0x128: {  	s1 =	rddreg [dreg:$0x1];
	p0 =	sne.s32 s2, $0x0  }
0x129: {  	s3 =	rddreg [dreg:$0x2];
	[bflag:$0x3] =	sbarrier.arrive $0xFFFF;
	s2 =	simm.s32 @!p0 $0x1C03  }
0x12a: {  	[timem:s3], [sflag:s2] =	dma.local @!p0 [hbm:s0], s1  }
0x12b: {  	s0 =	simm.s32 @!p0 $0x3  }
0x12c: {  	_ =	swait.ge @!p0 [sflag:s0], s1  }
0x12d: {  	s1 =	ssub.s32 @!p0 $0x0, s1;
	[sflag:s0] =	ssyncset.done @!p0 $0x0  }
0x12e: {  	[sflag:s0] =	ssyncadd.s32 @!p0 s1  }
0x12f: {  	[bflag:$0x3] =	sbarrier.arrive $0xFFFF  }
0x130: {  	_ =	shalt  }

// kernel: kernel.25.cloned.1.call-start
scs
__scs_entry_jumppad:
0x0: {  	(pc) =	sbr.rel $0x88, $3  }
0x1: {  	(tag) =	ssettag $0x0;
	lr =	simm.s32 $0x1  }
0x2: {  	[smem:$0x3F87] =	sst lr;
	_ =	strace $0xD0000000  }
0x3: {  	_ = 	snop  }
0x4: {  	_ = 	snop  }
0x5: {  	_ = 	snop  }
0x6: {  	_ = 	snop  }
0x7: {  	_ = 	snop  }
__scs_overlays_trampoline_lowered:
0x8: {  	[smem:$0x3F96] =	sst s0  }
0x9: {  	[smem:$0x3F97] =	sst s1  }
0xa: {  	[smem:$0x3F98] =	sst s2  }
0xb: {  	[smem:$0x3F99] =	sst s3  }
0xc: {  	[smem:$0x3F9A] =	sst s4  }
0xd: {  	[smem:$0x3F9B] =	sst s5  }
0xe: {  	[smem:$0x3F9C] =	sst s6  }
0xf: {  	[smem:$0x3F9D] =	sst s7  }
0x10: {  	[smem:$0x3F9E] =	sst s8  }
0x11: {  	[smem:$0x3F9F] =	sst s9;
	s0 =	simm.s32 @!p0 $0x0  }
0x12: {  	s1 =	sld [smem:$0x3F85];
	s0 =	simm.s32 @p0 $0x1  }
0x13: {  	[smem:$0x3FA0] =	sst s0;
	s0 =	simm.s32 @!p1 $0x0  }
0x14: {  	s2 =	sld [smem:$0x3F84];
	s0 =	simm.s32 @p1 $0x1  }
0x15: {  	[smem:$0x3FA1] =	sst s0;
	s0 =	simm.s32 @!p2 $0x0  }
0x16: {  	s3 =	sld [smem:$0x3FDB];
	s0 =	simm.s32 @p2 $0x1  }
0x17: {  	s4 =	simm.s32 $0x1BF5;
	[smem:$0x3FA3] =	sst s0  }
0x18: {  	s0 =	sld [smem:$0x3F86];
	_ =	swait.ge [sflag:s4], $0x0  }
0x19: {  	s7 =	sld [smem:$0x3F87]  }
0x1a: {  	s8 =	sadd.s32 $0xFFFFE003, lr  }
0x1b: {  	s9 =	sadd.s32 $0xFFFFFEF7, lr;
	s5 =	simm.s32 $0xFFFFFFFF;
	p2 =	slt.u32 s8, $0xFFFFF086  }
0x1c: {  	p1 =	slt.u32 s9, $0xF7A;
	s5 =	simm.s32 @!p2 $0x0  }
0x1d: {  	s5 =	simm.s32 @p1 $0x1;
	p0 =	seq.s32 s7, s2  }
0x1e: {  	s7 =	smul.u32 @!p0 $0xF7A, s2;
	p2 =	seq.s32 @!p0 s5, $0x0  }
0x1f: {  	s9 =	smul.u32 $0xF7A, s1;
	s8 =	simm.s32 @!p0 $0x1BF5;
	p2 =	por !p2, p0  }
0x20: {  	[sflag:s8] =	ssyncset.s32 @!p0 $0xFFFFF086;
	s6 =	sadd.s32 @!p0 s3, s7;
	s7 =	simm.s32 @!p0 $0x108  }
0x21: {  	s3 =	sadd.s32 s3, s9;
	s6 =	sadd.s32 @!p0 $0x88, s6;
	s7 =	simm.s32 @p2 $0x1082  }
0x22: {  	[simem:s7], [sflag:s8] =	dma.local @!p0 [hbm:s6], $0xF7A  }
0x23: {  	s9 =	sor.u32 $0xD0000000, s2;
	s6 =	simm.s32 $0x108;
	_ =	swait.ge @!p0 [sflag:s8], $0x0  }
0x24: {  	s3 =	sadd.s32 $0x88, s3;
	s6 =	simm.s32 @!p1 $0x1082;
	[sflag:s4] =	ssyncset.s32 $0xFFFFF086  }
0x25: {  	[simem:s6], [sflag:s4] =	dma.local [hbm:s3], $0xF7A  }
0x26: {  	[smem:$0x3F87] =	sst s1;
	(tag) =	ssettag s2;
	_ =	strace s9  }
0x27: {  	s1 =	sld [smem:$0x3F97]  }
0x28: {  	s2 =	sld [smem:$0x3F98]  }
0x29: {  	s4 =	sld [smem:$0x3F9A]  }
0x2a: {  	p0 =	seq.s32 s5, $0x0;
	s5 =	sld [smem:$0x3F9B]  }
0x2b: {  	s6 =	sld [smem:$0x3F9C]  }
0x2c: {  	s7 =	sld [smem:$0x3F9D]  }
0x2d: {  	s3 =	simm.s32 $0x108;
	s8 =	sld [smem:$0x3F9E]  }
0x2e: {  	s3 =	simm.s32 @!p0 $0x1082;
	s9 =	sld [smem:$0x3F9F]  }
0x2f: {  	lr =	sadd.s32 s0, s3;
	s0 =	sld [smem:$0x3F96]  }
0x30: {  	s3 =	sld [smem:$0x3F99]  }
0x31: {  	[smem:$0x3FA2] =	sst s10  }
0x32: {  	s10 =	sld [smem:$0x3FA0];
	_ =	sdelay $0x3  }
0x33: {  	p0 =	seq.s32 s10, $0x1;
	s10 =	sld [smem:$0x3FA2];
	_ =	sdelay $0x3  }
0x34: {  	[smem:$0x3FA2] =	sst s10  }
0x35: {  	s10 =	sld [smem:$0x3FA1];
	_ =	sdelay $0x3  }
0x36: {  	p1 =	seq.s32 s10, $0x1;
	s10 =	sld [smem:$0x3FA2];
	_ =	sdelay $0x3  }
0x37: {  	[smem:$0x3FA2] =	sst s10  }
0x38: {  	s10 =	sld [smem:$0x3FA3]  }
0x39: {  	_ = 	snop;
	(pc) =	sbr.ind lr, $3  }
0x3a: {  	_ = 	snop  }
0x3b: {  	_ = 	snop  }
0x3c: {  	p2 =	seq.s32 s10, $0x1;
	s10 =	sld [smem:$0x3FA2]  }
0x3d: {  	_ =	shalt  }
0x3e: {  	_ =	shalt  }
0x3f: {  	_ =	shalt  }
0x40: {  	_ =	shalt  }
0x41: {  	_ =	shalt  }
0x42: {  	_ =	shalt  }
0x43: {  	_ =	shalt  }
0x44: {  	_ =	shalt  }
0x45: {  	_ =	shalt  }
0x46: {  	_ =	shalt  }
0x47: {  	_ =	shalt  }
0x48: {  	_ =	shalt  }
0x49: {  	_ =	shalt  }
0x4a: {  	_ =	shalt  }
0x4b: {  	_ =	shalt  }
0x4c: {  	_ =	shalt  }
0x4d: {  	_ =	shalt  }
0x4e: {  	_ =	shalt  }
0x4f: {  	_ =	shalt  }
0x50: {  	_ =	shalt  }
0x51: {  	_ =	shalt  }
0x52: {  	_ =	shalt  }
0x53: {  	_ =	shalt  }
0x54: {  	_ =	shalt  }
0x55: {  	_ =	shalt  }
0x56: {  	_ =	shalt  }
0x57: {  	_ =	shalt  }
0x58: {  	_ =	shalt  }
0x59: {  	_ =	shalt  }
0x5a: {  	_ =	shalt  }
0x5b: {  	_ =	shalt  }
0x5c: {  	_ =	shalt  }
0x5d: {  	_ =	shalt  }
0x5e: {  	_ =	shalt  }
0x5f: {  	_ =	shalt  }
0x60: {  	_ =	shalt  }
0x61: {  	_ =	shalt  }
0x62: {  	_ =	shalt  }
0x63: {  	_ =	shalt  }
0x64: {  	_ =	shalt  }
0x65: {  	_ =	shalt  }
0x66: {  	_ =	shalt  }
0x67: {  	_ =	shalt  }
0x68: {  	_ =	shalt  }
0x69: {  	_ =	shalt  }
0x6a: {  	_ =	shalt  }
0x6b: {  	_ =	shalt  }
0x6c: {  	_ =	shalt  }
0x6d: {  	_ =	shalt  }
0x6e: {  	_ =	shalt  }
0x6f: {  	_ =	shalt  }
0x70: {  	_ =	shalt  }
0x71: {  	_ =	shalt  }
0x72: {  	_ =	shalt  }
0x73: {  	_ =	shalt  }
0x74: {  	_ =	shalt  }
0x75: {  	_ =	shalt  }
0x76: {  	_ =	shalt  }
0x77: {  	_ =	shalt  }
0x78: {  	_ =	shalt  }
0x79: {  	_ =	shalt  }
0x7a: {  	_ =	shalt  }
0x7b: {  	_ =	shalt  }
0x7c: {  	_ =	shalt  }
0x7d: {  	_ =	shalt  }
0x7e: {  	_ =	shalt  }
0x7f: {  	_ =	shalt  }
0x80: {  	_ =	shalt  }
0x81: {  	_ =	shalt  }
0x82: {  	_ =	shalt  }
0x83: {  	_ =	shalt  }
0x84: {  	_ =	shalt  }
0x85: {  	_ =	shalt  }
0x86: {  	_ =	shalt  }
0x87: {  	_ =	shalt  }
.Lfunc_end0:
.L_simem_size_0:
called_computation.4_lowered:
.L_overlay_start_0:
0x88: {  	s2 =	sld [smem:$0x3FD9]  }
0x89: {  	s3 =	sld [smem:$0x3FFE];
	_ =	sdelay $0x1  }
0x8a: {  	s1 =	srdreg.scid  }
0x8b: {  	s0 =	sand.u32 $0x1, s1  }
0x8c: {  	s16 =	sshll.u32 s0, $0xA;
	s2 =	sadd.s32 s3, s2  }
0x8d: {  	s2 =	sadd.s32 s2, s16  }
0x8e: {  	[smem:$0x3FAE] =	sst s2  }
0x8f: {  	_ = 	snop  }
0x90: {  	(tm) =	ssettm $0x1  }
0x91: {  	s17 =	sld [smem:$0x3FFB];
	_ =	sdelay $0x3  }
0x92: {  	_ =	strace s17  }
0x93: {  	s2 =	sld [smem:$0x3FFC];
	_ =	sdelay $0x3  }
0x94: {  	_ =	strace s2  }
0x95: {  	s2 =	sld [smem:$0x3FFD];
	_ =	sdelay $0x3  }
0x96: {  	_ =	strace s2  }
0x97: {  	_ =	strace $0x8FFFFFFF  }
0x98: {  	s18 =	sld [smem:$0x3FDB];
	_ =	sdelay $0x1  }
0x99: {  	s19 =	simm.s32 $_scs_section_size  }
0x9a: {  	s4 =	simm.s32 $_size__tile_overlayer_lowered;
	s5 =	simm.s32 $_tile_overlayer_lowered  }
0x9b: {  	s22 =	simm.s32 $0x1BFF;
	s21 =	sshll.u32 s5, $0x1;
	s2 =	sadd.s32 s19, s18  }
0x9c: {  	s6 =	simm.s32 $0x0;
	s20 =	sshll.u32 s4, $0x1;
	s4 =	sadd.s32 s21, s2  }
0x9d: {  	[timem:s6], [sflag:s22] =	dma.local [hbm:s4], s20  }
0x9e: {  	_ =	swait.ge [sflag:s22], s20  }
0x9f: {  	s3 =	ssub.s32 $0x0, s20;
	[sflag:s22] =	ssyncset.done $0x0  }
0xa0: {  	[sflag:s22] =	ssyncadd.s32 s3;
	_ =	sdelay $0x1  }
0xa1: {  	s23 =	simm.s32 $0x1B8B  }
0xa2: {  	_ =	swait.ge [sflag:s23], $0x1  }
0xa3: {  	[sflag:s23] =	ssyncset.done $0x0  }
0xa4: {  	s25 =	simm.s32 $0x1B8E;
	s24 =	sld [smem:$0x3FFE];
	[sflag:s23] =	ssyncadd.s32 $0xFFFFFFFF  }
0xa5: {  	s26 =	simm.s32 $execute0_lowered;
	[smem:$0x3FD2] =	sst s25  }
0xa6: {  	s4 =	sshll.u32 s26, $0x1;
	_ =	strace $0x80000052;
	[dreg:$0x1] =	wrdreg $0xFFFFFFFF  }
0xa7: {  	s28 =	simm.s32 $_size_execute0_lowered;
	s2 =	sadd.s32 s2, s4;
	[dreg:$0x0] =	wrdreg $0x0  }
0xa8: {  	s4 =	sshll.u32 s28, $0x1;
	[dreg:$0x2] =	wrdreg s2  }
0xa9: {  	[dreg:$0x3] =	wrdreg s4  }
0xaa: {  	[dreg:$0x4] =	wrdreg $0xC0  }
0xab: {  	_ =	task [dreg:s6], $0x5FFFF  }
0xac: {  	[dreg:$0x1] =	wrdreg $0xFFFFFFFF  }
0xad: {  	[dreg:$0x0] =	wrdreg $0x60  }
0xae: {  	[dreg:$0x2] =	wrdreg s24  }
0xaf: {  	[dreg:$0x3] =	wrdreg $0xA8000  }
0xb0: {  	[dreg:$0x4] =	wrdreg $0x9  }
0xb1: {  	_ =	task.clear_ibuf [dreg:s6], $0x5FFFF;
	_ =	strace $0x90000052  }
0xb2: {  	s29 =	simm.s32 $0x9;
	_ =	strace $0x80000054  }
0xb3: {  	_ =	swait.ge [sflag:s29], $0x1  }
0xb4: {  	[sflag:s29] =	ssyncadd.s32 $0xFFFFFFFF  }
0xb5: {  	_ =	strace $0x90000054  }
0xb6: {  	_ =	sfence  }
0xb7: {  	s30 =	sld [smem:$0x0];
	_ =	sdelay $0x2  }
0xb8: {  	s31 =	sshll.u32 s1, $0xD;
	s1 =	sshrl.u32 s1, $0x2  }
0xb9: {  	s3 =	sand.u32 $0x4000, s31;
	s1 =	sadd.s32 s1, s30  }
0xba: {  	s0 =	sor.u32 s3, s0;
	s1 =	sshll.u32 s1, $0x11  }
0xbb: {  	s0 =	sor.u32 s1, s0  }
0xbc: {  	s0 =	sadd.s32 $0x8F2B, s0  }
0xbd: {  	[sflag:s0] =	ssyncadd.remote.s32 $0x1  }
0xbe: {  	_ =	sfence.sel $0xFFFF  }
0xbf: {  	[dreg:$0x0] =	wrdreg $0xFFFFFFFF;
	(pc) =	sbr.abs _section_cstart, $3  }
0xc0: {  	[dreg:$0x1] =	wrdreg $0xFFFFFFFF  }
0xc1: {  	_ =	task.clear_ibuf [dreg:s6], $0x2FFFF;
	_ =	strace $0x9FFFFFFF  }
0xc2: {  	(tm) =	ssettm $0x7FFFFFFF  }
0xc3: {  	_ =	shalt  }
tec
execute0_lowered:
.L_overlay_start_1:
0x0: {  	(tag) =	ssettag $0x1  }
0x1: {  	s12 =	rddreg [dreg:$0x0]  }
0x2: {  	s0 =	srdreg.scid;
	s2 =	rddreg [dreg:$0x1]  }
0x3: {  	s1 =	stileid.u32;
	s3 =	simm.s32 $0x0;
	s14 =	simm.s32 $0x3  }
0x4: {  	s15 =	simm.s32 $0x1400;
	s18 =	simm.s32 $0x7D;
	s19 =	simm.s32 $0x2800  }
0x5: {  	s20 =	simm.s32 $0x1;
	s21 =	simm.s32 $0x6800;
	s22 =	simm.s32 $0x2  }
0x6: {  	s23 =	simm.s32 $0x1380;
	s24 =	simm.s32 $0x2700;
	s25 =	simm.s32 $0x2780  }
0x7: {  	s26 =	simm.s32 $0x0;
	s4 =	sand.u32 $0x1, s0;
	s0 =	rddreg [dreg:$0x2]  }
0x8: {  	[smem:$0x7FF] =	sst s3;
	s10 =	smul.u32 $0x50000, s1;
	s16 =	sshll.u32 s1, $0x6  }
0x9: {  	s5 =	sshll.u32 s4, $0x4;
	_ =	strace $0x80000053;
	s6 =	smul.u32 $0xA0000, s4  }
0xa: {  	s8 =	ssub.s32 $0x2, s4;
	s4 =	sadd.s32 $0x62200, s12;
	s16 =	sor.u32 $0x1C03, s16  }
0xb: {  	s5 =	sor.u32 s1, s5;
	s9 =	sshrl.u32 s8, $0x1;
	s31 =	sshrl.u32 s10, $0x2  }
0xc: {  	s10 =	sadd.s32 $0x8A200, s12;
	s5 =	smul.u32 $0x280, s5;
	s11 =	sadd.s32 s6, s12  }
0xd: {  	s13 =	ssub.s32 s8, s9;
	s17 =	sadd.s32 s31, s2;
	s9 =	smul.u32 $0x2800, s1  }
0xe: {  	s8 =	sadd.s32 $0x102200, s11;
	s11 =	sadd.s32 $0xB2200, s12;
	s13 =	smax.u32 s13, $0x1  }
0xf: {  	s17 =	sshrl.u32 s17, $0x3;
	s7 =	sadd.s32 s5, s12;
	s5 =	sadd.s32 $0xAA00, s12  }
0x10: {  	s12 =	sadd.s32 $0xDA200, s12;
	s6 =	sadd.s32 $0x5D200, s7;
	s7 =	sadd.s32 $0x5200, s7  }
.LBB2_1:
0x11: {  	[tilespmem:s3], [sflag:$0x3] =	stream.linear.gather [hbm4b:s6+s3], $0x1400, $0x38;
	[tilespmem:$0x1E800] =	vst v63  }
0x12: {  	_ =	swait.ge [sflag:s14], $0x1400  }
0x13: {  	[sflag:s14] =	ssyncset.done $0x0  }
0x14: {  	[sflag:s14] =	ssyncadd.s32 $0xFFFFEC00  }
0x15: {  	[tilespmem:s15], [sflag:$0x3] =	stream.linear.gather [hbm4b:s7+s3], $0x1400, $0x38;
	[tilespmem:$0x1E800] =	vst v63  }
0x16: {  	_ =	swait.ge [sflag:s14], $0x1400  }
0x17: {  	[sflag:s14] =	ssyncset.done $0x0  }
0x18: {  	[sflag:s14] =	ssyncadd.s32 $0xFFFFEC00  }
0x19: {  	[spmem:s17], [sflag:s16] =	dma.local [hbm:s5], $0x2800  }
0x1a: {  	_ =	swait.ge [sflag:s14], $0x2800  }
0x1b: {  	[sflag:s14] =	ssyncset.done $0x0  }
0x1c: {  	[sflag:s14] =	ssyncadd.s32 $0xFFFFD800  }
0x1d: {  	[bflag:$0x0] =	sbarrier.arrive $0xFFFF  }
0x1e: {  	[tilespmem:s19], [sflag:$0x1] =	stream.indirect.gather [hbm4b:s4+s18], $0x80, s3, s18, $0xb8;
	[tilespmem:$0x1E800] =	vst v63  }
0x1f: {  	_ =	swait.ge [sflag:s20], $0x3E80  }
0x20: {  	[sflag:s20] =	ssyncset.done $0x0  }
0x21: {  	s28 =	simm.s32 $0x80;
	[sflag:s20] =	ssyncadd.s32 $0xFFFFC180  }
0x22: {  	[tilespmem:s21], [sflag:$0x2] =	stream.indirect.gather [hbm4b:s4+s18], $0x80, s28, s18, $0xb8;
	[tilespmem:$0x1E800] =	vst v63  }
0x23: {  	s28 =	simm.s32 $0x1400  }
0x24: {  	[spmem:s2] =	stream.indirect.scatter.add.f32 [tilespmem:s19], [sflag:$0x3], $0x80, s28, s18, $0xb8;
	[tilespmem:$0x1E800] =	vst v63  }
0x25: {  	_ =	swait.ge [sflag:s14], $0x3E80  }
0x26: {  	[sflag:s14] =	ssyncset.done $0x0  }
0x27: {  	[sflag:s14] =	ssyncadd.s32 $0xFFFFC180  }
0x28: {  	_ =	swait.ge [sflag:s22], $0x3E80  }
0x29: {  	[sflag:s22] =	ssyncset.done $0x0  }
0x2a: {  	s28 =	simm.s32 $0x100;
	[sflag:s22] =	ssyncadd.s32 $0xFFFFC180  }
0x2b: {  	[tilespmem:s19], [sflag:$0x1] =	stream.indirect.gather [hbm4b:s4+s18], $0x80, s28, s18, $0xb8;
	[tilespmem:$0x1E800] =	vst v63  }
0x2c: {  	s28 =	simm.s32 $0x1480  }
0x2d: {  	[spmem:s2] =	stream.indirect.scatter.add.f32 [tilespmem:s21], [sflag:$0x3], $0x80, s28, s18, $0xb8;
	[tilespmem:$0x1E800] =	vst v63  }
0x2e: {  	_ =	swait.ge [sflag:s14], $0x3E80  }
0x2f: {  	s28 =	simm.s32 $0x400;
	[sflag:s14] =	ssyncset.done $0x0  }
.LBB2_2:
0x30: {  	p0 =	sne.s32 s28, $0x4800  }
0x31: {  	[sflag:s14] =	ssyncadd.s32 $0xFFFFC180;
	s29 =	smov.u32 s28;
	s28 =	sadd.s32 $0x400, s28  }
0x32: {  	_ = 	snop  }
0x33: {  	_ =	swait.ge [sflag:s20], $0x3E80  }
0x34: {  	s29 =	sshra.s32 s29, $0x2;
	[sflag:s20] =	ssyncset.done $0x0  }
0x35: {  	s30 =	sadd.s32 $0x80, s29;
	[sflag:s20] =	ssyncadd.s32 $0xFFFFC180  }
0x36: {  	[tilespmem:s21], [sflag:$0x2] =	stream.indirect.gather [hbm4b:s4+s18], $0x80, s30, s18, $0xb8;
	[tilespmem:$0x1E800] =	vst v63  }
0x37: {  	s30 =	sadd.s32 $0x1400, s29  }
0x38: {  	[spmem:s2] =	stream.indirect.scatter.add.f32 [tilespmem:s19], [sflag:$0x3], $0x80, s30, s18, $0xb8;
	[tilespmem:$0x1E800] =	vst v63  }
0x39: {  	_ =	swait.ge [sflag:s14], $0x3E80  }
0x3a: {  	[sflag:s14] =	ssyncset.done $0x0  }
0x3b: {  	[sflag:s14] =	ssyncadd.s32 $0xFFFFC180  }
0x3c: {  	_ =	swait.ge [sflag:s22], $0x3E80  }
0x3d: {  	[sflag:s22] =	ssyncset.done $0x0  }
0x3e: {  	s30 =	sadd.s32 $0x100, s29;
	[sflag:s22] =	ssyncadd.s32 $0xFFFFC180  }
0x3f: {  	[tilespmem:s19], [sflag:$0x1] =	stream.indirect.gather [hbm4b:s4+s18], $0x80, s30, s18, $0xb8;
	[tilespmem:$0x1E800] =	vst v63  }
.Ltmp0:
0x40: {  	_ = 	snop;
	(pc) =	sbr.rel @p0 .LBB2_2-.Ltmp0, $4  }
0x41: {  	s29 =	sadd.s32 $0x1480, s29  }
0x42: {  	[spmem:s2] =	stream.indirect.scatter.add.f32 [tilespmem:s21], [sflag:$0x3], $0x80, s29, s18, $0xb8;
	[tilespmem:$0x1E800] =	vst v63  }
0x43: {  	_ =	swait.ge [sflag:s14], $0x3E80  }
0x44: {  	[sflag:s14] =	ssyncset.done $0x0  }
0x45: {  	[sflag:s14] =	ssyncadd.s32 $0xFFFFC180  }
0x46: {  	_ =	swait.ge [sflag:s20], $0x3E80  }
0x47: {  	[sflag:s20] =	ssyncset.done $0x0  }
0x48: {  	[sflag:s20] =	ssyncadd.s32 $0xFFFFC180  }
0x49: {  	[tilespmem:s21], [sflag:$0x2] =	stream.indirect.gather [hbm4b:s4+s18], $0x80, s23, s18, $0xb8;
	[tilespmem:$0x1E800] =	vst v63  }
0x4a: {  	_ = 	snop  }
0x4b: {  	[spmem:s2] =	stream.indirect.scatter.add.f32 [tilespmem:s19], [sflag:$0x3], $0x80, s24, s18, $0xb8;
	[tilespmem:$0x1E800] =	vst v63  }
0x4c: {  	_ =	swait.ge [sflag:s14], $0x3E80  }
0x4d: {  	[sflag:s14] =	ssyncset.done $0x0  }
0x4e: {  	[sflag:s14] =	ssyncadd.s32 $0xFFFFC180  }
0x4f: {  	_ =	swait.ge [sflag:s22], $0x3E80  }
0x50: {  	[sflag:s22] =	ssyncset.done $0x0  }
0x51: {  	[sflag:s22] =	ssyncadd.s32 $0xFFFFC180  }
0x52: {  	[spmem:s2] =	stream.indirect.scatter.add.f32 [tilespmem:s21], [sflag:$0x3], $0x80, s25, s18, $0xb8;
	[tilespmem:$0x1E800] =	vst v63  }
0x53: {  	_ =	swait.ge [sflag:s14], $0x3E80  }
0x54: {  	[sflag:s14] =	ssyncset.done $0x0  }
0x55: {  	[sflag:s14] =	ssyncadd.s32 $0xFFFFC180  }
0x56: {  	s28 =	sadd.s32 s9, s8;
	[bflag:$0x0] =	sbarrier.arrive $0xFFFF  }
0x57: {  	[hbm:s28], [sflag:s16] =	dma.local [spmem:s17], $0x2800  }
0x58: {  	_ =	swait.ge [sflag:s14], $0x2800  }
0x59: {  	[sflag:s14] =	ssyncset.done $0x0  }
0x5a: {  	[sflag:s14] =	ssyncadd.s32 $0xFFFFD800  }
0x5b: {  	[spmem:s17], [sflag:s16] =	dma.local [hbm:s5], $0x2800  }
0x5c: {  	_ =	swait.ge [sflag:s14], $0x2800  }
0x5d: {  	[sflag:s14] =	ssyncset.done $0x0  }
0x5e: {  	[sflag:s14] =	ssyncadd.s32 $0xFFFFD800  }
0x5f: {  	s29 =	simm.s32 $0x0;
	[bflag:$0x0] =	sbarrier.arrive $0xFFFF  }
0x60: {  	[tilespmem:s19], [sflag:$0x1] =	stream.indirect.gather [hbm4b:s10+s18], $0x80, s29, s18, $0xb8;
	[tilespmem:$0x1E800] =	vst v63  }
0x61: {  	_ =	swait.ge [sflag:s20], $0x3E80  }
0x62: {  	[sflag:s20] =	ssyncset.done $0x0  }
0x63: {  	s29 =	simm.s32 $0x80;
	[sflag:s20] =	ssyncadd.s32 $0xFFFFC180  }
0x64: {  	[tilespmem:s21], [sflag:$0x2] =	stream.indirect.gather [hbm4b:s10+s18], $0x80, s29, s18, $0xb8;
	[tilespmem:$0x1E800] =	vst v63  }
0x65: {  	s29 =	simm.s32 $0x1400  }
0x66: {  	[spmem:s2] =	stream.indirect.scatter.add.f32 [tilespmem:s19], [sflag:$0x3], $0x80, s29, s18, $0xb8;
	[tilespmem:$0x1E800] =	vst v63  }
0x67: {  	_ =	swait.ge [sflag:s14], $0x3E80  }
0x68: {  	[sflag:s14] =	ssyncset.done $0x0  }
0x69: {  	[sflag:s14] =	ssyncadd.s32 $0xFFFFC180  }
0x6a: {  	_ =	swait.ge [sflag:s22], $0x3E80  }
0x6b: {  	[sflag:s22] =	ssyncset.done $0x0  }
0x6c: {  	s29 =	simm.s32 $0x100;
	[sflag:s22] =	ssyncadd.s32 $0xFFFFC180  }
0x6d: {  	[tilespmem:s19], [sflag:$0x1] =	stream.indirect.gather [hbm4b:s10+s18], $0x80, s29, s18, $0xb8;
	[tilespmem:$0x1E800] =	vst v63  }
0x6e: {  	s29 =	simm.s32 $0x1480  }
0x6f: {  	[spmem:s2] =	stream.indirect.scatter.add.f32 [tilespmem:s21], [sflag:$0x3], $0x80, s29, s18, $0xb8;
	[tilespmem:$0x1E800] =	vst v63  }
0x70: {  	_ =	swait.ge [sflag:s14], $0x3E80  }
0x71: {  	s29 =	simm.s32 $0x400;
	[sflag:s14] =	ssyncset.done $0x0  }
.LBB2_4:
0x72: {  	p0 =	sne.s32 s29, $0x4800  }
0x73: {  	[sflag:s14] =	ssyncadd.s32 $0xFFFFC180;
	s30 =	smov.u32 s29;
	s29 =	sadd.s32 $0x400, s29  }
0x74: {  	_ = 	snop  }
0x75: {  	_ =	swait.ge [sflag:s20], $0x3E80  }
0x76: {  	s30 =	sshra.s32 s30, $0x2;
	[sflag:s20] =	ssyncset.done $0x0  }
0x77: {  	s31 =	sadd.s32 $0x80, s30;
	[sflag:s20] =	ssyncadd.s32 $0xFFFFC180  }
0x78: {  	[tilespmem:s21], [sflag:$0x2] =	stream.indirect.gather [hbm4b:s10+s18], $0x80, s31, s18, $0xb8;
	[tilespmem:$0x1E800] =	vst v63  }
0x79: {  	s31 =	sadd.s32 $0x1400, s30  }
0x7a: {  	[spmem:s2] =	stream.indirect.scatter.add.f32 [tilespmem:s19], [sflag:$0x3], $0x80, s31, s18, $0xb8;
	[tilespmem:$0x1E800] =	vst v63  }
0x7b: {  	_ =	swait.ge [sflag:s14], $0x3E80  }
0x7c: {  	[sflag:s14] =	ssyncset.done $0x0  }
0x7d: {  	[sflag:s14] =	ssyncadd.s32 $0xFFFFC180  }
0x7e: {  	_ =	swait.ge [sflag:s22], $0x3E80  }
0x7f: {  	[sflag:s22] =	ssyncset.done $0x0  }
0x80: {  	s31 =	sadd.s32 $0x100, s30;
	[sflag:s22] =	ssyncadd.s32 $0xFFFFC180  }
0x81: {  	[tilespmem:s19], [sflag:$0x1] =	stream.indirect.gather [hbm4b:s10+s18], $0x80, s31, s18, $0xb8;
	[tilespmem:$0x1E800] =	vst v63  }
.Ltmp1:
0x82: {  	_ = 	snop;
	(pc) =	sbr.rel @p0 .LBB2_4-.Ltmp1, $4  }
0x83: {  	s30 =	sadd.s32 $0x1480, s30  }
0x84: {  	[spmem:s2] =	stream.indirect.scatter.add.f32 [tilespmem:s21], [sflag:$0x3], $0x80, s30, s18, $0xb8;
	[tilespmem:$0x1E800] =	vst v63  }
0x85: {  	_ =	swait.ge [sflag:s14], $0x3E80  }
0x86: {  	[sflag:s14] =	ssyncset.done $0x0  }
0x87: {  	[sflag:s14] =	ssyncadd.s32 $0xFFFFC180  }
0x88: {  	_ =	swait.ge [sflag:s20], $0x3E80  }
0x89: {  	[sflag:s20] =	ssyncset.done $0x0  }
0x8a: {  	[sflag:s20] =	ssyncadd.s32 $0xFFFFC180  }
0x8b: {  	[tilespmem:s21], [sflag:$0x2] =	stream.indirect.gather [hbm4b:s10+s18], $0x80, s23, s18, $0xb8;
	[tilespmem:$0x1E800] =	vst v63  }
0x8c: {  	_ = 	snop  }
0x8d: {  	[spmem:s2] =	stream.indirect.scatter.add.f32 [tilespmem:s19], [sflag:$0x3], $0x80, s24, s18, $0xb8;
	[tilespmem:$0x1E800] =	vst v63  }
0x8e: {  	_ =	swait.ge [sflag:s14], $0x3E80  }
0x8f: {  	[sflag:s14] =	ssyncset.done $0x0  }
0x90: {  	[sflag:s14] =	ssyncadd.s32 $0xFFFFC180  }
0x91: {  	_ =	swait.ge [sflag:s22], $0x3E80  }
0x92: {  	[sflag:s22] =	ssyncset.done $0x0  }
0x93: {  	[sflag:s22] =	ssyncadd.s32 $0xFFFFC180  }
0x94: {  	[spmem:s2] =	stream.indirect.scatter.add.f32 [tilespmem:s21], [sflag:$0x3], $0x80, s25, s18, $0xb8;
	[tilespmem:$0x1E800] =	vst v63  }
0x95: {  	_ =	swait.ge [sflag:s14], $0x3E80  }
0x96: {  	[sflag:s14] =	ssyncset.done $0x0  }
0x97: {  	[sflag:s14] =	ssyncadd.s32 $0xFFFFC180  }
0x98: {  	s29 =	sadd.s32 $0x28000, s28;
	[bflag:$0x0] =	sbarrier.arrive $0xFFFF  }
0x99: {  	[hbm:s29], [sflag:s16] =	dma.local [spmem:s17], $0x2800  }
0x9a: {  	_ =	swait.ge [sflag:s14], $0x2800  }
0x9b: {  	[sflag:s14] =	ssyncset.done $0x0  }
0x9c: {  	[sflag:s14] =	ssyncadd.s32 $0xFFFFD800  }
0x9d: {  	[spmem:s17], [sflag:s16] =	dma.local [hbm:s5], $0x2800  }
0x9e: {  	_ =	swait.ge [sflag:s14], $0x2800  }
0x9f: {  	[sflag:s14] =	ssyncset.done $0x0  }
0xa0: {  	[sflag:s14] =	ssyncadd.s32 $0xFFFFD800  }
0xa1: {  	s29 =	simm.s32 $0x0;
	[bflag:$0x0] =	sbarrier.arrive $0xFFFF  }
0xa2: {  	[tilespmem:s19], [sflag:$0x1] =	stream.indirect.gather [hbm4b:s11+s18], $0x80, s29, s18, $0xb8;
	[tilespmem:$0x1E800] =	vst v63  }
0xa3: {  	_ =	swait.ge [sflag:s20], $0x3E80  }
0xa4: {  	[sflag:s20] =	ssyncset.done $0x0  }
0xa5: {  	s29 =	simm.s32 $0x80;
	[sflag:s20] =	ssyncadd.s32 $0xFFFFC180  }
0xa6: {  	[tilespmem:s21], [sflag:$0x2] =	stream.indirect.gather [hbm4b:s11+s18], $0x80, s29, s18, $0xb8;
	[tilespmem:$0x1E800] =	vst v63  }
0xa7: {  	s29 =	simm.s32 $0x1400  }
0xa8: {  	[spmem:s2] =	stream.indirect.scatter.add.f32 [tilespmem:s19], [sflag:$0x3], $0x80, s29, s18, $0xb8;
	[tilespmem:$0x1E800] =	vst v63  }
0xa9: {  	_ =	swait.ge [sflag:s14], $0x3E80  }
0xaa: {  	[sflag:s14] =	ssyncset.done $0x0  }
0xab: {  	[sflag:s14] =	ssyncadd.s32 $0xFFFFC180  }
0xac: {  	_ =	swait.ge [sflag:s22], $0x3E80  }
0xad: {  	[sflag:s22] =	ssyncset.done $0x0  }
0xae: {  	s29 =	simm.s32 $0x100;
	[sflag:s22] =	ssyncadd.s32 $0xFFFFC180  }
0xaf: {  	[tilespmem:s19], [sflag:$0x1] =	stream.indirect.gather [hbm4b:s11+s18], $0x80, s29, s18, $0xb8;
	[tilespmem:$0x1E800] =	vst v63  }
0xb0: {  	s29 =	simm.s32 $0x1480  }
0xb1: {  	[spmem:s2] =	stream.indirect.scatter.add.f32 [tilespmem:s21], [sflag:$0x3], $0x80, s29, s18, $0xb8;
	[tilespmem:$0x1E800] =	vst v63  }
0xb2: {  	_ =	swait.ge [sflag:s14], $0x3E80  }
0xb3: {  	s29 =	simm.s32 $0x400;
	[sflag:s14] =	ssyncset.done $0x0  }
.LBB2_6:
0xb4: {  	p0 =	sne.s32 s29, $0x4800  }
0xb5: {  	[sflag:s14] =	ssyncadd.s32 $0xFFFFC180;
	s30 =	smov.u32 s29;
	s29 =	sadd.s32 $0x400, s29  }
0xb6: {  	_ = 	snop  }
0xb7: {  	_ =	swait.ge [sflag:s20], $0x3E80  }
0xb8: {  	s30 =	sshra.s32 s30, $0x2;
	[sflag:s20] =	ssyncset.done $0x0  }
0xb9: {  	s31 =	sadd.s32 $0x80, s30;
	[sflag:s20] =	ssyncadd.s32 $0xFFFFC180  }
0xba: {  	[tilespmem:s21], [sflag:$0x2] =	stream.indirect.gather [hbm4b:s11+s18], $0x80, s31, s18, $0xb8;
	[tilespmem:$0x1E800] =	vst v63  }
0xbb: {  	s31 =	sadd.s32 $0x1400, s30  }
0xbc: {  	[spmem:s2] =	stream.indirect.scatter.add.f32 [tilespmem:s19], [sflag:$0x3], $0x80, s31, s18, $0xb8;
	[tilespmem:$0x1E800] =	vst v63  }
0xbd: {  	_ =	swait.ge [sflag:s14], $0x3E80  }
0xbe: {  	[sflag:s14] =	ssyncset.done $0x0  }
0xbf: {  	[sflag:s14] =	ssyncadd.s32 $0xFFFFC180  }
0xc0: {  	_ =	swait.ge [sflag:s22], $0x3E80  }
0xc1: {  	[sflag:s22] =	ssyncset.done $0x0  }
0xc2: {  	s31 =	sadd.s32 $0x100, s30;
	[sflag:s22] =	ssyncadd.s32 $0xFFFFC180  }
0xc3: {  	[tilespmem:s19], [sflag:$0x1] =	stream.indirect.gather [hbm4b:s11+s18], $0x80, s31, s18, $0xb8;
	[tilespmem:$0x1E800] =	vst v63  }
.Ltmp2:
0xc4: {  	_ = 	snop;
	(pc) =	sbr.rel @p0 .LBB2_6-.Ltmp2, $4  }
0xc5: {  	s30 =	sadd.s32 $0x1480, s30  }
0xc6: {  	[spmem:s2] =	stream.indirect.scatter.add.f32 [tilespmem:s21], [sflag:$0x3], $0x80, s30, s18, $0xb8;
	[tilespmem:$0x1E800] =	vst v63  }
0xc7: {  	_ =	swait.ge [sflag:s14], $0x3E80  }
0xc8: {  	[sflag:s14] =	ssyncset.done $0x0  }
0xc9: {  	[sflag:s14] =	ssyncadd.s32 $0xFFFFC180  }
0xca: {  	_ =	swait.ge [sflag:s20], $0x3E80  }
0xcb: {  	[sflag:s20] =	ssyncset.done $0x0  }
0xcc: {  	[sflag:s20] =	ssyncadd.s32 $0xFFFFC180  }
0xcd: {  	[tilespmem:s21], [sflag:$0x2] =	stream.indirect.gather [hbm4b:s11+s18], $0x80, s23, s18, $0xb8;
	[tilespmem:$0x1E800] =	vst v63  }
0xce: {  	_ = 	snop  }
0xcf: {  	[spmem:s2] =	stream.indirect.scatter.add.f32 [tilespmem:s19], [sflag:$0x3], $0x80, s24, s18, $0xb8;
	[tilespmem:$0x1E800] =	vst v63  }
0xd0: {  	_ =	swait.ge [sflag:s14], $0x3E80  }
0xd1: {  	[sflag:s14] =	ssyncset.done $0x0  }
0xd2: {  	[sflag:s14] =	ssyncadd.s32 $0xFFFFC180  }
0xd3: {  	_ =	swait.ge [sflag:s22], $0x3E80  }
0xd4: {  	[sflag:s22] =	ssyncset.done $0x0  }
0xd5: {  	[sflag:s22] =	ssyncadd.s32 $0xFFFFC180  }
0xd6: {  	[spmem:s2] =	stream.indirect.scatter.add.f32 [tilespmem:s21], [sflag:$0x3], $0x80, s25, s18, $0xb8;
	[tilespmem:$0x1E800] =	vst v63  }
0xd7: {  	_ =	swait.ge [sflag:s14], $0x3E80  }
0xd8: {  	[sflag:s14] =	ssyncset.done $0x0  }
0xd9: {  	[sflag:s14] =	ssyncadd.s32 $0xFFFFC180  }
0xda: {  	s29 =	sadd.s32 $0x50000, s28;
	[bflag:$0x0] =	sbarrier.arrive $0xFFFF  }
0xdb: {  	[hbm:s29], [sflag:s16] =	dma.local [spmem:s17], $0x2800  }
0xdc: {  	_ =	swait.ge [sflag:s14], $0x2800  }
0xdd: {  	[sflag:s14] =	ssyncset.done $0x0  }
0xde: {  	[sflag:s14] =	ssyncadd.s32 $0xFFFFD800  }
0xdf: {  	[spmem:s17], [sflag:s16] =	dma.local [hbm:s5], $0x2800  }
0xe0: {  	_ =	swait.ge [sflag:s14], $0x2800  }
0xe1: {  	[sflag:s14] =	ssyncset.done $0x0  }
0xe2: {  	[sflag:s14] =	ssyncadd.s32 $0xFFFFD800  }
0xe3: {  	s29 =	simm.s32 $0x0;
	[bflag:$0x0] =	sbarrier.arrive $0xFFFF  }
0xe4: {  	[tilespmem:s19], [sflag:$0x1] =	stream.indirect.gather [hbm4b:s12+s18], $0x80, s29, s18, $0xb8;
	[tilespmem:$0x1E800] =	vst v63  }
0xe5: {  	_ =	swait.ge [sflag:s20], $0x3E80  }
0xe6: {  	[sflag:s20] =	ssyncset.done $0x0  }
0xe7: {  	s29 =	simm.s32 $0x80;
	[sflag:s20] =	ssyncadd.s32 $0xFFFFC180  }
0xe8: {  	[tilespmem:s21], [sflag:$0x2] =	stream.indirect.gather [hbm4b:s12+s18], $0x80, s29, s18, $0xb8;
	[tilespmem:$0x1E800] =	vst v63  }
0xe9: {  	s29 =	simm.s32 $0x1400  }
0xea: {  	[spmem:s2] =	stream.indirect.scatter.add.f32 [tilespmem:s19], [sflag:$0x3], $0x80, s29, s18, $0xb8;
	[tilespmem:$0x1E800] =	vst v63  }
0xeb: {  	_ =	swait.ge [sflag:s14], $0x3E80  }
0xec: {  	[sflag:s14] =	ssyncset.done $0x0  }
0xed: {  	[sflag:s14] =	ssyncadd.s32 $0xFFFFC180  }
0xee: {  	_ =	swait.ge [sflag:s22], $0x3E80  }
0xef: {  	[sflag:s22] =	ssyncset.done $0x0  }
0xf0: {  	s29 =	simm.s32 $0x100;
	[sflag:s22] =	ssyncadd.s32 $0xFFFFC180  }
0xf1: {  	[tilespmem:s19], [sflag:$0x1] =	stream.indirect.gather [hbm4b:s12+s18], $0x80, s29, s18, $0xb8;
	[tilespmem:$0x1E800] =	vst v63  }
0xf2: {  	s29 =	simm.s32 $0x1480  }
0xf3: {  	[spmem:s2] =	stream.indirect.scatter.add.f32 [tilespmem:s21], [sflag:$0x3], $0x80, s29, s18, $0xb8;
	[tilespmem:$0x1E800] =	vst v63  }
0xf4: {  	_ =	swait.ge [sflag:s14], $0x3E80  }
0xf5: {  	s29 =	simm.s32 $0x400;
	[sflag:s14] =	ssyncset.done $0x0  }
.LBB2_8:
0xf6: {  	p0 =	sne.s32 s29, $0x4800  }
0xf7: {  	[sflag:s14] =	ssyncadd.s32 $0xFFFFC180;
	s30 =	smov.u32 s29;
	s29 =	sadd.s32 $0x400, s29  }
0xf8: {  	_ = 	snop  }
0xf9: {  	_ =	swait.ge [sflag:s20], $0x3E80  }
0xfa: {  	s30 =	sshra.s32 s30, $0x2;
	[sflag:s20] =	ssyncset.done $0x0  }
0xfb: {  	s31 =	sadd.s32 $0x80, s30;
	[sflag:s20] =	ssyncadd.s32 $0xFFFFC180  }
0xfc: {  	[tilespmem:s21], [sflag:$0x2] =	stream.indirect.gather [hbm4b:s12+s18], $0x80, s31, s18, $0xb8;
	[tilespmem:$0x1E800] =	vst v63  }
0xfd: {  	s31 =	sadd.s32 $0x1400, s30  }
0xfe: {  	[spmem:s2] =	stream.indirect.scatter.add.f32 [tilespmem:s19], [sflag:$0x3], $0x80, s31, s18, $0xb8;
	[tilespmem:$0x1E800] =	vst v63  }
0xff: {  	_ =	swait.ge [sflag:s14], $0x3E80  }
0x100: {  	[sflag:s14] =	ssyncset.done $0x0  }
0x101: {  	[sflag:s14] =	ssyncadd.s32 $0xFFFFC180  }
0x102: {  	_ =	swait.ge [sflag:s22], $0x3E80  }
0x103: {  	[sflag:s22] =	ssyncset.done $0x0  }
0x104: {  	s31 =	sadd.s32 $0x100, s30;
	[sflag:s22] =	ssyncadd.s32 $0xFFFFC180  }
0x105: {  	[tilespmem:s19], [sflag:$0x1] =	stream.indirect.gather [hbm4b:s12+s18], $0x80, s31, s18, $0xb8;
	[tilespmem:$0x1E800] =	vst v63  }
.Ltmp3:
0x106: {  	_ = 	snop;
	(pc) =	sbr.rel @p0 .LBB2_8-.Ltmp3, $4  }
0x107: {  	s30 =	sadd.s32 $0x1480, s30  }
0x108: {  	[spmem:s2] =	stream.indirect.scatter.add.f32 [tilespmem:s21], [sflag:$0x3], $0x80, s30, s18, $0xb8;
	[tilespmem:$0x1E800] =	vst v63  }
0x109: {  	_ =	swait.ge [sflag:s14], $0x3E80  }
0x10a: {  	[sflag:s14] =	ssyncset.done $0x0  }
0x10b: {  	[sflag:s14] =	ssyncadd.s32 $0xFFFFC180  }
0x10c: {  	_ =	swait.ge [sflag:s20], $0x3E80  }
0x10d: {  	[sflag:s20] =	ssyncset.done $0x0  }
0x10e: {  	[sflag:s20] =	ssyncadd.s32 $0xFFFFC180  }
0x10f: {  	[tilespmem:s21], [sflag:$0x2] =	stream.indirect.gather [hbm4b:s12+s18], $0x80, s23, s18, $0xb8;
	[tilespmem:$0x1E800] =	vst v63  }
0x110: {  	_ = 	snop  }
0x111: {  	[spmem:s2] =	stream.indirect.scatter.add.f32 [tilespmem:s19], [sflag:$0x3], $0x80, s24, s18, $0xb8;
	[tilespmem:$0x1E800] =	vst v63  }
0x112: {  	_ =	swait.ge [sflag:s14], $0x3E80  }
0x113: {  	[sflag:s14] =	ssyncset.done $0x0  }
0x114: {  	[sflag:s14] =	ssyncadd.s32 $0xFFFFC180  }
0x115: {  	_ =	swait.ge [sflag:s22], $0x3E80  }
0x116: {  	[sflag:s22] =	ssyncset.done $0x0  }
0x117: {  	[sflag:s22] =	ssyncadd.s32 $0xFFFFC180  }
0x118: {  	[spmem:s2] =	stream.indirect.scatter.add.f32 [tilespmem:s21], [sflag:$0x3], $0x80, s25, s18, $0xb8;
	[tilespmem:$0x1E800] =	vst v63  }
0x119: {  	_ =	swait.ge [sflag:s14], $0x3E80  }
0x11a: {  	s26 =	sadd.s32 $0x1, s26;
	[sflag:s14] =	ssyncset.done $0x0  }
0x11b: {  	p0 =	sne.s32 s26, s13;
	[sflag:s14] =	ssyncadd.s32 $0xFFFFC180  }
.Ltmp4:
0x11c: {  	s28 =	sadd.s32 $0x78000, s28;
	[bflag:$0x0] =	sbarrier.arrive $0xFFFF;
	(pc) =	sbr.rel @p0 .LBB2_1-.Ltmp4, $4  }
0x11d: {  	[hbm:s28], [sflag:s16] =	dma.local [spmem:s17], $0x2800  }
0x11e: {  	_ =	swait.ge [sflag:s14], $0x2800  }
0x11f: {  	[sflag:s14] =	ssyncset.done $0x0  }
0x120: {  	[sflag:s14] =	ssyncadd.s32 $0xFFFFD800  }
0x121: {  	_ =	sfence.sel $0x180000  }
0x122: {  	[bflag:$0x0] =	sbarrier.arrive $0xFFFF  }
0x123: {  	p0 =	sne.s32 s1, $0x0;
	_ =	strace $0x90000053  }
0x124: {  	s0 =	sadd.s32 @!p0 $0x100000, s0;
	[bflag:$0x2] =	sbarrier.arrive $0xFFFF  }
0x125: {  	[sflag:s0] =	ssyncadd.tile.s32 @!p0 $0x1;
	_ =	shalt  }
.Lfunc_end2:
_tile_overlayer_lowered:
.L_overlay_start_2:
0x126: {  	(tag) =	ssettag $0x2  }
0x127: {  	s0 =	rddreg [dreg:$0x0];
	s2 =	stileid.u32  }
0x128: {  	s1 =	rddreg [dreg:$0x1];
	p0 =	sne.s32 s2, $0x0  }
0x129: {  	s3 =	rddreg [dreg:$0x2];
	[bflag:$0x3] =	sbarrier.arrive $0xFFFF;
	s2 =	simm.s32 @!p0 $0x1C03  }
0x12a: {  	[timem:s3], [sflag:s2] =	dma.local @!p0 [hbm:s0], s1  }
0x12b: {  	s0 =	simm.s32 @!p0 $0x3  }
0x12c: {  	_ =	swait.ge @!p0 [sflag:s0], s1  }
0x12d: {  	s1 =	ssub.s32 @!p0 $0x0, s1;
	[sflag:s0] =	ssyncset.done @!p0 $0x0  }
0x12e: {  	[sflag:s0] =	ssyncadd.s32 @!p0 s1  }
0x12f: {  	[bflag:$0x3] =	sbarrier.arrive $0xFFFF  }
0x130: {  	_ =	shalt  }

</sc_bundles>
